<compile_context>
chip_gen: v7x
topology: tpu7x:2x2x1
jax: 0.10.2.dev20260603
libtpu: 0.0.44.dev20260713+nightly
codegen_flags: <defaults>
</compile_context>

<pallas_src>
import functools

import jax
import jax.numpy as jnp
from jax import lax
from jax.experimental import pallas as pl
from jax.experimental.pallas import tpu as pltpu
from jax.experimental.pallas import tpu_sc as plsc

_IN_CH = 2048
_OUT_CH = 4096
_K = 50
_DECAY = 0.95
_BATCH = 64

_NBLK = 4
_BLK = _OUT_CH // _NBLK

_NT = 16
_CPT = _OUT_CH // _NT
_VPT = _CPT // 16


def _matmul_body(x_ref, w_ref, out_ref):
    out_ref[...] = jax.lax.dot_general(
        x_ref[...], w_ref[...],
        dimension_numbers=(((1,), (1,)), ((), ())),
        preferred_element_type=jnp.float32,
    )



def _kv_sort(kv):
    return plsc.sort_key_val(kv[0], kv[1], descending=True)


def _rev(kv):
    return (lax.rev(kv[0], (0,)), lax.rev(kv[1], (0,)))


def _exchange(a, b):
    pred = (a[0] > b[0]) | ((a[0] == b[0]) & (a[1] < b[1]))
    hi = (jnp.where(pred, a[0], b[0]), jnp.where(pred, a[1], b[1]))
    lo = (jnp.where(pred, b[0], a[0]), jnp.where(pred, b[1], a[1]))
    return hi, lo


def _take_hi(a, b):
    pred = (a[0] > b[0]) | ((a[0] == b[0]) & (a[1] < b[1]))
    return (jnp.where(pred, a[0], b[0]), jnp.where(pred, a[1], b[1]))


def _merge_16_16_full(a, b):
    hi, lo = _exchange(a, _rev(b))
    return [_kv_sort(hi), _kv_sort(lo)]


def _merge_32_32_full(a, b):
    h0, l0 = _exchange(a[0], _rev(b[1]))
    h1, l1 = _exchange(a[1], _rev(b[0]))
    hh, hl = _exchange(h0, h1)
    lh, ll = _exchange(l0, l1)
    return [_kv_sort(hh), _kv_sort(hl), _kv_sort(lh), _kv_sort(ll)]


def _merge_64_64_top(a, b):
    t = [_take_hi(a[i], _rev(b[3 - i])) for i in range(4)]
    h0, l0 = _exchange(t[0], t[2])
    h1, l1 = _exchange(t[1], t[3])
    hh, hl = _exchange(h0, h1)
    lh, ll = _exchange(l0, l1)
    return [_kv_sort(hh), _kv_sort(hl), _kv_sort(lh), _kv_sort(ll)]


def _local_top64(leaves):
    s32 = [_merge_16_16_full(leaves[t], leaves[t + 1]) for t in range(0, 16, 2)]
    s64 = [_merge_32_32_full(s32[t], s32[t + 1]) for t in range(0, 8, 2)]
    t64 = [_merge_64_64_top(s64[t], s64[t + 1]) for t in range(0, 4, 2)]
    return _merge_64_64_top(t64[0], t64[1])


def _sc_filter(enc):
    mesh = plsc.VectorSubcoreMesh(
        core_axis_name="c", subcore_axis_name="s", num_cores=1)

    @functools.partial(
        pl.kernel,
        mesh=mesh,
        out_type=jax.ShapeDtypeStruct((_BATCH, _OUT_CH), jnp.float32),
        compiler_params=pltpu.CompilerParams(
            needs_layout_passes=False, use_tc_tiling_on_sc=False),
        scratch_types=[
            pltpu.VMEM((_BATCH, _CPT), jnp.float32),
            pltpu.VMEM((_BATCH, _CPT), jnp.float32),
            pltpu.VMEM((_CPT,), jnp.float32),
            pltpu.VMEM((_CPT,), jnp.float32),
            pltpu.VMEM((128,), jnp.float32),
            pltpu.VMEM((_NT, 128), jnp.float32),
            pltpu.VMEM_SHARED((2, _NT, 128), jnp.float32),
        ],
    )
    def filt(enc_hbm, out_hbm, enc_v, out_v, fired_v, inh_v, pub, allp, shp):
        sid = lax.axis_index("s")
        base = sid * _CPT
        pltpu.sync_copy(enc_hbm.at[:, pl.ds(base, _CPT)], enc_v)

        zeros16 = jnp.zeros((16,), jnp.float32)
        ones16 = jnp.ones((16,), jnp.float32)
        lane = lax.iota(jnp.int32, 16)

        for j in range(_VPT):
            inh_v[pl.ds(j * 16, 16)] = zeros16

        def step(i, carry):
            leaves = []
            for j in range(_VPT):
                e = enc_v[i, pl.ds(j * 16, 16)]
                inh = inh_v[pl.ds(j * 16, 16)]
                kk = jnp.abs(e) * (1.0 - inh)
                vv = lane + (base + j * 16)
                leaves.append(_kv_sort((kk, vv)))
                fired_v[pl.ds(j * 16, 16)] = zeros16

            lk = _local_top64(leaves)
            for j in range(4):
                pub[pl.ds(j * 16, 16)] = lk[j][0]
                pub[pl.ds(64 + j * 16, 16)] = plsc.bitcast(lk[j][1], jnp.float32)
            p = jnp.bitwise_and(i, 1)
            pltpu.sync_copy(pub, shp.at[p, sid])
            plsc.subcore_barrier()
            pltpu.sync_copy(shp.at[p], allp)

            tops = []
            for t in range(_NT):
                tops.append([
                    (allp[t, pl.ds(j * 16, 16)],
                     plsc.bitcast(allp[t, pl.ds(64 + j * 16, 16)], jnp.int32))
                    for j in range(4)
                ])
            while len(tops) > 1:
                tops = [_merge_64_64_top(tops[t], tops[t + 1])
                        for t in range(0, len(tops), 2)]
            g = tops[0]

            for j, take in enumerate((16, 16, 16, _K - 48)):
                local = g[j][1] - base
                own = (lane < take) & (local >= 0) & (local < _CPT)
                local_c = jnp.minimum(jnp.maximum(local, 0), _CPT - 1)
                plsc.store_scatter(fired_v, [local_c], ones16, mask=own)

            for j in range(_VPT):
                f = fired_v[pl.ds(j * 16, 16)]
                e = enc_v[i, pl.ds(j * 16, 16)]
                out_v[i, pl.ds(j * 16, 16)] = e * f
                inh = inh_v[pl.ds(j * 16, 16)]
                inh_v[pl.ds(j * 16, 16)] = inh * _DECAY + f
            return carry

        lax.fori_loop(0, _BATCH, step, 0)
        pltpu.sync_copy(out_v, out_hbm.at[:, pl.ds(base, _CPT)])

    return filt(enc)


@jax.jit
def kernel(inputs, W):
    x = inputs.reshape(_BATCH, _IN_CH)
    enc = pl.pallas_call(
        _matmul_body,
        grid=(_NBLK,),
        in_specs=[
            pl.BlockSpec((_BATCH, _IN_CH), lambda j: (0, 0)),
            pl.BlockSpec((_BLK, _IN_CH), lambda j: (j, 0)),
        ],
        out_specs=pl.BlockSpec((_BATCH, _BLK), lambda j: (0, j)),
        out_shape=jax.ShapeDtypeStruct((_BATCH, _OUT_CH), jnp.float32),
    )(x, W)

    return _sc_filter(enc)

# --- scband reference (transcript-rebuilt; emitter-appended) ---
"""Pipeline reference for scband-aha-linear-dg-k-sparse-inhibition-87144886436101 (READ-ONLY COPY).

The authoritative reference and input builder live on the scoring server;
editing this copy changes nothing except your own understanding.
"""

import jax, jax.numpy as jnp
import numpy as np

IN_CH = 2048
OUT_CH = 4096
K = 50
KNOCKOUT = 0.25
INIT_SCALE = 10.0
DECAY = 0.95
BATCH = 64


def setup_inputs(seed: int = 0) -> dict:
    key = jax.random.key(seed)
    k1, k2, k3 = jax.random.split(key, 3)
    inputs = jax.random.normal(k1, (BATCH, IN_CH), dtype=jnp.float32)
    # faithful custom init: uniform * knockout mask * scale, L1-row-normalized
    rv = jax.random.uniform(k2, (OUT_CH * IN_CH,), dtype=jnp.float32)
    keep = (jax.random.uniform(k3, (OUT_CH * IN_CH,), dtype=jnp.float32) >= KNOCKOUT).astype(jnp.float32)
    w = (rv * keep * INIT_SCALE).reshape(OUT_CH, IN_CH)
    abs_sum = jnp.sum(jnp.abs(w), axis=1, keepdims=True)
    w = w * (1.0 / abs_sum)
    return {"inputs": inputs, "W": w}


def build_topk_mask(x, k):
    _, idx = jax.lax.top_k(x, k)
    b = x.shape[0]
    return jnp.zeros_like(x).at[jnp.arange(b)[:, None], idx].set(1.0)


def apply_sparse_filter(encoding, k, decay):
    b, c = encoding.shape
    def step(carry, i):
        inhibition, filtered = carry
        refraction = 1.0 - inhibition
        refracted = jnp.abs(encoding) * refraction[None, :]
        mask = build_topk_mask(refracted, k)
        batch_filtered = encoding * mask
        row_sel = (jnp.arange(b) == i).astype(encoding.dtype)[:, None]
        this_filtered = batch_filtered * row_sel
        this_topk = mask * row_sel
        fired = jnp.max(this_topk, axis=0)
        new_inh = inhibition * decay + fired
        return (new_inh, filtered + this_filtered), None
    init = (jnp.zeros((c,), encoding.dtype), jnp.zeros_like(encoding))
    (inh, filtered), _ = jax.lax.scan(step, init, jnp.arange(b))
    return filtered, inh


def reference(inputs, W):
    x = inputs.reshape(inputs.shape[0], -1)
    encoding = x @ W.T  # nn.Linear, no bias, frozen weights
    filtered, _ = apply_sparse_filter(encoding, K, DECAY)
    return filtered

if __name__ == "__main__":
    import jax
    _d = setup_inputs()
    print(jax.jit(kernel)(*tuple(_d.values())))

</pallas_src>

<mosaic_0001>
#map = affine_map<(d0, d1) -> (0, 0)>
module attributes {stable_mosaic.version = 14 : i64} {
  func.func @filt(%arg0: i32, %arg1: i32, %arg2: memref<64x4096xf32, #tpu.memory_space<hbm>>, %arg3: memref<64x4096xf32, #tpu.memory_space<hbm>>, %arg4: memref<64x256xf32, #tpu.memory_space<vmem>>, %arg5: memref<64x256xf32, #tpu.memory_space<vmem>>, %arg6: memref<256xf32, #tpu.memory_space<vmem>>, %arg7: memref<256xf32, #tpu.memory_space<vmem>>, %arg8: memref<128xf32, #tpu.memory_space<vmem>>, %arg9: memref<16x128xf32, #tpu.memory_space<vmem>>, %arg10: memref<2x16x128xf32, #tpu.memory_space<vmem_shared>>) attributes {dimension_semantics = [#tpu.dimension_semantics<core_parallel>, #tpu.dimension_semantics<subcore_parallel>], iteration_bounds = array<i64: 1, 16>, scalar_prefetch = 0 : i64, scratch_operands = 7 : i64, tpu.core_type = #tpu.core_type<sc_vector_subcore>, window_params = [{transform_indices = #map}, {transform_indices = #map}]} {
    %mul3A = arith.constant 256 : i32
    %mul3A_0 = arith.muli %arg1, %mul3A : i32
    "tpu.region"() ({
      %run_scoped3A = tpu.sem_alloc : memref<!tpu.dma_semaphore, #tpu.memory_space<semaphore_mem>>
      %dma_start3A = arith.constant 0 : i32
      %dma_start3A_40 = tpu.memref_slice %arg2[%dma_start3A, %mul3A_0] : memref<64x4096xf32, #tpu.memory_space<hbm>> -> memref<64x256xf32, #tpu.memory_space<hbm>>
      %dma_start3A_41 = arith.constant 0 : i32
      %dma_start3A_42 = tpu.memref_slice %arg2[%dma_start3A_41, %mul3A_0] : memref<64x4096xf32, #tpu.memory_space<hbm>> -> memref<64x256xf32, #tpu.memory_space<hbm>>
      tpu.enqueue_dma source(%dma_start3A_42 : memref<64x256xf32, #tpu.memory_space<hbm>>) target(%arg4 : memref<64x256xf32, #tpu.memory_space<vmem>>) target_semaphore(%run_scoped3A : memref<!tpu.dma_semaphore, #tpu.memory_space<semaphore_mem>>)
      %dma_wait3A = arith.constant 0 : i32
      %dma_wait3A_43 = tpu.memref_slice %arg2[%dma_wait3A, %mul3A_0] : memref<64x4096xf32, #tpu.memory_space<hbm>> -> memref<64x256xf32, #tpu.memory_space<hbm>>
      %dma_wait3A_44 = arith.constant 0 : i32
      %dma_wait3A_45 = tpu.memref_slice %arg2[%dma_wait3A_44, %mul3A_0] : memref<64x4096xf32, #tpu.memory_space<hbm>> -> memref<64x256xf32, #tpu.memory_space<hbm>>
      tpu.wait_dma2 semaphore(%run_scoped3A : memref<!tpu.dma_semaphore, #tpu.memory_space<semaphore_mem>>) src(%dma_wait3A_45 : memref<64x256xf32, #tpu.memory_space<hbm>>) dst(%arg4 : memref<64x256xf32, #tpu.memory_space<vmem>>)
      tpu.yield
    }) : () -> ()
    %broadcast_in_dim3A = arith.constant 0.000000e+00 : f32
    %broadcast_in_dim3A_1 = vector.broadcast %broadcast_in_dim3A : f32 to vector<16xf32>
    %broadcast_in_dim3A_2 = arith.constant 1.000000e+00 : f32
    %broadcast_in_dim3A_3 = vector.broadcast %broadcast_in_dim3A_2 : f32 to vector<16xf32>
    %iota3A = tpu.iota {dimensions = array<i32: 0>} : vector<16xi32>
    %swap3A = arith.constant 0 : index
    %swap3A_4 = tpu.vector_load %arg7[%swap3A] {strides = array<i32>} : memref<256xf32, #tpu.memory_space<vmem>>, vector<16xf32>,
    tpu.vector_store %arg7[%swap3A], %broadcast_in_dim3A_1 {strides = array<i32>} : memref<256xf32, #tpu.memory_space<vmem>>, vector<16xf32>,
    %swap3A_5 = arith.constant 16 : index
    %swap3A_6 = tpu.vector_load %arg7[%swap3A_5] {strides = array<i32>} : memref<256xf32, #tpu.memory_space<vmem>>, vector<16xf32>,
    tpu.vector_store %arg7[%swap3A_5], %broadcast_in_dim3A_1 {strides = array<i32>} : memref<256xf32, #tpu.memory_space<vmem>>, vector<16xf32>,
    %swap3A_7 = arith.constant 32 : index
    %swap3A_8 = tpu.vector_load %arg7[%swap3A_7] {strides = array<i32>} : memref<256xf32, #tpu.memory_space<vmem>>, vector<16xf32>,
    tpu.vector_store %arg7[%swap3A_7], %broadcast_in_dim3A_1 {strides = array<i32>} : memref<256xf32, #tpu.memory_space<vmem>>, vector<16xf32>,
    %swap3A_9 = arith.constant 48 : index
    %swap3A_10 = tpu.vector_load %arg7[%swap3A_9] {strides = array<i32>} : memref<256xf32, #tpu.memory_space<vmem>>, vector<16xf32>,
    tpu.vector_store %arg7[%swap3A_9], %broadcast_in_dim3A_1 {strides = array<i32>} : memref<256xf32, #tpu.memory_space<vmem>>, vector<16xf32>,
    %swap3A_11 = arith.constant 64 : index
    %swap3A_12 = tpu.vector_load %arg7[%swap3A_11] {strides = array<i32>} : memref<256xf32, #tpu.memory_space<vmem>>, vector<16xf32>,
    tpu.vector_store %arg7[%swap3A_11], %broadcast_in_dim3A_1 {strides = array<i32>} : memref<256xf32, #tpu.memory_space<vmem>>, vector<16xf32>,
    %swap3A_13 = arith.constant 80 : index
    %swap3A_14 = tpu.vector_load %arg7[%swap3A_13] {strides = array<i32>} : memref<256xf32, #tpu.memory_space<vmem>>, vector<16xf32>,
    tpu.vector_store %arg7[%swap3A_13], %broadcast_in_dim3A_1 {strides = array<i32>} : memref<256xf32, #tpu.memory_space<vmem>>, vector<16xf32>,
    %swap3A_15 = arith.constant 96 : index
    %swap3A_16 = tpu.vector_load %arg7[%swap3A_15] {strides = array<i32>} : memref<256xf32, #tpu.memory_space<vmem>>, vector<16xf32>,
    tpu.vector_store %arg7[%swap3A_15], %broadcast_in_dim3A_1 {strides = array<i32>} : memref<256xf32, #tpu.memory_space<vmem>>, vector<16xf32>,
    %swap3A_17 = arith.constant 112 : index
    %swap3A_18 = tpu.vector_load %arg7[%swap3A_17] {strides = array<i32>} : memref<256xf32, #tpu.memory_space<vmem>>, vector<16xf32>,
    tpu.vector_store %arg7[%swap3A_17], %broadcast_in_dim3A_1 {strides = array<i32>} : memref<256xf32, #tpu.memory_space<vmem>>, vector<16xf32>,
    %swap3A_19 = arith.constant 128 : index
    %swap3A_20 = tpu.vector_load %arg7[%swap3A_19] {strides = array<i32>} : memref<256xf32, #tpu.memory_space<vmem>>, vector<16xf32>,
    tpu.vector_store %arg7[%swap3A_19], %broadcast_in_dim3A_1 {strides = array<i32>} : memref<256xf32, #tpu.memory_space<vmem>>, vector<16xf32>,
    %swap3A_21 = arith.constant 144 : index
    %swap3A_22 = tpu.vector_load %arg7[%swap3A_21] {strides = array<i32>} : memref<256xf32, #tpu.memory_space<vmem>>, vector<16xf32>,
    tpu.vector_store %arg7[%swap3A_21], %broadcast_in_dim3A_1 {strides = array<i32>} : memref<256xf32, #tpu.memory_space<vmem>>, vector<16xf32>,
    %swap3A_23 = arith.constant 160 : index
    %swap3A_24 = tpu.vector_load %arg7[%swap3A_23] {strides = array<i32>} : memref<256xf32, #tpu.memory_space<vmem>>, vector<16xf32>,
    tpu.vector_store %arg7[%swap3A_23], %broadcast_in_dim3A_1 {strides = array<i32>} : memref<256xf32, #tpu.memory_space<vmem>>, vector<16xf32>,
    %swap3A_25 = arith.constant 176 : index
    %swap3A_26 = tpu.vector_load %arg7[%swap3A_25] {strides = array<i32>} : memref<256xf32, #tpu.memory_space<vmem>>, vector<16xf32>,
    tpu.vector_store %arg7[%swap3A_25], %broadcast_in_dim3A_1 {strides = array<i32>} : memref<256xf32, #tpu.memory_space<vmem>>, vector<16xf32>,
    %swap3A_27 = arith.constant 192 : index
    %swap3A_28 = tpu.vector_load %arg7[%swap3A_27] {strides = array<i32>} : memref<256xf32, #tpu.memory_space<vmem>>, vector<16xf32>,
    tpu.vector_store %arg7[%swap3A_27], %broadcast_in_dim3A_1 {strides = array<i32>} : memref<256xf32, #tpu.memory_space<vmem>>, vector<16xf32>,
    %swap3A_29 = arith.constant 208 : index
    %swap3A_30 = tpu.vector_load %arg7[%swap3A_29] {strides = array<i32>} : memref<256xf32, #tpu.memory_space<vmem>>, vector<16xf32>,
    tpu.vector_store %arg7[%swap3A_29], %broadcast_in_dim3A_1 {strides = array<i32>} : memref<256xf32, #tpu.memory_space<vmem>>, vector<16xf32>,
    %swap3A_31 = arith.constant 224 : index
    %swap3A_32 = tpu.vector_load %arg7[%swap3A_31] {strides = array<i32>} : memref<256xf32, #tpu.memory_space<vmem>>, vector<16xf32>,
    tpu.vector_store %arg7[%swap3A_31], %broadcast_in_dim3A_1 {strides = array<i32>} : memref<256xf32, #tpu.memory_space<vmem>>, vector<16xf32>,
    %swap3A_33 = arith.constant 240 : index
    %swap3A_34 = tpu.vector_load %arg7[%swap3A_33] {strides = array<i32>} : memref<256xf32, #tpu.memory_space<vmem>>, vector<16xf32>,
    tpu.vector_store %arg7[%swap3A_33], %broadcast_in_dim3A_1 {strides = array<i32>} : memref<256xf32, #tpu.memory_space<vmem>>, vector<16xf32>,
    %scan3A = arith.constant 0 : i32
    %scan3A_35 = arith.constant 0 : i32
    %scan3A_36 = arith.constant 64 : i32
    %scan3A_37 = arith.addi %scan3A_35, %scan3A_36 : i32
    %scan3A_38 = arith.constant 1 : i32
    scf.for %scan3A_40 = %scan3A_35 to %scan3A_37 step %scan3A_38  : i32 {
      %get3A = arith.index_cast %scan3A_40 : i32 to index
      %get3A_41 = arith.constant 0 : index
      %get3A_42 = tpu.vector_load %arg4[%get3A, %get3A_41] {strides = array<i32>} : memref<64x256xf32, #tpu.memory_space<vmem>>, vector<16xf32>,
      %get3A_43 = arith.constant 0 : index
      %get3A_44 = tpu.vector_load %arg7[%get3A_43] {strides = array<i32>} : memref<256xf32, #tpu.memory_space<vmem>>, vector<16xf32>,
      %abs3A = math.absf %get3A_42 : vector<16xf32>
      %sub3A = arith.constant 1.000000e+00 : f32
      %sub3A_45 = vector.broadcast %sub3A : f32 to vector<16xf32>
      %sub3A_46 = arith.subf %sub3A_45, %get3A_44 : vector<16xf32>
      %mul3A_47 = arith.mulf %abs3A, %sub3A_46 : vector<16xf32>
      %add3A = arith.constant 0 : i32
      %add3A_48 = arith.addi %mul3A_0, %add3A : i32
      %add3A_49 = vector.broadcast %add3A_48 : i32 to vector<16xi32>
      %add3A_50 = arith.addi %iota3A, %add3A_49 : vector<16xi32>
      %masked_sort3A = arith.constant dense<true> : vector<16xi1>
      %masked_sort3A_51, %masked_sort3A_52, %masked_sort3A_53 = tpu.sort %mul3A_47, %add3A_50 masked %masked_sort3A {descending = true} : (vector<16xf32>, vector<16xi32>, vector<16xi1>) -> (vector<16xi1>, vector<16xf32>, vector<16xi32>)
      %swap3A_54 = arith.constant 0 : index
      %swap3A_55 = tpu.vector_load %arg6[%swap3A_54] {strides = array<i32>} : memref<256xf32, #tpu.memory_space<vmem>>, vector<16xf32>,
      tpu.vector_store %arg6[%swap3A_54], %broadcast_in_dim3A_1 {strides = array<i32>} : memref<256xf32, #tpu.memory_space<vmem>>, vector<16xf32>,
      %get3A_56 = arith.index_cast %scan3A_40 : i32 to index
      %get3A_57 = arith.constant 16 : index
      %get3A_58 = tpu.vector_load %arg4[%get3A_56, %get3A_57] {strides = array<i32>} : memref<64x256xf32, #tpu.memory_space<vmem>>, vector<16xf32>,
      %get3A_59 = arith.constant 16 : index
      %get3A_60 = tpu.vector_load %arg7[%get3A_59] {strides = array<i32>} : memref<256xf32, #tpu.memory_space<vmem>>, vector<16xf32>,
      %abs3A_61 = math.absf %get3A_58 : vector<16xf32>
      %sub3A_62 = arith.constant 1.000000e+00 : f32
      %sub3A_63 = vector.broadcast %sub3A_62 : f32 to vector<16xf32>
      %sub3A_64 = arith.subf %sub3A_63, %get3A_60 : vector<16xf32>
      %mul3A_65 = arith.mulf %abs3A_61, %sub3A_64 : vector<16xf32>
      %add3A_66 = arith.constant 16 : i32
      %add3A_67 = arith.addi %mul3A_0, %add3A_66 : i32
      %add3A_68 = vector.broadcast %add3A_67 : i32 to vector<16xi32>
      %add3A_69 = arith.addi %iota3A, %add3A_68 : vector<16xi32>
      %masked_sort3A_70 = arith.constant dense<true> : vector<16xi1>
      %masked_sort3A_71, %masked_sort3A_72, %masked_sort3A_73 = tpu.sort %mul3A_65, %add3A_69 masked %masked_sort3A_70 {descending = true} : (vector<16xf32>, vector<16xi32>, vector<16xi1>) -> (vector<16xi1>, vector<16xf32>, vector<16xi32>)
      %swap3A_74 = arith.constant 16 : index
      %swap3A_75 = tpu.vector_load %arg6[%swap3A_74] {strides = array<i32>} : memref<256xf32, #tpu.memory_space<vmem>>, vector<16xf32>,
      tpu.vector_store %arg6[%swap3A_74], %broadcast_in_dim3A_1 {strides = array<i32>} : memref<256xf32, #tpu.memory_space<vmem>>, vector<16xf32>,
      %get3A_76 = arith.index_cast %scan3A_40 : i32 to index
      %get3A_77 = arith.constant 32 : index
      %get3A_78 = tpu.vector_load %arg4[%get3A_76, %get3A_77] {strides = array<i32>} : memref<64x256xf32, #tpu.memory_space<vmem>>, vector<16xf32>,
      %get3A_79 = arith.constant 32 : index
      %get3A_80 = tpu.vector_load %arg7[%get3A_79] {strides = array<i32>} : memref<256xf32, #tpu.memory_space<vmem>>, vector<16xf32>,
      %abs3A_81 = math.absf %get3A_78 : vector<16xf32>
      %sub3A_82 = arith.constant 1.000000e+00 : f32
      %sub3A_83 = vector.broadcast %sub3A_82 : f32 to vector<16xf32>
      %sub3A_84 = arith.subf %sub3A_83, %get3A_80 : vector<16xf32>
      %mul3A_85 = arith.mulf %abs3A_81, %sub3A_84 : vector<16xf32>
      %add3A_86 = arith.constant 32 : i32
      %add3A_87 = arith.addi %mul3A_0, %add3A_86 : i32
      %add3A_88 = vector.broadcast %add3A_87 : i32 to vector<16xi32>
      %add3A_89 = arith.addi %iota3A, %add3A_88 : vector<16xi32>
      %masked_sort3A_90 = arith.constant dense<true> : vector<16xi1>
      %masked_sort3A_91, %masked_sort3A_92, %masked_sort3A_93 = tpu.sort %mul3A_85, %add3A_89 masked %masked_sort3A_90 {descending = true} : (vector<16xf32>, vector<16xi32>, vector<16xi1>) -> (vector<16xi1>, vector<16xf32>, vector<16xi32>)
      %swap3A_94 = arith.constant 32 : index
      %swap3A_95 = tpu.vector_load %arg6[%swap3A_94] {strides = array<i32>} : memref<256xf32, #tpu.memory_space<vmem>>, vector<16xf32>,
      tpu.vector_store %arg6[%swap3A_94], %broadcast_in_dim3A_1 {strides = array<i32>} : memref<256xf32, #tpu.memory_space<vmem>>, vector<16xf32>,
      %get3A_96 = arith.index_cast %scan3A_40 : i32 to index
      %get3A_97 = arith.constant 48 : index
      %get3A_98 = tpu.vector_load %arg4[%get3A_96, %get3A_97] {strides = array<i32>} : memref<64x256xf32, #tpu.memory_space<vmem>>, vector<16xf32>,
      %get3A_99 = arith.constant 48 : index
      %get3A_100 = tpu.vector_load %arg7[%get3A_99] {strides = array<i32>} : memref<256xf32, #tpu.memory_space<vmem>>, vector<16xf32>,
      %abs3A_101 = math.absf %get3A_98 : vector<16xf32>
      %sub3A_102 = arith.constant 1.000000e+00 : f32
      %sub3A_103 = vector.broadcast %sub3A_102 : f32 to vector<16xf32>
      %sub3A_104 = arith.subf %sub3A_103, %get3A_100 : vector<16xf32>
      %mul3A_105 = arith.mulf %abs3A_101, %sub3A_104 : vector<16xf32>
      %add3A_106 = arith.constant 48 : i32
      %add3A_107 = arith.addi %mul3A_0, %add3A_106 : i32
      %add3A_108 = vector.broadcast %add3A_107 : i32 to vector<16xi32>
      %add3A_109 = arith.addi %iota3A, %add3A_108 : vector<16xi32>
      %masked_sort3A_110 = arith.constant dense<true> : vector<16xi1>
      %masked_sort3A_111, %masked_sort3A_112, %masked_sort3A_113 = tpu.sort %mul3A_105, %add3A_109 masked %masked_sort3A_110 {descending = true} : (vector<16xf32>, vector<16xi32>, vector<16xi1>) -> (vector<16xi1>, vector<16xf32>, vector<16xi32>)
      %swap3A_114 = arith.constant 48 : index
      %swap3A_115 = tpu.vector_load %arg6[%swap3A_114] {strides = array<i32>} : memref<256xf32, #tpu.memory_space<vmem>>, vector<16xf32>,
      tpu.vector_store %arg6[%swap3A_114], %broadcast_in_dim3A_1 {strides = array<i32>} : memref<256xf32, #tpu.memory_space<vmem>>, vector<16xf32>,
      %get3A_116 = arith.index_cast %scan3A_40 : i32 to index
      %get3A_117 = arith.constant 64 : index
      %get3A_118 = tpu.vector_load %arg4[%get3A_116, %get3A_117] {strides = array<i32>} : memref<64x256xf32, #tpu.memory_space<vmem>>, vector<16xf32>,
      %get3A_119 = arith.constant 64 : index
      %get3A_120 = tpu.vector_load %arg7[%get3A_119] {strides = array<i32>} : memref<256xf32, #tpu.memory_space<vmem>>, vector<16xf32>,
      %abs3A_121 = math.absf %get3A_118 : vector<16xf32>
      %sub3A_122 = arith.constant 1.000000e+00 : f32
      %sub3A_123 = vector.broadcast %sub3A_122 : f32 to vector<16xf32>
      %sub3A_124 = arith.subf %sub3A_123, %get3A_120 : vector<16xf32>
      %mul3A_125 = arith.mulf %abs3A_121, %sub3A_124 : vector<16xf32>
      %add3A_126 = arith.constant 64 : i32
      %add3A_127 = arith.addi %mul3A_0, %add3A_126 : i32
      %add3A_128 = vector.broadcast %add3A_127 : i32 to vector<16xi32>
      %add3A_129 = arith.addi %iota3A, %add3A_128 : vector<16xi32>
      %masked_sort3A_130 = arith.constant dense<true> : vector<16xi1>
      %masked_sort3A_131, %masked_sort3A_132, %masked_sort3A_133 = tpu.sort %mul3A_125, %add3A_129 masked %masked_sort3A_130 {descending = true} : (vector<16xf32>, vector<16xi32>, vector<16xi1>) -> (vector<16xi1>, vector<16xf32>, vector<16xi32>)
      %swap3A_134 = arith.constant 64 : index
      %swap3A_135 = tpu.vector_load %arg6[%swap3A_134] {strides = array<i32>} : memref<256xf32, #tpu.memory_space<vmem>>, vector<16xf32>,
      tpu.vector_store %arg6[%swap3A_134], %broadcast_in_dim3A_1 {strides = array<i32>} : memref<256xf32, #tpu.memory_space<vmem>>, vector<16xf32>,
      %get3A_136 = arith.index_cast %scan3A_40 : i32 to index
      %get3A_137 = arith.constant 80 : index
      %get3A_138 = tpu.vector_load %arg4[%get3A_136, %get3A_137] {strides = array<i32>} : memref<64x256xf32, #tpu.memory_space<vmem>>, vector<16xf32>,
      %get3A_139 = arith.constant 80 : index
      %get3A_140 = tpu.vector_load %arg7[%get3A_139] {strides = array<i32>} : memref<256xf32, #tpu.memory_space<vmem>>, vector<16xf32>,
      %abs3A_141 = math.absf %get3A_138 : vector<16xf32>
      %sub3A_142 = arith.constant 1.000000e+00 : f32
      %sub3A_143 = vector.broadcast %sub3A_142 : f32 to vector<16xf32>
      %sub3A_144 = arith.subf %sub3A_143, %get3A_140 : vector<16xf32>
      %mul3A_145 = arith.mulf %abs3A_141, %sub3A_144 : vector<16xf32>
      %add3A_146 = arith.constant 80 : i32
      %add3A_147 = arith.addi %mul3A_0, %add3A_146 : i32
      %add3A_148 = vector.broadcast %add3A_147 : i32 to vector<16xi32>
      %add3A_149 = arith.addi %iota3A, %add3A_148 : vector<16xi32>
      %masked_sort3A_150 = arith.constant dense<true> : vector<16xi1>
      %masked_sort3A_151, %masked_sort3A_152, %masked_sort3A_153 = tpu.sort %mul3A_145, %add3A_149 masked %masked_sort3A_150 {descending = true} : (vector<16xf32>, vector<16xi32>, vector<16xi1>) -> (vector<16xi1>, vector<16xf32>, vector<16xi32>)
      %swap3A_154 = arith.constant 80 : index
      %swap3A_155 = tpu.vector_load %arg6[%swap3A_154] {strides = array<i32>} : memref<256xf32, #tpu.memory_space<vmem>>, vector<16xf32>,
      tpu.vector_store %arg6[%swap3A_154], %broadcast_in_dim3A_1 {strides = array<i32>} : memref<256xf32, #tpu.memory_space<vmem>>, vector<16xf32>,
      %get3A_156 = arith.index_cast %scan3A_40 : i32 to index
      %get3A_157 = arith.constant 96 : index
      %get3A_158 = tpu.vector_load %arg4[%get3A_156, %get3A_157] {strides = array<i32>} : memref<64x256xf32, #tpu.memory_space<vmem>>, vector<16xf32>,
      %get3A_159 = arith.constant 96 : index
      %get3A_160 = tpu.vector_load %arg7[%get3A_159] {strides = array<i32>} : memref<256xf32, #tpu.memory_space<vmem>>, vector<16xf32>,
      %abs3A_161 = math.absf %get3A_158 : vector<16xf32>
      %sub3A_162 = arith.constant 1.000000e+00 : f32
      %sub3A_163 = vector.broadcast %sub3A_162 : f32 to vector<16xf32>
      %sub3A_164 = arith.subf %sub3A_163, %get3A_160 : vector<16xf32>
      %mul3A_165 = arith.mulf %abs3A_161, %sub3A_164 : vector<16xf32>
      %add3A_166 = arith.constant 96 : i32
      %add3A_167 = arith.addi %mul3A_0, %add3A_166 : i32
      %add3A_168 = vector.broadcast %add3A_167 : i32 to vector<16xi32>
      %add3A_169 = arith.addi %iota3A, %add3A_168 : vector<16xi32>
      %masked_sort3A_170 = arith.constant dense<true> : vector<16xi1>
      %masked_sort3A_171, %masked_sort3A_172, %masked_sort3A_173 = tpu.sort %mul3A_165, %add3A_169 masked %masked_sort3A_170 {descending = true} : (vector<16xf32>, vector<16xi32>, vector<16xi1>) -> (vector<16xi1>, vector<16xf32>, vector<16xi32>)
      %swap3A_174 = arith.constant 96 : index
      %swap3A_175 = tpu.vector_load %arg6[%swap3A_174] {strides = array<i32>} : memref<256xf32, #tpu.memory_space<vmem>>, vector<16xf32>,
      tpu.vector_store %arg6[%swap3A_174], %broadcast_in_dim3A_1 {strides = array<i32>} : memref<256xf32, #tpu.memory_space<vmem>>, vector<16xf32>,
      %get3A_176 = arith.index_cast %scan3A_40 : i32 to index
      %get3A_177 = arith.constant 112 : index
      %get3A_178 = tpu.vector_load %arg4[%get3A_176, %get3A_177] {strides = array<i32>} : memref<64x256xf32, #tpu.memory_space<vmem>>, vector<16xf32>,
      %get3A_179 = arith.constant 112 : index
      %get3A_180 = tpu.vector_load %arg7[%get3A_179] {strides = array<i32>} : memref<256xf32, #tpu.memory_space<vmem>>, vector<16xf32>,
      %abs3A_181 = math.absf %get3A_178 : vector<16xf32>
      %sub3A_182 = arith.constant 1.000000e+00 : f32
      %sub3A_183 = vector.broadcast %sub3A_182 : f32 to vector<16xf32>
      %sub3A_184 = arith.subf %sub3A_183, %get3A_180 : vector<16xf32>
      %mul3A_185 = arith.mulf %abs3A_181, %sub3A_184 : vector<16xf32>
      %add3A_186 = arith.constant 112 : i32
      %add3A_187 = arith.addi %mul3A_0, %add3A_186 : i32
      %add3A_188 = vector.broadcast %add3A_187 : i32 to vector<16xi32>
      %add3A_189 = arith.addi %iota3A, %add3A_188 : vector<16xi32>
      %masked_sort3A_190 = arith.constant dense<true> : vector<16xi1>
      %masked_sort3A_191, %masked_sort3A_192, %masked_sort3A_193 = tpu.sort %mul3A_185, %add3A_189 masked %masked_sort3A_190 {descending = true} : (vector<16xf32>, vector<16xi32>, vector<16xi1>) -> (vector<16xi1>, vector<16xf32>, vector<16xi32>)
      %swap3A_194 = arith.constant 112 : index
      %swap3A_195 = tpu.vector_load %arg6[%swap3A_194] {strides = array<i32>} : memref<256xf32, #tpu.memory_space<vmem>>, vector<16xf32>,
      tpu.vector_store %arg6[%swap3A_194], %broadcast_in_dim3A_1 {strides = array<i32>} : memref<256xf32, #tpu.memory_space<vmem>>, vector<16xf32>,
      %get3A_196 = arith.index_cast %scan3A_40 : i32 to index
      %get3A_197 = arith.constant 128 : index
      %get3A_198 = tpu.vector_load %arg4[%get3A_196, %get3A_197] {strides = array<i32>} : memref<64x256xf32, #tpu.memory_space<vmem>>, vector<16xf32>,
      %get3A_199 = arith.constant 128 : index
      %get3A_200 = tpu.vector_load %arg7[%get3A_199] {strides = array<i32>} : memref<256xf32, #tpu.memory_space<vmem>>, vector<16xf32>,
      %abs3A_201 = math.absf %get3A_198 : vector<16xf32>
      %sub3A_202 = arith.constant 1.000000e+00 : f32
      %sub3A_203 = vector.broadcast %sub3A_202 : f32 to vector<16xf32>
      %sub3A_204 = arith.subf %sub3A_203, %get3A_200 : vector<16xf32>
      %mul3A_205 = arith.mulf %abs3A_201, %sub3A_204 : vector<16xf32>
      %add3A_206 = arith.constant 128 : i32
      %add3A_207 = arith.addi %mul3A_0, %add3A_206 : i32
      %add3A_208 = vector.broadcast %add3A_207 : i32 to vector<16xi32>
      %add3A_209 = arith.addi %iota3A, %add3A_208 : vector<16xi32>
      %masked_sort3A_210 = arith.constant dense<true> : vector<16xi1>
      %masked_sort3A_211, %masked_sort3A_212, %masked_sort3A_213 = tpu.sort %mul3A_205, %add3A_209 masked %masked_sort3A_210 {descending = true} : (vector<16xf32>, vector<16xi32>, vector<16xi1>) -> (vector<16xi1>, vector<16xf32>, vector<16xi32>)
      %swap3A_214 = arith.constant 128 : index
      %swap3A_215 = tpu.vector_load %arg6[%swap3A_214] {strides = array<i32>} : memref<256xf32, #tpu.memory_space<vmem>>, vector<16xf32>,
      tpu.vector_store %arg6[%swap3A_214], %broadcast_in_dim3A_1 {strides = array<i32>} : memref<256xf32, #tpu.memory_space<vmem>>, vector<16xf32>,
      %get3A_216 = arith.index_cast %scan3A_40 : i32 to index
      %get3A_217 = arith.constant 144 : index
      %get3A_218 = tpu.vector_load %arg4[%get3A_216, %get3A_217] {strides = array<i32>} : memref<64x256xf32, #tpu.memory_space<vmem>>, vector<16xf32>,
      %get3A_219 = arith.constant 144 : index
      %get3A_220 = tpu.vector_load %arg7[%get3A_219] {strides = array<i32>} : memref<256xf32, #tpu.memory_space<vmem>>, vector<16xf32>,
      %abs3A_221 = math.absf %get3A_218 : vector<16xf32>
      %sub3A_222 = arith.constant 1.000000e+00 : f32
      %sub3A_223 = vector.broadcast %sub3A_222 : f32 to vector<16xf32>
      %sub3A_224 = arith.subf %sub3A_223, %get3A_220 : vector<16xf32>
      %mul3A_225 = arith.mulf %abs3A_221, %sub3A_224 : vector<16xf32>
      %add3A_226 = arith.constant 144 : i32
      %add3A_227 = arith.addi %mul3A_0, %add3A_226 : i32
      %add3A_228 = vector.broadcast %add3A_227 : i32 to vector<16xi32>
      %add3A_229 = arith.addi %iota3A, %add3A_228 : vector<16xi32>
      %masked_sort3A_230 = arith.constant dense<true> : vector<16xi1>
      %masked_sort3A_231, %masked_sort3A_232, %masked_sort3A_233 = tpu.sort %mul3A_225, %add3A_229 masked %masked_sort3A_230 {descending = true} : (vector<16xf32>, vector<16xi32>, vector<16xi1>) -> (vector<16xi1>, vector<16xf32>, vector<16xi32>)
      %swap3A_234 = arith.constant 144 : index
      %swap3A_235 = tpu.vector_load %arg6[%swap3A_234] {strides = array<i32>} : memref<256xf32, #tpu.memory_space<vmem>>, vector<16xf32>,
      tpu.vector_store %arg6[%swap3A_234], %broadcast_in_dim3A_1 {strides = array<i32>} : memref<256xf32, #tpu.memory_space<vmem>>, vector<16xf32>,
      %get3A_236 = arith.index_cast %scan3A_40 : i32 to index
      %get3A_237 = arith.constant 160 : index
      %get3A_238 = tpu.vector_load %arg4[%get3A_236, %get3A_237] {strides = array<i32>} : memref<64x256xf32, #tpu.memory_space<vmem>>, vector<16xf32>,
      %get3A_239 = arith.constant 160 : index
      %get3A_240 = tpu.vector_load %arg7[%get3A_239] {strides = array<i32>} : memref<256xf32, #tpu.memory_space<vmem>>, vector<16xf32>,
      %abs3A_241 = math.absf %get3A_238 : vector<16xf32>
      %sub3A_242 = arith.constant 1.000000e+00 : f32
      %sub3A_243 = vector.broadcast %sub3A_242 : f32 to vector<16xf32>
      %sub3A_244 = arith.subf %sub3A_243, %get3A_240 : vector<16xf32>
      %mul3A_245 = arith.mulf %abs3A_241, %sub3A_244 : vector<16xf32>
      %add3A_246 = arith.constant 160 : i32
      %add3A_247 = arith.addi %mul3A_0, %add3A_246 : i32
      %add3A_248 = vector.broadcast %add3A_247 : i32 to vector<16xi32>
      %add3A_249 = arith.addi %iota3A, %add3A_248 : vector<16xi32>
      %masked_sort3A_250 = arith.constant dense<true> : vector<16xi1>
      %masked_sort3A_251, %masked_sort3A_252, %masked_sort3A_253 = tpu.sort %mul3A_245, %add3A_249 masked %masked_sort3A_250 {descending = true} : (vector<16xf32>, vector<16xi32>, vector<16xi1>) -> (vector<16xi1>, vector<16xf32>, vector<16xi32>)
      %swap3A_254 = arith.constant 160 : index
      %swap3A_255 = tpu.vector_load %arg6[%swap3A_254] {strides = array<i32>} : memref<256xf32, #tpu.memory_space<vmem>>, vector<16xf32>,
      tpu.vector_store %arg6[%swap3A_254], %broadcast_in_dim3A_1 {strides = array<i32>} : memref<256xf32, #tpu.memory_space<vmem>>, vector<16xf32>,
      %get3A_256 = arith.index_cast %scan3A_40 : i32 to index
      %get3A_257 = arith.constant 176 : index
      %get3A_258 = tpu.vector_load %arg4[%get3A_256, %get3A_257] {strides = array<i32>} : memref<64x256xf32, #tpu.memory_space<vmem>>, vector<16xf32>,
      %get3A_259 = arith.constant 176 : index
      %get3A_260 = tpu.vector_load %arg7[%get3A_259] {strides = array<i32>} : memref<256xf32, #tpu.memory_space<vmem>>, vector<16xf32>,
      %abs3A_261 = math.absf %get3A_258 : vector<16xf32>
      %sub3A_262 = arith.constant 1.000000e+00 : f32
      %sub3A_263 = vector.broadcast %sub3A_262 : f32 to vector<16xf32>
      %sub3A_264 = arith.subf %sub3A_263, %get3A_260 : vector<16xf32>
      %mul3A_265 = arith.mulf %abs3A_261, %sub3A_264 : vector<16xf32>
      %add3A_266 = arith.constant 176 : i32
      %add3A_267 = arith.addi %mul3A_0, %add3A_266 : i32
      %add3A_268 = vector.broadcast %add3A_267 : i32 to vector<16xi32>
      %add3A_269 = arith.addi %iota3A, %add3A_268 : vector<16xi32>
      %masked_sort3A_270 = arith.constant dense<true> : vector<16xi1>
      %masked_sort3A_271, %masked_sort3A_272, %masked_sort3A_273 = tpu.sort %mul3A_265, %add3A_269 masked %masked_sort3A_270 {descending = true} : (vector<16xf32>, vector<16xi32>, vector<16xi1>) -> (vector<16xi1>, vector<16xf32>, vector<16xi32>)
      %swap3A_274 = arith.constant 176 : index
      %swap3A_275 = tpu.vector_load %arg6[%swap3A_274] {strides = array<i32>} : memref<256xf32, #tpu.memory_space<vmem>>, vector<16xf32>,
      tpu.vector_store %arg6[%swap3A_274], %broadcast_in_dim3A_1 {strides = array<i32>} : memref<256xf32, #tpu.memory_space<vmem>>, vector<16xf32>,
      %get3A_276 = arith.index_cast %scan3A_40 : i32 to index
      %get3A_277 = arith.constant 192 : index
      %get3A_278 = tpu.vector_load %arg4[%get3A_276, %get3A_277] {strides = array<i32>} : memref<64x256xf32, #tpu.memory_space<vmem>>, vector<16xf32>,
      %get3A_279 = arith.constant 192 : index
      %get3A_280 = tpu.vector_load %arg7[%get3A_279] {strides = array<i32>} : memref<256xf32, #tpu.memory_space<vmem>>, vector<16xf32>,
      %abs3A_281 = math.absf %get3A_278 : vector<16xf32>
      %sub3A_282 = arith.constant 1.000000e+00 : f32
      %sub3A_283 = vector.broadcast %sub3A_282 : f32 to vector<16xf32>
      %sub3A_284 = arith.subf %sub3A_283, %get3A_280 : vector<16xf32>
      %mul3A_285 = arith.mulf %abs3A_281, %sub3A_284 : vector<16xf32>
      %add3A_286 = arith.constant 192 : i32
      %add3A_287 = arith.addi %mul3A_0, %add3A_286 : i32
      %add3A_288 = vector.broadcast %add3A_287 : i32 to vector<16xi32>
      %add3A_289 = arith.addi %iota3A, %add3A_288 : vector<16xi32>
      %masked_sort3A_290 = arith.constant dense<true> : vector<16xi1>
      %masked_sort3A_291, %masked_sort3A_292, %masked_sort3A_293 = tpu.sort %mul3A_285, %add3A_289 masked %masked_sort3A_290 {descending = true} : (vector<16xf32>, vector<16xi32>, vector<16xi1>) -> (vector<16xi1>, vector<16xf32>, vector<16xi32>)
      %swap3A_294 = arith.constant 192 : index
      %swap3A_295 = tpu.vector_load %arg6[%swap3A_294] {strides = array<i32>} : memref<256xf32, #tpu.memory_space<vmem>>, vector<16xf32>,
      tpu.vector_store %arg6[%swap3A_294], %broadcast_in_dim3A_1 {strides = array<i32>} : memref<256xf32, #tpu.memory_space<vmem>>, vector<16xf32>,
      %get3A_296 = arith.index_cast %scan3A_40 : i32 to index
      %get3A_297 = arith.constant 208 : index
      %get3A_298 = tpu.vector_load %arg4[%get3A_296, %get3A_297] {strides = array<i32>} : memref<64x256xf32, #tpu.memory_space<vmem>>, vector<16xf32>,
      %get3A_299 = arith.constant 208 : index
      %get3A_300 = tpu.vector_load %arg7[%get3A_299] {strides = array<i32>} : memref<256xf32, #tpu.memory_space<vmem>>, vector<16xf32>,
      %abs3A_301 = math.absf %get3A_298 : vector<16xf32>
      %sub3A_302 = arith.constant 1.000000e+00 : f32
      %sub3A_303 = vector.broadcast %sub3A_302 : f32 to vector<16xf32>
      %sub3A_304 = arith.subf %sub3A_303, %get3A_300 : vector<16xf32>
      %mul3A_305 = arith.mulf %abs3A_301, %sub3A_304 : vector<16xf32>
      %add3A_306 = arith.constant 208 : i32
      %add3A_307 = arith.addi %mul3A_0, %add3A_306 : i32
      %add3A_308 = vector.broadcast %add3A_307 : i32 to vector<16xi32>
      %add3A_309 = arith.addi %iota3A, %add3A_308 : vector<16xi32>
      %masked_sort3A_310 = arith.constant dense<true> : vector<16xi1>
      %masked_sort3A_311, %masked_sort3A_312, %masked_sort3A_313 = tpu.sort %mul3A_305, %add3A_309 masked %masked_sort3A_310 {descending = true} : (vector<16xf32>, vector<16xi32>, vector<16xi1>) -> (vector<16xi1>, vector<16xf32>, vector<16xi32>)
      %swap3A_314 = arith.constant 208 : index
      %swap3A_315 = tpu.vector_load %arg6[%swap3A_314] {strides = array<i32>} : memref<256xf32, #tpu.memory_space<vmem>>, vector<16xf32>,
      tpu.vector_store %arg6[%swap3A_314], %broadcast_in_dim3A_1 {strides = array<i32>} : memref<256xf32, #tpu.memory_space<vmem>>, vector<16xf32>,
      %get3A_316 = arith.index_cast %scan3A_40 : i32 to index
      %get3A_317 = arith.constant 224 : index
      %get3A_318 = tpu.vector_load %arg4[%get3A_316, %get3A_317] {strides = array<i32>} : memref<64x256xf32, #tpu.memory_space<vmem>>, vector<16xf32>,
      %get3A_319 = arith.constant 224 : index
      %get3A_320 = tpu.vector_load %arg7[%get3A_319] {strides = array<i32>} : memref<256xf32, #tpu.memory_space<vmem>>, vector<16xf32>,
      %abs3A_321 = math.absf %get3A_318 : vector<16xf32>
      %sub3A_322 = arith.constant 1.000000e+00 : f32
      %sub3A_323 = vector.broadcast %sub3A_322 : f32 to vector<16xf32>
      %sub3A_324 = arith.subf %sub3A_323, %get3A_320 : vector<16xf32>
      %mul3A_325 = arith.mulf %abs3A_321, %sub3A_324 : vector<16xf32>
      %add3A_326 = arith.constant 224 : i32
      %add3A_327 = arith.addi %mul3A_0, %add3A_326 : i32
      %add3A_328 = vector.broadcast %add3A_327 : i32 to vector<16xi32>
      %add3A_329 = arith.addi %iota3A, %add3A_328 : vector<16xi32>
      %masked_sort3A_330 = arith.constant dense<true> : vector<16xi1>
      %masked_sort3A_331, %masked_sort3A_332, %masked_sort3A_333 = tpu.sort %mul3A_325, %add3A_329 masked %masked_sort3A_330 {descending = true} : (vector<16xf32>, vector<16xi32>, vector<16xi1>) -> (vector<16xi1>, vector<16xf32>, vector<16xi32>)
      %swap3A_334 = arith.constant 224 : index
      %swap3A_335 = tpu.vector_load %arg6[%swap3A_334] {strides = array<i32>} : memref<256xf32, #tpu.memory_space<vmem>>, vector<16xf32>,
      tpu.vector_store %arg6[%swap3A_334], %broadcast_in_dim3A_1 {strides = array<i32>} : memref<256xf32, #tpu.memory_space<vmem>>, vector<16xf32>,
      %get3A_336 = arith.index_cast %scan3A_40 : i32 to index
      %get3A_337 = arith.constant 240 : index
      %get3A_338 = tpu.vector_load %arg4[%get3A_336, %get3A_337] {strides = array<i32>} : memref<64x256xf32, #tpu.memory_space<vmem>>, vector<16xf32>,
      %get3A_339 = arith.constant 240 : index
      %get3A_340 = tpu.vector_load %arg7[%get3A_339] {strides = array<i32>} : memref<256xf32, #tpu.memory_space<vmem>>, vector<16xf32>,
      %abs3A_341 = math.absf %get3A_338 : vector<16xf32>
      %sub3A_342 = arith.constant 1.000000e+00 : f32
      %sub3A_343 = vector.broadcast %sub3A_342 : f32 to vector<16xf32>
      %sub3A_344 = arith.subf %sub3A_343, %get3A_340 : vector<16xf32>
      %mul3A_345 = arith.mulf %abs3A_341, %sub3A_344 : vector<16xf32>
      %add3A_346 = arith.constant 240 : i32
      %add3A_347 = arith.addi %mul3A_0, %add3A_346 : i32
      %add3A_348 = vector.broadcast %add3A_347 : i32 to vector<16xi32>
      %add3A_349 = arith.addi %iota3A, %add3A_348 : vector<16xi32>
      %masked_sort3A_350 = arith.constant dense<true> : vector<16xi1>
      %masked_sort3A_351, %masked_sort3A_352, %masked_sort3A_353 = tpu.sort %mul3A_345, %add3A_349 masked %masked_sort3A_350 {descending = true} : (vector<16xf32>, vector<16xi32>, vector<16xi1>) -> (vector<16xi1>, vector<16xf32>, vector<16xi32>)
      %swap3A_354 = arith.constant 240 : index
      %swap3A_355 = tpu.vector_load %arg6[%swap3A_354] {strides = array<i32>} : memref<256xf32, #tpu.memory_space<vmem>>, vector<16xf32>,
      tpu.vector_store %arg6[%swap3A_354], %broadcast_in_dim3A_1 {strides = array<i32>} : memref<256xf32, #tpu.memory_space<vmem>>, vector<16xf32>,
      %rev3A = arith.constant 15 : i32
      %rev3A_356 = vector.broadcast %rev3A : i32 to vector<16xi32>
      %rev3A_357 = tpu.iota {dimensions = array<i32: 0>} : vector<16xi32>
      %rev3A_358 = arith.subi %rev3A_356, %rev3A_357 : vector<16xi32>
      %rev3A_359 = tpu.dynamic_gather %masked_sort3A_72[%rev3A_358] in [0] : vector<16xf32>, vector<16xi32> -> vector<16xf32>
      %rev3A_360 = arith.constant 15 : i32
      %rev3A_361 = vector.broadcast %rev3A_360 : i32 to vector<16xi32>
      %rev3A_362 = tpu.iota {dimensions = array<i32: 0>} : vector<16xi32>
      %rev3A_363 = arith.subi %rev3A_361, %rev3A_362 : vector<16xi32>
      %rev3A_364 = tpu.dynamic_gather %masked_sort3A_73[%rev3A_363] in [0] : vector<16xi32>, vector<16xi32> -> vector<16xi32>
      %gt3A = arith.cmpf ogt, %masked_sort3A_52, %rev3A_359 : vector<16xf32>
      %eq3A = arith.cmpf oeq, %masked_sort3A_52, %rev3A_359 : vector<16xf32>
      %lt3A = arith.cmpi slt, %masked_sort3A_53, %rev3A_364 : vector<16xi32>
      %and3A = arith.andi %eq3A, %lt3A : vector<16xi1>
      %or3A = arith.ori %gt3A, %and3A : vector<16xi1>
      %select_n3A = arith.select %or3A, %masked_sort3A_52, %rev3A_359 : vector<16xi1>, vector<16xf32>
      %select_n3A_365 = arith.select %or3A, %masked_sort3A_53, %rev3A_364 : vector<16xi1>, vector<16xi32>
      %select_n3A_366 = arith.select %or3A, %rev3A_359, %masked_sort3A_52 : vector<16xi1>, vector<16xf32>
      %select_n3A_367 = arith.select %or3A, %rev3A_364, %masked_sort3A_53 : vector<16xi1>, vector<16xi32>
      %masked_sort3A_368 = arith.constant dense<true> : vector<16xi1>
      %masked_sort3A_369, %masked_sort3A_370, %masked_sort3A_371 = tpu.sort %select_n3A, %select_n3A_365 masked %masked_sort3A_368 {descending = true} : (vector<16xf32>, vector<16xi32>, vector<16xi1>) -> (vector<16xi1>, vector<16xf32>, vector<16xi32>)
      %masked_sort3A_372 = arith.constant dense<true> : vector<16xi1>
      %masked_sort3A_373, %masked_sort3A_374, %masked_sort3A_375 = tpu.sort %select_n3A_366, %select_n3A_367 masked %masked_sort3A_372 {descending = true} : (vector<16xf32>, vector<16xi32>, vector<16xi1>) -> (vector<16xi1>, vector<16xf32>, vector<16xi32>)
      %rev3A_376 = arith.constant 15 : i32
      %rev3A_377 = vector.broadcast %rev3A_376 : i32 to vector<16xi32>
      %rev3A_378 = tpu.iota {dimensions = array<i32: 0>} : vector<16xi32>
      %rev3A_379 = arith.subi %rev3A_377, %rev3A_378 : vector<16xi32>
      %rev3A_380 = tpu.dynamic_gather %masked_sort3A_112[%rev3A_379] in [0] : vector<16xf32>, vector<16xi32> -> vector<16xf32>
      %rev3A_381 = arith.constant 15 : i32
      %rev3A_382 = vector.broadcast %rev3A_381 : i32 to vector<16xi32>
      %rev3A_383 = tpu.iota {dimensions = array<i32: 0>} : vector<16xi32>
      %rev3A_384 = arith.subi %rev3A_382, %rev3A_383 : vector<16xi32>
      %rev3A_385 = tpu.dynamic_gather %masked_sort3A_113[%rev3A_384] in [0] : vector<16xi32>, vector<16xi32> -> vector<16xi32>
      %gt3A_386 = arith.cmpf ogt, %masked_sort3A_92, %rev3A_380 : vector<16xf32>
      %eq3A_387 = arith.cmpf oeq, %masked_sort3A_92, %rev3A_380 : vector<16xf32>
      %lt3A_388 = arith.cmpi slt, %masked_sort3A_93, %rev3A_385 : vector<16xi32>
      %and3A_389 = arith.andi %eq3A_387, %lt3A_388 : vector<16xi1>
      %or3A_390 = arith.ori %gt3A_386, %and3A_389 : vector<16xi1>
      %select_n3A_391 = arith.select %or3A_390, %masked_sort3A_92, %rev3A_380 : vector<16xi1>, vector<16xf32>
      %select_n3A_392 = arith.select %or3A_390, %masked_sort3A_93, %rev3A_385 : vector<16xi1>, vector<16xi32>
      %select_n3A_393 = arith.select %or3A_390, %rev3A_380, %masked_sort3A_92 : vector<16xi1>, vector<16xf32>
      %select_n3A_394 = arith.select %or3A_390, %rev3A_385, %masked_sort3A_93 : vector<16xi1>, vector<16xi32>
      %masked_sort3A_395 = arith.constant dense<true> : vector<16xi1>
      %masked_sort3A_396, %masked_sort3A_397, %masked_sort3A_398 = tpu.sort %select_n3A_391, %select_n3A_392 masked %masked_sort3A_395 {descending = true} : (vector<16xf32>, vector<16xi32>, vector<16xi1>) -> (vector<16xi1>, vector<16xf32>, vector<16xi32>)
      %masked_sort3A_399 = arith.constant dense<true> : vector<16xi1>
      %masked_sort3A_400, %masked_sort3A_401, %masked_sort3A_402 = tpu.sort %select_n3A_393, %select_n3A_394 masked %masked_sort3A_399 {descending = true} : (vector<16xf32>, vector<16xi32>, vector<16xi1>) -> (vector<16xi1>, vector<16xf32>, vector<16xi32>)
      %rev3A_403 = arith.constant 15 : i32
      %rev3A_404 = vector.broadcast %rev3A_403 : i32 to vector<16xi32>
      %rev3A_405 = tpu.iota {dimensions = array<i32: 0>} : vector<16xi32>
      %rev3A_406 = arith.subi %rev3A_404, %rev3A_405 : vector<16xi32>
      %rev3A_407 = tpu.dynamic_gather %masked_sort3A_152[%rev3A_406] in [0] : vector<16xf32>, vector<16xi32> -> vector<16xf32>
      %rev3A_408 = arith.constant 15 : i32
      %rev3A_409 = vector.broadcast %rev3A_408 : i32 to vector<16xi32>
      %rev3A_410 = tpu.iota {dimensions = array<i32: 0>} : vector<16xi32>
      %rev3A_411 = arith.subi %rev3A_409, %rev3A_410 : vector<16xi32>
      %rev3A_412 = tpu.dynamic_gather %masked_sort3A_153[%rev3A_411] in [0] : vector<16xi32>, vector<16xi32> -> vector<16xi32>
      %gt3A_413 = arith.cmpf ogt, %masked_sort3A_132, %rev3A_407 : vector<16xf32>
      %eq3A_414 = arith.cmpf oeq, %masked_sort3A_132, %rev3A_407 : vector<16xf32>
      %lt3A_415 = arith.cmpi slt, %masked_sort3A_133, %rev3A_412 : vector<16xi32>
      %and3A_416 = arith.andi %eq3A_414, %lt3A_415 : vector<16xi1>
      %or3A_417 = arith.ori %gt3A_413, %and3A_416 : vector<16xi1>
      %select_n3A_418 = arith.select %or3A_417, %masked_sort3A_132, %rev3A_407 : vector<16xi1>, vector<16xf32>
      %select_n3A_419 = arith.select %or3A_417, %masked_sort3A_133, %rev3A_412 : vector<16xi1>, vector<16xi32>
      %select_n3A_420 = arith.select %or3A_417, %rev3A_407, %masked_sort3A_132 : vector<16xi1>, vector<16xf32>
      %select_n3A_421 = arith.select %or3A_417, %rev3A_412, %masked_sort3A_133 : vector<16xi1>, vector<16xi32>
      %masked_sort3A_422 = arith.constant dense<true> : vector<16xi1>
      %masked_sort3A_423, %masked_sort3A_424, %masked_sort3A_425 = tpu.sort %select_n3A_418, %select_n3A_419 masked %masked_sort3A_422 {descending = true} : (vector<16xf32>, vector<16xi32>, vector<16xi1>) -> (vector<16xi1>, vector<16xf32>, vector<16xi32>)
      %masked_sort3A_426 = arith.constant dense<true> : vector<16xi1>
      %masked_sort3A_427, %masked_sort3A_428, %masked_sort3A_429 = tpu.sort %select_n3A_420, %select_n3A_421 masked %masked_sort3A_426 {descending = true} : (vector<16xf32>, vector<16xi32>, vector<16xi1>) -> (vector<16xi1>, vector<16xf32>, vector<16xi32>)
      %rev3A_430 = arith.constant 15 : i32
      %rev3A_431 = vector.broadcast %rev3A_430 : i32 to vector<16xi32>
      %rev3A_432 = tpu.iota {dimensions = array<i32: 0>} : vector<16xi32>
      %rev3A_433 = arith.subi %rev3A_431, %rev3A_432 : vector<16xi32>
      %rev3A_434 = tpu.dynamic_gather %masked_sort3A_192[%rev3A_433] in [0] : vector<16xf32>, vector<16xi32> -> vector<16xf32>
      %rev3A_435 = arith.constant 15 : i32
      %rev3A_436 = vector.broadcast %rev3A_435 : i32 to vector<16xi32>
      %rev3A_437 = tpu.iota {dimensions = array<i32: 0>} : vector<16xi32>
      %rev3A_438 = arith.subi %rev3A_436, %rev3A_437 : vector<16xi32>
      %rev3A_439 = tpu.dynamic_gather %masked_sort3A_193[%rev3A_438] in [0] : vector<16xi32>, vector<16xi32> -> vector<16xi32>
      %gt3A_440 = arith.cmpf ogt, %masked_sort3A_172, %rev3A_434 : vector<16xf32>
      %eq3A_441 = arith.cmpf oeq, %masked_sort3A_172, %rev3A_434 : vector<16xf32>
      %lt3A_442 = arith.cmpi slt, %masked_sort3A_173, %rev3A_439 : vector<16xi32>
      %and3A_443 = arith.andi %eq3A_441, %lt3A_442 : vector<16xi1>
      %or3A_444 = arith.ori %gt3A_440, %and3A_443 : vector<16xi1>
      %select_n3A_445 = arith.select %or3A_444, %masked_sort3A_172, %rev3A_434 : vector<16xi1>, vector<16xf32>
      %select_n3A_446 = arith.select %or3A_444, %masked_sort3A_173, %rev3A_439 : vector<16xi1>, vector<16xi32>
      %select_n3A_447 = arith.select %or3A_444, %rev3A_434, %masked_sort3A_172 : vector<16xi1>, vector<16xf32>
      %select_n3A_448 = arith.select %or3A_444, %rev3A_439, %masked_sort3A_173 : vector<16xi1>, vector<16xi32>
      %masked_sort3A_449 = arith.constant dense<true> : vector<16xi1>
      %masked_sort3A_450, %masked_sort3A_451, %masked_sort3A_452 = tpu.sort %select_n3A_445, %select_n3A_446 masked %masked_sort3A_449 {descending = true} : (vector<16xf32>, vector<16xi32>, vector<16xi1>) -> (vector<16xi1>, vector<16xf32>, vector<16xi32>)
      %masked_sort3A_453 = arith.constant dense<true> : vector<16xi1>
      %masked_sort3A_454, %masked_sort3A_455, %masked_sort3A_456 = tpu.sort %select_n3A_447, %select_n3A_448 masked %masked_sort3A_453 {descending = true} : (vector<16xf32>, vector<16xi32>, vector<16xi1>) -> (vector<16xi1>, vector<16xf32>, vector<16xi32>)
      %rev3A_457 = arith.constant 15 : i32
      %rev3A_458 = vector.broadcast %rev3A_457 : i32 to vector<16xi32>
      %rev3A_459 = tpu.iota {dimensions = array<i32: 0>} : vector<16xi32>
      %rev3A_460 = arith.subi %rev3A_458, %rev3A_459 : vector<16xi32>
      %rev3A_461 = tpu.dynamic_gather %masked_sort3A_232[%rev3A_460] in [0] : vector<16xf32>, vector<16xi32> -> vector<16xf32>
      %rev3A_462 = arith.constant 15 : i32
      %rev3A_463 = vector.broadcast %rev3A_462 : i32 to vector<16xi32>
      %rev3A_464 = tpu.iota {dimensions = array<i32: 0>} : vector<16xi32>
      %rev3A_465 = arith.subi %rev3A_463, %rev3A_464 : vector<16xi32>
      %rev3A_466 = tpu.dynamic_gather %masked_sort3A_233[%rev3A_465] in [0] : vector<16xi32>, vector<16xi32> -> vector<16xi32>
      %gt3A_467 = arith.cmpf ogt, %masked_sort3A_212, %rev3A_461 : vector<16xf32>
      %eq3A_468 = arith.cmpf oeq, %masked_sort3A_212, %rev3A_461 : vector<16xf32>
      %lt3A_469 = arith.cmpi slt, %masked_sort3A_213, %rev3A_466 : vector<16xi32>
      %and3A_470 = arith.andi %eq3A_468, %lt3A_469 : vector<16xi1>
      %or3A_471 = arith.ori %gt3A_467, %and3A_470 : vector<16xi1>
      %select_n3A_472 = arith.select %or3A_471, %masked_sort3A_212, %rev3A_461 : vector<16xi1>, vector<16xf32>
      %select_n3A_473 = arith.select %or3A_471, %masked_sort3A_213, %rev3A_466 : vector<16xi1>, vector<16xi32>
      %select_n3A_474 = arith.select %or3A_471, %rev3A_461, %masked_sort3A_212 : vector<16xi1>, vector<16xf32>
      %select_n3A_475 = arith.select %or3A_471, %rev3A_466, %masked_sort3A_213 : vector<16xi1>, vector<16xi32>
      %masked_sort3A_476 = arith.constant dense<true> : vector<16xi1>
      %masked_sort3A_477, %masked_sort3A_478, %masked_sort3A_479 = tpu.sort %select_n3A_472, %select_n3A_473 masked %masked_sort3A_476 {descending = true} : (vector<16xf32>, vector<16xi32>, vector<16xi1>) -> (vector<16xi1>, vector<16xf32>, vector<16xi32>)
      %masked_sort3A_480 = arith.constant dense<true> : vector<16xi1>
      %masked_sort3A_481, %masked_sort3A_482, %masked_sort3A_483 = tpu.sort %select_n3A_474, %select_n3A_475 masked %masked_sort3A_480 {descending = true} : (vector<16xf32>, vector<16xi32>, vector<16xi1>) -> (vector<16xi1>, vector<16xf32>, vector<16xi32>)
      %rev3A_484 = arith.constant 15 : i32
      %rev3A_485 = vector.broadcast %rev3A_484 : i32 to vector<16xi32>
      %rev3A_486 = tpu.iota {dimensions = array<i32: 0>} : vector<16xi32>
      %rev3A_487 = arith.subi %rev3A_485, %rev3A_486 : vector<16xi32>
      %rev3A_488 = tpu.dynamic_gather %masked_sort3A_272[%rev3A_487] in [0] : vector<16xf32>, vector<16xi32> -> vector<16xf32>
      %rev3A_489 = arith.constant 15 : i32
      %rev3A_490 = vector.broadcast %rev3A_489 : i32 to vector<16xi32>
      %rev3A_491 = tpu.iota {dimensions = array<i32: 0>} : vector<16xi32>
      %rev3A_492 = arith.subi %rev3A_490, %rev3A_491 : vector<16xi32>
      %rev3A_493 = tpu.dynamic_gather %masked_sort3A_273[%rev3A_492] in [0] : vector<16xi32>, vector<16xi32> -> vector<16xi32>
      %gt3A_494 = arith.cmpf ogt, %masked_sort3A_252, %rev3A_488 : vector<16xf32>
      %eq3A_495 = arith.cmpf oeq, %masked_sort3A_252, %rev3A_488 : vector<16xf32>
      %lt3A_496 = arith.cmpi slt, %masked_sort3A_253, %rev3A_493 : vector<16xi32>
      %and3A_497 = arith.andi %eq3A_495, %lt3A_496 : vector<16xi1>
      %or3A_498 = arith.ori %gt3A_494, %and3A_497 : vector<16xi1>
      %select_n3A_499 = arith.select %or3A_498, %masked_sort3A_252, %rev3A_488 : vector<16xi1>, vector<16xf32>
      %select_n3A_500 = arith.select %or3A_498, %masked_sort3A_253, %rev3A_493 : vector<16xi1>, vector<16xi32>
      %select_n3A_501 = arith.select %or3A_498, %rev3A_488, %masked_sort3A_252 : vector<16xi1>, vector<16xf32>
      %select_n3A_502 = arith.select %or3A_498, %rev3A_493, %masked_sort3A_253 : vector<16xi1>, vector<16xi32>
      %masked_sort3A_503 = arith.constant dense<true> : vector<16xi1>
      %masked_sort3A_504, %masked_sort3A_505, %masked_sort3A_506 = tpu.sort %select_n3A_499, %select_n3A_500 masked %masked_sort3A_503 {descending = true} : (vector<16xf32>, vector<16xi32>, vector<16xi1>) -> (vector<16xi1>, vector<16xf32>, vector<16xi32>)
      %masked_sort3A_507 = arith.constant dense<true> : vector<16xi1>
      %masked_sort3A_508, %masked_sort3A_509, %masked_sort3A_510 = tpu.sort %select_n3A_501, %select_n3A_502 masked %masked_sort3A_507 {descending = true} : (vector<16xf32>, vector<16xi32>, vector<16xi1>) -> (vector<16xi1>, vector<16xf32>, vector<16xi32>)
      %rev3A_511 = arith.constant 15 : i32
      %rev3A_512 = vector.broadcast %rev3A_511 : i32 to vector<16xi32>
      %rev3A_513 = tpu.iota {dimensions = array<i32: 0>} : vector<16xi32>
      %rev3A_514 = arith.subi %rev3A_512, %rev3A_513 : vector<16xi32>
      %rev3A_515 = tpu.dynamic_gather %masked_sort3A_312[%rev3A_514] in [0] : vector<16xf32>, vector<16xi32> -> vector<16xf32>
      %rev3A_516 = arith.constant 15 : i32
      %rev3A_517 = vector.broadcast %rev3A_516 : i32 to vector<16xi32>
      %rev3A_518 = tpu.iota {dimensions = array<i32: 0>} : vector<16xi32>
      %rev3A_519 = arith.subi %rev3A_517, %rev3A_518 : vector<16xi32>
      %rev3A_520 = tpu.dynamic_gather %masked_sort3A_313[%rev3A_519] in [0] : vector<16xi32>, vector<16xi32> -> vector<16xi32>
      %gt3A_521 = arith.cmpf ogt, %masked_sort3A_292, %rev3A_515 : vector<16xf32>
      %eq3A_522 = arith.cmpf oeq, %masked_sort3A_292, %rev3A_515 : vector<16xf32>
      %lt3A_523 = arith.cmpi slt, %masked_sort3A_293, %rev3A_520 : vector<16xi32>
      %and3A_524 = arith.andi %eq3A_522, %lt3A_523 : vector<16xi1>
      %or3A_525 = arith.ori %gt3A_521, %and3A_524 : vector<16xi1>
      %select_n3A_526 = arith.select %or3A_525, %masked_sort3A_292, %rev3A_515 : vector<16xi1>, vector<16xf32>
      %select_n3A_527 = arith.select %or3A_525, %masked_sort3A_293, %rev3A_520 : vector<16xi1>, vector<16xi32>
      %select_n3A_528 = arith.select %or3A_525, %rev3A_515, %masked_sort3A_292 : vector<16xi1>, vector<16xf32>
      %select_n3A_529 = arith.select %or3A_525, %rev3A_520, %masked_sort3A_293 : vector<16xi1>, vector<16xi32>
      %masked_sort3A_530 = arith.constant dense<true> : vector<16xi1>
      %masked_sort3A_531, %masked_sort3A_532, %masked_sort3A_533 = tpu.sort %select_n3A_526, %select_n3A_527 masked %masked_sort3A_530 {descending = true} : (vector<16xf32>, vector<16xi32>, vector<16xi1>) -> (vector<16xi1>, vector<16xf32>, vector<16xi32>)
      %masked_sort3A_534 = arith.constant dense<true> : vector<16xi1>
      %masked_sort3A_535, %masked_sort3A_536, %masked_sort3A_537 = tpu.sort %select_n3A_528, %select_n3A_529 masked %masked_sort3A_534 {descending = true} : (vector<16xf32>, vector<16xi32>, vector<16xi1>) -> (vector<16xi1>, vector<16xf32>, vector<16xi32>)
      %rev3A_538 = arith.constant 15 : i32
      %rev3A_539 = vector.broadcast %rev3A_538 : i32 to vector<16xi32>
      %rev3A_540 = tpu.iota {dimensions = array<i32: 0>} : vector<16xi32>
      %rev3A_541 = arith.subi %rev3A_539, %rev3A_540 : vector<16xi32>
      %rev3A_542 = tpu.dynamic_gather %masked_sort3A_352[%rev3A_541] in [0] : vector<16xf32>, vector<16xi32> -> vector<16xf32>
      %rev3A_543 = arith.constant 15 : i32
      %rev3A_544 = vector.broadcast %rev3A_543 : i32 to vector<16xi32>
      %rev3A_545 = tpu.iota {dimensions = array<i32: 0>} : vector<16xi32>
      %rev3A_546 = arith.subi %rev3A_544, %rev3A_545 : vector<16xi32>
      %rev3A_547 = tpu.dynamic_gather %masked_sort3A_353[%rev3A_546] in [0] : vector<16xi32>, vector<16xi32> -> vector<16xi32>
      %gt3A_548 = arith.cmpf ogt, %masked_sort3A_332, %rev3A_542 : vector<16xf32>
      %eq3A_549 = arith.cmpf oeq, %masked_sort3A_332, %rev3A_542 : vector<16xf32>
      %lt3A_550 = arith.cmpi slt, %masked_sort3A_333, %rev3A_547 : vector<16xi32>
      %and3A_551 = arith.andi %eq3A_549, %lt3A_550 : vector<16xi1>
      %or3A_552 = arith.ori %gt3A_548, %and3A_551 : vector<16xi1>
      %select_n3A_553 = arith.select %or3A_552, %masked_sort3A_332, %rev3A_542 : vector<16xi1>, vector<16xf32>
      %select_n3A_554 = arith.select %or3A_552, %masked_sort3A_333, %rev3A_547 : vector<16xi1>, vector<16xi32>
      %select_n3A_555 = arith.select %or3A_552, %rev3A_542, %masked_sort3A_332 : vector<16xi1>, vector<16xf32>
      %select_n3A_556 = arith.select %or3A_552, %rev3A_547, %masked_sort3A_333 : vector<16xi1>, vector<16xi32>
      %masked_sort3A_557 = arith.constant dense<true> : vector<16xi1>
      %masked_sort3A_558, %masked_sort3A_559, %masked_sort3A_560 = tpu.sort %select_n3A_553, %select_n3A_554 masked %masked_sort3A_557 {descending = true} : (vector<16xf32>, vector<16xi32>, vector<16xi1>) -> (vector<16xi1>, vector<16xf32>, vector<16xi32>)
      %masked_sort3A_561 = arith.constant dense<true> : vector<16xi1>
      %masked_sort3A_562, %masked_sort3A_563, %masked_sort3A_564 = tpu.sort %select_n3A_555, %select_n3A_556 masked %masked_sort3A_561 {descending = true} : (vector<16xf32>, vector<16xi32>, vector<16xi1>) -> (vector<16xi1>, vector<16xf32>, vector<16xi32>)
      %rev3A_565 = arith.constant 15 : i32
      %rev3A_566 = vector.broadcast %rev3A_565 : i32 to vector<16xi32>
      %rev3A_567 = tpu.iota {dimensions = array<i32: 0>} : vector<16xi32>
      %rev3A_568 = arith.subi %rev3A_566, %rev3A_567 : vector<16xi32>
      %rev3A_569 = tpu.dynamic_gather %masked_sort3A_401[%rev3A_568] in [0] : vector<16xf32>, vector<16xi32> -> vector<16xf32>
      %rev3A_570 = arith.constant 15 : i32
      %rev3A_571 = vector.broadcast %rev3A_570 : i32 to vector<16xi32>
      %rev3A_572 = tpu.iota {dimensions = array<i32: 0>} : vector<16xi32>
      %rev3A_573 = arith.subi %rev3A_571, %rev3A_572 : vector<16xi32>
      %rev3A_574 = tpu.dynamic_gather %masked_sort3A_402[%rev3A_573] in [0] : vector<16xi32>, vector<16xi32> -> vector<16xi32>
      %gt3A_575 = arith.cmpf ogt, %masked_sort3A_370, %rev3A_569 : vector<16xf32>
      %eq3A_576 = arith.cmpf oeq, %masked_sort3A_370, %rev3A_569 : vector<16xf32>
      %lt3A_577 = arith.cmpi slt, %masked_sort3A_371, %rev3A_574 : vector<16xi32>
      %and3A_578 = arith.andi %eq3A_576, %lt3A_577 : vector<16xi1>
      %or3A_579 = arith.ori %gt3A_575, %and3A_578 : vector<16xi1>
      %select_n3A_580 = arith.select %or3A_579, %masked_sort3A_370, %rev3A_569 : vector<16xi1>, vector<16xf32>
      %select_n3A_581 = arith.select %or3A_579, %masked_sort3A_371, %rev3A_574 : vector<16xi1>, vector<16xi32>
      %select_n3A_582 = arith.select %or3A_579, %rev3A_569, %masked_sort3A_370 : vector<16xi1>, vector<16xf32>
      %select_n3A_583 = arith.select %or3A_579, %rev3A_574, %masked_sort3A_371 : vector<16xi1>, vector<16xi32>
      %rev3A_584 = arith.constant 15 : i32
      %rev3A_585 = vector.broadcast %rev3A_584 : i32 to vector<16xi32>
      %rev3A_586 = tpu.iota {dimensions = array<i32: 0>} : vector<16xi32>
      %rev3A_587 = arith.subi %rev3A_585, %rev3A_586 : vector<16xi32>
      %rev3A_588 = tpu.dynamic_gather %masked_sort3A_397[%rev3A_587] in [0] : vector<16xf32>, vector<16xi32> -> vector<16xf32>
      %rev3A_589 = arith.constant 15 : i32
      %rev3A_590 = vector.broadcast %rev3A_589 : i32 to vector<16xi32>
      %rev3A_591 = tpu.iota {dimensions = array<i32: 0>} : vector<16xi32>
      %rev3A_592 = arith.subi %rev3A_590, %rev3A_591 : vector<16xi32>
      %rev3A_593 = tpu.dynamic_gather %masked_sort3A_398[%rev3A_592] in [0] : vector<16xi32>, vector<16xi32> -> vector<16xi32>
      %gt3A_594 = arith.cmpf ogt, %masked_sort3A_374, %rev3A_588 : vector<16xf32>
      %eq3A_595 = arith.cmpf oeq, %masked_sort3A_374, %rev3A_588 : vector<16xf32>
      %lt3A_596 = arith.cmpi slt, %masked_sort3A_375, %rev3A_593 : vector<16xi32>
      %and3A_597 = arith.andi %eq3A_595, %lt3A_596 : vector<16xi1>
      %or3A_598 = arith.ori %gt3A_594, %and3A_597 : vector<16xi1>
      %select_n3A_599 = arith.select %or3A_598, %masked_sort3A_374, %rev3A_588 : vector<16xi1>, vector<16xf32>
      %select_n3A_600 = arith.select %or3A_598, %masked_sort3A_375, %rev3A_593 : vector<16xi1>, vector<16xi32>
      %select_n3A_601 = arith.select %or3A_598, %rev3A_588, %masked_sort3A_374 : vector<16xi1>, vector<16xf32>
      %select_n3A_602 = arith.select %or3A_598, %rev3A_593, %masked_sort3A_375 : vector<16xi1>, vector<16xi32>
      %gt3A_603 = arith.cmpf ogt, %select_n3A_580, %select_n3A_599 : vector<16xf32>
      %eq3A_604 = arith.cmpf oeq, %select_n3A_580, %select_n3A_599 : vector<16xf32>
      %lt3A_605 = arith.cmpi slt, %select_n3A_581, %select_n3A_600 : vector<16xi32>
      %and3A_606 = arith.andi %eq3A_604, %lt3A_605 : vector<16xi1>
      %or3A_607 = arith.ori %gt3A_603, %and3A_606 : vector<16xi1>
      %select_n3A_608 = arith.select %or3A_607, %select_n3A_580, %select_n3A_599 : vector<16xi1>, vector<16xf32>
      %select_n3A_609 = arith.select %or3A_607, %select_n3A_581, %select_n3A_600 : vector<16xi1>, vector<16xi32>
      %select_n3A_610 = arith.select %or3A_607, %select_n3A_599, %select_n3A_580 : vector<16xi1>, vector<16xf32>
      %select_n3A_611 = arith.select %or3A_607, %select_n3A_600, %select_n3A_581 : vector<16xi1>, vector<16xi32>
      %gt3A_612 = arith.cmpf ogt, %select_n3A_582, %select_n3A_601 : vector<16xf32>
      %eq3A_613 = arith.cmpf oeq, %select_n3A_582, %select_n3A_601 : vector<16xf32>
      %lt3A_614 = arith.cmpi slt, %select_n3A_583, %select_n3A_602 : vector<16xi32>
      %and3A_615 = arith.andi %eq3A_613, %lt3A_614 : vector<16xi1>
      %or3A_616 = arith.ori %gt3A_612, %and3A_615 : vector<16xi1>
      %select_n3A_617 = arith.select %or3A_616, %select_n3A_582, %select_n3A_601 : vector<16xi1>, vector<16xf32>
      %select_n3A_618 = arith.select %or3A_616, %select_n3A_583, %select_n3A_602 : vector<16xi1>, vector<16xi32>
      %select_n3A_619 = arith.select %or3A_616, %select_n3A_601, %select_n3A_582 : vector<16xi1>, vector<16xf32>
      %select_n3A_620 = arith.select %or3A_616, %select_n3A_602, %select_n3A_583 : vector<16xi1>, vector<16xi32>
      %masked_sort3A_621 = arith.constant dense<true> : vector<16xi1>
      %masked_sort3A_622, %masked_sort3A_623, %masked_sort3A_624 = tpu.sort %select_n3A_608, %select_n3A_609 masked %masked_sort3A_621 {descending = true} : (vector<16xf32>, vector<16xi32>, vector<16xi1>) -> (vector<16xi1>, vector<16xf32>, vector<16xi32>)
      %masked_sort3A_625 = arith.constant dense<true> : vector<16xi1>
      %masked_sort3A_626, %masked_sort3A_627, %masked_sort3A_628 = tpu.sort %select_n3A_610, %select_n3A_611 masked %masked_sort3A_625 {descending = true} : (vector<16xf32>, vector<16xi32>, vector<16xi1>) -> (vector<16xi1>, vector<16xf32>, vector<16xi32>)
      %masked_sort3A_629 = arith.constant dense<true> : vector<16xi1>
      %masked_sort3A_630, %masked_sort3A_631, %masked_sort3A_632 = tpu.sort %select_n3A_617, %select_n3A_618 masked %masked_sort3A_629 {descending = true} : (vector<16xf32>, vector<16xi32>, vector<16xi1>) -> (vector<16xi1>, vector<16xf32>, vector<16xi32>)
      %masked_sort3A_633 = arith.constant dense<true> : vector<16xi1>
      %masked_sort3A_634, %masked_sort3A_635, %masked_sort3A_636 = tpu.sort %select_n3A_619, %select_n3A_620 masked %masked_sort3A_633 {descending = true} : (vector<16xf32>, vector<16xi32>, vector<16xi1>) -> (vector<16xi1>, vector<16xf32>, vector<16xi32>)
      %rev3A_637 = arith.constant 15 : i32
      %rev3A_638 = vector.broadcast %rev3A_637 : i32 to vector<16xi32>
      %rev3A_639 = tpu.iota {dimensions = array<i32: 0>} : vector<16xi32>
      %rev3A_640 = arith.subi %rev3A_638, %rev3A_639 : vector<16xi32>
      %rev3A_641 = tpu.dynamic_gather %masked_sort3A_455[%rev3A_640] in [0] : vector<16xf32>, vector<16xi32> -> vector<16xf32>
      %rev3A_642 = arith.constant 15 : i32
      %rev3A_643 = vector.broadcast %rev3A_642 : i32 to vector<16xi32>
      %rev3A_644 = tpu.iota {dimensions = array<i32: 0>} : vector<16xi32>
      %rev3A_645 = arith.subi %rev3A_643, %rev3A_644 : vector<16xi32>
      %rev3A_646 = tpu.dynamic_gather %masked_sort3A_456[%rev3A_645] in [0] : vector<16xi32>, vector<16xi32> -> vector<16xi32>
      %gt3A_647 = arith.cmpf ogt, %masked_sort3A_424, %rev3A_641 : vector<16xf32>
      %eq3A_648 = arith.cmpf oeq, %masked_sort3A_424, %rev3A_641 : vector<16xf32>
      %lt3A_649 = arith.cmpi slt, %masked_sort3A_425, %rev3A_646 : vector<16xi32>
      %and3A_650 = arith.andi %eq3A_648, %lt3A_649 : vector<16xi1>
      %or3A_651 = arith.ori %gt3A_647, %and3A_650 : vector<16xi1>
      %select_n3A_652 = arith.select %or3A_651, %masked_sort3A_424, %rev3A_641 : vector<16xi1>, vector<16xf32>
      %select_n3A_653 = arith.select %or3A_651, %masked_sort3A_425, %rev3A_646 : vector<16xi1>, vector<16xi32>
      %select_n3A_654 = arith.select %or3A_651, %rev3A_641, %masked_sort3A_424 : vector<16xi1>, vector<16xf32>
      %select_n3A_655 = arith.select %or3A_651, %rev3A_646, %masked_sort3A_425 : vector<16xi1>, vector<16xi32>
      %rev3A_656 = arith.constant 15 : i32
      %rev3A_657 = vector.broadcast %rev3A_656 : i32 to vector<16xi32>
      %rev3A_658 = tpu.iota {dimensions = array<i32: 0>} : vector<16xi32>
      %rev3A_659 = arith.subi %rev3A_657, %rev3A_658 : vector<16xi32>
      %rev3A_660 = tpu.dynamic_gather %masked_sort3A_451[%rev3A_659] in [0] : vector<16xf32>, vector<16xi32> -> vector<16xf32>
      %rev3A_661 = arith.constant 15 : i32
      %rev3A_662 = vector.broadcast %rev3A_661 : i32 to vector<16xi32>
      %rev3A_663 = tpu.iota {dimensions = array<i32: 0>} : vector<16xi32>
      %rev3A_664 = arith.subi %rev3A_662, %rev3A_663 : vector<16xi32>
      %rev3A_665 = tpu.dynamic_gather %masked_sort3A_452[%rev3A_664] in [0] : vector<16xi32>, vector<16xi32> -> vector<16xi32>
      %gt3A_666 = arith.cmpf ogt, %masked_sort3A_428, %rev3A_660 : vector<16xf32>
      %eq3A_667 = arith.cmpf oeq, %masked_sort3A_428, %rev3A_660 : vector<16xf32>
      %lt3A_668 = arith.cmpi slt, %masked_sort3A_429, %rev3A_665 : vector<16xi32>
      %and3A_669 = arith.andi %eq3A_667, %lt3A_668 : vector<16xi1>
      %or3A_670 = arith.ori %gt3A_666, %and3A_669 : vector<16xi1>
      %select_n3A_671 = arith.select %or3A_670, %masked_sort3A_428, %rev3A_660 : vector<16xi1>, vector<16xf32>
      %select_n3A_672 = arith.select %or3A_670, %masked_sort3A_429, %rev3A_665 : vector<16xi1>, vector<16xi32>
      %select_n3A_673 = arith.select %or3A_670, %rev3A_660, %masked_sort3A_428 : vector<16xi1>, vector<16xf32>
      %select_n3A_674 = arith.select %or3A_670, %rev3A_665, %masked_sort3A_429 : vector<16xi1>, vector<16xi32>
      %gt3A_675 = arith.cmpf ogt, %select_n3A_652, %select_n3A_671 : vector<16xf32>
      %eq3A_676 = arith.cmpf oeq, %select_n3A_652, %select_n3A_671 : vector<16xf32>
      %lt3A_677 = arith.cmpi slt, %select_n3A_653, %select_n3A_672 : vector<16xi32>
      %and3A_678 = arith.andi %eq3A_676, %lt3A_677 : vector<16xi1>
      %or3A_679 = arith.ori %gt3A_675, %and3A_678 : vector<16xi1>
      %select_n3A_680 = arith.select %or3A_679, %select_n3A_652, %select_n3A_671 : vector<16xi1>, vector<16xf32>
      %select_n3A_681 = arith.select %or3A_679, %select_n3A_653, %select_n3A_672 : vector<16xi1>, vector<16xi32>
      %select_n3A_682 = arith.select %or3A_679, %select_n3A_671, %select_n3A_652 : vector<16xi1>, vector<16xf32>
      %select_n3A_683 = arith.select %or3A_679, %select_n3A_672, %select_n3A_653 : vector<16xi1>, vector<16xi32>
      %gt3A_684 = arith.cmpf ogt, %select_n3A_654, %select_n3A_673 : vector<16xf32>
      %eq3A_685 = arith.cmpf oeq, %select_n3A_654, %select_n3A_673 : vector<16xf32>
      %lt3A_686 = arith.cmpi slt, %select_n3A_655, %select_n3A_674 : vector<16xi32>
      %and3A_687 = arith.andi %eq3A_685, %lt3A_686 : vector<16xi1>
      %or3A_688 = arith.ori %gt3A_684, %and3A_687 : vector<16xi1>
      %select_n3A_689 = arith.select %or3A_688, %select_n3A_654, %select_n3A_673 : vector<16xi1>, vector<16xf32>
      %select_n3A_690 = arith.select %or3A_688, %select_n3A_655, %select_n3A_674 : vector<16xi1>, vector<16xi32>
      %select_n3A_691 = arith.select %or3A_688, %select_n3A_673, %select_n3A_654 : vector<16xi1>, vector<16xf32>
      %select_n3A_692 = arith.select %or3A_688, %select_n3A_674, %select_n3A_655 : vector<16xi1>, vector<16xi32>
      %masked_sort3A_693 = arith.constant dense<true> : vector<16xi1>
      %masked_sort3A_694, %masked_sort3A_695, %masked_sort3A_696 = tpu.sort %select_n3A_680, %select_n3A_681 masked %masked_sort3A_693 {descending = true} : (vector<16xf32>, vector<16xi32>, vector<16xi1>) -> (vector<16xi1>, vector<16xf32>, vector<16xi32>)
      %masked_sort3A_697 = arith.constant dense<true> : vector<16xi1>
      %masked_sort3A_698, %masked_sort3A_699, %masked_sort3A_700 = tpu.sort %select_n3A_682, %select_n3A_683 masked %masked_sort3A_697 {descending = true} : (vector<16xf32>, vector<16xi32>, vector<16xi1>) -> (vector<16xi1>, vector<16xf32>, vector<16xi32>)
      %masked_sort3A_701 = arith.constant dense<true> : vector<16xi1>
      %masked_sort3A_702, %masked_sort3A_703, %masked_sort3A_704 = tpu.sort %select_n3A_689, %select_n3A_690 masked %masked_sort3A_701 {descending = true} : (vector<16xf32>, vector<16xi32>, vector<16xi1>) -> (vector<16xi1>, vector<16xf32>, vector<16xi32>)
      %masked_sort3A_705 = arith.constant dense<true> : vector<16xi1>
      %masked_sort3A_706, %masked_sort3A_707, %masked_sort3A_708 = tpu.sort %select_n3A_691, %select_n3A_692 masked %masked_sort3A_705 {descending = true} : (vector<16xf32>, vector<16xi32>, vector<16xi1>) -> (vector<16xi1>, vector<16xf32>, vector<16xi32>)
      %rev3A_709 = arith.constant 15 : i32
      %rev3A_710 = vector.broadcast %rev3A_709 : i32 to vector<16xi32>
      %rev3A_711 = tpu.iota {dimensions = array<i32: 0>} : vector<16xi32>
      %rev3A_712 = arith.subi %rev3A_710, %rev3A_711 : vector<16xi32>
      %rev3A_713 = tpu.dynamic_gather %masked_sort3A_509[%rev3A_712] in [0] : vector<16xf32>, vector<16xi32> -> vector<16xf32>
      %rev3A_714 = arith.constant 15 : i32
      %rev3A_715 = vector.broadcast %rev3A_714 : i32 to vector<16xi32>
      %rev3A_716 = tpu.iota {dimensions = array<i32: 0>} : vector<16xi32>
      %rev3A_717 = arith.subi %rev3A_715, %rev3A_716 : vector<16xi32>
      %rev3A_718 = tpu.dynamic_gather %masked_sort3A_510[%rev3A_717] in [0] : vector<16xi32>, vector<16xi32> -> vector<16xi32>
      %gt3A_719 = arith.cmpf ogt, %masked_sort3A_478, %rev3A_713 : vector<16xf32>
      %eq3A_720 = arith.cmpf oeq, %masked_sort3A_478, %rev3A_713 : vector<16xf32>
      %lt3A_721 = arith.cmpi slt, %masked_sort3A_479, %rev3A_718 : vector<16xi32>
      %and3A_722 = arith.andi %eq3A_720, %lt3A_721 : vector<16xi1>
      %or3A_723 = arith.ori %gt3A_719, %and3A_722 : vector<16xi1>
      %select_n3A_724 = arith.select %or3A_723, %masked_sort3A_478, %rev3A_713 : vector<16xi1>, vector<16xf32>
      %select_n3A_725 = arith.select %or3A_723, %masked_sort3A_479, %rev3A_718 : vector<16xi1>, vector<16xi32>
      %select_n3A_726 = arith.select %or3A_723, %rev3A_713, %masked_sort3A_478 : vector<16xi1>, vector<16xf32>
      %select_n3A_727 = arith.select %or3A_723, %rev3A_718, %masked_sort3A_479 : vector<16xi1>, vector<16xi32>
      %rev3A_728 = arith.constant 15 : i32
      %rev3A_729 = vector.broadcast %rev3A_728 : i32 to vector<16xi32>
      %rev3A_730 = tpu.iota {dimensions = array<i32: 0>} : vector<16xi32>
      %rev3A_731 = arith.subi %rev3A_729, %rev3A_730 : vector<16xi32>
      %rev3A_732 = tpu.dynamic_gather %masked_sort3A_505[%rev3A_731] in [0] : vector<16xf32>, vector<16xi32> -> vector<16xf32>
      %rev3A_733 = arith.constant 15 : i32
      %rev3A_734 = vector.broadcast %rev3A_733 : i32 to vector<16xi32>
      %rev3A_735 = tpu.iota {dimensions = array<i32: 0>} : vector<16xi32>
      %rev3A_736 = arith.subi %rev3A_734, %rev3A_735 : vector<16xi32>
      %rev3A_737 = tpu.dynamic_gather %masked_sort3A_506[%rev3A_736] in [0] : vector<16xi32>, vector<16xi32> -> vector<16xi32>
      %gt3A_738 = arith.cmpf ogt, %masked_sort3A_482, %rev3A_732 : vector<16xf32>
      %eq3A_739 = arith.cmpf oeq, %masked_sort3A_482, %rev3A_732 : vector<16xf32>
      %lt3A_740 = arith.cmpi slt, %masked_sort3A_483, %rev3A_737 : vector<16xi32>
      %and3A_741 = arith.andi %eq3A_739, %lt3A_740 : vector<16xi1>
      %or3A_742 = arith.ori %gt3A_738, %and3A_741 : vector<16xi1>
      %select_n3A_743 = arith.select %or3A_742, %masked_sort3A_482, %rev3A_732 : vector<16xi1>, vector<16xf32>
      %select_n3A_744 = arith.select %or3A_742, %masked_sort3A_483, %rev3A_737 : vector<16xi1>, vector<16xi32>
      %select_n3A_745 = arith.select %or3A_742, %rev3A_732, %masked_sort3A_482 : vector<16xi1>, vector<16xf32>
      %select_n3A_746 = arith.select %or3A_742, %rev3A_737, %masked_sort3A_483 : vector<16xi1>, vector<16xi32>
      %gt3A_747 = arith.cmpf ogt, %select_n3A_724, %select_n3A_743 : vector<16xf32>
      %eq3A_748 = arith.cmpf oeq, %select_n3A_724, %select_n3A_743 : vector<16xf32>
      %lt3A_749 = arith.cmpi slt, %select_n3A_725, %select_n3A_744 : vector<16xi32>
      %and3A_750 = arith.andi %eq3A_748, %lt3A_749 : vector<16xi1>
      %or3A_751 = arith.ori %gt3A_747, %and3A_750 : vector<16xi1>
      %select_n3A_752 = arith.select %or3A_751, %select_n3A_724, %select_n3A_743 : vector<16xi1>, vector<16xf32>
      %select_n3A_753 = arith.select %or3A_751, %select_n3A_725, %select_n3A_744 : vector<16xi1>, vector<16xi32>
      %select_n3A_754 = arith.select %or3A_751, %select_n3A_743, %select_n3A_724 : vector<16xi1>, vector<16xf32>
      %select_n3A_755 = arith.select %or3A_751, %select_n3A_744, %select_n3A_725 : vector<16xi1>, vector<16xi32>
      %gt3A_756 = arith.cmpf ogt, %select_n3A_726, %select_n3A_745 : vector<16xf32>
      %eq3A_757 = arith.cmpf oeq, %select_n3A_726, %select_n3A_745 : vector<16xf32>
      %lt3A_758 = arith.cmpi slt, %select_n3A_727, %select_n3A_746 : vector<16xi32>
      %and3A_759 = arith.andi %eq3A_757, %lt3A_758 : vector<16xi1>
      %or3A_760 = arith.ori %gt3A_756, %and3A_759 : vector<16xi1>
      %select_n3A_761 = arith.select %or3A_760, %select_n3A_726, %select_n3A_745 : vector<16xi1>, vector<16xf32>
      %select_n3A_762 = arith.select %or3A_760, %select_n3A_727, %select_n3A_746 : vector<16xi1>, vector<16xi32>
      %select_n3A_763 = arith.select %or3A_760, %select_n3A_745, %select_n3A_726 : vector<16xi1>, vector<16xf32>
      %select_n3A_764 = arith.select %or3A_760, %select_n3A_746, %select_n3A_727 : vector<16xi1>, vector<16xi32>
      %masked_sort3A_765 = arith.constant dense<true> : vector<16xi1>
      %masked_sort3A_766, %masked_sort3A_767, %masked_sort3A_768 = tpu.sort %select_n3A_752, %select_n3A_753 masked %masked_sort3A_765 {descending = true} : (vector<16xf32>, vector<16xi32>, vector<16xi1>) -> (vector<16xi1>, vector<16xf32>, vector<16xi32>)
      %masked_sort3A_769 = arith.constant dense<true> : vector<16xi1>
      %masked_sort3A_770, %masked_sort3A_771, %masked_sort3A_772 = tpu.sort %select_n3A_754, %select_n3A_755 masked %masked_sort3A_769 {descending = true} : (vector<16xf32>, vector<16xi32>, vector<16xi1>) -> (vector<16xi1>, vector<16xf32>, vector<16xi32>)
      %masked_sort3A_773 = arith.constant dense<true> : vector<16xi1>
      %masked_sort3A_774, %masked_sort3A_775, %masked_sort3A_776 = tpu.sort %select_n3A_761, %select_n3A_762 masked %masked_sort3A_773 {descending = true} : (vector<16xf32>, vector<16xi32>, vector<16xi1>) -> (vector<16xi1>, vector<16xf32>, vector<16xi32>)
      %masked_sort3A_777 = arith.constant dense<true> : vector<16xi1>
      %masked_sort3A_778, %masked_sort3A_779, %masked_sort3A_780 = tpu.sort %select_n3A_763, %select_n3A_764 masked %masked_sort3A_777 {descending = true} : (vector<16xf32>, vector<16xi32>, vector<16xi1>) -> (vector<16xi1>, vector<16xf32>, vector<16xi32>)
      %rev3A_781 = arith.constant 15 : i32
      %rev3A_782 = vector.broadcast %rev3A_781 : i32 to vector<16xi32>
      %rev3A_783 = tpu.iota {dimensions = array<i32: 0>} : vector<16xi32>
      %rev3A_784 = arith.subi %rev3A_782, %rev3A_783 : vector<16xi32>
      %rev3A_785 = tpu.dynamic_gather %masked_sort3A_563[%rev3A_784] in [0] : vector<16xf32>, vector<16xi32> -> vector<16xf32>
      %rev3A_786 = arith.constant 15 : i32
      %rev3A_787 = vector.broadcast %rev3A_786 : i32 to vector<16xi32>
      %rev3A_788 = tpu.iota {dimensions = array<i32: 0>} : vector<16xi32>
      %rev3A_789 = arith.subi %rev3A_787, %rev3A_788 : vector<16xi32>
      %rev3A_790 = tpu.dynamic_gather %masked_sort3A_564[%rev3A_789] in [0] : vector<16xi32>, vector<16xi32> -> vector<16xi32>
      %gt3A_791 = arith.cmpf ogt, %masked_sort3A_532, %rev3A_785 : vector<16xf32>
      %eq3A_792 = arith.cmpf oeq, %masked_sort3A_532, %rev3A_785 : vector<16xf32>
      %lt3A_793 = arith.cmpi slt, %masked_sort3A_533, %rev3A_790 : vector<16xi32>
      %and3A_794 = arith.andi %eq3A_792, %lt3A_793 : vector<16xi1>
      %or3A_795 = arith.ori %gt3A_791, %and3A_794 : vector<16xi1>
      %select_n3A_796 = arith.select %or3A_795, %masked_sort3A_532, %rev3A_785 : vector<16xi1>, vector<16xf32>
      %select_n3A_797 = arith.select %or3A_795, %masked_sort3A_533, %rev3A_790 : vector<16xi1>, vector<16xi32>
      %select_n3A_798 = arith.select %or3A_795, %rev3A_785, %masked_sort3A_532 : vector<16xi1>, vector<16xf32>
      %select_n3A_799 = arith.select %or3A_795, %rev3A_790, %masked_sort3A_533 : vector<16xi1>, vector<16xi32>
      %rev3A_800 = arith.constant 15 : i32
      %rev3A_801 = vector.broadcast %rev3A_800 : i32 to vector<16xi32>
      %rev3A_802 = tpu.iota {dimensions = array<i32: 0>} : vector<16xi32>
      %rev3A_803 = arith.subi %rev3A_801, %rev3A_802 : vector<16xi32>
      %rev3A_804 = tpu.dynamic_gather %masked_sort3A_559[%rev3A_803] in [0] : vector<16xf32>, vector<16xi32> -> vector<16xf32>
      %rev3A_805 = arith.constant 15 : i32
      %rev3A_806 = vector.broadcast %rev3A_805 : i32 to vector<16xi32>
      %rev3A_807 = tpu.iota {dimensions = array<i32: 0>} : vector<16xi32>
      %rev3A_808 = arith.subi %rev3A_806, %rev3A_807 : vector<16xi32>
      %rev3A_809 = tpu.dynamic_gather %masked_sort3A_560[%rev3A_808] in [0] : vector<16xi32>, vector<16xi32> -> vector<16xi32>
      %gt3A_810 = arith.cmpf ogt, %masked_sort3A_536, %rev3A_804 : vector<16xf32>
      %eq3A_811 = arith.cmpf oeq, %masked_sort3A_536, %rev3A_804 : vector<16xf32>
      %lt3A_812 = arith.cmpi slt, %masked_sort3A_537, %rev3A_809 : vector<16xi32>
      %and3A_813 = arith.andi %eq3A_811, %lt3A_812 : vector<16xi1>
      %or3A_814 = arith.ori %gt3A_810, %and3A_813 : vector<16xi1>
      %select_n3A_815 = arith.select %or3A_814, %masked_sort3A_536, %rev3A_804 : vector<16xi1>, vector<16xf32>
      %select_n3A_816 = arith.select %or3A_814, %masked_sort3A_537, %rev3A_809 : vector<16xi1>, vector<16xi32>
      %select_n3A_817 = arith.select %or3A_814, %rev3A_804, %masked_sort3A_536 : vector<16xi1>, vector<16xf32>
      %select_n3A_818 = arith.select %or3A_814, %rev3A_809, %masked_sort3A_537 : vector<16xi1>, vector<16xi32>
      %gt3A_819 = arith.cmpf ogt, %select_n3A_796, %select_n3A_815 : vector<16xf32>
      %eq3A_820 = arith.cmpf oeq, %select_n3A_796, %select_n3A_815 : vector<16xf32>
      %lt3A_821 = arith.cmpi slt, %select_n3A_797, %select_n3A_816 : vector<16xi32>
      %and3A_822 = arith.andi %eq3A_820, %lt3A_821 : vector<16xi1>
      %or3A_823 = arith.ori %gt3A_819, %and3A_822 : vector<16xi1>
      %select_n3A_824 = arith.select %or3A_823, %select_n3A_796, %select_n3A_815 : vector<16xi1>, vector<16xf32>
      %select_n3A_825 = arith.select %or3A_823, %select_n3A_797, %select_n3A_816 : vector<16xi1>, vector<16xi32>
      %select_n3A_826 = arith.select %or3A_823, %select_n3A_815, %select_n3A_796 : vector<16xi1>, vector<16xf32>
      %select_n3A_827 = arith.select %or3A_823, %select_n3A_816, %select_n3A_797 : vector<16xi1>, vector<16xi32>
      %gt3A_828 = arith.cmpf ogt, %select_n3A_798, %select_n3A_817 : vector<16xf32>
      %eq3A_829 = arith.cmpf oeq, %select_n3A_798, %select_n3A_817 : vector<16xf32>
      %lt3A_830 = arith.cmpi slt, %select_n3A_799, %select_n3A_818 : vector<16xi32>
      %and3A_831 = arith.andi %eq3A_829, %lt3A_830 : vector<16xi1>
      %or3A_832 = arith.ori %gt3A_828, %and3A_831 : vector<16xi1>
      %select_n3A_833 = arith.select %or3A_832, %select_n3A_798, %select_n3A_817 : vector<16xi1>, vector<16xf32>
      %select_n3A_834 = arith.select %or3A_832, %select_n3A_799, %select_n3A_818 : vector<16xi1>, vector<16xi32>
      %select_n3A_835 = arith.select %or3A_832, %select_n3A_817, %select_n3A_798 : vector<16xi1>, vector<16xf32>
      %select_n3A_836 = arith.select %or3A_832, %select_n3A_818, %select_n3A_799 : vector<16xi1>, vector<16xi32>
      %masked_sort3A_837 = arith.constant dense<true> : vector<16xi1>
      %masked_sort3A_838, %masked_sort3A_839, %masked_sort3A_840 = tpu.sort %select_n3A_824, %select_n3A_825 masked %masked_sort3A_837 {descending = true} : (vector<16xf32>, vector<16xi32>, vector<16xi1>) -> (vector<16xi1>, vector<16xf32>, vector<16xi32>)
      %masked_sort3A_841 = arith.constant dense<true> : vector<16xi1>
      %masked_sort3A_842, %masked_sort3A_843, %masked_sort3A_844 = tpu.sort %select_n3A_826, %select_n3A_827 masked %masked_sort3A_841 {descending = true} : (vector<16xf32>, vector<16xi32>, vector<16xi1>) -> (vector<16xi1>, vector<16xf32>, vector<16xi32>)
      %masked_sort3A_845 = arith.constant dense<true> : vector<16xi1>
      %masked_sort3A_846, %masked_sort3A_847, %masked_sort3A_848 = tpu.sort %select_n3A_833, %select_n3A_834 masked %masked_sort3A_845 {descending = true} : (vector<16xf32>, vector<16xi32>, vector<16xi1>) -> (vector<16xi1>, vector<16xf32>, vector<16xi32>)
      %masked_sort3A_849 = arith.constant dense<true> : vector<16xi1>
      %masked_sort3A_850, %masked_sort3A_851, %masked_sort3A_852 = tpu.sort %select_n3A_835, %select_n3A_836 masked %masked_sort3A_849 {descending = true} : (vector<16xf32>, vector<16xi32>, vector<16xi1>) -> (vector<16xi1>, vector<16xf32>, vector<16xi32>)
      %rev3A_853 = arith.constant 15 : i32
      %rev3A_854 = vector.broadcast %rev3A_853 : i32 to vector<16xi32>
      %rev3A_855 = tpu.iota {dimensions = array<i32: 0>} : vector<16xi32>
      %rev3A_856 = arith.subi %rev3A_854, %rev3A_855 : vector<16xi32>
      %rev3A_857 = tpu.dynamic_gather %masked_sort3A_707[%rev3A_856] in [0] : vector<16xf32>, vector<16xi32> -> vector<16xf32>
      %rev3A_858 = arith.constant 15 : i32
      %rev3A_859 = vector.broadcast %rev3A_858 : i32 to vector<16xi32>
      %rev3A_860 = tpu.iota {dimensions = array<i32: 0>} : vector<16xi32>
      %rev3A_861 = arith.subi %rev3A_859, %rev3A_860 : vector<16xi32>
      %rev3A_862 = tpu.dynamic_gather %masked_sort3A_708[%rev3A_861] in [0] : vector<16xi32>, vector<16xi32> -> vector<16xi32>
      %gt3A_863 = arith.cmpf ogt, %masked_sort3A_623, %rev3A_857 : vector<16xf32>
      %eq3A_864 = arith.cmpf oeq, %masked_sort3A_623, %rev3A_857 : vector<16xf32>
      %lt3A_865 = arith.cmpi slt, %masked_sort3A_624, %rev3A_862 : vector<16xi32>
      %and3A_866 = arith.andi %eq3A_864, %lt3A_865 : vector<16xi1>
      %or3A_867 = arith.ori %gt3A_863, %and3A_866 : vector<16xi1>
      %select_n3A_868 = arith.select %or3A_867, %masked_sort3A_623, %rev3A_857 : vector<16xi1>, vector<16xf32>
      %select_n3A_869 = arith.select %or3A_867, %masked_sort3A_624, %rev3A_862 : vector<16xi1>, vector<16xi32>
      %rev3A_870 = arith.constant 15 : i32
      %rev3A_871 = vector.broadcast %rev3A_870 : i32 to vector<16xi32>
      %rev3A_872 = tpu.iota {dimensions = array<i32: 0>} : vector<16xi32>
      %rev3A_873 = arith.subi %rev3A_871, %rev3A_872 : vector<16xi32>
      %rev3A_874 = tpu.dynamic_gather %masked_sort3A_703[%rev3A_873] in [0] : vector<16xf32>, vector<16xi32> -> vector<16xf32>
      %rev3A_875 = arith.constant 15 : i32
      %rev3A_876 = vector.broadcast %rev3A_875 : i32 to vector<16xi32>
      %rev3A_877 = tpu.iota {dimensions = array<i32: 0>} : vector<16xi32>
      %rev3A_878 = arith.subi %rev3A_876, %rev3A_877 : vector<16xi32>
      %rev3A_879 = tpu.dynamic_gather %masked_sort3A_704[%rev3A_878] in [0] : vector<16xi32>, vector<16xi32> -> vector<16xi32>
      %gt3A_880 = arith.cmpf ogt, %masked_sort3A_627, %rev3A_874 : vector<16xf32>
      %eq3A_881 = arith.cmpf oeq, %masked_sort3A_627, %rev3A_874 : vector<16xf32>
      %lt3A_882 = arith.cmpi slt, %masked_sort3A_628, %rev3A_879 : vector<16xi32>
      %and3A_883 = arith.andi %eq3A_881, %lt3A_882 : vector<16xi1>
      %or3A_884 = arith.ori %gt3A_880, %and3A_883 : vector<16xi1>
      %select_n3A_885 = arith.select %or3A_884, %masked_sort3A_627, %rev3A_874 : vector<16xi1>, vector<16xf32>
      %select_n3A_886 = arith.select %or3A_884, %masked_sort3A_628, %rev3A_879 : vector<16xi1>, vector<16xi32>
      %rev3A_887 = arith.constant 15 : i32
      %rev3A_888 = vector.broadcast %rev3A_887 : i32 to vector<16xi32>
      %rev3A_889 = tpu.iota {dimensions = array<i32: 0>} : vector<16xi32>
      %rev3A_890 = arith.subi %rev3A_888, %rev3A_889 : vector<16xi32>
      %rev3A_891 = tpu.dynamic_gather %masked_sort3A_699[%rev3A_890] in [0] : vector<16xf32>, vector<16xi32> -> vector<16xf32>
      %rev3A_892 = arith.constant 15 : i32
      %rev3A_893 = vector.broadcast %rev3A_892 : i32 to vector<16xi32>
      %rev3A_894 = tpu.iota {dimensions = array<i32: 0>} : vector<16xi32>
      %rev3A_895 = arith.subi %rev3A_893, %rev3A_894 : vector<16xi32>
      %rev3A_896 = tpu.dynamic_gather %masked_sort3A_700[%rev3A_895] in [0] : vector<16xi32>, vector<16xi32> -> vector<16xi32>
      %gt3A_897 = arith.cmpf ogt, %masked_sort3A_631, %rev3A_891 : vector<16xf32>
      %eq3A_898 = arith.cmpf oeq, %masked_sort3A_631, %rev3A_891 : vector<16xf32>
      %lt3A_899 = arith.cmpi slt, %masked_sort3A_632, %rev3A_896 : vector<16xi32>
      %and3A_900 = arith.andi %eq3A_898, %lt3A_899 : vector<16xi1>
      %or3A_901 = arith.ori %gt3A_897, %and3A_900 : vector<16xi1>
      %select_n3A_902 = arith.select %or3A_901, %masked_sort3A_631, %rev3A_891 : vector<16xi1>, vector<16xf32>
      %select_n3A_903 = arith.select %or3A_901, %masked_sort3A_632, %rev3A_896 : vector<16xi1>, vector<16xi32>
      %rev3A_904 = arith.constant 15 : i32
      %rev3A_905 = vector.broadcast %rev3A_904 : i32 to vector<16xi32>
      %rev3A_906 = tpu.iota {dimensions = array<i32: 0>} : vector<16xi32>
      %rev3A_907 = arith.subi %rev3A_905, %rev3A_906 : vector<16xi32>
      %rev3A_908 = tpu.dynamic_gather %masked_sort3A_695[%rev3A_907] in [0] : vector<16xf32>, vector<16xi32> -> vector<16xf32>
      %rev3A_909 = arith.constant 15 : i32
      %rev3A_910 = vector.broadcast %rev3A_909 : i32 to vector<16xi32>
      %rev3A_911 = tpu.iota {dimensions = array<i32: 0>} : vector<16xi32>
      %rev3A_912 = arith.subi %rev3A_910, %rev3A_911 : vector<16xi32>
      %rev3A_913 = tpu.dynamic_gather %masked_sort3A_696[%rev3A_912] in [0] : vector<16xi32>, vector<16xi32> -> vector<16xi32>
      %gt3A_914 = arith.cmpf ogt, %masked_sort3A_635, %rev3A_908 : vector<16xf32>
      %eq3A_915 = arith.cmpf oeq, %masked_sort3A_635, %rev3A_908 : vector<16xf32>
      %lt3A_916 = arith.cmpi slt, %masked_sort3A_636, %rev3A_913 : vector<16xi32>
      %and3A_917 = arith.andi %eq3A_915, %lt3A_916 : vector<16xi1>
      %or3A_918 = arith.ori %gt3A_914, %and3A_917 : vector<16xi1>
      %select_n3A_919 = arith.select %or3A_918, %masked_sort3A_635, %rev3A_908 : vector<16xi1>, vector<16xf32>
      %select_n3A_920 = arith.select %or3A_918, %masked_sort3A_636, %rev3A_913 : vector<16xi1>, vector<16xi32>
      %gt3A_921 = arith.cmpf ogt, %select_n3A_868, %select_n3A_902 : vector<16xf32>
      %eq3A_922 = arith.cmpf oeq, %select_n3A_868, %select_n3A_902 : vector<16xf32>
      %lt3A_923 = arith.cmpi slt, %select_n3A_869, %select_n3A_903 : vector<16xi32>
      %and3A_924 = arith.andi %eq3A_922, %lt3A_923 : vector<16xi1>
      %or3A_925 = arith.ori %gt3A_921, %and3A_924 : vector<16xi1>
      %select_n3A_926 = arith.select %or3A_925, %select_n3A_868, %select_n3A_902 : vector<16xi1>, vector<16xf32>
      %select_n3A_927 = arith.select %or3A_925, %select_n3A_869, %select_n3A_903 : vector<16xi1>, vector<16xi32>
      %select_n3A_928 = arith.select %or3A_925, %select_n3A_902, %select_n3A_868 : vector<16xi1>, vector<16xf32>
      %select_n3A_929 = arith.select %or3A_925, %select_n3A_903, %select_n3A_869 : vector<16xi1>, vector<16xi32>
      %gt3A_930 = arith.cmpf ogt, %select_n3A_885, %select_n3A_919 : vector<16xf32>
      %eq3A_931 = arith.cmpf oeq, %select_n3A_885, %select_n3A_919 : vector<16xf32>
      %lt3A_932 = arith.cmpi slt, %select_n3A_886, %select_n3A_920 : vector<16xi32>
      %and3A_933 = arith.andi %eq3A_931, %lt3A_932 : vector<16xi1>
      %or3A_934 = arith.ori %gt3A_930, %and3A_933 : vector<16xi1>
      %select_n3A_935 = arith.select %or3A_934, %select_n3A_885, %select_n3A_919 : vector<16xi1>, vector<16xf32>
      %select_n3A_936 = arith.select %or3A_934, %select_n3A_886, %select_n3A_920 : vector<16xi1>, vector<16xi32>
      %select_n3A_937 = arith.select %or3A_934, %select_n3A_919, %select_n3A_885 : vector<16xi1>, vector<16xf32>
      %select_n3A_938 = arith.select %or3A_934, %select_n3A_920, %select_n3A_886 : vector<16xi1>, vector<16xi32>
      %gt3A_939 = arith.cmpf ogt, %select_n3A_926, %select_n3A_935 : vector<16xf32>
      %eq3A_940 = arith.cmpf oeq, %select_n3A_926, %select_n3A_935 : vector<16xf32>
      %lt3A_941 = arith.cmpi slt, %select_n3A_927, %select_n3A_936 : vector<16xi32>
      %and3A_942 = arith.andi %eq3A_940, %lt3A_941 : vector<16xi1>
      %or3A_943 = arith.ori %gt3A_939, %and3A_942 : vector<16xi1>
      %select_n3A_944 = arith.select %or3A_943, %select_n3A_926, %select_n3A_935 : vector<16xi1>, vector<16xf32>
      %select_n3A_945 = arith.select %or3A_943, %select_n3A_927, %select_n3A_936 : vector<16xi1>, vector<16xi32>
      %select_n3A_946 = arith.select %or3A_943, %select_n3A_935, %select_n3A_926 : vector<16xi1>, vector<16xf32>
      %select_n3A_947 = arith.select %or3A_943, %select_n3A_936, %select_n3A_927 : vector<16xi1>, vector<16xi32>
      %gt3A_948 = arith.cmpf ogt, %select_n3A_928, %select_n3A_937 : vector<16xf32>
      %eq3A_949 = arith.cmpf oeq, %select_n3A_928, %select_n3A_937 : vector<16xf32>
      %lt3A_950 = arith.cmpi slt, %select_n3A_929, %select_n3A_938 : vector<16xi32>
      %and3A_951 = arith.andi %eq3A_949, %lt3A_950 : vector<16xi1>
      %or3A_952 = arith.ori %gt3A_948, %and3A_951 : vector<16xi1>
      %select_n3A_953 = arith.select %or3A_952, %select_n3A_928, %select_n3A_937 : vector<16xi1>, vector<16xf32>
      %select_n3A_954 = arith.select %or3A_952, %select_n3A_929, %select_n3A_938 : vector<16xi1>, vector<16xi32>
      %select_n3A_955 = arith.select %or3A_952, %select_n3A_937, %select_n3A_928 : vector<16xi1>, vector<16xf32>
      %select_n3A_956 = arith.select %or3A_952, %select_n3A_938, %select_n3A_929 : vector<16xi1>, vector<16xi32>
      %masked_sort3A_957 = arith.constant dense<true> : vector<16xi1>
      %masked_sort3A_958, %masked_sort3A_959, %masked_sort3A_960 = tpu.sort %select_n3A_944, %select_n3A_945 masked %masked_sort3A_957 {descending = true} : (vector<16xf32>, vector<16xi32>, vector<16xi1>) -> (vector<16xi1>, vector<16xf32>, vector<16xi32>)
      %masked_sort3A_961 = arith.constant dense<true> : vector<16xi1>
      %masked_sort3A_962, %masked_sort3A_963, %masked_sort3A_964 = tpu.sort %select_n3A_946, %select_n3A_947 masked %masked_sort3A_961 {descending = true} : (vector<16xf32>, vector<16xi32>, vector<16xi1>) -> (vector<16xi1>, vector<16xf32>, vector<16xi32>)
      %masked_sort3A_965 = arith.constant dense<true> : vector<16xi1>
      %masked_sort3A_966, %masked_sort3A_967, %masked_sort3A_968 = tpu.sort %select_n3A_953, %select_n3A_954 masked %masked_sort3A_965 {descending = true} : (vector<16xf32>, vector<16xi32>, vector<16xi1>) -> (vector<16xi1>, vector<16xf32>, vector<16xi32>)
      %masked_sort3A_969 = arith.constant dense<true> : vector<16xi1>
      %masked_sort3A_970, %masked_sort3A_971, %masked_sort3A_972 = tpu.sort %select_n3A_955, %select_n3A_956 masked %masked_sort3A_969 {descending = true} : (vector<16xf32>, vector<16xi32>, vector<16xi1>) -> (vector<16xi1>, vector<16xf32>, vector<16xi32>)
      %rev3A_973 = arith.constant 15 : i32
      %rev3A_974 = vector.broadcast %rev3A_973 : i32 to vector<16xi32>
      %rev3A_975 = tpu.iota {dimensions = array<i32: 0>} : vector<16xi32>
      %rev3A_976 = arith.subi %rev3A_974, %rev3A_975 : vector<16xi32>
      %rev3A_977 = tpu.dynamic_gather %masked_sort3A_851[%rev3A_976] in [0] : vector<16xf32>, vector<16xi32> -> vector<16xf32>
      %rev3A_978 = arith.constant 15 : i32
      %rev3A_979 = vector.broadcast %rev3A_978 : i32 to vector<16xi32>
      %rev3A_980 = tpu.iota {dimensions = array<i32: 0>} : vector<16xi32>
      %rev3A_981 = arith.subi %rev3A_979, %rev3A_980 : vector<16xi32>
      %rev3A_982 = tpu.dynamic_gather %masked_sort3A_852[%rev3A_981] in [0] : vector<16xi32>, vector<16xi32> -> vector<16xi32>
      %gt3A_983 = arith.cmpf ogt, %masked_sort3A_767, %rev3A_977 : vector<16xf32>
      %eq3A_984 = arith.cmpf oeq, %masked_sort3A_767, %rev3A_977 : vector<16xf32>
      %lt3A_985 = arith.cmpi slt, %masked_sort3A_768, %rev3A_982 : vector<16xi32>
      %and3A_986 = arith.andi %eq3A_984, %lt3A_985 : vector<16xi1>
      %or3A_987 = arith.ori %gt3A_983, %and3A_986 : vector<16xi1>
      %select_n3A_988 = arith.select %or3A_987, %masked_sort3A_767, %rev3A_977 : vector<16xi1>, vector<16xf32>
      %select_n3A_989 = arith.select %or3A_987, %masked_sort3A_768, %rev3A_982 : vector<16xi1>, vector<16xi32>
      %rev3A_990 = arith.constant 15 : i32
      %rev3A_991 = vector.broadcast %rev3A_990 : i32 to vector<16xi32>
      %rev3A_992 = tpu.iota {dimensions = array<i32: 0>} : vector<16xi32>
      %rev3A_993 = arith.subi %rev3A_991, %rev3A_992 : vector<16xi32>
      %rev3A_994 = tpu.dynamic_gather %masked_sort3A_847[%rev3A_993] in [0] : vector<16xf32>, vector<16xi32> -> vector<16xf32>
      %rev3A_995 = arith.constant 15 : i32
      %rev3A_996 = vector.broadcast %rev3A_995 : i32 to vector<16xi32>
      %rev3A_997 = tpu.iota {dimensions = array<i32: 0>} : vector<16xi32>
      %rev3A_998 = arith.subi %rev3A_996, %rev3A_997 : vector<16xi32>
      %rev3A_999 = tpu.dynamic_gather %masked_sort3A_848[%rev3A_998] in [0] : vector<16xi32>, vector<16xi32> -> vector<16xi32>
      %gt3A_1000 = arith.cmpf ogt, %masked_sort3A_771, %rev3A_994 : vector<16xf32>
      %eq3A_1001 = arith.cmpf oeq, %masked_sort3A_771, %rev3A_994 : vector<16xf32>
      %lt3A_1002 = arith.cmpi slt, %masked_sort3A_772, %rev3A_999 : vector<16xi32>
      %and3A_1003 = arith.andi %eq3A_1001, %lt3A_1002 : vector<16xi1>
      %or3A_1004 = arith.ori %gt3A_1000, %and3A_1003 : vector<16xi1>
      %select_n3A_1005 = arith.select %or3A_1004, %masked_sort3A_771, %rev3A_994 : vector<16xi1>, vector<16xf32>
      %select_n3A_1006 = arith.select %or3A_1004, %masked_sort3A_772, %rev3A_999 : vector<16xi1>, vector<16xi32>
      %rev3A_1007 = arith.constant 15 : i32
      %rev3A_1008 = vector.broadcast %rev3A_1007 : i32 to vector<16xi32>
      %rev3A_1009 = tpu.iota {dimensions = array<i32: 0>} : vector<16xi32>
      %rev3A_1010 = arith.subi %rev3A_1008, %rev3A_1009 : vector<16xi32>
      %rev3A_1011 = tpu.dynamic_gather %masked_sort3A_843[%rev3A_1010] in [0] : vector<16xf32>, vector<16xi32> -> vector<16xf32>
      %rev3A_1012 = arith.constant 15 : i32
      %rev3A_1013 = vector.broadcast %rev3A_1012 : i32 to vector<16xi32>
      %rev3A_1014 = tpu.iota {dimensions = array<i32: 0>} : vector<16xi32>
      %rev3A_1015 = arith.subi %rev3A_1013, %rev3A_1014 : vector<16xi32>
      %rev3A_1016 = tpu.dynamic_gather %masked_sort3A_844[%rev3A_1015] in [0] : vector<16xi32>, vector<16xi32> -> vector<16xi32>
      %gt3A_1017 = arith.cmpf ogt, %masked_sort3A_775, %rev3A_1011 : vector<16xf32>
      %eq3A_1018 = arith.cmpf oeq, %masked_sort3A_775, %rev3A_1011 : vector<16xf32>
      %lt3A_1019 = arith.cmpi slt, %masked_sort3A_776, %rev3A_1016 : vector<16xi32>
      %and3A_1020 = arith.andi %eq3A_1018, %lt3A_1019 : vector<16xi1>
      %or3A_1021 = arith.ori %gt3A_1017, %and3A_1020 : vector<16xi1>
      %select_n3A_1022 = arith.select %or3A_1021, %masked_sort3A_775, %rev3A_1011 : vector<16xi1>, vector<16xf32>
      %select_n3A_1023 = arith.select %or3A_1021, %masked_sort3A_776, %rev3A_1016 : vector<16xi1>, vector<16xi32>
      %rev3A_1024 = arith.constant 15 : i32
      %rev3A_1025 = vector.broadcast %rev3A_1024 : i32 to vector<16xi32>
      %rev3A_1026 = tpu.iota {dimensions = array<i32: 0>} : vector<16xi32>
      %rev3A_1027 = arith.subi %rev3A_1025, %rev3A_1026 : vector<16xi32>
      %rev3A_1028 = tpu.dynamic_gather %masked_sort3A_839[%rev3A_1027] in [0] : vector<16xf32>, vector<16xi32> -> vector<16xf32>
      %rev3A_1029 = arith.constant 15 : i32
      %rev3A_1030 = vector.broadcast %rev3A_1029 : i32 to vector<16xi32>
      %rev3A_1031 = tpu.iota {dimensions = array<i32: 0>} : vector<16xi32>
      %rev3A_1032 = arith.subi %rev3A_1030, %rev3A_1031 : vector<16xi32>
      %rev3A_1033 = tpu.dynamic_gather %masked_sort3A_840[%rev3A_1032] in [0] : vector<16xi32>, vector<16xi32> -> vector<16xi32>
      %gt3A_1034 = arith.cmpf ogt, %masked_sort3A_779, %rev3A_1028 : vector<16xf32>
      %eq3A_1035 = arith.cmpf oeq, %masked_sort3A_779, %rev3A_1028 : vector<16xf32>
      %lt3A_1036 = arith.cmpi slt, %masked_sort3A_780, %rev3A_1033 : vector<16xi32>
      %and3A_1037 = arith.andi %eq3A_1035, %lt3A_1036 : vector<16xi1>
      %or3A_1038 = arith.ori %gt3A_1034, %and3A_1037 : vector<16xi1>
      %select_n3A_1039 = arith.select %or3A_1038, %masked_sort3A_779, %rev3A_1028 : vector<16xi1>, vector<16xf32>
      %select_n3A_1040 = arith.select %or3A_1038, %masked_sort3A_780, %rev3A_1033 : vector<16xi1>, vector<16xi32>
      %gt3A_1041 = arith.cmpf ogt, %select_n3A_988, %select_n3A_1022 : vector<16xf32>
      %eq3A_1042 = arith.cmpf oeq, %select_n3A_988, %select_n3A_1022 : vector<16xf32>
      %lt3A_1043 = arith.cmpi slt, %select_n3A_989, %select_n3A_1023 : vector<16xi32>
      %and3A_1044 = arith.andi %eq3A_1042, %lt3A_1043 : vector<16xi1>
      %or3A_1045 = arith.ori %gt3A_1041, %and3A_1044 : vector<16xi1>
      %select_n3A_1046 = arith.select %or3A_1045, %select_n3A_988, %select_n3A_1022 : vector<16xi1>, vector<16xf32>
      %select_n3A_1047 = arith.select %or3A_1045, %select_n3A_989, %select_n3A_1023 : vector<16xi1>, vector<16xi32>
      %select_n3A_1048 = arith.select %or3A_1045, %select_n3A_1022, %select_n3A_988 : vector<16xi1>, vector<16xf32>
      %select_n3A_1049 = arith.select %or3A_1045, %select_n3A_1023, %select_n3A_989 : vector<16xi1>, vector<16xi32>
      %gt3A_1050 = arith.cmpf ogt, %select_n3A_1005, %select_n3A_1039 : vector<16xf32>
      %eq3A_1051 = arith.cmpf oeq, %select_n3A_1005, %select_n3A_1039 : vector<16xf32>
      %lt3A_1052 = arith.cmpi slt, %select_n3A_1006, %select_n3A_1040 : vector<16xi32>
      %and3A_1053 = arith.andi %eq3A_1051, %lt3A_1052 : vector<16xi1>
      %or3A_1054 = arith.ori %gt3A_1050, %and3A_1053 : vector<16xi1>
      %select_n3A_1055 = arith.select %or3A_1054, %select_n3A_1005, %select_n3A_1039 : vector<16xi1>, vector<16xf32>
      %select_n3A_1056 = arith.select %or3A_1054, %select_n3A_1006, %select_n3A_1040 : vector<16xi1>, vector<16xi32>
      %select_n3A_1057 = arith.select %or3A_1054, %select_n3A_1039, %select_n3A_1005 : vector<16xi1>, vector<16xf32>
      %select_n3A_1058 = arith.select %or3A_1054, %select_n3A_1040, %select_n3A_1006 : vector<16xi1>, vector<16xi32>
      %gt3A_1059 = arith.cmpf ogt, %select_n3A_1046, %select_n3A_1055 : vector<16xf32>
      %eq3A_1060 = arith.cmpf oeq, %select_n3A_1046, %select_n3A_1055 : vector<16xf32>
      %lt3A_1061 = arith.cmpi slt, %select_n3A_1047, %select_n3A_1056 : vector<16xi32>
      %and3A_1062 = arith.andi %eq3A_1060, %lt3A_1061 : vector<16xi1>
      %or3A_1063 = arith.ori %gt3A_1059, %and3A_1062 : vector<16xi1>
      %select_n3A_1064 = arith.select %or3A_1063, %select_n3A_1046, %select_n3A_1055 : vector<16xi1>, vector<16xf32>
      %select_n3A_1065 = arith.select %or3A_1063, %select_n3A_1047, %select_n3A_1056 : vector<16xi1>, vector<16xi32>
      %select_n3A_1066 = arith.select %or3A_1063, %select_n3A_1055, %select_n3A_1046 : vector<16xi1>, vector<16xf32>
      %select_n3A_1067 = arith.select %or3A_1063, %select_n3A_1056, %select_n3A_1047 : vector<16xi1>, vector<16xi32>
      %gt3A_1068 = arith.cmpf ogt, %select_n3A_1048, %select_n3A_1057 : vector<16xf32>
      %eq3A_1069 = arith.cmpf oeq, %select_n3A_1048, %select_n3A_1057 : vector<16xf32>
      %lt3A_1070 = arith.cmpi slt, %select_n3A_1049, %select_n3A_1058 : vector<16xi32>
      %and3A_1071 = arith.andi %eq3A_1069, %lt3A_1070 : vector<16xi1>
      %or3A_1072 = arith.ori %gt3A_1068, %and3A_1071 : vector<16xi1>
      %select_n3A_1073 = arith.select %or3A_1072, %select_n3A_1048, %select_n3A_1057 : vector<16xi1>, vector<16xf32>
      %select_n3A_1074 = arith.select %or3A_1072, %select_n3A_1049, %select_n3A_1058 : vector<16xi1>, vector<16xi32>
      %select_n3A_1075 = arith.select %or3A_1072, %select_n3A_1057, %select_n3A_1048 : vector<16xi1>, vector<16xf32>
      %select_n3A_1076 = arith.select %or3A_1072, %select_n3A_1058, %select_n3A_1049 : vector<16xi1>, vector<16xi32>
      %masked_sort3A_1077 = arith.constant dense<true> : vector<16xi1>
      %masked_sort3A_1078, %masked_sort3A_1079, %masked_sort3A_1080 = tpu.sort %select_n3A_1064, %select_n3A_1065 masked %masked_sort3A_1077 {descending = true} : (vector<16xf32>, vector<16xi32>, vector<16xi1>) -> (vector<16xi1>, vector<16xf32>, vector<16xi32>)
      %masked_sort3A_1081 = arith.constant dense<true> : vector<16xi1>
      %masked_sort3A_1082, %masked_sort3A_1083, %masked_sort3A_1084 = tpu.sort %select_n3A_1066, %select_n3A_1067 masked %masked_sort3A_1081 {descending = true} : (vector<16xf32>, vector<16xi32>, vector<16xi1>) -> (vector<16xi1>, vector<16xf32>, vector<16xi32>)
      %masked_sort3A_1085 = arith.constant dense<true> : vector<16xi1>
      %masked_sort3A_1086, %masked_sort3A_1087, %masked_sort3A_1088 = tpu.sort %select_n3A_1073, %select_n3A_1074 masked %masked_sort3A_1085 {descending = true} : (vector<16xf32>, vector<16xi32>, vector<16xi1>) -> (vector<16xi1>, vector<16xf32>, vector<16xi32>)
      %masked_sort3A_1089 = arith.constant dense<true> : vector<16xi1>
      %masked_sort3A_1090, %masked_sort3A_1091, %masked_sort3A_1092 = tpu.sort %select_n3A_1075, %select_n3A_1076 masked %masked_sort3A_1089 {descending = true} : (vector<16xf32>, vector<16xi32>, vector<16xi1>) -> (vector<16xi1>, vector<16xf32>, vector<16xi32>)
      %rev3A_1093 = arith.constant 15 : i32
      %rev3A_1094 = vector.broadcast %rev3A_1093 : i32 to vector<16xi32>
      %rev3A_1095 = tpu.iota {dimensions = array<i32: 0>} : vector<16xi32>
      %rev3A_1096 = arith.subi %rev3A_1094, %rev3A_1095 : vector<16xi32>
      %rev3A_1097 = tpu.dynamic_gather %masked_sort3A_1091[%rev3A_1096] in [0] : vector<16xf32>, vector<16xi32> -> vector<16xf32>
      %rev3A_1098 = arith.constant 15 : i32
      %rev3A_1099 = vector.broadcast %rev3A_1098 : i32 to vector<16xi32>
      %rev3A_1100 = tpu.iota {dimensions = array<i32: 0>} : vector<16xi32>
      %rev3A_1101 = arith.subi %rev3A_1099, %rev3A_1100 : vector<16xi32>
      %rev3A_1102 = tpu.dynamic_gather %masked_sort3A_1092[%rev3A_1101] in [0] : vector<16xi32>, vector<16xi32> -> vector<16xi32>
      %gt3A_1103 = arith.cmpf ogt, %masked_sort3A_959, %rev3A_1097 : vector<16xf32>
      %eq3A_1104 = arith.cmpf oeq, %masked_sort3A_959, %rev3A_1097 : vector<16xf32>
      %lt3A_1105 = arith.cmpi slt, %masked_sort3A_960, %rev3A_1102 : vector<16xi32>
      %and3A_1106 = arith.andi %eq3A_1104, %lt3A_1105 : vector<16xi1>
      %or3A_1107 = arith.ori %gt3A_1103, %and3A_1106 : vector<16xi1>
      %select_n3A_1108 = arith.select %or3A_1107, %masked_sort3A_959, %rev3A_1097 : vector<16xi1>, vector<16xf32>
      %select_n3A_1109 = arith.select %or3A_1107, %masked_sort3A_960, %rev3A_1102 : vector<16xi1>, vector<16xi32>
      %rev3A_1110 = arith.constant 15 : i32
      %rev3A_1111 = vector.broadcast %rev3A_1110 : i32 to vector<16xi32>
      %rev3A_1112 = tpu.iota {dimensions = array<i32: 0>} : vector<16xi32>
      %rev3A_1113 = arith.subi %rev3A_1111, %rev3A_1112 : vector<16xi32>
      %rev3A_1114 = tpu.dynamic_gather %masked_sort3A_1087[%rev3A_1113] in [0] : vector<16xf32>, vector<16xi32> -> vector<16xf32>
      %rev3A_1115 = arith.constant 15 : i32
      %rev3A_1116 = vector.broadcast %rev3A_1115 : i32 to vector<16xi32>
      %rev3A_1117 = tpu.iota {dimensions = array<i32: 0>} : vector<16xi32>
      %rev3A_1118 = arith.subi %rev3A_1116, %rev3A_1117 : vector<16xi32>
      %rev3A_1119 = tpu.dynamic_gather %masked_sort3A_1088[%rev3A_1118] in [0] : vector<16xi32>, vector<16xi32> -> vector<16xi32>
      %gt3A_1120 = arith.cmpf ogt, %masked_sort3A_963, %rev3A_1114 : vector<16xf32>
      %eq3A_1121 = arith.cmpf oeq, %masked_sort3A_963, %rev3A_1114 : vector<16xf32>
      %lt3A_1122 = arith.cmpi slt, %masked_sort3A_964, %rev3A_1119 : vector<16xi32>
      %and3A_1123 = arith.andi %eq3A_1121, %lt3A_1122 : vector<16xi1>
      %or3A_1124 = arith.ori %gt3A_1120, %and3A_1123 : vector<16xi1>
      %select_n3A_1125 = arith.select %or3A_1124, %masked_sort3A_963, %rev3A_1114 : vector<16xi1>, vector<16xf32>
      %select_n3A_1126 = arith.select %or3A_1124, %masked_sort3A_964, %rev3A_1119 : vector<16xi1>, vector<16xi32>
      %rev3A_1127 = arith.constant 15 : i32
      %rev3A_1128 = vector.broadcast %rev3A_1127 : i32 to vector<16xi32>
      %rev3A_1129 = tpu.iota {dimensions = array<i32: 0>} : vector<16xi32>
      %rev3A_1130 = arith.subi %rev3A_1128, %rev3A_1129 : vector<16xi32>
      %rev3A_1131 = tpu.dynamic_gather %masked_sort3A_1083[%rev3A_1130] in [0] : vector<16xf32>, vector<16xi32> -> vector<16xf32>
      %rev3A_1132 = arith.constant 15 : i32
      %rev3A_1133 = vector.broadcast %rev3A_1132 : i32 to vector<16xi32>
      %rev3A_1134 = tpu.iota {dimensions = array<i32: 0>} : vector<16xi32>
      %rev3A_1135 = arith.subi %rev3A_1133, %rev3A_1134 : vector<16xi32>
      %rev3A_1136 = tpu.dynamic_gather %masked_sort3A_1084[%rev3A_1135] in [0] : vector<16xi32>, vector<16xi32> -> vector<16xi32>
      %gt3A_1137 = arith.cmpf ogt, %masked_sort3A_967, %rev3A_1131 : vector<16xf32>
      %eq3A_1138 = arith.cmpf oeq, %masked_sort3A_967, %rev3A_1131 : vector<16xf32>
      %lt3A_1139 = arith.cmpi slt, %masked_sort3A_968, %rev3A_1136 : vector<16xi32>
      %and3A_1140 = arith.andi %eq3A_1138, %lt3A_1139 : vector<16xi1>
      %or3A_1141 = arith.ori %gt3A_1137, %and3A_1140 : vector<16xi1>
      %select_n3A_1142 = arith.select %or3A_1141, %masked_sort3A_967, %rev3A_1131 : vector<16xi1>, vector<16xf32>
      %select_n3A_1143 = arith.select %or3A_1141, %masked_sort3A_968, %rev3A_1136 : vector<16xi1>, vector<16xi32>
      %rev3A_1144 = arith.constant 15 : i32
      %rev3A_1145 = vector.broadcast %rev3A_1144 : i32 to vector<16xi32>
      %rev3A_1146 = tpu.iota {dimensions = array<i32: 0>} : vector<16xi32>
      %rev3A_1147 = arith.subi %rev3A_1145, %rev3A_1146 : vector<16xi32>
      %rev3A_1148 = tpu.dynamic_gather %masked_sort3A_1079[%rev3A_1147] in [0] : vector<16xf32>, vector<16xi32> -> vector<16xf32>
      %rev3A_1149 = arith.constant 15 : i32
      %rev3A_1150 = vector.broadcast %rev3A_1149 : i32 to vector<16xi32>
      %rev3A_1151 = tpu.iota {dimensions = array<i32: 0>} : vector<16xi32>
      %rev3A_1152 = arith.subi %rev3A_1150, %rev3A_1151 : vector<16xi32>
      %rev3A_1153 = tpu.dynamic_gather %masked_sort3A_1080[%rev3A_1152] in [0] : vector<16xi32>, vector<16xi32> -> vector<16xi32>
      %gt3A_1154 = arith.cmpf ogt, %masked_sort3A_971, %rev3A_1148 : vector<16xf32>
      %eq3A_1155 = arith.cmpf oeq, %masked_sort3A_971, %rev3A_1148 : vector<16xf32>
      %lt3A_1156 = arith.cmpi slt, %masked_sort3A_972, %rev3A_1153 : vector<16xi32>
      %and3A_1157 = arith.andi %eq3A_1155, %lt3A_1156 : vector<16xi1>
      %or3A_1158 = arith.ori %gt3A_1154, %and3A_1157 : vector<16xi1>
      %select_n3A_1159 = arith.select %or3A_1158, %masked_sort3A_971, %rev3A_1148 : vector<16xi1>, vector<16xf32>
      %select_n3A_1160 = arith.select %or3A_1158, %masked_sort3A_972, %rev3A_1153 : vector<16xi1>, vector<16xi32>
      %gt3A_1161 = arith.cmpf ogt, %select_n3A_1108, %select_n3A_1142 : vector<16xf32>
      %eq3A_1162 = arith.cmpf oeq, %select_n3A_1108, %select_n3A_1142 : vector<16xf32>
      %lt3A_1163 = arith.cmpi slt, %select_n3A_1109, %select_n3A_1143 : vector<16xi32>
      %and3A_1164 = arith.andi %eq3A_1162, %lt3A_1163 : vector<16xi1>
      %or3A_1165 = arith.ori %gt3A_1161, %and3A_1164 : vector<16xi1>
      %select_n3A_1166 = arith.select %or3A_1165, %select_n3A_1108, %select_n3A_1142 : vector<16xi1>, vector<16xf32>
      %select_n3A_1167 = arith.select %or3A_1165, %select_n3A_1109, %select_n3A_1143 : vector<16xi1>, vector<16xi32>
      %select_n3A_1168 = arith.select %or3A_1165, %select_n3A_1142, %select_n3A_1108 : vector<16xi1>, vector<16xf32>
      %select_n3A_1169 = arith.select %or3A_1165, %select_n3A_1143, %select_n3A_1109 : vector<16xi1>, vector<16xi32>
      %gt3A_1170 = arith.cmpf ogt, %select_n3A_1125, %select_n3A_1159 : vector<16xf32>
      %eq3A_1171 = arith.cmpf oeq, %select_n3A_1125, %select_n3A_1159 : vector<16xf32>
      %lt3A_1172 = arith.cmpi slt, %select_n3A_1126, %select_n3A_1160 : vector<16xi32>
      %and3A_1173 = arith.andi %eq3A_1171, %lt3A_1172 : vector<16xi1>
      %or3A_1174 = arith.ori %gt3A_1170, %and3A_1173 : vector<16xi1>
      %select_n3A_1175 = arith.select %or3A_1174, %select_n3A_1125, %select_n3A_1159 : vector<16xi1>, vector<16xf32>
      %select_n3A_1176 = arith.select %or3A_1174, %select_n3A_1126, %select_n3A_1160 : vector<16xi1>, vector<16xi32>
      %select_n3A_1177 = arith.select %or3A_1174, %select_n3A_1159, %select_n3A_1125 : vector<16xi1>, vector<16xf32>
      %select_n3A_1178 = arith.select %or3A_1174, %select_n3A_1160, %select_n3A_1126 : vector<16xi1>, vector<16xi32>
      %gt3A_1179 = arith.cmpf ogt, %select_n3A_1166, %select_n3A_1175 : vector<16xf32>
      %eq3A_1180 = arith.cmpf oeq, %select_n3A_1166, %select_n3A_1175 : vector<16xf32>
      %lt3A_1181 = arith.cmpi slt, %select_n3A_1167, %select_n3A_1176 : vector<16xi32>
      %and3A_1182 = arith.andi %eq3A_1180, %lt3A_1181 : vector<16xi1>
      %or3A_1183 = arith.ori %gt3A_1179, %and3A_1182 : vector<16xi1>
      %select_n3A_1184 = arith.select %or3A_1183, %select_n3A_1166, %select_n3A_1175 : vector<16xi1>, vector<16xf32>
      %select_n3A_1185 = arith.select %or3A_1183, %select_n3A_1167, %select_n3A_1176 : vector<16xi1>, vector<16xi32>
      %select_n3A_1186 = arith.select %or3A_1183, %select_n3A_1175, %select_n3A_1166 : vector<16xi1>, vector<16xf32>
      %select_n3A_1187 = arith.select %or3A_1183, %select_n3A_1176, %select_n3A_1167 : vector<16xi1>, vector<16xi32>
      %gt3A_1188 = arith.cmpf ogt, %select_n3A_1168, %select_n3A_1177 : vector<16xf32>
      %eq3A_1189 = arith.cmpf oeq, %select_n3A_1168, %select_n3A_1177 : vector<16xf32>
      %lt3A_1190 = arith.cmpi slt, %select_n3A_1169, %select_n3A_1178 : vector<16xi32>
      %and3A_1191 = arith.andi %eq3A_1189, %lt3A_1190 : vector<16xi1>
      %or3A_1192 = arith.ori %gt3A_1188, %and3A_1191 : vector<16xi1>
      %select_n3A_1193 = arith.select %or3A_1192, %select_n3A_1168, %select_n3A_1177 : vector<16xi1>, vector<16xf32>
      %select_n3A_1194 = arith.select %or3A_1192, %select_n3A_1169, %select_n3A_1178 : vector<16xi1>, vector<16xi32>
      %select_n3A_1195 = arith.select %or3A_1192, %select_n3A_1177, %select_n3A_1168 : vector<16xi1>, vector<16xf32>
      %select_n3A_1196 = arith.select %or3A_1192, %select_n3A_1178, %select_n3A_1169 : vector<16xi1>, vector<16xi32>
      %masked_sort3A_1197 = arith.constant dense<true> : vector<16xi1>
      %masked_sort3A_1198, %masked_sort3A_1199, %masked_sort3A_1200 = tpu.sort %select_n3A_1184, %select_n3A_1185 masked %masked_sort3A_1197 {descending = true} : (vector<16xf32>, vector<16xi32>, vector<16xi1>) -> (vector<16xi1>, vector<16xf32>, vector<16xi32>)
      %masked_sort3A_1201 = arith.constant dense<true> : vector<16xi1>
      %masked_sort3A_1202, %masked_sort3A_1203, %masked_sort3A_1204 = tpu.sort %select_n3A_1186, %select_n3A_1187 masked %masked_sort3A_1201 {descending = true} : (vector<16xf32>, vector<16xi32>, vector<16xi1>) -> (vector<16xi1>, vector<16xf32>, vector<16xi32>)
      %masked_sort3A_1205 = arith.constant dense<true> : vector<16xi1>
      %masked_sort3A_1206, %masked_sort3A_1207, %masked_sort3A_1208 = tpu.sort %select_n3A_1193, %select_n3A_1194 masked %masked_sort3A_1205 {descending = true} : (vector<16xf32>, vector<16xi32>, vector<16xi1>) -> (vector<16xi1>, vector<16xf32>, vector<16xi32>)
      %masked_sort3A_1209 = arith.constant dense<true> : vector<16xi1>
      %masked_sort3A_1210, %masked_sort3A_1211, %masked_sort3A_1212 = tpu.sort %select_n3A_1195, %select_n3A_1196 masked %masked_sort3A_1209 {descending = true} : (vector<16xf32>, vector<16xi32>, vector<16xi1>) -> (vector<16xi1>, vector<16xf32>, vector<16xi32>)
      %swap3A_1213 = arith.constant 0 : index
      %swap3A_1214 = tpu.vector_load %arg8[%swap3A_1213] {strides = array<i32>} : memref<128xf32, #tpu.memory_space<vmem>>, vector<16xf32>,
      tpu.vector_store %arg8[%swap3A_1213], %masked_sort3A_1199 {strides = array<i32>} : memref<128xf32, #tpu.memory_space<vmem>>, vector<16xf32>,
      %bitcast3A = vector.bitcast %masked_sort3A_1200 : vector<16xi32> to vector<16xf32>
      %swap3A_1215 = arith.constant 64 : index
      %swap3A_1216 = tpu.vector_load %arg8[%swap3A_1215] {strides = array<i32>} : memref<128xf32, #tpu.memory_space<vmem>>, vector<16xf32>,
      tpu.vector_store %arg8[%swap3A_1215], %bitcast3A {strides = array<i32>} : memref<128xf32, #tpu.memory_space<vmem>>, vector<16xf32>,
      %swap3A_1217 = arith.constant 16 : index
      %swap3A_1218 = tpu.vector_load %arg8[%swap3A_1217] {strides = array<i32>} : memref<128xf32, #tpu.memory_space<vmem>>, vector<16xf32>,
      tpu.vector_store %arg8[%swap3A_1217], %masked_sort3A_1203 {strides = array<i32>} : memref<128xf32, #tpu.memory_space<vmem>>, vector<16xf32>,
      %bitcast3A_1219 = vector.bitcast %masked_sort3A_1204 : vector<16xi32> to vector<16xf32>
      %swap3A_1220 = arith.constant 80 : index
      %swap3A_1221 = tpu.vector_load %arg8[%swap3A_1220] {strides = array<i32>} : memref<128xf32, #tpu.memory_space<vmem>>, vector<16xf32>,
      tpu.vector_store %arg8[%swap3A_1220], %bitcast3A_1219 {strides = array<i32>} : memref<128xf32, #tpu.memory_space<vmem>>, vector<16xf32>,
      %swap3A_1222 = arith.constant 32 : index
      %swap3A_1223 = tpu.vector_load %arg8[%swap3A_1222] {strides = array<i32>} : memref<128xf32, #tpu.memory_space<vmem>>, vector<16xf32>,
      tpu.vector_store %arg8[%swap3A_1222], %masked_sort3A_1207 {strides = array<i32>} : memref<128xf32, #tpu.memory_space<vmem>>, vector<16xf32>,
      %bitcast3A_1224 = vector.bitcast %masked_sort3A_1208 : vector<16xi32> to vector<16xf32>
      %swap3A_1225 = arith.constant 96 : index
      %swap3A_1226 = tpu.vector_load %arg8[%swap3A_1225] {strides = array<i32>} : memref<128xf32, #tpu.memory_space<vmem>>, vector<16xf32>,
      tpu.vector_store %arg8[%swap3A_1225], %bitcast3A_1224 {strides = array<i32>} : memref<128xf32, #tpu.memory_space<vmem>>, vector<16xf32>,
      %swap3A_1227 = arith.constant 48 : index
      %swap3A_1228 = tpu.vector_load %arg8[%swap3A_1227] {strides = array<i32>} : memref<128xf32, #tpu.memory_space<vmem>>, vector<16xf32>,
      tpu.vector_store %arg8[%swap3A_1227], %masked_sort3A_1211 {strides = array<i32>} : memref<128xf32, #tpu.memory_space<vmem>>, vector<16xf32>,
      %bitcast3A_1229 = vector.bitcast %masked_sort3A_1212 : vector<16xi32> to vector<16xf32>
      %swap3A_1230 = arith.constant 112 : index
      %swap3A_1231 = tpu.vector_load %arg8[%swap3A_1230] {strides = array<i32>} : memref<128xf32, #tpu.memory_space<vmem>>, vector<16xf32>,
      tpu.vector_store %arg8[%swap3A_1230], %bitcast3A_1229 {strides = array<i32>} : memref<128xf32, #tpu.memory_space<vmem>>, vector<16xf32>,
      %and3A_1232 = arith.constant 1 : i32
      %and3A_1233 = arith.andi %scan3A_40, %and3A_1232 : i32
      "tpu.region"() ({
        %run_scoped3A = tpu.sem_alloc : memref<!tpu.dma_semaphore, #tpu.memory_space<semaphore_mem>>
        %dma_start3A = arith.constant 0 : i32
        %dma_start3A_3955 = tpu.memref_slice %arg10[%and3A_1233, %arg1, %dma_start3A] : memref<2x16x128xf32, #tpu.memory_space<vmem_shared>> -> memref<1x1x128xf32, #tpu.memory_space<vmem_shared>>
        %dma_start3A_3956 = tpu.memref_squeeze %dma_start3A_3955 : memref<1x1x128xf32, #tpu.memory_space<vmem_shared>> -> memref<128xf32, #tpu.memory_space<vmem_shared>>
        %dma_start3A_3957 = arith.constant 0 : i32
        %dma_start3A_3958 = tpu.memref_slice %arg10[%and3A_1233, %arg1, %dma_start3A_3957] : memref<2x16x128xf32, #tpu.memory_space<vmem_shared>> -> memref<1x1x128xf32, #tpu.memory_space<vmem_shared>>
        %dma_start3A_3959 = tpu.memref_squeeze %dma_start3A_3958 : memref<1x1x128xf32, #tpu.memory_space<vmem_shared>> -> memref<128xf32, #tpu.memory_space<vmem_shared>>
        tpu.enqueue_dma source(%arg8 : memref<128xf32, #tpu.memory_space<vmem>>) target(%dma_start3A_3959 : memref<128xf32, #tpu.memory_space<vmem_shared>>) target_semaphore(%run_scoped3A : memref<!tpu.dma_semaphore, #tpu.memory_space<semaphore_mem>>)
        %dma_wait3A = arith.constant 0 : i32
        %dma_wait3A_3960 = tpu.memref_slice %arg10[%and3A_1233, %arg1, %dma_wait3A] : memref<2x16x128xf32, #tpu.memory_space<vmem_shared>> -> memref<1x1x128xf32, #tpu.memory_space<vmem_shared>>
        %dma_wait3A_3961 = tpu.memref_squeeze %dma_wait3A_3960 : memref<1x1x128xf32, #tpu.memory_space<vmem_shared>> -> memref<128xf32, #tpu.memory_space<vmem_shared>>
        %dma_wait3A_3962 = arith.constant 0 : i32
        %dma_wait3A_3963 = tpu.memref_slice %arg10[%and3A_1233, %arg1, %dma_wait3A_3962] : memref<2x16x128xf32, #tpu.memory_space<vmem_shared>> -> memref<1x1x128xf32, #tpu.memory_space<vmem_shared>>
        %dma_wait3A_3964 = tpu.memref_squeeze %dma_wait3A_3963 : memref<1x1x128xf32, #tpu.memory_space<vmem_shared>> -> memref<128xf32, #tpu.memory_space<vmem_shared>>
        tpu.wait_dma2 semaphore(%run_scoped3A : memref<!tpu.dma_semaphore, #tpu.memory_space<semaphore_mem>>) src(%arg8 : memref<128xf32, #tpu.memory_space<vmem>>) dst(%dma_wait3A_3964 : memref<128xf32, #tpu.memory_space<vmem_shared>>)
        tpu.yield
      }) : () -> ()
      %barrier3A = arith.constant 0 : index
      tpu.barrier barrier_id(%barrier3A)
      "tpu.region"() ({
        %run_scoped3A = tpu.sem_alloc : memref<!tpu.dma_semaphore, #tpu.memory_space<semaphore_mem>>
        %dma_start3A = arith.constant 0 : i32
        %dma_start3A_3955 = arith.constant 0 : i32
        %dma_start3A_3956 = tpu.memref_slice %arg10[%and3A_1233, %dma_start3A, %dma_start3A_3955] : memref<2x16x128xf32, #tpu.memory_space<vmem_shared>> -> memref<1x16x128xf32, #tpu.memory_space<vmem_shared>>
        %dma_start3A_3957 = tpu.memref_squeeze %dma_start3A_3956 : memref<1x16x128xf32, #tpu.memory_space<vmem_shared>> -> memref<16x128xf32, #tpu.memory_space<vmem_shared>>
        %dma_start3A_3958 = arith.constant 0 : i32
        %dma_start3A_3959 = arith.constant 0 : i32
        %dma_start3A_3960 = tpu.memref_slice %arg10[%and3A_1233, %dma_start3A_3958, %dma_start3A_3959] : memref<2x16x128xf32, #tpu.memory_space<vmem_shared>> -> memref<1x16x128xf32, #tpu.memory_space<vmem_shared>>
        %dma_start3A_3961 = tpu.memref_squeeze %dma_start3A_3960 : memref<1x16x128xf32, #tpu.memory_space<vmem_shared>> -> memref<16x128xf32, #tpu.memory_space<vmem_shared>>
        tpu.enqueue_dma source(%dma_start3A_3961 : memref<16x128xf32, #tpu.memory_space<vmem_shared>>) target(%arg9 : memref<16x128xf32, #tpu.memory_space<vmem>>) target_semaphore(%run_scoped3A : memref<!tpu.dma_semaphore, #tpu.memory_space<semaphore_mem>>)
        %dma_wait3A = arith.constant 0 : i32
        %dma_wait3A_3962 = arith.constant 0 : i32
        %dma_wait3A_3963 = tpu.memref_slice %arg10[%and3A_1233, %dma_wait3A, %dma_wait3A_3962] : memref<2x16x128xf32, #tpu.memory_space<vmem_shared>> -> memref<1x16x128xf32, #tpu.memory_space<vmem_shared>>
        %dma_wait3A_3964 = tpu.memref_squeeze %dma_wait3A_3963 : memref<1x16x128xf32, #tpu.memory_space<vmem_shared>> -> memref<16x128xf32, #tpu.memory_space<vmem_shared>>
        %dma_wait3A_3965 = arith.constant 0 : i32
        %dma_wait3A_3966 = arith.constant 0 : i32
        %dma_wait3A_3967 = tpu.memref_slice %arg10[%and3A_1233, %dma_wait3A_3965, %dma_wait3A_3966] : memref<2x16x128xf32, #tpu.memory_space<vmem_shared>> -> memref<1x16x128xf32, #tpu.memory_space<vmem_shared>>
        %dma_wait3A_3968 = tpu.memref_squeeze %dma_wait3A_3967 : memref<1x16x128xf32, #tpu.memory_space<vmem_shared>> -> memref<16x128xf32, #tpu.memory_space<vmem_shared>>
        tpu.wait_dma2 semaphore(%run_scoped3A : memref<!tpu.dma_semaphore, #tpu.memory_space<semaphore_mem>>) src(%dma_wait3A_3968 : memref<16x128xf32, #tpu.memory_space<vmem_shared>>) dst(%arg9 : memref<16x128xf32, #tpu.memory_space<vmem>>)
        tpu.yield
      }) : () -> ()
      %get3A_1234 = arith.constant 0 : i32
      %get3A_1235 = arith.index_cast %get3A_1234 : i32 to index
      %get3A_1236 = arith.constant 0 : index
      %get3A_1237 = tpu.vector_load %arg9[%get3A_1235, %get3A_1236] {strides = array<i32>} : memref<16x128xf32, #tpu.memory_space<vmem>>, vector<16xf32>,
      %get3A_1238 = arith.constant 0 : i32
      %get3A_1239 = arith.index_cast %get3A_1238 : i32 to index
      %get3A_1240 = arith.constant 64 : index
      %get3A_1241 = tpu.vector_load %arg9[%get3A_1239, %get3A_1240] {strides = array<i32>} : memref<16x128xf32, #tpu.memory_space<vmem>>, vector<16xf32>,
      %bitcast3A_1242 = vector.bitcast %get3A_1241 : vector<16xf32> to vector<16xi32>
      %get3A_1243 = arith.constant 0 : i32
      %get3A_1244 = arith.index_cast %get3A_1243 : i32 to index
      %get3A_1245 = arith.constant 16 : index
      %get3A_1246 = tpu.vector_load %arg9[%get3A_1244, %get3A_1245] {strides = array<i32>} : memref<16x128xf32, #tpu.memory_space<vmem>>, vector<16xf32>,
      %get3A_1247 = arith.constant 0 : i32
      %get3A_1248 = arith.index_cast %get3A_1247 : i32 to index
      %get3A_1249 = arith.constant 80 : index
      %get3A_1250 = tpu.vector_load %arg9[%get3A_1248, %get3A_1249] {strides = array<i32>} : memref<16x128xf32, #tpu.memory_space<vmem>>, vector<16xf32>,
      %bitcast3A_1251 = vector.bitcast %get3A_1250 : vector<16xf32> to vector<16xi32>
      %get3A_1252 = arith.constant 0 : i32
      %get3A_1253 = arith.index_cast %get3A_1252 : i32 to index
      %get3A_1254 = arith.constant 32 : index
      %get3A_1255 = tpu.vector_load %arg9[%get3A_1253, %get3A_1254] {strides = array<i32>} : memref<16x128xf32, #tpu.memory_space<vmem>>, vector<16xf32>,
      %get3A_1256 = arith.constant 0 : i32
      %get3A_1257 = arith.index_cast %get3A_1256 : i32 to index
      %get3A_1258 = arith.constant 96 : index
      %get3A_1259 = tpu.vector_load %arg9[%get3A_1257, %get3A_1258] {strides = array<i32>} : memref<16x128xf32, #tpu.memory_space<vmem>>, vector<16xf32>,
      %bitcast3A_1260 = vector.bitcast %get3A_1259 : vector<16xf32> to vector<16xi32>
      %get3A_1261 = arith.constant 0 : i32
      %get3A_1262 = arith.index_cast %get3A_1261 : i32 to index
      %get3A_1263 = arith.constant 48 : index
      %get3A_1264 = tpu.vector_load %arg9[%get3A_1262, %get3A_1263] {strides = array<i32>} : memref<16x128xf32, #tpu.memory_space<vmem>>, vector<16xf32>,
      %get3A_1265 = arith.constant 0 : i32
      %get3A_1266 = arith.index_cast %get3A_1265 : i32 to index
      %get3A_1267 = arith.constant 112 : index
      %get3A_1268 = tpu.vector_load %arg9[%get3A_1266, %get3A_1267] {strides = array<i32>} : memref<16x128xf32, #tpu.memory_space<vmem>>, vector<16xf32>,
      %bitcast3A_1269 = vector.bitcast %get3A_1268 : vector<16xf32> to vector<16xi32>
      %get3A_1270 = arith.constant 1 : i32
      %get3A_1271 = arith.index_cast %get3A_1270 : i32 to index
      %get3A_1272 = arith.constant 0 : index
      %get3A_1273 = tpu.vector_load %arg9[%get3A_1271, %get3A_1272] {strides = array<i32>} : memref<16x128xf32, #tpu.memory_space<vmem>>, vector<16xf32>,
      %get3A_1274 = arith.constant 1 : i32
      %get3A_1275 = arith.index_cast %get3A_1274 : i32 to index
      %get3A_1276 = arith.constant 64 : index
      %get3A_1277 = tpu.vector_load %arg9[%get3A_1275, %get3A_1276] {strides = array<i32>} : memref<16x128xf32, #tpu.memory_space<vmem>>, vector<16xf32>,
      %bitcast3A_1278 = vector.bitcast %get3A_1277 : vector<16xf32> to vector<16xi32>
      %get3A_1279 = arith.constant 1 : i32
      %get3A_1280 = arith.index_cast %get3A_1279 : i32 to index
      %get3A_1281 = arith.constant 16 : index
      %get3A_1282 = tpu.vector_load %arg9[%get3A_1280, %get3A_1281] {strides = array<i32>} : memref<16x128xf32, #tpu.memory_space<vmem>>, vector<16xf32>,
      %get3A_1283 = arith.constant 1 : i32
      %get3A_1284 = arith.index_cast %get3A_1283 : i32 to index
      %get3A_1285 = arith.constant 80 : index
      %get3A_1286 = tpu.vector_load %arg9[%get3A_1284, %get3A_1285] {strides = array<i32>} : memref<16x128xf32, #tpu.memory_space<vmem>>, vector<16xf32>,
      %bitcast3A_1287 = vector.bitcast %get3A_1286 : vector<16xf32> to vector<16xi32>
      %get3A_1288 = arith.constant 1 : i32
      %get3A_1289 = arith.index_cast %get3A_1288 : i32 to index
      %get3A_1290 = arith.constant 32 : index
      %get3A_1291 = tpu.vector_load %arg9[%get3A_1289, %get3A_1290] {strides = array<i32>} : memref<16x128xf32, #tpu.memory_space<vmem>>, vector<16xf32>,
      %get3A_1292 = arith.constant 1 : i32
      %get3A_1293 = arith.index_cast %get3A_1292 : i32 to index
      %get3A_1294 = arith.constant 96 : index
      %get3A_1295 = tpu.vector_load %arg9[%get3A_1293, %get3A_1294] {strides = array<i32>} : memref<16x128xf32, #tpu.memory_space<vmem>>, vector<16xf32>,
      %bitcast3A_1296 = vector.bitcast %get3A_1295 : vector<16xf32> to vector<16xi32>
      %get3A_1297 = arith.constant 1 : i32
      %get3A_1298 = arith.index_cast %get3A_1297 : i32 to index
      %get3A_1299 = arith.constant 48 : index
      %get3A_1300 = tpu.vector_load %arg9[%get3A_1298, %get3A_1299] {strides = array<i32>} : memref<16x128xf32, #tpu.memory_space<vmem>>, vector<16xf32>,
      %get3A_1301 = arith.constant 1 : i32
      %get3A_1302 = arith.index_cast %get3A_1301 : i32 to index
      %get3A_1303 = arith.constant 112 : index
      %get3A_1304 = tpu.vector_load %arg9[%get3A_1302, %get3A_1303] {strides = array<i32>} : memref<16x128xf32, #tpu.memory_space<vmem>>, vector<16xf32>,
      %bitcast3A_1305 = vector.bitcast %get3A_1304 : vector<16xf32> to vector<16xi32>
      %get3A_1306 = arith.constant 2 : i32
      %get3A_1307 = arith.index_cast %get3A_1306 : i32 to index
      %get3A_1308 = arith.constant 0 : index
      %get3A_1309 = tpu.vector_load %arg9[%get3A_1307, %get3A_1308] {strides = array<i32>} : memref<16x128xf32, #tpu.memory_space<vmem>>, vector<16xf32>,
      %get3A_1310 = arith.constant 2 : i32
      %get3A_1311 = arith.index_cast %get3A_1310 : i32 to index
      %get3A_1312 = arith.constant 64 : index
      %get3A_1313 = tpu.vector_load %arg9[%get3A_1311, %get3A_1312] {strides = array<i32>} : memref<16x128xf32, #tpu.memory_space<vmem>>, vector<16xf32>,
      %bitcast3A_1314 = vector.bitcast %get3A_1313 : vector<16xf32> to vector<16xi32>
      %get3A_1315 = arith.constant 2 : i32
      %get3A_1316 = arith.index_cast %get3A_1315 : i32 to index
      %get3A_1317 = arith.constant 16 : index
      %get3A_1318 = tpu.vector_load %arg9[%get3A_1316, %get3A_1317] {strides = array<i32>} : memref<16x128xf32, #tpu.memory_space<vmem>>, vector<16xf32>,
      %get3A_1319 = arith.constant 2 : i32
      %get3A_1320 = arith.index_cast %get3A_1319 : i32 to index
      %get3A_1321 = arith.constant 80 : index
      %get3A_1322 = tpu.vector_load %arg9[%get3A_1320, %get3A_1321] {strides = array<i32>} : memref<16x128xf32, #tpu.memory_space<vmem>>, vector<16xf32>,
      %bitcast3A_1323 = vector.bitcast %get3A_1322 : vector<16xf32> to vector<16xi32>
      %get3A_1324 = arith.constant 2 : i32
      %get3A_1325 = arith.index_cast %get3A_1324 : i32 to index
      %get3A_1326 = arith.constant 32 : index
      %get3A_1327 = tpu.vector_load %arg9[%get3A_1325, %get3A_1326] {strides = array<i32>} : memref<16x128xf32, #tpu.memory_space<vmem>>, vector<16xf32>,
      %get3A_1328 = arith.constant 2 : i32
      %get3A_1329 = arith.index_cast %get3A_1328 : i32 to index
      %get3A_1330 = arith.constant 96 : index
      %get3A_1331 = tpu.vector_load %arg9[%get3A_1329, %get3A_1330] {strides = array<i32>} : memref<16x128xf32, #tpu.memory_space<vmem>>, vector<16xf32>,
      %bitcast3A_1332 = vector.bitcast %get3A_1331 : vector<16xf32> to vector<16xi32>
      %get3A_1333 = arith.constant 2 : i32
      %get3A_1334 = arith.index_cast %get3A_1333 : i32 to index
      %get3A_1335 = arith.constant 48 : index
      %get3A_1336 = tpu.vector_load %arg9[%get3A_1334, %get3A_1335] {strides = array<i32>} : memref<16x128xf32, #tpu.memory_space<vmem>>, vector<16xf32>,
      %get3A_1337 = arith.constant 2 : i32
      %get3A_1338 = arith.index_cast %get3A_1337 : i32 to index
      %get3A_1339 = arith.constant 112 : index
      %get3A_1340 = tpu.vector_load %arg9[%get3A_1338, %get3A_1339] {strides = array<i32>} : memref<16x128xf32, #tpu.memory_space<vmem>>, vector<16xf32>,
      %bitcast3A_1341 = vector.bitcast %get3A_1340 : vector<16xf32> to vector<16xi32>
      %get3A_1342 = arith.constant 3 : i32
      %get3A_1343 = arith.index_cast %get3A_1342 : i32 to index
      %get3A_1344 = arith.constant 0 : index
      %get3A_1345 = tpu.vector_load %arg9[%get3A_1343, %get3A_1344] {strides = array<i32>} : memref<16x128xf32, #tpu.memory_space<vmem>>, vector<16xf32>,
      %get3A_1346 = arith.constant 3 : i32
      %get3A_1347 = arith.index_cast %get3A_1346 : i32 to index
      %get3A_1348 = arith.constant 64 : index
      %get3A_1349 = tpu.vector_load %arg9[%get3A_1347, %get3A_1348] {strides = array<i32>} : memref<16x128xf32, #tpu.memory_space<vmem>>, vector<16xf32>,
      %bitcast3A_1350 = vector.bitcast %get3A_1349 : vector<16xf32> to vector<16xi32>
      %get3A_1351 = arith.constant 3 : i32
      %get3A_1352 = arith.index_cast %get3A_1351 : i32 to index
      %get3A_1353 = arith.constant 16 : index
      %get3A_1354 = tpu.vector_load %arg9[%get3A_1352, %get3A_1353] {strides = array<i32>} : memref<16x128xf32, #tpu.memory_space<vmem>>, vector<16xf32>,
      %get3A_1355 = arith.constant 3 : i32
      %get3A_1356 = arith.index_cast %get3A_1355 : i32 to index
      %get3A_1357 = arith.constant 80 : index
      %get3A_1358 = tpu.vector_load %arg9[%get3A_1356, %get3A_1357] {strides = array<i32>} : memref<16x128xf32, #tpu.memory_space<vmem>>, vector<16xf32>,
      %bitcast3A_1359 = vector.bitcast %get3A_1358 : vector<16xf32> to vector<16xi32>
      %get3A_1360 = arith.constant 3 : i32
      %get3A_1361 = arith.index_cast %get3A_1360 : i32 to index
      %get3A_1362 = arith.constant 32 : index
      %get3A_1363 = tpu.vector_load %arg9[%get3A_1361, %get3A_1362] {strides = array<i32>} : memref<16x128xf32, #tpu.memory_space<vmem>>, vector<16xf32>,
      %get3A_1364 = arith.constant 3 : i32
      %get3A_1365 = arith.index_cast %get3A_1364 : i32 to index
      %get3A_1366 = arith.constant 96 : index
      %get3A_1367 = tpu.vector_load %arg9[%get3A_1365, %get3A_1366] {strides = array<i32>} : memref<16x128xf32, #tpu.memory_space<vmem>>, vector<16xf32>,
      %bitcast3A_1368 = vector.bitcast %get3A_1367 : vector<16xf32> to vector<16xi32>
      %get3A_1369 = arith.constant 3 : i32
      %get3A_1370 = arith.index_cast %get3A_1369 : i32 to index
      %get3A_1371 = arith.constant 48 : index
      %get3A_1372 = tpu.vector_load %arg9[%get3A_1370, %get3A_1371] {strides = array<i32>} : memref<16x128xf32, #tpu.memory_space<vmem>>, vector<16xf32>,
      %get3A_1373 = arith.constant 3 : i32
      %get3A_1374 = arith.index_cast %get3A_1373 : i32 to index
      %get3A_1375 = arith.constant 112 : index
      %get3A_1376 = tpu.vector_load %arg9[%get3A_1374, %get3A_1375] {strides = array<i32>} : memref<16x128xf32, #tpu.memory_space<vmem>>, vector<16xf32>,
      %bitcast3A_1377 = vector.bitcast %get3A_1376 : vector<16xf32> to vector<16xi32>
      %get3A_1378 = arith.constant 4 : i32
      %get3A_1379 = arith.index_cast %get3A_1378 : i32 to index
      %get3A_1380 = arith.constant 0 : index
      %get3A_1381 = tpu.vector_load %arg9[%get3A_1379, %get3A_1380] {strides = array<i32>} : memref<16x128xf32, #tpu.memory_space<vmem>>, vector<16xf32>,
      %get3A_1382 = arith.constant 4 : i32
      %get3A_1383 = arith.index_cast %get3A_1382 : i32 to index
      %get3A_1384 = arith.constant 64 : index
      %get3A_1385 = tpu.vector_load %arg9[%get3A_1383, %get3A_1384] {strides = array<i32>} : memref<16x128xf32, #tpu.memory_space<vmem>>, vector<16xf32>,
      %bitcast3A_1386 = vector.bitcast %get3A_1385 : vector<16xf32> to vector<16xi32>
      %get3A_1387 = arith.constant 4 : i32
      %get3A_1388 = arith.index_cast %get3A_1387 : i32 to index
      %get3A_1389 = arith.constant 16 : index
      %get3A_1390 = tpu.vector_load %arg9[%get3A_1388, %get3A_1389] {strides = array<i32>} : memref<16x128xf32, #tpu.memory_space<vmem>>, vector<16xf32>,
      %get3A_1391 = arith.constant 4 : i32
      %get3A_1392 = arith.index_cast %get3A_1391 : i32 to index
      %get3A_1393 = arith.constant 80 : index
      %get3A_1394 = tpu.vector_load %arg9[%get3A_1392, %get3A_1393] {strides = array<i32>} : memref<16x128xf32, #tpu.memory_space<vmem>>, vector<16xf32>,
      %bitcast3A_1395 = vector.bitcast %get3A_1394 : vector<16xf32> to vector<16xi32>
      %get3A_1396 = arith.constant 4 : i32
      %get3A_1397 = arith.index_cast %get3A_1396 : i32 to index
      %get3A_1398 = arith.constant 32 : index
      %get3A_1399 = tpu.vector_load %arg9[%get3A_1397, %get3A_1398] {strides = array<i32>} : memref<16x128xf32, #tpu.memory_space<vmem>>, vector<16xf32>,
      %get3A_1400 = arith.constant 4 : i32
      %get3A_1401 = arith.index_cast %get3A_1400 : i32 to index
      %get3A_1402 = arith.constant 96 : index
      %get3A_1403 = tpu.vector_load %arg9[%get3A_1401, %get3A_1402] {strides = array<i32>} : memref<16x128xf32, #tpu.memory_space<vmem>>, vector<16xf32>,
      %bitcast3A_1404 = vector.bitcast %get3A_1403 : vector<16xf32> to vector<16xi32>
      %get3A_1405 = arith.constant 4 : i32
      %get3A_1406 = arith.index_cast %get3A_1405 : i32 to index
      %get3A_1407 = arith.constant 48 : index
      %get3A_1408 = tpu.vector_load %arg9[%get3A_1406, %get3A_1407] {strides = array<i32>} : memref<16x128xf32, #tpu.memory_space<vmem>>, vector<16xf32>,
      %get3A_1409 = arith.constant 4 : i32
      %get3A_1410 = arith.index_cast %get3A_1409 : i32 to index
      %get3A_1411 = arith.constant 112 : index
      %get3A_1412 = tpu.vector_load %arg9[%get3A_1410, %get3A_1411] {strides = array<i32>} : memref<16x128xf32, #tpu.memory_space<vmem>>, vector<16xf32>,
      %bitcast3A_1413 = vector.bitcast %get3A_1412 : vector<16xf32> to vector<16xi32>
      %get3A_1414 = arith.constant 5 : i32
      %get3A_1415 = arith.index_cast %get3A_1414 : i32 to index
      %get3A_1416 = arith.constant 0 : index
      %get3A_1417 = tpu.vector_load %arg9[%get3A_1415, %get3A_1416] {strides = array<i32>} : memref<16x128xf32, #tpu.memory_space<vmem>>, vector<16xf32>,
      %get3A_1418 = arith.constant 5 : i32
      %get3A_1419 = arith.index_cast %get3A_1418 : i32 to index
      %get3A_1420 = arith.constant 64 : index
      %get3A_1421 = tpu.vector_load %arg9[%get3A_1419, %get3A_1420] {strides = array<i32>} : memref<16x128xf32, #tpu.memory_space<vmem>>, vector<16xf32>,
      %bitcast3A_1422 = vector.bitcast %get3A_1421 : vector<16xf32> to vector<16xi32>
      %get3A_1423 = arith.constant 5 : i32
      %get3A_1424 = arith.index_cast %get3A_1423 : i32 to index
      %get3A_1425 = arith.constant 16 : index
      %get3A_1426 = tpu.vector_load %arg9[%get3A_1424, %get3A_1425] {strides = array<i32>} : memref<16x128xf32, #tpu.memory_space<vmem>>, vector<16xf32>,
      %get3A_1427 = arith.constant 5 : i32
      %get3A_1428 = arith.index_cast %get3A_1427 : i32 to index
      %get3A_1429 = arith.constant 80 : index
      %get3A_1430 = tpu.vector_load %arg9[%get3A_1428, %get3A_1429] {strides = array<i32>} : memref<16x128xf32, #tpu.memory_space<vmem>>, vector<16xf32>,
      %bitcast3A_1431 = vector.bitcast %get3A_1430 : vector<16xf32> to vector<16xi32>
      %get3A_1432 = arith.constant 5 : i32
      %get3A_1433 = arith.index_cast %get3A_1432 : i32 to index
      %get3A_1434 = arith.constant 32 : index
      %get3A_1435 = tpu.vector_load %arg9[%get3A_1433, %get3A_1434] {strides = array<i32>} : memref<16x128xf32, #tpu.memory_space<vmem>>, vector<16xf32>,
      %get3A_1436 = arith.constant 5 : i32
      %get3A_1437 = arith.index_cast %get3A_1436 : i32 to index
      %get3A_1438 = arith.constant 96 : index
      %get3A_1439 = tpu.vector_load %arg9[%get3A_1437, %get3A_1438] {strides = array<i32>} : memref<16x128xf32, #tpu.memory_space<vmem>>, vector<16xf32>,
      %bitcast3A_1440 = vector.bitcast %get3A_1439 : vector<16xf32> to vector<16xi32>
      %get3A_1441 = arith.constant 5 : i32
      %get3A_1442 = arith.index_cast %get3A_1441 : i32 to index
      %get3A_1443 = arith.constant 48 : index
      %get3A_1444 = tpu.vector_load %arg9[%get3A_1442, %get3A_1443] {strides = array<i32>} : memref<16x128xf32, #tpu.memory_space<vmem>>, vector<16xf32>,
      %get3A_1445 = arith.constant 5 : i32
      %get3A_1446 = arith.index_cast %get3A_1445 : i32 to index
      %get3A_1447 = arith.constant 112 : index
      %get3A_1448 = tpu.vector_load %arg9[%get3A_1446, %get3A_1447] {strides = array<i32>} : memref<16x128xf32, #tpu.memory_space<vmem>>, vector<16xf32>,
      %bitcast3A_1449 = vector.bitcast %get3A_1448 : vector<16xf32> to vector<16xi32>
      %get3A_1450 = arith.constant 6 : i32
      %get3A_1451 = arith.index_cast %get3A_1450 : i32 to index
      %get3A_1452 = arith.constant 0 : index
      %get3A_1453 = tpu.vector_load %arg9[%get3A_1451, %get3A_1452] {strides = array<i32>} : memref<16x128xf32, #tpu.memory_space<vmem>>, vector<16xf32>,
      %get3A_1454 = arith.constant 6 : i32
      %get3A_1455 = arith.index_cast %get3A_1454 : i32 to index
      %get3A_1456 = arith.constant 64 : index
      %get3A_1457 = tpu.vector_load %arg9[%get3A_1455, %get3A_1456] {strides = array<i32>} : memref<16x128xf32, #tpu.memory_space<vmem>>, vector<16xf32>,
      %bitcast3A_1458 = vector.bitcast %get3A_1457 : vector<16xf32> to vector<16xi32>
      %get3A_1459 = arith.constant 6 : i32
      %get3A_1460 = arith.index_cast %get3A_1459 : i32 to index
      %get3A_1461 = arith.constant 16 : index
      %get3A_1462 = tpu.vector_load %arg9[%get3A_1460, %get3A_1461] {strides = array<i32>} : memref<16x128xf32, #tpu.memory_space<vmem>>, vector<16xf32>,
      %get3A_1463 = arith.constant 6 : i32
      %get3A_1464 = arith.index_cast %get3A_1463 : i32 to index
      %get3A_1465 = arith.constant 80 : index
      %get3A_1466 = tpu.vector_load %arg9[%get3A_1464, %get3A_1465] {strides = array<i32>} : memref<16x128xf32, #tpu.memory_space<vmem>>, vector<16xf32>,
      %bitcast3A_1467 = vector.bitcast %get3A_1466 : vector<16xf32> to vector<16xi32>
      %get3A_1468 = arith.constant 6 : i32
      %get3A_1469 = arith.index_cast %get3A_1468 : i32 to index
      %get3A_1470 = arith.constant 32 : index
      %get3A_1471 = tpu.vector_load %arg9[%get3A_1469, %get3A_1470] {strides = array<i32>} : memref<16x128xf32, #tpu.memory_space<vmem>>, vector<16xf32>,
      %get3A_1472 = arith.constant 6 : i32
      %get3A_1473 = arith.index_cast %get3A_1472 : i32 to index
      %get3A_1474 = arith.constant 96 : index
      %get3A_1475 = tpu.vector_load %arg9[%get3A_1473, %get3A_1474] {strides = array<i32>} : memref<16x128xf32, #tpu.memory_space<vmem>>, vector<16xf32>,
      %bitcast3A_1476 = vector.bitcast %get3A_1475 : vector<16xf32> to vector<16xi32>
      %get3A_1477 = arith.constant 6 : i32
      %get3A_1478 = arith.index_cast %get3A_1477 : i32 to index
      %get3A_1479 = arith.constant 48 : index
      %get3A_1480 = tpu.vector_load %arg9[%get3A_1478, %get3A_1479] {strides = array<i32>} : memref<16x128xf32, #tpu.memory_space<vmem>>, vector<16xf32>,
      %get3A_1481 = arith.constant 6 : i32
      %get3A_1482 = arith.index_cast %get3A_1481 : i32 to index
      %get3A_1483 = arith.constant 112 : index
      %get3A_1484 = tpu.vector_load %arg9[%get3A_1482, %get3A_1483] {strides = array<i32>} : memref<16x128xf32, #tpu.memory_space<vmem>>, vector<16xf32>,
      %bitcast3A_1485 = vector.bitcast %get3A_1484 : vector<16xf32> to vector<16xi32>
      %get3A_1486 = arith.constant 7 : i32
      %get3A_1487 = arith.index_cast %get3A_1486 : i32 to index
      %get3A_1488 = arith.constant 0 : index
      %get3A_1489 = tpu.vector_load %arg9[%get3A_1487, %get3A_1488] {strides = array<i32>} : memref<16x128xf32, #tpu.memory_space<vmem>>, vector<16xf32>,
      %get3A_1490 = arith.constant 7 : i32
      %get3A_1491 = arith.index_cast %get3A_1490 : i32 to index
      %get3A_1492 = arith.constant 64 : index
      %get3A_1493 = tpu.vector_load %arg9[%get3A_1491, %get3A_1492] {strides = array<i32>} : memref<16x128xf32, #tpu.memory_space<vmem>>, vector<16xf32>,
      %bitcast3A_1494 = vector.bitcast %get3A_1493 : vector<16xf32> to vector<16xi32>
      %get3A_1495 = arith.constant 7 : i32
      %get3A_1496 = arith.index_cast %get3A_1495 : i32 to index
      %get3A_1497 = arith.constant 16 : index
      %get3A_1498 = tpu.vector_load %arg9[%get3A_1496, %get3A_1497] {strides = array<i32>} : memref<16x128xf32, #tpu.memory_space<vmem>>, vector<16xf32>,
      %get3A_1499 = arith.constant 7 : i32
      %get3A_1500 = arith.index_cast %get3A_1499 : i32 to index
      %get3A_1501 = arith.constant 80 : index
      %get3A_1502 = tpu.vector_load %arg9[%get3A_1500, %get3A_1501] {strides = array<i32>} : memref<16x128xf32, #tpu.memory_space<vmem>>, vector<16xf32>,
      %bitcast3A_1503 = vector.bitcast %get3A_1502 : vector<16xf32> to vector<16xi32>
      %get3A_1504 = arith.constant 7 : i32
      %get3A_1505 = arith.index_cast %get3A_1504 : i32 to index
      %get3A_1506 = arith.constant 32 : index
      %get3A_1507 = tpu.vector_load %arg9[%get3A_1505, %get3A_1506] {strides = array<i32>} : memref<16x128xf32, #tpu.memory_space<vmem>>, vector<16xf32>,
      %get3A_1508 = arith.constant 7 : i32
      %get3A_1509 = arith.index_cast %get3A_1508 : i32 to index
      %get3A_1510 = arith.constant 96 : index
      %get3A_1511 = tpu.vector_load %arg9[%get3A_1509, %get3A_1510] {strides = array<i32>} : memref<16x128xf32, #tpu.memory_space<vmem>>, vector<16xf32>,
      %bitcast3A_1512 = vector.bitcast %get3A_1511 : vector<16xf32> to vector<16xi32>
      %get3A_1513 = arith.constant 7 : i32
      %get3A_1514 = arith.index_cast %get3A_1513 : i32 to index
      %get3A_1515 = arith.constant 48 : index
      %get3A_1516 = tpu.vector_load %arg9[%get3A_1514, %get3A_1515] {strides = array<i32>} : memref<16x128xf32, #tpu.memory_space<vmem>>, vector<16xf32>,
      %get3A_1517 = arith.constant 7 : i32
      %get3A_1518 = arith.index_cast %get3A_1517 : i32 to index
      %get3A_1519 = arith.constant 112 : index
      %get3A_1520 = tpu.vector_load %arg9[%get3A_1518, %get3A_1519] {strides = array<i32>} : memref<16x128xf32, #tpu.memory_space<vmem>>, vector<16xf32>,
      %bitcast3A_1521 = vector.bitcast %get3A_1520 : vector<16xf32> to vector<16xi32>
      %get3A_1522 = arith.constant 8 : i32
      %get3A_1523 = arith.index_cast %get3A_1522 : i32 to index
      %get3A_1524 = arith.constant 0 : index
      %get3A_1525 = tpu.vector_load %arg9[%get3A_1523, %get3A_1524] {strides = array<i32>} : memref<16x128xf32, #tpu.memory_space<vmem>>, vector<16xf32>,
      %get3A_1526 = arith.constant 8 : i32
      %get3A_1527 = arith.index_cast %get3A_1526 : i32 to index
      %get3A_1528 = arith.constant 64 : index
      %get3A_1529 = tpu.vector_load %arg9[%get3A_1527, %get3A_1528] {strides = array<i32>} : memref<16x128xf32, #tpu.memory_space<vmem>>, vector<16xf32>,
      %bitcast3A_1530 = vector.bitcast %get3A_1529 : vector<16xf32> to vector<16xi32>
      %get3A_1531 = arith.constant 8 : i32
      %get3A_1532 = arith.index_cast %get3A_1531 : i32 to index
      %get3A_1533 = arith.constant 16 : index
      %get3A_1534 = tpu.vector_load %arg9[%get3A_1532, %get3A_1533] {strides = array<i32>} : memref<16x128xf32, #tpu.memory_space<vmem>>, vector<16xf32>,
      %get3A_1535 = arith.constant 8 : i32
      %get3A_1536 = arith.index_cast %get3A_1535 : i32 to index
      %get3A_1537 = arith.constant 80 : index
      %get3A_1538 = tpu.vector_load %arg9[%get3A_1536, %get3A_1537] {strides = array<i32>} : memref<16x128xf32, #tpu.memory_space<vmem>>, vector<16xf32>,
      %bitcast3A_1539 = vector.bitcast %get3A_1538 : vector<16xf32> to vector<16xi32>
      %get3A_1540 = arith.constant 8 : i32
      %get3A_1541 = arith.index_cast %get3A_1540 : i32 to index
      %get3A_1542 = arith.constant 32 : index
      %get3A_1543 = tpu.vector_load %arg9[%get3A_1541, %get3A_1542] {strides = array<i32>} : memref<16x128xf32, #tpu.memory_space<vmem>>, vector<16xf32>,
      %get3A_1544 = arith.constant 8 : i32
      %get3A_1545 = arith.index_cast %get3A_1544 : i32 to index
      %get3A_1546 = arith.constant 96 : index
      %get3A_1547 = tpu.vector_load %arg9[%get3A_1545, %get3A_1546] {strides = array<i32>} : memref<16x128xf32, #tpu.memory_space<vmem>>, vector<16xf32>,
      %bitcast3A_1548 = vector.bitcast %get3A_1547 : vector<16xf32> to vector<16xi32>
      %get3A_1549 = arith.constant 8 : i32
      %get3A_1550 = arith.index_cast %get3A_1549 : i32 to index
      %get3A_1551 = arith.constant 48 : index
      %get3A_1552 = tpu.vector_load %arg9[%get3A_1550, %get3A_1551] {strides = array<i32>} : memref<16x128xf32, #tpu.memory_space<vmem>>, vector<16xf32>,
      %get3A_1553 = arith.constant 8 : i32
      %get3A_1554 = arith.index_cast %get3A_1553 : i32 to index
      %get3A_1555 = arith.constant 112 : index
      %get3A_1556 = tpu.vector_load %arg9[%get3A_1554, %get3A_1555] {strides = array<i32>} : memref<16x128xf32, #tpu.memory_space<vmem>>, vector<16xf32>,
      %bitcast3A_1557 = vector.bitcast %get3A_1556 : vector<16xf32> to vector<16xi32>
      %get3A_1558 = arith.constant 9 : i32
      %get3A_1559 = arith.index_cast %get3A_1558 : i32 to index
      %get3A_1560 = arith.constant 0 : index
      %get3A_1561 = tpu.vector_load %arg9[%get3A_1559, %get3A_1560] {strides = array<i32>} : memref<16x128xf32, #tpu.memory_space<vmem>>, vector<16xf32>,
      %get3A_1562 = arith.constant 9 : i32
      %get3A_1563 = arith.index_cast %get3A_1562 : i32 to index
      %get3A_1564 = arith.constant 64 : index
      %get3A_1565 = tpu.vector_load %arg9[%get3A_1563, %get3A_1564] {strides = array<i32>} : memref<16x128xf32, #tpu.memory_space<vmem>>, vector<16xf32>,
      %bitcast3A_1566 = vector.bitcast %get3A_1565 : vector<16xf32> to vector<16xi32>
      %get3A_1567 = arith.constant 9 : i32
      %get3A_1568 = arith.index_cast %get3A_1567 : i32 to index
      %get3A_1569 = arith.constant 16 : index
      %get3A_1570 = tpu.vector_load %arg9[%get3A_1568, %get3A_1569] {strides = array<i32>} : memref<16x128xf32, #tpu.memory_space<vmem>>, vector<16xf32>,
      %get3A_1571 = arith.constant 9 : i32
      %get3A_1572 = arith.index_cast %get3A_1571 : i32 to index
      %get3A_1573 = arith.constant 80 : index
      %get3A_1574 = tpu.vector_load %arg9[%get3A_1572, %get3A_1573] {strides = array<i32>} : memref<16x128xf32, #tpu.memory_space<vmem>>, vector<16xf32>,
      %bitcast3A_1575 = vector.bitcast %get3A_1574 : vector<16xf32> to vector<16xi32>
      %get3A_1576 = arith.constant 9 : i32
      %get3A_1577 = arith.index_cast %get3A_1576 : i32 to index
      %get3A_1578 = arith.constant 32 : index
      %get3A_1579 = tpu.vector_load %arg9[%get3A_1577, %get3A_1578] {strides = array<i32>} : memref<16x128xf32, #tpu.memory_space<vmem>>, vector<16xf32>,
      %get3A_1580 = arith.constant 9 : i32
      %get3A_1581 = arith.index_cast %get3A_1580 : i32 to index
      %get3A_1582 = arith.constant 96 : index
      %get3A_1583 = tpu.vector_load %arg9[%get3A_1581, %get3A_1582] {strides = array<i32>} : memref<16x128xf32, #tpu.memory_space<vmem>>, vector<16xf32>,
      %bitcast3A_1584 = vector.bitcast %get3A_1583 : vector<16xf32> to vector<16xi32>
      %get3A_1585 = arith.constant 9 : i32
      %get3A_1586 = arith.index_cast %get3A_1585 : i32 to index
      %get3A_1587 = arith.constant 48 : index
      %get3A_1588 = tpu.vector_load %arg9[%get3A_1586, %get3A_1587] {strides = array<i32>} : memref<16x128xf32, #tpu.memory_space<vmem>>, vector<16xf32>,
      %get3A_1589 = arith.constant 9 : i32
      %get3A_1590 = arith.index_cast %get3A_1589 : i32 to index
      %get3A_1591 = arith.constant 112 : index
      %get3A_1592 = tpu.vector_load %arg9[%get3A_1590, %get3A_1591] {strides = array<i32>} : memref<16x128xf32, #tpu.memory_space<vmem>>, vector<16xf32>,
      %bitcast3A_1593 = vector.bitcast %get3A_1592 : vector<16xf32> to vector<16xi32>
      %get3A_1594 = arith.constant 10 : i32
      %get3A_1595 = arith.index_cast %get3A_1594 : i32 to index
      %get3A_1596 = arith.constant 0 : index
      %get3A_1597 = tpu.vector_load %arg9[%get3A_1595, %get3A_1596] {strides = array<i32>} : memref<16x128xf32, #tpu.memory_space<vmem>>, vector<16xf32>,
      %get3A_1598 = arith.constant 10 : i32
      %get3A_1599 = arith.index_cast %get3A_1598 : i32 to index
      %get3A_1600 = arith.constant 64 : index
      %get3A_1601 = tpu.vector_load %arg9[%get3A_1599, %get3A_1600] {strides = array<i32>} : memref<16x128xf32, #tpu.memory_space<vmem>>, vector<16xf32>,
      %bitcast3A_1602 = vector.bitcast %get3A_1601 : vector<16xf32> to vector<16xi32>
      %get3A_1603 = arith.constant 10 : i32
      %get3A_1604 = arith.index_cast %get3A_1603 : i32 to index
      %get3A_1605 = arith.constant 16 : index
      %get3A_1606 = tpu.vector_load %arg9[%get3A_1604, %get3A_1605] {strides = array<i32>} : memref<16x128xf32, #tpu.memory_space<vmem>>, vector<16xf32>,
      %get3A_1607 = arith.constant 10 : i32
      %get3A_1608 = arith.index_cast %get3A_1607 : i32 to index
      %get3A_1609 = arith.constant 80 : index
      %get3A_1610 = tpu.vector_load %arg9[%get3A_1608, %get3A_1609] {strides = array<i32>} : memref<16x128xf32, #tpu.memory_space<vmem>>, vector<16xf32>,
      %bitcast3A_1611 = vector.bitcast %get3A_1610 : vector<16xf32> to vector<16xi32>
      %get3A_1612 = arith.constant 10 : i32
      %get3A_1613 = arith.index_cast %get3A_1612 : i32 to index
      %get3A_1614 = arith.constant 32 : index
      %get3A_1615 = tpu.vector_load %arg9[%get3A_1613, %get3A_1614] {strides = array<i32>} : memref<16x128xf32, #tpu.memory_space<vmem>>, vector<16xf32>,
      %get3A_1616 = arith.constant 10 : i32
      %get3A_1617 = arith.index_cast %get3A_1616 : i32 to index
      %get3A_1618 = arith.constant 96 : index
      %get3A_1619 = tpu.vector_load %arg9[%get3A_1617, %get3A_1618] {strides = array<i32>} : memref<16x128xf32, #tpu.memory_space<vmem>>, vector<16xf32>,
      %bitcast3A_1620 = vector.bitcast %get3A_1619 : vector<16xf32> to vector<16xi32>
      %get3A_1621 = arith.constant 10 : i32
      %get3A_1622 = arith.index_cast %get3A_1621 : i32 to index
      %get3A_1623 = arith.constant 48 : index
      %get3A_1624 = tpu.vector_load %arg9[%get3A_1622, %get3A_1623] {strides = array<i32>} : memref<16x128xf32, #tpu.memory_space<vmem>>, vector<16xf32>,
      %get3A_1625 = arith.constant 10 : i32
      %get3A_1626 = arith.index_cast %get3A_1625 : i32 to index
      %get3A_1627 = arith.constant 112 : index
      %get3A_1628 = tpu.vector_load %arg9[%get3A_1626, %get3A_1627] {strides = array<i32>} : memref<16x128xf32, #tpu.memory_space<vmem>>, vector<16xf32>,
      %bitcast3A_1629 = vector.bitcast %get3A_1628 : vector<16xf32> to vector<16xi32>
      %get3A_1630 = arith.constant 11 : i32
      %get3A_1631 = arith.index_cast %get3A_1630 : i32 to index
      %get3A_1632 = arith.constant 0 : index
      %get3A_1633 = tpu.vector_load %arg9[%get3A_1631, %get3A_1632] {strides = array<i32>} : memref<16x128xf32, #tpu.memory_space<vmem>>, vector<16xf32>,
      %get3A_1634 = arith.constant 11 : i32
      %get3A_1635 = arith.index_cast %get3A_1634 : i32 to index
      %get3A_1636 = arith.constant 64 : index
      %get3A_1637 = tpu.vector_load %arg9[%get3A_1635, %get3A_1636] {strides = array<i32>} : memref<16x128xf32, #tpu.memory_space<vmem>>, vector<16xf32>,
      %bitcast3A_1638 = vector.bitcast %get3A_1637 : vector<16xf32> to vector<16xi32>
      %get3A_1639 = arith.constant 11 : i32
      %get3A_1640 = arith.index_cast %get3A_1639 : i32 to index
      %get3A_1641 = arith.constant 16 : index
      %get3A_1642 = tpu.vector_load %arg9[%get3A_1640, %get3A_1641] {strides = array<i32>} : memref<16x128xf32, #tpu.memory_space<vmem>>, vector<16xf32>,
      %get3A_1643 = arith.constant 11 : i32
      %get3A_1644 = arith.index_cast %get3A_1643 : i32 to index
      %get3A_1645 = arith.constant 80 : index
      %get3A_1646 = tpu.vector_load %arg9[%get3A_1644, %get3A_1645] {strides = array<i32>} : memref<16x128xf32, #tpu.memory_space<vmem>>, vector<16xf32>,
      %bitcast3A_1647 = vector.bitcast %get3A_1646 : vector<16xf32> to vector<16xi32>
      %get3A_1648 = arith.constant 11 : i32
      %get3A_1649 = arith.index_cast %get3A_1648 : i32 to index
      %get3A_1650 = arith.constant 32 : index
      %get3A_1651 = tpu.vector_load %arg9[%get3A_1649, %get3A_1650] {strides = array<i32>} : memref<16x128xf32, #tpu.memory_space<vmem>>, vector<16xf32>,
      %get3A_1652 = arith.constant 11 : i32
      %get3A_1653 = arith.index_cast %get3A_1652 : i32 to index
      %get3A_1654 = arith.constant 96 : index
      %get3A_1655 = tpu.vector_load %arg9[%get3A_1653, %get3A_1654] {strides = array<i32>} : memref<16x128xf32, #tpu.memory_space<vmem>>, vector<16xf32>,
      %bitcast3A_1656 = vector.bitcast %get3A_1655 : vector<16xf32> to vector<16xi32>
      %get3A_1657 = arith.constant 11 : i32
      %get3A_1658 = arith.index_cast %get3A_1657 : i32 to index
      %get3A_1659 = arith.constant 48 : index
      %get3A_1660 = tpu.vector_load %arg9[%get3A_1658, %get3A_1659] {strides = array<i32>} : memref<16x128xf32, #tpu.memory_space<vmem>>, vector<16xf32>,
      %get3A_1661 = arith.constant 11 : i32
      %get3A_1662 = arith.index_cast %get3A_1661 : i32 to index
      %get3A_1663 = arith.constant 112 : index
      %get3A_1664 = tpu.vector_load %arg9[%get3A_1662, %get3A_1663] {strides = array<i32>} : memref<16x128xf32, #tpu.memory_space<vmem>>, vector<16xf32>,
      %bitcast3A_1665 = vector.bitcast %get3A_1664 : vector<16xf32> to vector<16xi32>
      %get3A_1666 = arith.constant 12 : i32
      %get3A_1667 = arith.index_cast %get3A_1666 : i32 to index
      %get3A_1668 = arith.constant 0 : index
      %get3A_1669 = tpu.vector_load %arg9[%get3A_1667, %get3A_1668] {strides = array<i32>} : memref<16x128xf32, #tpu.memory_space<vmem>>, vector<16xf32>,
      %get3A_1670 = arith.constant 12 : i32
      %get3A_1671 = arith.index_cast %get3A_1670 : i32 to index
      %get3A_1672 = arith.constant 64 : index
      %get3A_1673 = tpu.vector_load %arg9[%get3A_1671, %get3A_1672] {strides = array<i32>} : memref<16x128xf32, #tpu.memory_space<vmem>>, vector<16xf32>,
      %bitcast3A_1674 = vector.bitcast %get3A_1673 : vector<16xf32> to vector<16xi32>
      %get3A_1675 = arith.constant 12 : i32
      %get3A_1676 = arith.index_cast %get3A_1675 : i32 to index
      %get3A_1677 = arith.constant 16 : index
      %get3A_1678 = tpu.vector_load %arg9[%get3A_1676, %get3A_1677] {strides = array<i32>} : memref<16x128xf32, #tpu.memory_space<vmem>>, vector<16xf32>,
      %get3A_1679 = arith.constant 12 : i32
      %get3A_1680 = arith.index_cast %get3A_1679 : i32 to index
      %get3A_1681 = arith.constant 80 : index
      %get3A_1682 = tpu.vector_load %arg9[%get3A_1680, %get3A_1681] {strides = array<i32>} : memref<16x128xf32, #tpu.memory_space<vmem>>, vector<16xf32>,
      %bitcast3A_1683 = vector.bitcast %get3A_1682 : vector<16xf32> to vector<16xi32>
      %get3A_1684 = arith.constant 12 : i32
      %get3A_1685 = arith.index_cast %get3A_1684 : i32 to index
      %get3A_1686 = arith.constant 32 : index
      %get3A_1687 = tpu.vector_load %arg9[%get3A_1685, %get3A_1686] {strides = array<i32>} : memref<16x128xf32, #tpu.memory_space<vmem>>, vector<16xf32>,
      %get3A_1688 = arith.constant 12 : i32
      %get3A_1689 = arith.index_cast %get3A_1688 : i32 to index
      %get3A_1690 = arith.constant 96 : index
      %get3A_1691 = tpu.vector_load %arg9[%get3A_1689, %get3A_1690] {strides = array<i32>} : memref<16x128xf32, #tpu.memory_space<vmem>>, vector<16xf32>,
      %bitcast3A_1692 = vector.bitcast %get3A_1691 : vector<16xf32> to vector<16xi32>
      %get3A_1693 = arith.constant 12 : i32
      %get3A_1694 = arith.index_cast %get3A_1693 : i32 to index
      %get3A_1695 = arith.constant 48 : index
      %get3A_1696 = tpu.vector_load %arg9[%get3A_1694, %get3A_1695] {strides = array<i32>} : memref<16x128xf32, #tpu.memory_space<vmem>>, vector<16xf32>,
      %get3A_1697 = arith.constant 12 : i32
      %get3A_1698 = arith.index_cast %get3A_1697 : i32 to index
      %get3A_1699 = arith.constant 112 : index
      %get3A_1700 = tpu.vector_load %arg9[%get3A_1698, %get3A_1699] {strides = array<i32>} : memref<16x128xf32, #tpu.memory_space<vmem>>, vector<16xf32>,
      %bitcast3A_1701 = vector.bitcast %get3A_1700 : vector<16xf32> to vector<16xi32>
      %get3A_1702 = arith.constant 13 : i32
      %get3A_1703 = arith.index_cast %get3A_1702 : i32 to index
      %get3A_1704 = arith.constant 0 : index
      %get3A_1705 = tpu.vector_load %arg9[%get3A_1703, %get3A_1704] {strides = array<i32>} : memref<16x128xf32, #tpu.memory_space<vmem>>, vector<16xf32>,
      %get3A_1706 = arith.constant 13 : i32
      %get3A_1707 = arith.index_cast %get3A_1706 : i32 to index
      %get3A_1708 = arith.constant 64 : index
      %get3A_1709 = tpu.vector_load %arg9[%get3A_1707, %get3A_1708] {strides = array<i32>} : memref<16x128xf32, #tpu.memory_space<vmem>>, vector<16xf32>,
      %bitcast3A_1710 = vector.bitcast %get3A_1709 : vector<16xf32> to vector<16xi32>
      %get3A_1711 = arith.constant 13 : i32
      %get3A_1712 = arith.index_cast %get3A_1711 : i32 to index
      %get3A_1713 = arith.constant 16 : index
      %get3A_1714 = tpu.vector_load %arg9[%get3A_1712, %get3A_1713] {strides = array<i32>} : memref<16x128xf32, #tpu.memory_space<vmem>>, vector<16xf32>,
      %get3A_1715 = arith.constant 13 : i32
      %get3A_1716 = arith.index_cast %get3A_1715 : i32 to index
      %get3A_1717 = arith.constant 80 : index
      %get3A_1718 = tpu.vector_load %arg9[%get3A_1716, %get3A_1717] {strides = array<i32>} : memref<16x128xf32, #tpu.memory_space<vmem>>, vector<16xf32>,
      %bitcast3A_1719 = vector.bitcast %get3A_1718 : vector<16xf32> to vector<16xi32>
      %get3A_1720 = arith.constant 13 : i32
      %get3A_1721 = arith.index_cast %get3A_1720 : i32 to index
      %get3A_1722 = arith.constant 32 : index
      %get3A_1723 = tpu.vector_load %arg9[%get3A_1721, %get3A_1722] {strides = array<i32>} : memref<16x128xf32, #tpu.memory_space<vmem>>, vector<16xf32>,
      %get3A_1724 = arith.constant 13 : i32
      %get3A_1725 = arith.index_cast %get3A_1724 : i32 to index
      %get3A_1726 = arith.constant 96 : index
      %get3A_1727 = tpu.vector_load %arg9[%get3A_1725, %get3A_1726] {strides = array<i32>} : memref<16x128xf32, #tpu.memory_space<vmem>>, vector<16xf32>,
      %bitcast3A_1728 = vector.bitcast %get3A_1727 : vector<16xf32> to vector<16xi32>
      %get3A_1729 = arith.constant 13 : i32
      %get3A_1730 = arith.index_cast %get3A_1729 : i32 to index
      %get3A_1731 = arith.constant 48 : index
      %get3A_1732 = tpu.vector_load %arg9[%get3A_1730, %get3A_1731] {strides = array<i32>} : memref<16x128xf32, #tpu.memory_space<vmem>>, vector<16xf32>,
      %get3A_1733 = arith.constant 13 : i32
      %get3A_1734 = arith.index_cast %get3A_1733 : i32 to index
      %get3A_1735 = arith.constant 112 : index
      %get3A_1736 = tpu.vector_load %arg9[%get3A_1734, %get3A_1735] {strides = array<i32>} : memref<16x128xf32, #tpu.memory_space<vmem>>, vector<16xf32>,
      %bitcast3A_1737 = vector.bitcast %get3A_1736 : vector<16xf32> to vector<16xi32>
      %get3A_1738 = arith.constant 14 : i32
      %get3A_1739 = arith.index_cast %get3A_1738 : i32 to index
      %get3A_1740 = arith.constant 0 : index
      %get3A_1741 = tpu.vector_load %arg9[%get3A_1739, %get3A_1740] {strides = array<i32>} : memref<16x128xf32, #tpu.memory_space<vmem>>, vector<16xf32>,
      %get3A_1742 = arith.constant 14 : i32
      %get3A_1743 = arith.index_cast %get3A_1742 : i32 to index
      %get3A_1744 = arith.constant 64 : index
      %get3A_1745 = tpu.vector_load %arg9[%get3A_1743, %get3A_1744] {strides = array<i32>} : memref<16x128xf32, #tpu.memory_space<vmem>>, vector<16xf32>,
      %bitcast3A_1746 = vector.bitcast %get3A_1745 : vector<16xf32> to vector<16xi32>
      %get3A_1747 = arith.constant 14 : i32
      %get3A_1748 = arith.index_cast %get3A_1747 : i32 to index
      %get3A_1749 = arith.constant 16 : index
      %get3A_1750 = tpu.vector_load %arg9[%get3A_1748, %get3A_1749] {strides = array<i32>} : memref<16x128xf32, #tpu.memory_space<vmem>>, vector<16xf32>,
      %get3A_1751 = arith.constant 14 : i32
      %get3A_1752 = arith.index_cast %get3A_1751 : i32 to index
      %get3A_1753 = arith.constant 80 : index
      %get3A_1754 = tpu.vector_load %arg9[%get3A_1752, %get3A_1753] {strides = array<i32>} : memref<16x128xf32, #tpu.memory_space<vmem>>, vector<16xf32>,
      %bitcast3A_1755 = vector.bitcast %get3A_1754 : vector<16xf32> to vector<16xi32>
      %get3A_1756 = arith.constant 14 : i32
      %get3A_1757 = arith.index_cast %get3A_1756 : i32 to index
      %get3A_1758 = arith.constant 32 : index
      %get3A_1759 = tpu.vector_load %arg9[%get3A_1757, %get3A_1758] {strides = array<i32>} : memref<16x128xf32, #tpu.memory_space<vmem>>, vector<16xf32>,
      %get3A_1760 = arith.constant 14 : i32
      %get3A_1761 = arith.index_cast %get3A_1760 : i32 to index
      %get3A_1762 = arith.constant 96 : index
      %get3A_1763 = tpu.vector_load %arg9[%get3A_1761, %get3A_1762] {strides = array<i32>} : memref<16x128xf32, #tpu.memory_space<vmem>>, vector<16xf32>,
      %bitcast3A_1764 = vector.bitcast %get3A_1763 : vector<16xf32> to vector<16xi32>
      %get3A_1765 = arith.constant 14 : i32
      %get3A_1766 = arith.index_cast %get3A_1765 : i32 to index
      %get3A_1767 = arith.constant 48 : index
      %get3A_1768 = tpu.vector_load %arg9[%get3A_1766, %get3A_1767] {strides = array<i32>} : memref<16x128xf32, #tpu.memory_space<vmem>>, vector<16xf32>,
      %get3A_1769 = arith.constant 14 : i32
      %get3A_1770 = arith.index_cast %get3A_1769 : i32 to index
      %get3A_1771 = arith.constant 112 : index
      %get3A_1772 = tpu.vector_load %arg9[%get3A_1770, %get3A_1771] {strides = array<i32>} : memref<16x128xf32, #tpu.memory_space<vmem>>, vector<16xf32>,
      %bitcast3A_1773 = vector.bitcast %get3A_1772 : vector<16xf32> to vector<16xi32>
      %get3A_1774 = arith.constant 15 : i32
      %get3A_1775 = arith.index_cast %get3A_1774 : i32 to index
      %get3A_1776 = arith.constant 0 : index
      %get3A_1777 = tpu.vector_load %arg9[%get3A_1775, %get3A_1776] {strides = array<i32>} : memref<16x128xf32, #tpu.memory_space<vmem>>, vector<16xf32>,
      %get3A_1778 = arith.constant 15 : i32
      %get3A_1779 = arith.index_cast %get3A_1778 : i32 to index
      %get3A_1780 = arith.constant 64 : index
      %get3A_1781 = tpu.vector_load %arg9[%get3A_1779, %get3A_1780] {strides = array<i32>} : memref<16x128xf32, #tpu.memory_space<vmem>>, vector<16xf32>,
      %bitcast3A_1782 = vector.bitcast %get3A_1781 : vector<16xf32> to vector<16xi32>
      %get3A_1783 = arith.constant 15 : i32
      %get3A_1784 = arith.index_cast %get3A_1783 : i32 to index
      %get3A_1785 = arith.constant 16 : index
      %get3A_1786 = tpu.vector_load %arg9[%get3A_1784, %get3A_1785] {strides = array<i32>} : memref<16x128xf32, #tpu.memory_space<vmem>>, vector<16xf32>,
      %get3A_1787 = arith.constant 15 : i32
      %get3A_1788 = arith.index_cast %get3A_1787 : i32 to index
      %get3A_1789 = arith.constant 80 : index
      %get3A_1790 = tpu.vector_load %arg9[%get3A_1788, %get3A_1789] {strides = array<i32>} : memref<16x128xf32, #tpu.memory_space<vmem>>, vector<16xf32>,
      %bitcast3A_1791 = vector.bitcast %get3A_1790 : vector<16xf32> to vector<16xi32>
      %get3A_1792 = arith.constant 15 : i32
      %get3A_1793 = arith.index_cast %get3A_1792 : i32 to index
      %get3A_1794 = arith.constant 32 : index
      %get3A_1795 = tpu.vector_load %arg9[%get3A_1793, %get3A_1794] {strides = array<i32>} : memref<16x128xf32, #tpu.memory_space<vmem>>, vector<16xf32>,
      %get3A_1796 = arith.constant 15 : i32
      %get3A_1797 = arith.index_cast %get3A_1796 : i32 to index
      %get3A_1798 = arith.constant 96 : index
      %get3A_1799 = tpu.vector_load %arg9[%get3A_1797, %get3A_1798] {strides = array<i32>} : memref<16x128xf32, #tpu.memory_space<vmem>>, vector<16xf32>,
      %bitcast3A_1800 = vector.bitcast %get3A_1799 : vector<16xf32> to vector<16xi32>
      %get3A_1801 = arith.constant 15 : i32
      %get3A_1802 = arith.index_cast %get3A_1801 : i32 to index
      %get3A_1803 = arith.constant 48 : index
      %get3A_1804 = tpu.vector_load %arg9[%get3A_1802, %get3A_1803] {strides = array<i32>} : memref<16x128xf32, #tpu.memory_space<vmem>>, vector<16xf32>,
      %get3A_1805 = arith.constant 15 : i32
      %get3A_1806 = arith.index_cast %get3A_1805 : i32 to index
      %get3A_1807 = arith.constant 112 : index
      %get3A_1808 = tpu.vector_load %arg9[%get3A_1806, %get3A_1807] {strides = array<i32>} : memref<16x128xf32, #tpu.memory_space<vmem>>, vector<16xf32>,
      %bitcast3A_1809 = vector.bitcast %get3A_1808 : vector<16xf32> to vector<16xi32>
      %rev3A_1810 = arith.constant 15 : i32
      %rev3A_1811 = vector.broadcast %rev3A_1810 : i32 to vector<16xi32>
      %rev3A_1812 = tpu.iota {dimensions = array<i32: 0>} : vector<16xi32>
      %rev3A_1813 = arith.subi %rev3A_1811, %rev3A_1812 : vector<16xi32>
      %rev3A_1814 = tpu.dynamic_gather %get3A_1300[%rev3A_1813] in [0] : vector<16xf32>, vector<16xi32> -> vector<16xf32>
      %rev3A_1815 = arith.constant 15 : i32
      %rev3A_1816 = vector.broadcast %rev3A_1815 : i32 to vector<16xi32>
      %rev3A_1817 = tpu.iota {dimensions = array<i32: 0>} : vector<16xi32>
      %rev3A_1818 = arith.subi %rev3A_1816, %rev3A_1817 : vector<16xi32>
      %rev3A_1819 = tpu.dynamic_gather %bitcast3A_1305[%rev3A_1818] in [0] : vector<16xi32>, vector<16xi32> -> vector<16xi32>
      %gt3A_1820 = arith.cmpf ogt, %get3A_1237, %rev3A_1814 : vector<16xf32>
      %eq3A_1821 = arith.cmpf oeq, %get3A_1237, %rev3A_1814 : vector<16xf32>
      %lt3A_1822 = arith.cmpi slt, %bitcast3A_1242, %rev3A_1819 : vector<16xi32>
      %and3A_1823 = arith.andi %eq3A_1821, %lt3A_1822 : vector<16xi1>
      %or3A_1824 = arith.ori %gt3A_1820, %and3A_1823 : vector<16xi1>
      %select_n3A_1825 = arith.select %or3A_1824, %get3A_1237, %rev3A_1814 : vector<16xi1>, vector<16xf32>
      %select_n3A_1826 = arith.select %or3A_1824, %bitcast3A_1242, %rev3A_1819 : vector<16xi1>, vector<16xi32>
      %rev3A_1827 = arith.constant 15 : i32
      %rev3A_1828 = vector.broadcast %rev3A_1827 : i32 to vector<16xi32>
      %rev3A_1829 = tpu.iota {dimensions = array<i32: 0>} : vector<16xi32>
      %rev3A_1830 = arith.subi %rev3A_1828, %rev3A_1829 : vector<16xi32>
      %rev3A_1831 = tpu.dynamic_gather %get3A_1291[%rev3A_1830] in [0] : vector<16xf32>, vector<16xi32> -> vector<16xf32>
      %rev3A_1832 = arith.constant 15 : i32
      %rev3A_1833 = vector.broadcast %rev3A_1832 : i32 to vector<16xi32>
      %rev3A_1834 = tpu.iota {dimensions = array<i32: 0>} : vector<16xi32>
      %rev3A_1835 = arith.subi %rev3A_1833, %rev3A_1834 : vector<16xi32>
      %rev3A_1836 = tpu.dynamic_gather %bitcast3A_1296[%rev3A_1835] in [0] : vector<16xi32>, vector<16xi32> -> vector<16xi32>
      %gt3A_1837 = arith.cmpf ogt, %get3A_1246, %rev3A_1831 : vector<16xf32>
      %eq3A_1838 = arith.cmpf oeq, %get3A_1246, %rev3A_1831 : vector<16xf32>
      %lt3A_1839 = arith.cmpi slt, %bitcast3A_1251, %rev3A_1836 : vector<16xi32>
      %and3A_1840 = arith.andi %eq3A_1838, %lt3A_1839 : vector<16xi1>
      %or3A_1841 = arith.ori %gt3A_1837, %and3A_1840 : vector<16xi1>
      %select_n3A_1842 = arith.select %or3A_1841, %get3A_1246, %rev3A_1831 : vector<16xi1>, vector<16xf32>
      %select_n3A_1843 = arith.select %or3A_1841, %bitcast3A_1251, %rev3A_1836 : vector<16xi1>, vector<16xi32>
      %rev3A_1844 = arith.constant 15 : i32
      %rev3A_1845 = vector.broadcast %rev3A_1844 : i32 to vector<16xi32>
      %rev3A_1846 = tpu.iota {dimensions = array<i32: 0>} : vector<16xi32>
      %rev3A_1847 = arith.subi %rev3A_1845, %rev3A_1846 : vector<16xi32>
      %rev3A_1848 = tpu.dynamic_gather %get3A_1282[%rev3A_1847] in [0] : vector<16xf32>, vector<16xi32> -> vector<16xf32>
      %rev3A_1849 = arith.constant 15 : i32
      %rev3A_1850 = vector.broadcast %rev3A_1849 : i32 to vector<16xi32>
      %rev3A_1851 = tpu.iota {dimensions = array<i32: 0>} : vector<16xi32>
      %rev3A_1852 = arith.subi %rev3A_1850, %rev3A_1851 : vector<16xi32>
      %rev3A_1853 = tpu.dynamic_gather %bitcast3A_1287[%rev3A_1852] in [0] : vector<16xi32>, vector<16xi32> -> vector<16xi32>
      %gt3A_1854 = arith.cmpf ogt, %get3A_1255, %rev3A_1848 : vector<16xf32>
      %eq3A_1855 = arith.cmpf oeq, %get3A_1255, %rev3A_1848 : vector<16xf32>
      %lt3A_1856 = arith.cmpi slt, %bitcast3A_1260, %rev3A_1853 : vector<16xi32>
      %and3A_1857 = arith.andi %eq3A_1855, %lt3A_1856 : vector<16xi1>
      %or3A_1858 = arith.ori %gt3A_1854, %and3A_1857 : vector<16xi1>
      %select_n3A_1859 = arith.select %or3A_1858, %get3A_1255, %rev3A_1848 : vector<16xi1>, vector<16xf32>
      %select_n3A_1860 = arith.select %or3A_1858, %bitcast3A_1260, %rev3A_1853 : vector<16xi1>, vector<16xi32>
      %rev3A_1861 = arith.constant 15 : i32
      %rev3A_1862 = vector.broadcast %rev3A_1861 : i32 to vector<16xi32>
      %rev3A_1863 = tpu.iota {dimensions = array<i32: 0>} : vector<16xi32>
      %rev3A_1864 = arith.subi %rev3A_1862, %rev3A_1863 : vector<16xi32>
      %rev3A_1865 = tpu.dynamic_gather %get3A_1273[%rev3A_1864] in [0] : vector<16xf32>, vector<16xi32> -> vector<16xf32>
      %rev3A_1866 = arith.constant 15 : i32
      %rev3A_1867 = vector.broadcast %rev3A_1866 : i32 to vector<16xi32>
      %rev3A_1868 = tpu.iota {dimensions = array<i32: 0>} : vector<16xi32>
      %rev3A_1869 = arith.subi %rev3A_1867, %rev3A_1868 : vector<16xi32>
      %rev3A_1870 = tpu.dynamic_gather %bitcast3A_1278[%rev3A_1869] in [0] : vector<16xi32>, vector<16xi32> -> vector<16xi32>
      %gt3A_1871 = arith.cmpf ogt, %get3A_1264, %rev3A_1865 : vector<16xf32>
      %eq3A_1872 = arith.cmpf oeq, %get3A_1264, %rev3A_1865 : vector<16xf32>
      %lt3A_1873 = arith.cmpi slt, %bitcast3A_1269, %rev3A_1870 : vector<16xi32>
      %and3A_1874 = arith.andi %eq3A_1872, %lt3A_1873 : vector<16xi1>
      %or3A_1875 = arith.ori %gt3A_1871, %and3A_1874 : vector<16xi1>
      %select_n3A_1876 = arith.select %or3A_1875, %get3A_1264, %rev3A_1865 : vector<16xi1>, vector<16xf32>
      %select_n3A_1877 = arith.select %or3A_1875, %bitcast3A_1269, %rev3A_1870 : vector<16xi1>, vector<16xi32>
      %gt3A_1878 = arith.cmpf ogt, %select_n3A_1825, %select_n3A_1859 : vector<16xf32>
      %eq3A_1879 = arith.cmpf oeq, %select_n3A_1825, %select_n3A_1859 : vector<16xf32>
      %lt3A_1880 = arith.cmpi slt, %select_n3A_1826, %select_n3A_1860 : vector<16xi32>
      %and3A_1881 = arith.andi %eq3A_1879, %lt3A_1880 : vector<16xi1>
      %or3A_1882 = arith.ori %gt3A_1878, %and3A_1881 : vector<16xi1>
      %select_n3A_1883 = arith.select %or3A_1882, %select_n3A_1825, %select_n3A_1859 : vector<16xi1>, vector<16xf32>
      %select_n3A_1884 = arith.select %or3A_1882, %select_n3A_1826, %select_n3A_1860 : vector<16xi1>, vector<16xi32>
      %select_n3A_1885 = arith.select %or3A_1882, %select_n3A_1859, %select_n3A_1825 : vector<16xi1>, vector<16xf32>
      %select_n3A_1886 = arith.select %or3A_1882, %select_n3A_1860, %select_n3A_1826 : vector<16xi1>, vector<16xi32>
      %gt3A_1887 = arith.cmpf ogt, %select_n3A_1842, %select_n3A_1876 : vector<16xf32>
      %eq3A_1888 = arith.cmpf oeq, %select_n3A_1842, %select_n3A_1876 : vector<16xf32>
      %lt3A_1889 = arith.cmpi slt, %select_n3A_1843, %select_n3A_1877 : vector<16xi32>
      %and3A_1890 = arith.andi %eq3A_1888, %lt3A_1889 : vector<16xi1>
      %or3A_1891 = arith.ori %gt3A_1887, %and3A_1890 : vector<16xi1>
      %select_n3A_1892 = arith.select %or3A_1891, %select_n3A_1842, %select_n3A_1876 : vector<16xi1>, vector<16xf32>
      %select_n3A_1893 = arith.select %or3A_1891, %select_n3A_1843, %select_n3A_1877 : vector<16xi1>, vector<16xi32>
      %select_n3A_1894 = arith.select %or3A_1891, %select_n3A_1876, %select_n3A_1842 : vector<16xi1>, vector<16xf32>
      %select_n3A_1895 = arith.select %or3A_1891, %select_n3A_1877, %select_n3A_1843 : vector<16xi1>, vector<16xi32>
      %gt3A_1896 = arith.cmpf ogt, %select_n3A_1883, %select_n3A_1892 : vector<16xf32>
      %eq3A_1897 = arith.cmpf oeq, %select_n3A_1883, %select_n3A_1892 : vector<16xf32>
      %lt3A_1898 = arith.cmpi slt, %select_n3A_1884, %select_n3A_1893 : vector<16xi32>
      %and3A_1899 = arith.andi %eq3A_1897, %lt3A_1898 : vector<16xi1>
      %or3A_1900 = arith.ori %gt3A_1896, %and3A_1899 : vector<16xi1>
      %select_n3A_1901 = arith.select %or3A_1900, %select_n3A_1883, %select_n3A_1892 : vector<16xi1>, vector<16xf32>
      %select_n3A_1902 = arith.select %or3A_1900, %select_n3A_1884, %select_n3A_1893 : vector<16xi1>, vector<16xi32>
      %select_n3A_1903 = arith.select %or3A_1900, %select_n3A_1892, %select_n3A_1883 : vector<16xi1>, vector<16xf32>
      %select_n3A_1904 = arith.select %or3A_1900, %select_n3A_1893, %select_n3A_1884 : vector<16xi1>, vector<16xi32>
      %gt3A_1905 = arith.cmpf ogt, %select_n3A_1885, %select_n3A_1894 : vector<16xf32>
      %eq3A_1906 = arith.cmpf oeq, %select_n3A_1885, %select_n3A_1894 : vector<16xf32>
      %lt3A_1907 = arith.cmpi slt, %select_n3A_1886, %select_n3A_1895 : vector<16xi32>
      %and3A_1908 = arith.andi %eq3A_1906, %lt3A_1907 : vector<16xi1>
      %or3A_1909 = arith.ori %gt3A_1905, %and3A_1908 : vector<16xi1>
      %select_n3A_1910 = arith.select %or3A_1909, %select_n3A_1885, %select_n3A_1894 : vector<16xi1>, vector<16xf32>
      %select_n3A_1911 = arith.select %or3A_1909, %select_n3A_1886, %select_n3A_1895 : vector<16xi1>, vector<16xi32>
      %select_n3A_1912 = arith.select %or3A_1909, %select_n3A_1894, %select_n3A_1885 : vector<16xi1>, vector<16xf32>
      %select_n3A_1913 = arith.select %or3A_1909, %select_n3A_1895, %select_n3A_1886 : vector<16xi1>, vector<16xi32>
      %masked_sort3A_1914 = arith.constant dense<true> : vector<16xi1>
      %masked_sort3A_1915, %masked_sort3A_1916, %masked_sort3A_1917 = tpu.sort %select_n3A_1901, %select_n3A_1902 masked %masked_sort3A_1914 {descending = true} : (vector<16xf32>, vector<16xi32>, vector<16xi1>) -> (vector<16xi1>, vector<16xf32>, vector<16xi32>)
      %masked_sort3A_1918 = arith.constant dense<true> : vector<16xi1>
      %masked_sort3A_1919, %masked_sort3A_1920, %masked_sort3A_1921 = tpu.sort %select_n3A_1903, %select_n3A_1904 masked %masked_sort3A_1918 {descending = true} : (vector<16xf32>, vector<16xi32>, vector<16xi1>) -> (vector<16xi1>, vector<16xf32>, vector<16xi32>)
      %masked_sort3A_1922 = arith.constant dense<true> : vector<16xi1>
      %masked_sort3A_1923, %masked_sort3A_1924, %masked_sort3A_1925 = tpu.sort %select_n3A_1910, %select_n3A_1911 masked %masked_sort3A_1922 {descending = true} : (vector<16xf32>, vector<16xi32>, vector<16xi1>) -> (vector<16xi1>, vector<16xf32>, vector<16xi32>)
      %masked_sort3A_1926 = arith.constant dense<true> : vector<16xi1>
      %masked_sort3A_1927, %masked_sort3A_1928, %masked_sort3A_1929 = tpu.sort %select_n3A_1912, %select_n3A_1913 masked %masked_sort3A_1926 {descending = true} : (vector<16xf32>, vector<16xi32>, vector<16xi1>) -> (vector<16xi1>, vector<16xf32>, vector<16xi32>)
      %rev3A_1930 = arith.constant 15 : i32
      %rev3A_1931 = vector.broadcast %rev3A_1930 : i32 to vector<16xi32>
      %rev3A_1932 = tpu.iota {dimensions = array<i32: 0>} : vector<16xi32>
      %rev3A_1933 = arith.subi %rev3A_1931, %rev3A_1932 : vector<16xi32>
      %rev3A_1934 = tpu.dynamic_gather %get3A_1372[%rev3A_1933] in [0] : vector<16xf32>, vector<16xi32> -> vector<16xf32>
      %rev3A_1935 = arith.constant 15 : i32
      %rev3A_1936 = vector.broadcast %rev3A_1935 : i32 to vector<16xi32>
      %rev3A_1937 = tpu.iota {dimensions = array<i32: 0>} : vector<16xi32>
      %rev3A_1938 = arith.subi %rev3A_1936, %rev3A_1937 : vector<16xi32>
      %rev3A_1939 = tpu.dynamic_gather %bitcast3A_1377[%rev3A_1938] in [0] : vector<16xi32>, vector<16xi32> -> vector<16xi32>
      %gt3A_1940 = arith.cmpf ogt, %get3A_1309, %rev3A_1934 : vector<16xf32>
      %eq3A_1941 = arith.cmpf oeq, %get3A_1309, %rev3A_1934 : vector<16xf32>
      %lt3A_1942 = arith.cmpi slt, %bitcast3A_1314, %rev3A_1939 : vector<16xi32>
      %and3A_1943 = arith.andi %eq3A_1941, %lt3A_1942 : vector<16xi1>
      %or3A_1944 = arith.ori %gt3A_1940, %and3A_1943 : vector<16xi1>
      %select_n3A_1945 = arith.select %or3A_1944, %get3A_1309, %rev3A_1934 : vector<16xi1>, vector<16xf32>
      %select_n3A_1946 = arith.select %or3A_1944, %bitcast3A_1314, %rev3A_1939 : vector<16xi1>, vector<16xi32>
      %rev3A_1947 = arith.constant 15 : i32
      %rev3A_1948 = vector.broadcast %rev3A_1947 : i32 to vector<16xi32>
      %rev3A_1949 = tpu.iota {dimensions = array<i32: 0>} : vector<16xi32>
      %rev3A_1950 = arith.subi %rev3A_1948, %rev3A_1949 : vector<16xi32>
      %rev3A_1951 = tpu.dynamic_gather %get3A_1363[%rev3A_1950] in [0] : vector<16xf32>, vector<16xi32> -> vector<16xf32>
      %rev3A_1952 = arith.constant 15 : i32
      %rev3A_1953 = vector.broadcast %rev3A_1952 : i32 to vector<16xi32>
      %rev3A_1954 = tpu.iota {dimensions = array<i32: 0>} : vector<16xi32>
      %rev3A_1955 = arith.subi %rev3A_1953, %rev3A_1954 : vector<16xi32>
      %rev3A_1956 = tpu.dynamic_gather %bitcast3A_1368[%rev3A_1955] in [0] : vector<16xi32>, vector<16xi32> -> vector<16xi32>
      %gt3A_1957 = arith.cmpf ogt, %get3A_1318, %rev3A_1951 : vector<16xf32>
      %eq3A_1958 = arith.cmpf oeq, %get3A_1318, %rev3A_1951 : vector<16xf32>
      %lt3A_1959 = arith.cmpi slt, %bitcast3A_1323, %rev3A_1956 : vector<16xi32>
      %and3A_1960 = arith.andi %eq3A_1958, %lt3A_1959 : vector<16xi1>
      %or3A_1961 = arith.ori %gt3A_1957, %and3A_1960 : vector<16xi1>
      %select_n3A_1962 = arith.select %or3A_1961, %get3A_1318, %rev3A_1951 : vector<16xi1>, vector<16xf32>
      %select_n3A_1963 = arith.select %or3A_1961, %bitcast3A_1323, %rev3A_1956 : vector<16xi1>, vector<16xi32>
      %rev3A_1964 = arith.constant 15 : i32
      %rev3A_1965 = vector.broadcast %rev3A_1964 : i32 to vector<16xi32>
      %rev3A_1966 = tpu.iota {dimensions = array<i32: 0>} : vector<16xi32>
      %rev3A_1967 = arith.subi %rev3A_1965, %rev3A_1966 : vector<16xi32>
      %rev3A_1968 = tpu.dynamic_gather %get3A_1354[%rev3A_1967] in [0] : vector<16xf32>, vector<16xi32> -> vector<16xf32>
      %rev3A_1969 = arith.constant 15 : i32
      %rev3A_1970 = vector.broadcast %rev3A_1969 : i32 to vector<16xi32>
      %rev3A_1971 = tpu.iota {dimensions = array<i32: 0>} : vector<16xi32>
      %rev3A_1972 = arith.subi %rev3A_1970, %rev3A_1971 : vector<16xi32>
      %rev3A_1973 = tpu.dynamic_gather %bitcast3A_1359[%rev3A_1972] in [0] : vector<16xi32>, vector<16xi32> -> vector<16xi32>
      %gt3A_1974 = arith.cmpf ogt, %get3A_1327, %rev3A_1968 : vector<16xf32>
      %eq3A_1975 = arith.cmpf oeq, %get3A_1327, %rev3A_1968 : vector<16xf32>
      %lt3A_1976 = arith.cmpi slt, %bitcast3A_1332, %rev3A_1973 : vector<16xi32>
      %and3A_1977 = arith.andi %eq3A_1975, %lt3A_1976 : vector<16xi1>
      %or3A_1978 = arith.ori %gt3A_1974, %and3A_1977 : vector<16xi1>
      %select_n3A_1979 = arith.select %or3A_1978, %get3A_1327, %rev3A_1968 : vector<16xi1>, vector<16xf32>
      %select_n3A_1980 = arith.select %or3A_1978, %bitcast3A_1332, %rev3A_1973 : vector<16xi1>, vector<16xi32>
      %rev3A_1981 = arith.constant 15 : i32
      %rev3A_1982 = vector.broadcast %rev3A_1981 : i32 to vector<16xi32>
      %rev3A_1983 = tpu.iota {dimensions = array<i32: 0>} : vector<16xi32>
      %rev3A_1984 = arith.subi %rev3A_1982, %rev3A_1983 : vector<16xi32>
      %rev3A_1985 = tpu.dynamic_gather %get3A_1345[%rev3A_1984] in [0] : vector<16xf32>, vector<16xi32> -> vector<16xf32>
      %rev3A_1986 = arith.constant 15 : i32
      %rev3A_1987 = vector.broadcast %rev3A_1986 : i32 to vector<16xi32>
      %rev3A_1988 = tpu.iota {dimensions = array<i32: 0>} : vector<16xi32>
      %rev3A_1989 = arith.subi %rev3A_1987, %rev3A_1988 : vector<16xi32>
      %rev3A_1990 = tpu.dynamic_gather %bitcast3A_1350[%rev3A_1989] in [0] : vector<16xi32>, vector<16xi32> -> vector<16xi32>
      %gt3A_1991 = arith.cmpf ogt, %get3A_1336, %rev3A_1985 : vector<16xf32>
      %eq3A_1992 = arith.cmpf oeq, %get3A_1336, %rev3A_1985 : vector<16xf32>
      %lt3A_1993 = arith.cmpi slt, %bitcast3A_1341, %rev3A_1990 : vector<16xi32>
      %and3A_1994 = arith.andi %eq3A_1992, %lt3A_1993 : vector<16xi1>
      %or3A_1995 = arith.ori %gt3A_1991, %and3A_1994 : vector<16xi1>
      %select_n3A_1996 = arith.select %or3A_1995, %get3A_1336, %rev3A_1985 : vector<16xi1>, vector<16xf32>
      %select_n3A_1997 = arith.select %or3A_1995, %bitcast3A_1341, %rev3A_1990 : vector<16xi1>, vector<16xi32>
      %gt3A_1998 = arith.cmpf ogt, %select_n3A_1945, %select_n3A_1979 : vector<16xf32>
      %eq3A_1999 = arith.cmpf oeq, %select_n3A_1945, %select_n3A_1979 : vector<16xf32>
      %lt3A_2000 = arith.cmpi slt, %select_n3A_1946, %select_n3A_1980 : vector<16xi32>
      %and3A_2001 = arith.andi %eq3A_1999, %lt3A_2000 : vector<16xi1>
      %or3A_2002 = arith.ori %gt3A_1998, %and3A_2001 : vector<16xi1>
      %select_n3A_2003 = arith.select %or3A_2002, %select_n3A_1945, %select_n3A_1979 : vector<16xi1>, vector<16xf32>
      %select_n3A_2004 = arith.select %or3A_2002, %select_n3A_1946, %select_n3A_1980 : vector<16xi1>, vector<16xi32>
      %select_n3A_2005 = arith.select %or3A_2002, %select_n3A_1979, %select_n3A_1945 : vector<16xi1>, vector<16xf32>
      %select_n3A_2006 = arith.select %or3A_2002, %select_n3A_1980, %select_n3A_1946 : vector<16xi1>, vector<16xi32>
      %gt3A_2007 = arith.cmpf ogt, %select_n3A_1962, %select_n3A_1996 : vector<16xf32>
      %eq3A_2008 = arith.cmpf oeq, %select_n3A_1962, %select_n3A_1996 : vector<16xf32>
      %lt3A_2009 = arith.cmpi slt, %select_n3A_1963, %select_n3A_1997 : vector<16xi32>
      %and3A_2010 = arith.andi %eq3A_2008, %lt3A_2009 : vector<16xi1>
      %or3A_2011 = arith.ori %gt3A_2007, %and3A_2010 : vector<16xi1>
      %select_n3A_2012 = arith.select %or3A_2011, %select_n3A_1962, %select_n3A_1996 : vector<16xi1>, vector<16xf32>
      %select_n3A_2013 = arith.select %or3A_2011, %select_n3A_1963, %select_n3A_1997 : vector<16xi1>, vector<16xi32>
      %select_n3A_2014 = arith.select %or3A_2011, %select_n3A_1996, %select_n3A_1962 : vector<16xi1>, vector<16xf32>
      %select_n3A_2015 = arith.select %or3A_2011, %select_n3A_1997, %select_n3A_1963 : vector<16xi1>, vector<16xi32>
      %gt3A_2016 = arith.cmpf ogt, %select_n3A_2003, %select_n3A_2012 : vector<16xf32>
      %eq3A_2017 = arith.cmpf oeq, %select_n3A_2003, %select_n3A_2012 : vector<16xf32>
      %lt3A_2018 = arith.cmpi slt, %select_n3A_2004, %select_n3A_2013 : vector<16xi32>
      %and3A_2019 = arith.andi %eq3A_2017, %lt3A_2018 : vector<16xi1>
      %or3A_2020 = arith.ori %gt3A_2016, %and3A_2019 : vector<16xi1>
      %select_n3A_2021 = arith.select %or3A_2020, %select_n3A_2003, %select_n3A_2012 : vector<16xi1>, vector<16xf32>
      %select_n3A_2022 = arith.select %or3A_2020, %select_n3A_2004, %select_n3A_2013 : vector<16xi1>, vector<16xi32>
      %select_n3A_2023 = arith.select %or3A_2020, %select_n3A_2012, %select_n3A_2003 : vector<16xi1>, vector<16xf32>
      %select_n3A_2024 = arith.select %or3A_2020, %select_n3A_2013, %select_n3A_2004 : vector<16xi1>, vector<16xi32>
      %gt3A_2025 = arith.cmpf ogt, %select_n3A_2005, %select_n3A_2014 : vector<16xf32>
      %eq3A_2026 = arith.cmpf oeq, %select_n3A_2005, %select_n3A_2014 : vector<16xf32>
      %lt3A_2027 = arith.cmpi slt, %select_n3A_2006, %select_n3A_2015 : vector<16xi32>
      %and3A_2028 = arith.andi %eq3A_2026, %lt3A_2027 : vector<16xi1>
      %or3A_2029 = arith.ori %gt3A_2025, %and3A_2028 : vector<16xi1>
      %select_n3A_2030 = arith.select %or3A_2029, %select_n3A_2005, %select_n3A_2014 : vector<16xi1>, vector<16xf32>
      %select_n3A_2031 = arith.select %or3A_2029, %select_n3A_2006, %select_n3A_2015 : vector<16xi1>, vector<16xi32>
      %select_n3A_2032 = arith.select %or3A_2029, %select_n3A_2014, %select_n3A_2005 : vector<16xi1>, vector<16xf32>
      %select_n3A_2033 = arith.select %or3A_2029, %select_n3A_2015, %select_n3A_2006 : vector<16xi1>, vector<16xi32>
      %masked_sort3A_2034 = arith.constant dense<true> : vector<16xi1>
      %masked_sort3A_2035, %masked_sort3A_2036, %masked_sort3A_2037 = tpu.sort %select_n3A_2021, %select_n3A_2022 masked %masked_sort3A_2034 {descending = true} : (vector<16xf32>, vector<16xi32>, vector<16xi1>) -> (vector<16xi1>, vector<16xf32>, vector<16xi32>)
      %masked_sort3A_2038 = arith.constant dense<true> : vector<16xi1>
      %masked_sort3A_2039, %masked_sort3A_2040, %masked_sort3A_2041 = tpu.sort %select_n3A_2023, %select_n3A_2024 masked %masked_sort3A_2038 {descending = true} : (vector<16xf32>, vector<16xi32>, vector<16xi1>) -> (vector<16xi1>, vector<16xf32>, vector<16xi32>)
      %masked_sort3A_2042 = arith.constant dense<true> : vector<16xi1>
      %masked_sort3A_2043, %masked_sort3A_2044, %masked_sort3A_2045 = tpu.sort %select_n3A_2030, %select_n3A_2031 masked %masked_sort3A_2042 {descending = true} : (vector<16xf32>, vector<16xi32>, vector<16xi1>) -> (vector<16xi1>, vector<16xf32>, vector<16xi32>)
      %masked_sort3A_2046 = arith.constant dense<true> : vector<16xi1>
      %masked_sort3A_2047, %masked_sort3A_2048, %masked_sort3A_2049 = tpu.sort %select_n3A_2032, %select_n3A_2033 masked %masked_sort3A_2046 {descending = true} : (vector<16xf32>, vector<16xi32>, vector<16xi1>) -> (vector<16xi1>, vector<16xf32>, vector<16xi32>)
      %rev3A_2050 = arith.constant 15 : i32
      %rev3A_2051 = vector.broadcast %rev3A_2050 : i32 to vector<16xi32>
      %rev3A_2052 = tpu.iota {dimensions = array<i32: 0>} : vector<16xi32>
      %rev3A_2053 = arith.subi %rev3A_2051, %rev3A_2052 : vector<16xi32>
      %rev3A_2054 = tpu.dynamic_gather %get3A_1444[%rev3A_2053] in [0] : vector<16xf32>, vector<16xi32> -> vector<16xf32>
      %rev3A_2055 = arith.constant 15 : i32
      %rev3A_2056 = vector.broadcast %rev3A_2055 : i32 to vector<16xi32>
      %rev3A_2057 = tpu.iota {dimensions = array<i32: 0>} : vector<16xi32>
      %rev3A_2058 = arith.subi %rev3A_2056, %rev3A_2057 : vector<16xi32>
      %rev3A_2059 = tpu.dynamic_gather %bitcast3A_1449[%rev3A_2058] in [0] : vector<16xi32>, vector<16xi32> -> vector<16xi32>
      %gt3A_2060 = arith.cmpf ogt, %get3A_1381, %rev3A_2054 : vector<16xf32>
      %eq3A_2061 = arith.cmpf oeq, %get3A_1381, %rev3A_2054 : vector<16xf32>
      %lt3A_2062 = arith.cmpi slt, %bitcast3A_1386, %rev3A_2059 : vector<16xi32>
      %and3A_2063 = arith.andi %eq3A_2061, %lt3A_2062 : vector<16xi1>
      %or3A_2064 = arith.ori %gt3A_2060, %and3A_2063 : vector<16xi1>
      %select_n3A_2065 = arith.select %or3A_2064, %get3A_1381, %rev3A_2054 : vector<16xi1>, vector<16xf32>
      %select_n3A_2066 = arith.select %or3A_2064, %bitcast3A_1386, %rev3A_2059 : vector<16xi1>, vector<16xi32>
      %rev3A_2067 = arith.constant 15 : i32
      %rev3A_2068 = vector.broadcast %rev3A_2067 : i32 to vector<16xi32>
      %rev3A_2069 = tpu.iota {dimensions = array<i32: 0>} : vector<16xi32>
      %rev3A_2070 = arith.subi %rev3A_2068, %rev3A_2069 : vector<16xi32>
      %rev3A_2071 = tpu.dynamic_gather %get3A_1435[%rev3A_2070] in [0] : vector<16xf32>, vector<16xi32> -> vector<16xf32>
      %rev3A_2072 = arith.constant 15 : i32
      %rev3A_2073 = vector.broadcast %rev3A_2072 : i32 to vector<16xi32>
      %rev3A_2074 = tpu.iota {dimensions = array<i32: 0>} : vector<16xi32>
      %rev3A_2075 = arith.subi %rev3A_2073, %rev3A_2074 : vector<16xi32>
      %rev3A_2076 = tpu.dynamic_gather %bitcast3A_1440[%rev3A_2075] in [0] : vector<16xi32>, vector<16xi32> -> vector<16xi32>
      %gt3A_2077 = arith.cmpf ogt, %get3A_1390, %rev3A_2071 : vector<16xf32>
      %eq3A_2078 = arith.cmpf oeq, %get3A_1390, %rev3A_2071 : vector<16xf32>
      %lt3A_2079 = arith.cmpi slt, %bitcast3A_1395, %rev3A_2076 : vector<16xi32>
      %and3A_2080 = arith.andi %eq3A_2078, %lt3A_2079 : vector<16xi1>
      %or3A_2081 = arith.ori %gt3A_2077, %and3A_2080 : vector<16xi1>
      %select_n3A_2082 = arith.select %or3A_2081, %get3A_1390, %rev3A_2071 : vector<16xi1>, vector<16xf32>
      %select_n3A_2083 = arith.select %or3A_2081, %bitcast3A_1395, %rev3A_2076 : vector<16xi1>, vector<16xi32>
      %rev3A_2084 = arith.constant 15 : i32
      %rev3A_2085 = vector.broadcast %rev3A_2084 : i32 to vector<16xi32>
      %rev3A_2086 = tpu.iota {dimensions = array<i32: 0>} : vector<16xi32>
      %rev3A_2087 = arith.subi %rev3A_2085, %rev3A_2086 : vector<16xi32>
      %rev3A_2088 = tpu.dynamic_gather %get3A_1426[%rev3A_2087] in [0] : vector<16xf32>, vector<16xi32> -> vector<16xf32>
      %rev3A_2089 = arith.constant 15 : i32
      %rev3A_2090 = vector.broadcast %rev3A_2089 : i32 to vector<16xi32>
      %rev3A_2091 = tpu.iota {dimensions = array<i32: 0>} : vector<16xi32>
      %rev3A_2092 = arith.subi %rev3A_2090, %rev3A_2091 : vector<16xi32>
      %rev3A_2093 = tpu.dynamic_gather %bitcast3A_1431[%rev3A_2092] in [0] : vector<16xi32>, vector<16xi32> -> vector<16xi32>
      %gt3A_2094 = arith.cmpf ogt, %get3A_1399, %rev3A_2088 : vector<16xf32>
      %eq3A_2095 = arith.cmpf oeq, %get3A_1399, %rev3A_2088 : vector<16xf32>
      %lt3A_2096 = arith.cmpi slt, %bitcast3A_1404, %rev3A_2093 : vector<16xi32>
      %and3A_2097 = arith.andi %eq3A_2095, %lt3A_2096 : vector<16xi1>
      %or3A_2098 = arith.ori %gt3A_2094, %and3A_2097 : vector<16xi1>
      %select_n3A_2099 = arith.select %or3A_2098, %get3A_1399, %rev3A_2088 : vector<16xi1>, vector<16xf32>
      %select_n3A_2100 = arith.select %or3A_2098, %bitcast3A_1404, %rev3A_2093 : vector<16xi1>, vector<16xi32>
      %rev3A_2101 = arith.constant 15 : i32
      %rev3A_2102 = vector.broadcast %rev3A_2101 : i32 to vector<16xi32>
      %rev3A_2103 = tpu.iota {dimensions = array<i32: 0>} : vector<16xi32>
      %rev3A_2104 = arith.subi %rev3A_2102, %rev3A_2103 : vector<16xi32>
      %rev3A_2105 = tpu.dynamic_gather %get3A_1417[%rev3A_2104] in [0] : vector<16xf32>, vector<16xi32> -> vector<16xf32>
      %rev3A_2106 = arith.constant 15 : i32
      %rev3A_2107 = vector.broadcast %rev3A_2106 : i32 to vector<16xi32>
      %rev3A_2108 = tpu.iota {dimensions = array<i32: 0>} : vector<16xi32>
      %rev3A_2109 = arith.subi %rev3A_2107, %rev3A_2108 : vector<16xi32>
      %rev3A_2110 = tpu.dynamic_gather %bitcast3A_1422[%rev3A_2109] in [0] : vector<16xi32>, vector<16xi32> -> vector<16xi32>
      %gt3A_2111 = arith.cmpf ogt, %get3A_1408, %rev3A_2105 : vector<16xf32>
      %eq3A_2112 = arith.cmpf oeq, %get3A_1408, %rev3A_2105 : vector<16xf32>
      %lt3A_2113 = arith.cmpi slt, %bitcast3A_1413, %rev3A_2110 : vector<16xi32>
      %and3A_2114 = arith.andi %eq3A_2112, %lt3A_2113 : vector<16xi1>
      %or3A_2115 = arith.ori %gt3A_2111, %and3A_2114 : vector<16xi1>
      %select_n3A_2116 = arith.select %or3A_2115, %get3A_1408, %rev3A_2105 : vector<16xi1>, vector<16xf32>
      %select_n3A_2117 = arith.select %or3A_2115, %bitcast3A_1413, %rev3A_2110 : vector<16xi1>, vector<16xi32>
      %gt3A_2118 = arith.cmpf ogt, %select_n3A_2065, %select_n3A_2099 : vector<16xf32>
      %eq3A_2119 = arith.cmpf oeq, %select_n3A_2065, %select_n3A_2099 : vector<16xf32>
      %lt3A_2120 = arith.cmpi slt, %select_n3A_2066, %select_n3A_2100 : vector<16xi32>
      %and3A_2121 = arith.andi %eq3A_2119, %lt3A_2120 : vector<16xi1>
      %or3A_2122 = arith.ori %gt3A_2118, %and3A_2121 : vector<16xi1>
      %select_n3A_2123 = arith.select %or3A_2122, %select_n3A_2065, %select_n3A_2099 : vector<16xi1>, vector<16xf32>
      %select_n3A_2124 = arith.select %or3A_2122, %select_n3A_2066, %select_n3A_2100 : vector<16xi1>, vector<16xi32>
      %select_n3A_2125 = arith.select %or3A_2122, %select_n3A_2099, %select_n3A_2065 : vector<16xi1>, vector<16xf32>
      %select_n3A_2126 = arith.select %or3A_2122, %select_n3A_2100, %select_n3A_2066 : vector<16xi1>, vector<16xi32>
      %gt3A_2127 = arith.cmpf ogt, %select_n3A_2082, %select_n3A_2116 : vector<16xf32>
      %eq3A_2128 = arith.cmpf oeq, %select_n3A_2082, %select_n3A_2116 : vector<16xf32>
      %lt3A_2129 = arith.cmpi slt, %select_n3A_2083, %select_n3A_2117 : vector<16xi32>
      %and3A_2130 = arith.andi %eq3A_2128, %lt3A_2129 : vector<16xi1>
      %or3A_2131 = arith.ori %gt3A_2127, %and3A_2130 : vector<16xi1>
      %select_n3A_2132 = arith.select %or3A_2131, %select_n3A_2082, %select_n3A_2116 : vector<16xi1>, vector<16xf32>
      %select_n3A_2133 = arith.select %or3A_2131, %select_n3A_2083, %select_n3A_2117 : vector<16xi1>, vector<16xi32>
      %select_n3A_2134 = arith.select %or3A_2131, %select_n3A_2116, %select_n3A_2082 : vector<16xi1>, vector<16xf32>
      %select_n3A_2135 = arith.select %or3A_2131, %select_n3A_2117, %select_n3A_2083 : vector<16xi1>, vector<16xi32>
      %gt3A_2136 = arith.cmpf ogt, %select_n3A_2123, %select_n3A_2132 : vector<16xf32>
      %eq3A_2137 = arith.cmpf oeq, %select_n3A_2123, %select_n3A_2132 : vector<16xf32>
      %lt3A_2138 = arith.cmpi slt, %select_n3A_2124, %select_n3A_2133 : vector<16xi32>
      %and3A_2139 = arith.andi %eq3A_2137, %lt3A_2138 : vector<16xi1>
      %or3A_2140 = arith.ori %gt3A_2136, %and3A_2139 : vector<16xi1>
      %select_n3A_2141 = arith.select %or3A_2140, %select_n3A_2123, %select_n3A_2132 : vector<16xi1>, vector<16xf32>
      %select_n3A_2142 = arith.select %or3A_2140, %select_n3A_2124, %select_n3A_2133 : vector<16xi1>, vector<16xi32>
      %select_n3A_2143 = arith.select %or3A_2140, %select_n3A_2132, %select_n3A_2123 : vector<16xi1>, vector<16xf32>
      %select_n3A_2144 = arith.select %or3A_2140, %select_n3A_2133, %select_n3A_2124 : vector<16xi1>, vector<16xi32>
      %gt3A_2145 = arith.cmpf ogt, %select_n3A_2125, %select_n3A_2134 : vector<16xf32>
      %eq3A_2146 = arith.cmpf oeq, %select_n3A_2125, %select_n3A_2134 : vector<16xf32>
      %lt3A_2147 = arith.cmpi slt, %select_n3A_2126, %select_n3A_2135 : vector<16xi32>
      %and3A_2148 = arith.andi %eq3A_2146, %lt3A_2147 : vector<16xi1>
      %or3A_2149 = arith.ori %gt3A_2145, %and3A_2148 : vector<16xi1>
      %select_n3A_2150 = arith.select %or3A_2149, %select_n3A_2125, %select_n3A_2134 : vector<16xi1>, vector<16xf32>
      %select_n3A_2151 = arith.select %or3A_2149, %select_n3A_2126, %select_n3A_2135 : vector<16xi1>, vector<16xi32>
      %select_n3A_2152 = arith.select %or3A_2149, %select_n3A_2134, %select_n3A_2125 : vector<16xi1>, vector<16xf32>
      %select_n3A_2153 = arith.select %or3A_2149, %select_n3A_2135, %select_n3A_2126 : vector<16xi1>, vector<16xi32>
      %masked_sort3A_2154 = arith.constant dense<true> : vector<16xi1>
      %masked_sort3A_2155, %masked_sort3A_2156, %masked_sort3A_2157 = tpu.sort %select_n3A_2141, %select_n3A_2142 masked %masked_sort3A_2154 {descending = true} : (vector<16xf32>, vector<16xi32>, vector<16xi1>) -> (vector<16xi1>, vector<16xf32>, vector<16xi32>)
      %masked_sort3A_2158 = arith.constant dense<true> : vector<16xi1>
      %masked_sort3A_2159, %masked_sort3A_2160, %masked_sort3A_2161 = tpu.sort %select_n3A_2143, %select_n3A_2144 masked %masked_sort3A_2158 {descending = true} : (vector<16xf32>, vector<16xi32>, vector<16xi1>) -> (vector<16xi1>, vector<16xf32>, vector<16xi32>)
      %masked_sort3A_2162 = arith.constant dense<true> : vector<16xi1>
      %masked_sort3A_2163, %masked_sort3A_2164, %masked_sort3A_2165 = tpu.sort %select_n3A_2150, %select_n3A_2151 masked %masked_sort3A_2162 {descending = true} : (vector<16xf32>, vector<16xi32>, vector<16xi1>) -> (vector<16xi1>, vector<16xf32>, vector<16xi32>)
      %masked_sort3A_2166 = arith.constant dense<true> : vector<16xi1>
      %masked_sort3A_2167, %masked_sort3A_2168, %masked_sort3A_2169 = tpu.sort %select_n3A_2152, %select_n3A_2153 masked %masked_sort3A_2166 {descending = true} : (vector<16xf32>, vector<16xi32>, vector<16xi1>) -> (vector<16xi1>, vector<16xf32>, vector<16xi32>)
      %rev3A_2170 = arith.constant 15 : i32
      %rev3A_2171 = vector.broadcast %rev3A_2170 : i32 to vector<16xi32>
      %rev3A_2172 = tpu.iota {dimensions = array<i32: 0>} : vector<16xi32>
      %rev3A_2173 = arith.subi %rev3A_2171, %rev3A_2172 : vector<16xi32>
      %rev3A_2174 = tpu.dynamic_gather %get3A_1516[%rev3A_2173] in [0] : vector<16xf32>, vector<16xi32> -> vector<16xf32>
      %rev3A_2175 = arith.constant 15 : i32
      %rev3A_2176 = vector.broadcast %rev3A_2175 : i32 to vector<16xi32>
      %rev3A_2177 = tpu.iota {dimensions = array<i32: 0>} : vector<16xi32>
      %rev3A_2178 = arith.subi %rev3A_2176, %rev3A_2177 : vector<16xi32>
      %rev3A_2179 = tpu.dynamic_gather %bitcast3A_1521[%rev3A_2178] in [0] : vector<16xi32>, vector<16xi32> -> vector<16xi32>
      %gt3A_2180 = arith.cmpf ogt, %get3A_1453, %rev3A_2174 : vector<16xf32>
      %eq3A_2181 = arith.cmpf oeq, %get3A_1453, %rev3A_2174 : vector<16xf32>
      %lt3A_2182 = arith.cmpi slt, %bitcast3A_1458, %rev3A_2179 : vector<16xi32>
      %and3A_2183 = arith.andi %eq3A_2181, %lt3A_2182 : vector<16xi1>
      %or3A_2184 = arith.ori %gt3A_2180, %and3A_2183 : vector<16xi1>
      %select_n3A_2185 = arith.select %or3A_2184, %get3A_1453, %rev3A_2174 : vector<16xi1>, vector<16xf32>
      %select_n3A_2186 = arith.select %or3A_2184, %bitcast3A_1458, %rev3A_2179 : vector<16xi1>, vector<16xi32>
      %rev3A_2187 = arith.constant 15 : i32
      %rev3A_2188 = vector.broadcast %rev3A_2187 : i32 to vector<16xi32>
      %rev3A_2189 = tpu.iota {dimensions = array<i32: 0>} : vector<16xi32>
      %rev3A_2190 = arith.subi %rev3A_2188, %rev3A_2189 : vector<16xi32>
      %rev3A_2191 = tpu.dynamic_gather %get3A_1507[%rev3A_2190] in [0] : vector<16xf32>, vector<16xi32> -> vector<16xf32>
      %rev3A_2192 = arith.constant 15 : i32
      %rev3A_2193 = vector.broadcast %rev3A_2192 : i32 to vector<16xi32>
      %rev3A_2194 = tpu.iota {dimensions = array<i32: 0>} : vector<16xi32>
      %rev3A_2195 = arith.subi %rev3A_2193, %rev3A_2194 : vector<16xi32>
      %rev3A_2196 = tpu.dynamic_gather %bitcast3A_1512[%rev3A_2195] in [0] : vector<16xi32>, vector<16xi32> -> vector<16xi32>
      %gt3A_2197 = arith.cmpf ogt, %get3A_1462, %rev3A_2191 : vector<16xf32>
      %eq3A_2198 = arith.cmpf oeq, %get3A_1462, %rev3A_2191 : vector<16xf32>
      %lt3A_2199 = arith.cmpi slt, %bitcast3A_1467, %rev3A_2196 : vector<16xi32>
      %and3A_2200 = arith.andi %eq3A_2198, %lt3A_2199 : vector<16xi1>
      %or3A_2201 = arith.ori %gt3A_2197, %and3A_2200 : vector<16xi1>
      %select_n3A_2202 = arith.select %or3A_2201, %get3A_1462, %rev3A_2191 : vector<16xi1>, vector<16xf32>
      %select_n3A_2203 = arith.select %or3A_2201, %bitcast3A_1467, %rev3A_2196 : vector<16xi1>, vector<16xi32>
      %rev3A_2204 = arith.constant 15 : i32
      %rev3A_2205 = vector.broadcast %rev3A_2204 : i32 to vector<16xi32>
      %rev3A_2206 = tpu.iota {dimensions = array<i32: 0>} : vector<16xi32>
      %rev3A_2207 = arith.subi %rev3A_2205, %rev3A_2206 : vector<16xi32>
      %rev3A_2208 = tpu.dynamic_gather %get3A_1498[%rev3A_2207] in [0] : vector<16xf32>, vector<16xi32> -> vector<16xf32>
      %rev3A_2209 = arith.constant 15 : i32
      %rev3A_2210 = vector.broadcast %rev3A_2209 : i32 to vector<16xi32>
      %rev3A_2211 = tpu.iota {dimensions = array<i32: 0>} : vector<16xi32>
      %rev3A_2212 = arith.subi %rev3A_2210, %rev3A_2211 : vector<16xi32>
      %rev3A_2213 = tpu.dynamic_gather %bitcast3A_1503[%rev3A_2212] in [0] : vector<16xi32>, vector<16xi32> -> vector<16xi32>
      %gt3A_2214 = arith.cmpf ogt, %get3A_1471, %rev3A_2208 : vector<16xf32>
      %eq3A_2215 = arith.cmpf oeq, %get3A_1471, %rev3A_2208 : vector<16xf32>
      %lt3A_2216 = arith.cmpi slt, %bitcast3A_1476, %rev3A_2213 : vector<16xi32>
      %and3A_2217 = arith.andi %eq3A_2215, %lt3A_2216 : vector<16xi1>
      %or3A_2218 = arith.ori %gt3A_2214, %and3A_2217 : vector<16xi1>
      %select_n3A_2219 = arith.select %or3A_2218, %get3A_1471, %rev3A_2208 : vector<16xi1>, vector<16xf32>
      %select_n3A_2220 = arith.select %or3A_2218, %bitcast3A_1476, %rev3A_2213 : vector<16xi1>, vector<16xi32>
      %rev3A_2221 = arith.constant 15 : i32
      %rev3A_2222 = vector.broadcast %rev3A_2221 : i32 to vector<16xi32>
      %rev3A_2223 = tpu.iota {dimensions = array<i32: 0>} : vector<16xi32>
      %rev3A_2224 = arith.subi %rev3A_2222, %rev3A_2223 : vector<16xi32>
      %rev3A_2225 = tpu.dynamic_gather %get3A_1489[%rev3A_2224] in [0] : vector<16xf32>, vector<16xi32> -> vector<16xf32>
      %rev3A_2226 = arith.constant 15 : i32
      %rev3A_2227 = vector.broadcast %rev3A_2226 : i32 to vector<16xi32>
      %rev3A_2228 = tpu.iota {dimensions = array<i32: 0>} : vector<16xi32>
      %rev3A_2229 = arith.subi %rev3A_2227, %rev3A_2228 : vector<16xi32>
      %rev3A_2230 = tpu.dynamic_gather %bitcast3A_1494[%rev3A_2229] in [0] : vector<16xi32>, vector<16xi32> -> vector<16xi32>
      %gt3A_2231 = arith.cmpf ogt, %get3A_1480, %rev3A_2225 : vector<16xf32>
      %eq3A_2232 = arith.cmpf oeq, %get3A_1480, %rev3A_2225 : vector<16xf32>
      %lt3A_2233 = arith.cmpi slt, %bitcast3A_1485, %rev3A_2230 : vector<16xi32>
      %and3A_2234 = arith.andi %eq3A_2232, %lt3A_2233 : vector<16xi1>
      %or3A_2235 = arith.ori %gt3A_2231, %and3A_2234 : vector<16xi1>
      %select_n3A_2236 = arith.select %or3A_2235, %get3A_1480, %rev3A_2225 : vector<16xi1>, vector<16xf32>
      %select_n3A_2237 = arith.select %or3A_2235, %bitcast3A_1485, %rev3A_2230 : vector<16xi1>, vector<16xi32>
      %gt3A_2238 = arith.cmpf ogt, %select_n3A_2185, %select_n3A_2219 : vector<16xf32>
      %eq3A_2239 = arith.cmpf oeq, %select_n3A_2185, %select_n3A_2219 : vector<16xf32>
      %lt3A_2240 = arith.cmpi slt, %select_n3A_2186, %select_n3A_2220 : vector<16xi32>
      %and3A_2241 = arith.andi %eq3A_2239, %lt3A_2240 : vector<16xi1>
      %or3A_2242 = arith.ori %gt3A_2238, %and3A_2241 : vector<16xi1>
      %select_n3A_2243 = arith.select %or3A_2242, %select_n3A_2185, %select_n3A_2219 : vector<16xi1>, vector<16xf32>
      %select_n3A_2244 = arith.select %or3A_2242, %select_n3A_2186, %select_n3A_2220 : vector<16xi1>, vector<16xi32>
      %select_n3A_2245 = arith.select %or3A_2242, %select_n3A_2219, %select_n3A_2185 : vector<16xi1>, vector<16xf32>
      %select_n3A_2246 = arith.select %or3A_2242, %select_n3A_2220, %select_n3A_2186 : vector<16xi1>, vector<16xi32>
      %gt3A_2247 = arith.cmpf ogt, %select_n3A_2202, %select_n3A_2236 : vector<16xf32>
      %eq3A_2248 = arith.cmpf oeq, %select_n3A_2202, %select_n3A_2236 : vector<16xf32>
      %lt3A_2249 = arith.cmpi slt, %select_n3A_2203, %select_n3A_2237 : vector<16xi32>
      %and3A_2250 = arith.andi %eq3A_2248, %lt3A_2249 : vector<16xi1>
      %or3A_2251 = arith.ori %gt3A_2247, %and3A_2250 : vector<16xi1>
      %select_n3A_2252 = arith.select %or3A_2251, %select_n3A_2202, %select_n3A_2236 : vector<16xi1>, vector<16xf32>
      %select_n3A_2253 = arith.select %or3A_2251, %select_n3A_2203, %select_n3A_2237 : vector<16xi1>, vector<16xi32>
      %select_n3A_2254 = arith.select %or3A_2251, %select_n3A_2236, %select_n3A_2202 : vector<16xi1>, vector<16xf32>
      %select_n3A_2255 = arith.select %or3A_2251, %select_n3A_2237, %select_n3A_2203 : vector<16xi1>, vector<16xi32>
      %gt3A_2256 = arith.cmpf ogt, %select_n3A_2243, %select_n3A_2252 : vector<16xf32>
      %eq3A_2257 = arith.cmpf oeq, %select_n3A_2243, %select_n3A_2252 : vector<16xf32>
      %lt3A_2258 = arith.cmpi slt, %select_n3A_2244, %select_n3A_2253 : vector<16xi32>
      %and3A_2259 = arith.andi %eq3A_2257, %lt3A_2258 : vector<16xi1>
      %or3A_2260 = arith.ori %gt3A_2256, %and3A_2259 : vector<16xi1>
      %select_n3A_2261 = arith.select %or3A_2260, %select_n3A_2243, %select_n3A_2252 : vector<16xi1>, vector<16xf32>
      %select_n3A_2262 = arith.select %or3A_2260, %select_n3A_2244, %select_n3A_2253 : vector<16xi1>, vector<16xi32>
      %select_n3A_2263 = arith.select %or3A_2260, %select_n3A_2252, %select_n3A_2243 : vector<16xi1>, vector<16xf32>
      %select_n3A_2264 = arith.select %or3A_2260, %select_n3A_2253, %select_n3A_2244 : vector<16xi1>, vector<16xi32>
      %gt3A_2265 = arith.cmpf ogt, %select_n3A_2245, %select_n3A_2254 : vector<16xf32>
      %eq3A_2266 = arith.cmpf oeq, %select_n3A_2245, %select_n3A_2254 : vector<16xf32>
      %lt3A_2267 = arith.cmpi slt, %select_n3A_2246, %select_n3A_2255 : vector<16xi32>
      %and3A_2268 = arith.andi %eq3A_2266, %lt3A_2267 : vector<16xi1>
      %or3A_2269 = arith.ori %gt3A_2265, %and3A_2268 : vector<16xi1>
      %select_n3A_2270 = arith.select %or3A_2269, %select_n3A_2245, %select_n3A_2254 : vector<16xi1>, vector<16xf32>
      %select_n3A_2271 = arith.select %or3A_2269, %select_n3A_2246, %select_n3A_2255 : vector<16xi1>, vector<16xi32>
      %select_n3A_2272 = arith.select %or3A_2269, %select_n3A_2254, %select_n3A_2245 : vector<16xi1>, vector<16xf32>
      %select_n3A_2273 = arith.select %or3A_2269, %select_n3A_2255, %select_n3A_2246 : vector<16xi1>, vector<16xi32>
      %masked_sort3A_2274 = arith.constant dense<true> : vector<16xi1>
      %masked_sort3A_2275, %masked_sort3A_2276, %masked_sort3A_2277 = tpu.sort %select_n3A_2261, %select_n3A_2262 masked %masked_sort3A_2274 {descending = true} : (vector<16xf32>, vector<16xi32>, vector<16xi1>) -> (vector<16xi1>, vector<16xf32>, vector<16xi32>)
      %masked_sort3A_2278 = arith.constant dense<true> : vector<16xi1>
      %masked_sort3A_2279, %masked_sort3A_2280, %masked_sort3A_2281 = tpu.sort %select_n3A_2263, %select_n3A_2264 masked %masked_sort3A_2278 {descending = true} : (vector<16xf32>, vector<16xi32>, vector<16xi1>) -> (vector<16xi1>, vector<16xf32>, vector<16xi32>)
      %masked_sort3A_2282 = arith.constant dense<true> : vector<16xi1>
      %masked_sort3A_2283, %masked_sort3A_2284, %masked_sort3A_2285 = tpu.sort %select_n3A_2270, %select_n3A_2271 masked %masked_sort3A_2282 {descending = true} : (vector<16xf32>, vector<16xi32>, vector<16xi1>) -> (vector<16xi1>, vector<16xf32>, vector<16xi32>)
      %masked_sort3A_2286 = arith.constant dense<true> : vector<16xi1>
      %masked_sort3A_2287, %masked_sort3A_2288, %masked_sort3A_2289 = tpu.sort %select_n3A_2272, %select_n3A_2273 masked %masked_sort3A_2286 {descending = true} : (vector<16xf32>, vector<16xi32>, vector<16xi1>) -> (vector<16xi1>, vector<16xf32>, vector<16xi32>)
      %rev3A_2290 = arith.constant 15 : i32
      %rev3A_2291 = vector.broadcast %rev3A_2290 : i32 to vector<16xi32>
      %rev3A_2292 = tpu.iota {dimensions = array<i32: 0>} : vector<16xi32>
      %rev3A_2293 = arith.subi %rev3A_2291, %rev3A_2292 : vector<16xi32>
      %rev3A_2294 = tpu.dynamic_gather %get3A_1588[%rev3A_2293] in [0] : vector<16xf32>, vector<16xi32> -> vector<16xf32>
      %rev3A_2295 = arith.constant 15 : i32
      %rev3A_2296 = vector.broadcast %rev3A_2295 : i32 to vector<16xi32>
      %rev3A_2297 = tpu.iota {dimensions = array<i32: 0>} : vector<16xi32>
      %rev3A_2298 = arith.subi %rev3A_2296, %rev3A_2297 : vector<16xi32>
      %rev3A_2299 = tpu.dynamic_gather %bitcast3A_1593[%rev3A_2298] in [0] : vector<16xi32>, vector<16xi32> -> vector<16xi32>
      %gt3A_2300 = arith.cmpf ogt, %get3A_1525, %rev3A_2294 : vector<16xf32>
      %eq3A_2301 = arith.cmpf oeq, %get3A_1525, %rev3A_2294 : vector<16xf32>
      %lt3A_2302 = arith.cmpi slt, %bitcast3A_1530, %rev3A_2299 : vector<16xi32>
      %and3A_2303 = arith.andi %eq3A_2301, %lt3A_2302 : vector<16xi1>
      %or3A_2304 = arith.ori %gt3A_2300, %and3A_2303 : vector<16xi1>
      %select_n3A_2305 = arith.select %or3A_2304, %get3A_1525, %rev3A_2294 : vector<16xi1>, vector<16xf32>
      %select_n3A_2306 = arith.select %or3A_2304, %bitcast3A_1530, %rev3A_2299 : vector<16xi1>, vector<16xi32>
      %rev3A_2307 = arith.constant 15 : i32
      %rev3A_2308 = vector.broadcast %rev3A_2307 : i32 to vector<16xi32>
      %rev3A_2309 = tpu.iota {dimensions = array<i32: 0>} : vector<16xi32>
      %rev3A_2310 = arith.subi %rev3A_2308, %rev3A_2309 : vector<16xi32>
      %rev3A_2311 = tpu.dynamic_gather %get3A_1579[%rev3A_2310] in [0] : vector<16xf32>, vector<16xi32> -> vector<16xf32>
      %rev3A_2312 = arith.constant 15 : i32
      %rev3A_2313 = vector.broadcast %rev3A_2312 : i32 to vector<16xi32>
      %rev3A_2314 = tpu.iota {dimensions = array<i32: 0>} : vector<16xi32>
      %rev3A_2315 = arith.subi %rev3A_2313, %rev3A_2314 : vector<16xi32>
      %rev3A_2316 = tpu.dynamic_gather %bitcast3A_1584[%rev3A_2315] in [0] : vector<16xi32>, vector<16xi32> -> vector<16xi32>
      %gt3A_2317 = arith.cmpf ogt, %get3A_1534, %rev3A_2311 : vector<16xf32>
      %eq3A_2318 = arith.cmpf oeq, %get3A_1534, %rev3A_2311 : vector<16xf32>
      %lt3A_2319 = arith.cmpi slt, %bitcast3A_1539, %rev3A_2316 : vector<16xi32>
      %and3A_2320 = arith.andi %eq3A_2318, %lt3A_2319 : vector<16xi1>
      %or3A_2321 = arith.ori %gt3A_2317, %and3A_2320 : vector<16xi1>
      %select_n3A_2322 = arith.select %or3A_2321, %get3A_1534, %rev3A_2311 : vector<16xi1>, vector<16xf32>
      %select_n3A_2323 = arith.select %or3A_2321, %bitcast3A_1539, %rev3A_2316 : vector<16xi1>, vector<16xi32>
      %rev3A_2324 = arith.constant 15 : i32
      %rev3A_2325 = vector.broadcast %rev3A_2324 : i32 to vector<16xi32>
      %rev3A_2326 = tpu.iota {dimensions = array<i32: 0>} : vector<16xi32>
      %rev3A_2327 = arith.subi %rev3A_2325, %rev3A_2326 : vector<16xi32>
      %rev3A_2328 = tpu.dynamic_gather %get3A_1570[%rev3A_2327] in [0] : vector<16xf32>, vector<16xi32> -> vector<16xf32>
      %rev3A_2329 = arith.constant 15 : i32
      %rev3A_2330 = vector.broadcast %rev3A_2329 : i32 to vector<16xi32>
      %rev3A_2331 = tpu.iota {dimensions = array<i32: 0>} : vector<16xi32>
      %rev3A_2332 = arith.subi %rev3A_2330, %rev3A_2331 : vector<16xi32>
      %rev3A_2333 = tpu.dynamic_gather %bitcast3A_1575[%rev3A_2332] in [0] : vector<16xi32>, vector<16xi32> -> vector<16xi32>
      %gt3A_2334 = arith.cmpf ogt, %get3A_1543, %rev3A_2328 : vector<16xf32>
      %eq3A_2335 = arith.cmpf oeq, %get3A_1543, %rev3A_2328 : vector<16xf32>
      %lt3A_2336 = arith.cmpi slt, %bitcast3A_1548, %rev3A_2333 : vector<16xi32>
      %and3A_2337 = arith.andi %eq3A_2335, %lt3A_2336 : vector<16xi1>
      %or3A_2338 = arith.ori %gt3A_2334, %and3A_2337 : vector<16xi1>
      %select_n3A_2339 = arith.select %or3A_2338, %get3A_1543, %rev3A_2328 : vector<16xi1>, vector<16xf32>
      %select_n3A_2340 = arith.select %or3A_2338, %bitcast3A_1548, %rev3A_2333 : vector<16xi1>, vector<16xi32>
      %rev3A_2341 = arith.constant 15 : i32
      %rev3A_2342 = vector.broadcast %rev3A_2341 : i32 to vector<16xi32>
      %rev3A_2343 = tpu.iota {dimensions = array<i32: 0>} : vector<16xi32>
      %rev3A_2344 = arith.subi %rev3A_2342, %rev3A_2343 : vector<16xi32>
      %rev3A_2345 = tpu.dynamic_gather %get3A_1561[%rev3A_2344] in [0] : vector<16xf32>, vector<16xi32> -> vector<16xf32>
      %rev3A_2346 = arith.constant 15 : i32
      %rev3A_2347 = vector.broadcast %rev3A_2346 : i32 to vector<16xi32>
      %rev3A_2348 = tpu.iota {dimensions = array<i32: 0>} : vector<16xi32>
      %rev3A_2349 = arith.subi %rev3A_2347, %rev3A_2348 : vector<16xi32>
      %rev3A_2350 = tpu.dynamic_gather %bitcast3A_1566[%rev3A_2349] in [0] : vector<16xi32>, vector<16xi32> -> vector<16xi32>
      %gt3A_2351 = arith.cmpf ogt, %get3A_1552, %rev3A_2345 : vector<16xf32>
      %eq3A_2352 = arith.cmpf oeq, %get3A_1552, %rev3A_2345 : vector<16xf32>
      %lt3A_2353 = arith.cmpi slt, %bitcast3A_1557, %rev3A_2350 : vector<16xi32>
      %and3A_2354 = arith.andi %eq3A_2352, %lt3A_2353 : vector<16xi1>
      %or3A_2355 = arith.ori %gt3A_2351, %and3A_2354 : vector<16xi1>
      %select_n3A_2356 = arith.select %or3A_2355, %get3A_1552, %rev3A_2345 : vector<16xi1>, vector<16xf32>
      %select_n3A_2357 = arith.select %or3A_2355, %bitcast3A_1557, %rev3A_2350 : vector<16xi1>, vector<16xi32>
      %gt3A_2358 = arith.cmpf ogt, %select_n3A_2305, %select_n3A_2339 : vector<16xf32>
      %eq3A_2359 = arith.cmpf oeq, %select_n3A_2305, %select_n3A_2339 : vector<16xf32>
      %lt3A_2360 = arith.cmpi slt, %select_n3A_2306, %select_n3A_2340 : vector<16xi32>
      %and3A_2361 = arith.andi %eq3A_2359, %lt3A_2360 : vector<16xi1>
      %or3A_2362 = arith.ori %gt3A_2358, %and3A_2361 : vector<16xi1>
      %select_n3A_2363 = arith.select %or3A_2362, %select_n3A_2305, %select_n3A_2339 : vector<16xi1>, vector<16xf32>
      %select_n3A_2364 = arith.select %or3A_2362, %select_n3A_2306, %select_n3A_2340 : vector<16xi1>, vector<16xi32>
      %select_n3A_2365 = arith.select %or3A_2362, %select_n3A_2339, %select_n3A_2305 : vector<16xi1>, vector<16xf32>
      %select_n3A_2366 = arith.select %or3A_2362, %select_n3A_2340, %select_n3A_2306 : vector<16xi1>, vector<16xi32>
      %gt3A_2367 = arith.cmpf ogt, %select_n3A_2322, %select_n3A_2356 : vector<16xf32>
      %eq3A_2368 = arith.cmpf oeq, %select_n3A_2322, %select_n3A_2356 : vector<16xf32>
      %lt3A_2369 = arith.cmpi slt, %select_n3A_2323, %select_n3A_2357 : vector<16xi32>
      %and3A_2370 = arith.andi %eq3A_2368, %lt3A_2369 : vector<16xi1>
      %or3A_2371 = arith.ori %gt3A_2367, %and3A_2370 : vector<16xi1>
      %select_n3A_2372 = arith.select %or3A_2371, %select_n3A_2322, %select_n3A_2356 : vector<16xi1>, vector<16xf32>
      %select_n3A_2373 = arith.select %or3A_2371, %select_n3A_2323, %select_n3A_2357 : vector<16xi1>, vector<16xi32>
      %select_n3A_2374 = arith.select %or3A_2371, %select_n3A_2356, %select_n3A_2322 : vector<16xi1>, vector<16xf32>
      %select_n3A_2375 = arith.select %or3A_2371, %select_n3A_2357, %select_n3A_2323 : vector<16xi1>, vector<16xi32>
      %gt3A_2376 = arith.cmpf ogt, %select_n3A_2363, %select_n3A_2372 : vector<16xf32>
      %eq3A_2377 = arith.cmpf oeq, %select_n3A_2363, %select_n3A_2372 : vector<16xf32>
      %lt3A_2378 = arith.cmpi slt, %select_n3A_2364, %select_n3A_2373 : vector<16xi32>
      %and3A_2379 = arith.andi %eq3A_2377, %lt3A_2378 : vector<16xi1>
      %or3A_2380 = arith.ori %gt3A_2376, %and3A_2379 : vector<16xi1>
      %select_n3A_2381 = arith.select %or3A_2380, %select_n3A_2363, %select_n3A_2372 : vector<16xi1>, vector<16xf32>
      %select_n3A_2382 = arith.select %or3A_2380, %select_n3A_2364, %select_n3A_2373 : vector<16xi1>, vector<16xi32>
      %select_n3A_2383 = arith.select %or3A_2380, %select_n3A_2372, %select_n3A_2363 : vector<16xi1>, vector<16xf32>
      %select_n3A_2384 = arith.select %or3A_2380, %select_n3A_2373, %select_n3A_2364 : vector<16xi1>, vector<16xi32>
      %gt3A_2385 = arith.cmpf ogt, %select_n3A_2365, %select_n3A_2374 : vector<16xf32>
      %eq3A_2386 = arith.cmpf oeq, %select_n3A_2365, %select_n3A_2374 : vector<16xf32>
      %lt3A_2387 = arith.cmpi slt, %select_n3A_2366, %select_n3A_2375 : vector<16xi32>
      %and3A_2388 = arith.andi %eq3A_2386, %lt3A_2387 : vector<16xi1>
      %or3A_2389 = arith.ori %gt3A_2385, %and3A_2388 : vector<16xi1>
      %select_n3A_2390 = arith.select %or3A_2389, %select_n3A_2365, %select_n3A_2374 : vector<16xi1>, vector<16xf32>
      %select_n3A_2391 = arith.select %or3A_2389, %select_n3A_2366, %select_n3A_2375 : vector<16xi1>, vector<16xi32>
      %select_n3A_2392 = arith.select %or3A_2389, %select_n3A_2374, %select_n3A_2365 : vector<16xi1>, vector<16xf32>
      %select_n3A_2393 = arith.select %or3A_2389, %select_n3A_2375, %select_n3A_2366 : vector<16xi1>, vector<16xi32>
      %masked_sort3A_2394 = arith.constant dense<true> : vector<16xi1>
      %masked_sort3A_2395, %masked_sort3A_2396, %masked_sort3A_2397 = tpu.sort %select_n3A_2381, %select_n3A_2382 masked %masked_sort3A_2394 {descending = true} : (vector<16xf32>, vector<16xi32>, vector<16xi1>) -> (vector<16xi1>, vector<16xf32>, vector<16xi32>)
      %masked_sort3A_2398 = arith.constant dense<true> : vector<16xi1>
      %masked_sort3A_2399, %masked_sort3A_2400, %masked_sort3A_2401 = tpu.sort %select_n3A_2383, %select_n3A_2384 masked %masked_sort3A_2398 {descending = true} : (vector<16xf32>, vector<16xi32>, vector<16xi1>) -> (vector<16xi1>, vector<16xf32>, vector<16xi32>)
      %masked_sort3A_2402 = arith.constant dense<true> : vector<16xi1>
      %masked_sort3A_2403, %masked_sort3A_2404, %masked_sort3A_2405 = tpu.sort %select_n3A_2390, %select_n3A_2391 masked %masked_sort3A_2402 {descending = true} : (vector<16xf32>, vector<16xi32>, vector<16xi1>) -> (vector<16xi1>, vector<16xf32>, vector<16xi32>)
      %masked_sort3A_2406 = arith.constant dense<true> : vector<16xi1>
      %masked_sort3A_2407, %masked_sort3A_2408, %masked_sort3A_2409 = tpu.sort %select_n3A_2392, %select_n3A_2393 masked %masked_sort3A_2406 {descending = true} : (vector<16xf32>, vector<16xi32>, vector<16xi1>) -> (vector<16xi1>, vector<16xf32>, vector<16xi32>)
      %rev3A_2410 = arith.constant 15 : i32
      %rev3A_2411 = vector.broadcast %rev3A_2410 : i32 to vector<16xi32>
      %rev3A_2412 = tpu.iota {dimensions = array<i32: 0>} : vector<16xi32>
      %rev3A_2413 = arith.subi %rev3A_2411, %rev3A_2412 : vector<16xi32>
      %rev3A_2414 = tpu.dynamic_gather %get3A_1660[%rev3A_2413] in [0] : vector<16xf32>, vector<16xi32> -> vector<16xf32>
      %rev3A_2415 = arith.constant 15 : i32
      %rev3A_2416 = vector.broadcast %rev3A_2415 : i32 to vector<16xi32>
      %rev3A_2417 = tpu.iota {dimensions = array<i32: 0>} : vector<16xi32>
      %rev3A_2418 = arith.subi %rev3A_2416, %rev3A_2417 : vector<16xi32>
      %rev3A_2419 = tpu.dynamic_gather %bitcast3A_1665[%rev3A_2418] in [0] : vector<16xi32>, vector<16xi32> -> vector<16xi32>
      %gt3A_2420 = arith.cmpf ogt, %get3A_1597, %rev3A_2414 : vector<16xf32>
      %eq3A_2421 = arith.cmpf oeq, %get3A_1597, %rev3A_2414 : vector<16xf32>
      %lt3A_2422 = arith.cmpi slt, %bitcast3A_1602, %rev3A_2419 : vector<16xi32>
      %and3A_2423 = arith.andi %eq3A_2421, %lt3A_2422 : vector<16xi1>
      %or3A_2424 = arith.ori %gt3A_2420, %and3A_2423 : vector<16xi1>
      %select_n3A_2425 = arith.select %or3A_2424, %get3A_1597, %rev3A_2414 : vector<16xi1>, vector<16xf32>
      %select_n3A_2426 = arith.select %or3A_2424, %bitcast3A_1602, %rev3A_2419 : vector<16xi1>, vector<16xi32>
      %rev3A_2427 = arith.constant 15 : i32
      %rev3A_2428 = vector.broadcast %rev3A_2427 : i32 to vector<16xi32>
      %rev3A_2429 = tpu.iota {dimensions = array<i32: 0>} : vector<16xi32>
      %rev3A_2430 = arith.subi %rev3A_2428, %rev3A_2429 : vector<16xi32>
      %rev3A_2431 = tpu.dynamic_gather %get3A_1651[%rev3A_2430] in [0] : vector<16xf32>, vector<16xi32> -> vector<16xf32>
      %rev3A_2432 = arith.constant 15 : i32
      %rev3A_2433 = vector.broadcast %rev3A_2432 : i32 to vector<16xi32>
      %rev3A_2434 = tpu.iota {dimensions = array<i32: 0>} : vector<16xi32>
      %rev3A_2435 = arith.subi %rev3A_2433, %rev3A_2434 : vector<16xi32>
      %rev3A_2436 = tpu.dynamic_gather %bitcast3A_1656[%rev3A_2435] in [0] : vector<16xi32>, vector<16xi32> -> vector<16xi32>
      %gt3A_2437 = arith.cmpf ogt, %get3A_1606, %rev3A_2431 : vector<16xf32>
      %eq3A_2438 = arith.cmpf oeq, %get3A_1606, %rev3A_2431 : vector<16xf32>
      %lt3A_2439 = arith.cmpi slt, %bitcast3A_1611, %rev3A_2436 : vector<16xi32>
      %and3A_2440 = arith.andi %eq3A_2438, %lt3A_2439 : vector<16xi1>
      %or3A_2441 = arith.ori %gt3A_2437, %and3A_2440 : vector<16xi1>
      %select_n3A_2442 = arith.select %or3A_2441, %get3A_1606, %rev3A_2431 : vector<16xi1>, vector<16xf32>
      %select_n3A_2443 = arith.select %or3A_2441, %bitcast3A_1611, %rev3A_2436 : vector<16xi1>, vector<16xi32>
      %rev3A_2444 = arith.constant 15 : i32
      %rev3A_2445 = vector.broadcast %rev3A_2444 : i32 to vector<16xi32>
      %rev3A_2446 = tpu.iota {dimensions = array<i32: 0>} : vector<16xi32>
      %rev3A_2447 = arith.subi %rev3A_2445, %rev3A_2446 : vector<16xi32>
      %rev3A_2448 = tpu.dynamic_gather %get3A_1642[%rev3A_2447] in [0] : vector<16xf32>, vector<16xi32> -> vector<16xf32>
      %rev3A_2449 = arith.constant 15 : i32
      %rev3A_2450 = vector.broadcast %rev3A_2449 : i32 to vector<16xi32>
      %rev3A_2451 = tpu.iota {dimensions = array<i32: 0>} : vector<16xi32>
      %rev3A_2452 = arith.subi %rev3A_2450, %rev3A_2451 : vector<16xi32>
      %rev3A_2453 = tpu.dynamic_gather %bitcast3A_1647[%rev3A_2452] in [0] : vector<16xi32>, vector<16xi32> -> vector<16xi32>
      %gt3A_2454 = arith.cmpf ogt, %get3A_1615, %rev3A_2448 : vector<16xf32>
      %eq3A_2455 = arith.cmpf oeq, %get3A_1615, %rev3A_2448 : vector<16xf32>
      %lt3A_2456 = arith.cmpi slt, %bitcast3A_1620, %rev3A_2453 : vector<16xi32>
      %and3A_2457 = arith.andi %eq3A_2455, %lt3A_2456 : vector<16xi1>
      %or3A_2458 = arith.ori %gt3A_2454, %and3A_2457 : vector<16xi1>
      %select_n3A_2459 = arith.select %or3A_2458, %get3A_1615, %rev3A_2448 : vector<16xi1>, vector<16xf32>
      %select_n3A_2460 = arith.select %or3A_2458, %bitcast3A_1620, %rev3A_2453 : vector<16xi1>, vector<16xi32>
      %rev3A_2461 = arith.constant 15 : i32
      %rev3A_2462 = vector.broadcast %rev3A_2461 : i32 to vector<16xi32>
      %rev3A_2463 = tpu.iota {dimensions = array<i32: 0>} : vector<16xi32>
      %rev3A_2464 = arith.subi %rev3A_2462, %rev3A_2463 : vector<16xi32>
      %rev3A_2465 = tpu.dynamic_gather %get3A_1633[%rev3A_2464] in [0] : vector<16xf32>, vector<16xi32> -> vector<16xf32>
      %rev3A_2466 = arith.constant 15 : i32
      %rev3A_2467 = vector.broadcast %rev3A_2466 : i32 to vector<16xi32>
      %rev3A_2468 = tpu.iota {dimensions = array<i32: 0>} : vector<16xi32>
      %rev3A_2469 = arith.subi %rev3A_2467, %rev3A_2468 : vector<16xi32>
      %rev3A_2470 = tpu.dynamic_gather %bitcast3A_1638[%rev3A_2469] in [0] : vector<16xi32>, vector<16xi32> -> vector<16xi32>
      %gt3A_2471 = arith.cmpf ogt, %get3A_1624, %rev3A_2465 : vector<16xf32>
      %eq3A_2472 = arith.cmpf oeq, %get3A_1624, %rev3A_2465 : vector<16xf32>
      %lt3A_2473 = arith.cmpi slt, %bitcast3A_1629, %rev3A_2470 : vector<16xi32>
      %and3A_2474 = arith.andi %eq3A_2472, %lt3A_2473 : vector<16xi1>
      %or3A_2475 = arith.ori %gt3A_2471, %and3A_2474 : vector<16xi1>
      %select_n3A_2476 = arith.select %or3A_2475, %get3A_1624, %rev3A_2465 : vector<16xi1>, vector<16xf32>
      %select_n3A_2477 = arith.select %or3A_2475, %bitcast3A_1629, %rev3A_2470 : vector<16xi1>, vector<16xi32>
      %gt3A_2478 = arith.cmpf ogt, %select_n3A_2425, %select_n3A_2459 : vector<16xf32>
      %eq3A_2479 = arith.cmpf oeq, %select_n3A_2425, %select_n3A_2459 : vector<16xf32>
      %lt3A_2480 = arith.cmpi slt, %select_n3A_2426, %select_n3A_2460 : vector<16xi32>
      %and3A_2481 = arith.andi %eq3A_2479, %lt3A_2480 : vector<16xi1>
      %or3A_2482 = arith.ori %gt3A_2478, %and3A_2481 : vector<16xi1>
      %select_n3A_2483 = arith.select %or3A_2482, %select_n3A_2425, %select_n3A_2459 : vector<16xi1>, vector<16xf32>
      %select_n3A_2484 = arith.select %or3A_2482, %select_n3A_2426, %select_n3A_2460 : vector<16xi1>, vector<16xi32>
      %select_n3A_2485 = arith.select %or3A_2482, %select_n3A_2459, %select_n3A_2425 : vector<16xi1>, vector<16xf32>
      %select_n3A_2486 = arith.select %or3A_2482, %select_n3A_2460, %select_n3A_2426 : vector<16xi1>, vector<16xi32>
      %gt3A_2487 = arith.cmpf ogt, %select_n3A_2442, %select_n3A_2476 : vector<16xf32>
      %eq3A_2488 = arith.cmpf oeq, %select_n3A_2442, %select_n3A_2476 : vector<16xf32>
      %lt3A_2489 = arith.cmpi slt, %select_n3A_2443, %select_n3A_2477 : vector<16xi32>
      %and3A_2490 = arith.andi %eq3A_2488, %lt3A_2489 : vector<16xi1>
      %or3A_2491 = arith.ori %gt3A_2487, %and3A_2490 : vector<16xi1>
      %select_n3A_2492 = arith.select %or3A_2491, %select_n3A_2442, %select_n3A_2476 : vector<16xi1>, vector<16xf32>
      %select_n3A_2493 = arith.select %or3A_2491, %select_n3A_2443, %select_n3A_2477 : vector<16xi1>, vector<16xi32>
      %select_n3A_2494 = arith.select %or3A_2491, %select_n3A_2476, %select_n3A_2442 : vector<16xi1>, vector<16xf32>
      %select_n3A_2495 = arith.select %or3A_2491, %select_n3A_2477, %select_n3A_2443 : vector<16xi1>, vector<16xi32>
      %gt3A_2496 = arith.cmpf ogt, %select_n3A_2483, %select_n3A_2492 : vector<16xf32>
      %eq3A_2497 = arith.cmpf oeq, %select_n3A_2483, %select_n3A_2492 : vector<16xf32>
      %lt3A_2498 = arith.cmpi slt, %select_n3A_2484, %select_n3A_2493 : vector<16xi32>
      %and3A_2499 = arith.andi %eq3A_2497, %lt3A_2498 : vector<16xi1>
      %or3A_2500 = arith.ori %gt3A_2496, %and3A_2499 : vector<16xi1>
      %select_n3A_2501 = arith.select %or3A_2500, %select_n3A_2483, %select_n3A_2492 : vector<16xi1>, vector<16xf32>
      %select_n3A_2502 = arith.select %or3A_2500, %select_n3A_2484, %select_n3A_2493 : vector<16xi1>, vector<16xi32>
      %select_n3A_2503 = arith.select %or3A_2500, %select_n3A_2492, %select_n3A_2483 : vector<16xi1>, vector<16xf32>
      %select_n3A_2504 = arith.select %or3A_2500, %select_n3A_2493, %select_n3A_2484 : vector<16xi1>, vector<16xi32>
      %gt3A_2505 = arith.cmpf ogt, %select_n3A_2485, %select_n3A_2494 : vector<16xf32>
      %eq3A_2506 = arith.cmpf oeq, %select_n3A_2485, %select_n3A_2494 : vector<16xf32>
      %lt3A_2507 = arith.cmpi slt, %select_n3A_2486, %select_n3A_2495 : vector<16xi32>
      %and3A_2508 = arith.andi %eq3A_2506, %lt3A_2507 : vector<16xi1>
      %or3A_2509 = arith.ori %gt3A_2505, %and3A_2508 : vector<16xi1>
      %select_n3A_2510 = arith.select %or3A_2509, %select_n3A_2485, %select_n3A_2494 : vector<16xi1>, vector<16xf32>
      %select_n3A_2511 = arith.select %or3A_2509, %select_n3A_2486, %select_n3A_2495 : vector<16xi1>, vector<16xi32>
      %select_n3A_2512 = arith.select %or3A_2509, %select_n3A_2494, %select_n3A_2485 : vector<16xi1>, vector<16xf32>
      %select_n3A_2513 = arith.select %or3A_2509, %select_n3A_2495, %select_n3A_2486 : vector<16xi1>, vector<16xi32>
      %masked_sort3A_2514 = arith.constant dense<true> : vector<16xi1>
      %masked_sort3A_2515, %masked_sort3A_2516, %masked_sort3A_2517 = tpu.sort %select_n3A_2501, %select_n3A_2502 masked %masked_sort3A_2514 {descending = true} : (vector<16xf32>, vector<16xi32>, vector<16xi1>) -> (vector<16xi1>, vector<16xf32>, vector<16xi32>)
      %masked_sort3A_2518 = arith.constant dense<true> : vector<16xi1>
      %masked_sort3A_2519, %masked_sort3A_2520, %masked_sort3A_2521 = tpu.sort %select_n3A_2503, %select_n3A_2504 masked %masked_sort3A_2518 {descending = true} : (vector<16xf32>, vector<16xi32>, vector<16xi1>) -> (vector<16xi1>, vector<16xf32>, vector<16xi32>)
      %masked_sort3A_2522 = arith.constant dense<true> : vector<16xi1>
      %masked_sort3A_2523, %masked_sort3A_2524, %masked_sort3A_2525 = tpu.sort %select_n3A_2510, %select_n3A_2511 masked %masked_sort3A_2522 {descending = true} : (vector<16xf32>, vector<16xi32>, vector<16xi1>) -> (vector<16xi1>, vector<16xf32>, vector<16xi32>)
      %masked_sort3A_2526 = arith.constant dense<true> : vector<16xi1>
      %masked_sort3A_2527, %masked_sort3A_2528, %masked_sort3A_2529 = tpu.sort %select_n3A_2512, %select_n3A_2513 masked %masked_sort3A_2526 {descending = true} : (vector<16xf32>, vector<16xi32>, vector<16xi1>) -> (vector<16xi1>, vector<16xf32>, vector<16xi32>)
      %rev3A_2530 = arith.constant 15 : i32
      %rev3A_2531 = vector.broadcast %rev3A_2530 : i32 to vector<16xi32>
      %rev3A_2532 = tpu.iota {dimensions = array<i32: 0>} : vector<16xi32>
      %rev3A_2533 = arith.subi %rev3A_2531, %rev3A_2532 : vector<16xi32>
      %rev3A_2534 = tpu.dynamic_gather %get3A_1732[%rev3A_2533] in [0] : vector<16xf32>, vector<16xi32> -> vector<16xf32>
      %rev3A_2535 = arith.constant 15 : i32
      %rev3A_2536 = vector.broadcast %rev3A_2535 : i32 to vector<16xi32>
      %rev3A_2537 = tpu.iota {dimensions = array<i32: 0>} : vector<16xi32>
      %rev3A_2538 = arith.subi %rev3A_2536, %rev3A_2537 : vector<16xi32>
      %rev3A_2539 = tpu.dynamic_gather %bitcast3A_1737[%rev3A_2538] in [0] : vector<16xi32>, vector<16xi32> -> vector<16xi32>
      %gt3A_2540 = arith.cmpf ogt, %get3A_1669, %rev3A_2534 : vector<16xf32>
      %eq3A_2541 = arith.cmpf oeq, %get3A_1669, %rev3A_2534 : vector<16xf32>
      %lt3A_2542 = arith.cmpi slt, %bitcast3A_1674, %rev3A_2539 : vector<16xi32>
      %and3A_2543 = arith.andi %eq3A_2541, %lt3A_2542 : vector<16xi1>
      %or3A_2544 = arith.ori %gt3A_2540, %and3A_2543 : vector<16xi1>
      %select_n3A_2545 = arith.select %or3A_2544, %get3A_1669, %rev3A_2534 : vector<16xi1>, vector<16xf32>
      %select_n3A_2546 = arith.select %or3A_2544, %bitcast3A_1674, %rev3A_2539 : vector<16xi1>, vector<16xi32>
      %rev3A_2547 = arith.constant 15 : i32
      %rev3A_2548 = vector.broadcast %rev3A_2547 : i32 to vector<16xi32>
      %rev3A_2549 = tpu.iota {dimensions = array<i32: 0>} : vector<16xi32>
      %rev3A_2550 = arith.subi %rev3A_2548, %rev3A_2549 : vector<16xi32>
      %rev3A_2551 = tpu.dynamic_gather %get3A_1723[%rev3A_2550] in [0] : vector<16xf32>, vector<16xi32> -> vector<16xf32>
      %rev3A_2552 = arith.constant 15 : i32
      %rev3A_2553 = vector.broadcast %rev3A_2552 : i32 to vector<16xi32>
      %rev3A_2554 = tpu.iota {dimensions = array<i32: 0>} : vector<16xi32>
      %rev3A_2555 = arith.subi %rev3A_2553, %rev3A_2554 : vector<16xi32>
      %rev3A_2556 = tpu.dynamic_gather %bitcast3A_1728[%rev3A_2555] in [0] : vector<16xi32>, vector<16xi32> -> vector<16xi32>
      %gt3A_2557 = arith.cmpf ogt, %get3A_1678, %rev3A_2551 : vector<16xf32>
      %eq3A_2558 = arith.cmpf oeq, %get3A_1678, %rev3A_2551 : vector<16xf32>
      %lt3A_2559 = arith.cmpi slt, %bitcast3A_1683, %rev3A_2556 : vector<16xi32>
      %and3A_2560 = arith.andi %eq3A_2558, %lt3A_2559 : vector<16xi1>
      %or3A_2561 = arith.ori %gt3A_2557, %and3A_2560 : vector<16xi1>
      %select_n3A_2562 = arith.select %or3A_2561, %get3A_1678, %rev3A_2551 : vector<16xi1>, vector<16xf32>
      %select_n3A_2563 = arith.select %or3A_2561, %bitcast3A_1683, %rev3A_2556 : vector<16xi1>, vector<16xi32>
      %rev3A_2564 = arith.constant 15 : i32
      %rev3A_2565 = vector.broadcast %rev3A_2564 : i32 to vector<16xi32>
      %rev3A_2566 = tpu.iota {dimensions = array<i32: 0>} : vector<16xi32>
      %rev3A_2567 = arith.subi %rev3A_2565, %rev3A_2566 : vector<16xi32>
      %rev3A_2568 = tpu.dynamic_gather %get3A_1714[%rev3A_2567] in [0] : vector<16xf32>, vector<16xi32> -> vector<16xf32>
      %rev3A_2569 = arith.constant 15 : i32
      %rev3A_2570 = vector.broadcast %rev3A_2569 : i32 to vector<16xi32>
      %rev3A_2571 = tpu.iota {dimensions = array<i32: 0>} : vector<16xi32>
      %rev3A_2572 = arith.subi %rev3A_2570, %rev3A_2571 : vector<16xi32>
      %rev3A_2573 = tpu.dynamic_gather %bitcast3A_1719[%rev3A_2572] in [0] : vector<16xi32>, vector<16xi32> -> vector<16xi32>
      %gt3A_2574 = arith.cmpf ogt, %get3A_1687, %rev3A_2568 : vector<16xf32>
      %eq3A_2575 = arith.cmpf oeq, %get3A_1687, %rev3A_2568 : vector<16xf32>
      %lt3A_2576 = arith.cmpi slt, %bitcast3A_1692, %rev3A_2573 : vector<16xi32>
      %and3A_2577 = arith.andi %eq3A_2575, %lt3A_2576 : vector<16xi1>
      %or3A_2578 = arith.ori %gt3A_2574, %and3A_2577 : vector<16xi1>
      %select_n3A_2579 = arith.select %or3A_2578, %get3A_1687, %rev3A_2568 : vector<16xi1>, vector<16xf32>
      %select_n3A_2580 = arith.select %or3A_2578, %bitcast3A_1692, %rev3A_2573 : vector<16xi1>, vector<16xi32>
      %rev3A_2581 = arith.constant 15 : i32
      %rev3A_2582 = vector.broadcast %rev3A_2581 : i32 to vector<16xi32>
      %rev3A_2583 = tpu.iota {dimensions = array<i32: 0>} : vector<16xi32>
      %rev3A_2584 = arith.subi %rev3A_2582, %rev3A_2583 : vector<16xi32>
      %rev3A_2585 = tpu.dynamic_gather %get3A_1705[%rev3A_2584] in [0] : vector<16xf32>, vector<16xi32> -> vector<16xf32>
      %rev3A_2586 = arith.constant 15 : i32
      %rev3A_2587 = vector.broadcast %rev3A_2586 : i32 to vector<16xi32>
      %rev3A_2588 = tpu.iota {dimensions = array<i32: 0>} : vector<16xi32>
      %rev3A_2589 = arith.subi %rev3A_2587, %rev3A_2588 : vector<16xi32>
      %rev3A_2590 = tpu.dynamic_gather %bitcast3A_1710[%rev3A_2589] in [0] : vector<16xi32>, vector<16xi32> -> vector<16xi32>
      %gt3A_2591 = arith.cmpf ogt, %get3A_1696, %rev3A_2585 : vector<16xf32>
      %eq3A_2592 = arith.cmpf oeq, %get3A_1696, %rev3A_2585 : vector<16xf32>
      %lt3A_2593 = arith.cmpi slt, %bitcast3A_1701, %rev3A_2590 : vector<16xi32>
      %and3A_2594 = arith.andi %eq3A_2592, %lt3A_2593 : vector<16xi1>
      %or3A_2595 = arith.ori %gt3A_2591, %and3A_2594 : vector<16xi1>
      %select_n3A_2596 = arith.select %or3A_2595, %get3A_1696, %rev3A_2585 : vector<16xi1>, vector<16xf32>
      %select_n3A_2597 = arith.select %or3A_2595, %bitcast3A_1701, %rev3A_2590 : vector<16xi1>, vector<16xi32>
      %gt3A_2598 = arith.cmpf ogt, %select_n3A_2545, %select_n3A_2579 : vector<16xf32>
      %eq3A_2599 = arith.cmpf oeq, %select_n3A_2545, %select_n3A_2579 : vector<16xf32>
      %lt3A_2600 = arith.cmpi slt, %select_n3A_2546, %select_n3A_2580 : vector<16xi32>
      %and3A_2601 = arith.andi %eq3A_2599, %lt3A_2600 : vector<16xi1>
      %or3A_2602 = arith.ori %gt3A_2598, %and3A_2601 : vector<16xi1>
      %select_n3A_2603 = arith.select %or3A_2602, %select_n3A_2545, %select_n3A_2579 : vector<16xi1>, vector<16xf32>
      %select_n3A_2604 = arith.select %or3A_2602, %select_n3A_2546, %select_n3A_2580 : vector<16xi1>, vector<16xi32>
      %select_n3A_2605 = arith.select %or3A_2602, %select_n3A_2579, %select_n3A_2545 : vector<16xi1>, vector<16xf32>
      %select_n3A_2606 = arith.select %or3A_2602, %select_n3A_2580, %select_n3A_2546 : vector<16xi1>, vector<16xi32>
      %gt3A_2607 = arith.cmpf ogt, %select_n3A_2562, %select_n3A_2596 : vector<16xf32>
      %eq3A_2608 = arith.cmpf oeq, %select_n3A_2562, %select_n3A_2596 : vector<16xf32>
      %lt3A_2609 = arith.cmpi slt, %select_n3A_2563, %select_n3A_2597 : vector<16xi32>
      %and3A_2610 = arith.andi %eq3A_2608, %lt3A_2609 : vector<16xi1>
      %or3A_2611 = arith.ori %gt3A_2607, %and3A_2610 : vector<16xi1>
      %select_n3A_2612 = arith.select %or3A_2611, %select_n3A_2562, %select_n3A_2596 : vector<16xi1>, vector<16xf32>
      %select_n3A_2613 = arith.select %or3A_2611, %select_n3A_2563, %select_n3A_2597 : vector<16xi1>, vector<16xi32>
      %select_n3A_2614 = arith.select %or3A_2611, %select_n3A_2596, %select_n3A_2562 : vector<16xi1>, vector<16xf32>
      %select_n3A_2615 = arith.select %or3A_2611, %select_n3A_2597, %select_n3A_2563 : vector<16xi1>, vector<16xi32>
      %gt3A_2616 = arith.cmpf ogt, %select_n3A_2603, %select_n3A_2612 : vector<16xf32>
      %eq3A_2617 = arith.cmpf oeq, %select_n3A_2603, %select_n3A_2612 : vector<16xf32>
      %lt3A_2618 = arith.cmpi slt, %select_n3A_2604, %select_n3A_2613 : vector<16xi32>
      %and3A_2619 = arith.andi %eq3A_2617, %lt3A_2618 : vector<16xi1>
      %or3A_2620 = arith.ori %gt3A_2616, %and3A_2619 : vector<16xi1>
      %select_n3A_2621 = arith.select %or3A_2620, %select_n3A_2603, %select_n3A_2612 : vector<16xi1>, vector<16xf32>
      %select_n3A_2622 = arith.select %or3A_2620, %select_n3A_2604, %select_n3A_2613 : vector<16xi1>, vector<16xi32>
      %select_n3A_2623 = arith.select %or3A_2620, %select_n3A_2612, %select_n3A_2603 : vector<16xi1>, vector<16xf32>
      %select_n3A_2624 = arith.select %or3A_2620, %select_n3A_2613, %select_n3A_2604 : vector<16xi1>, vector<16xi32>
      %gt3A_2625 = arith.cmpf ogt, %select_n3A_2605, %select_n3A_2614 : vector<16xf32>
      %eq3A_2626 = arith.cmpf oeq, %select_n3A_2605, %select_n3A_2614 : vector<16xf32>
      %lt3A_2627 = arith.cmpi slt, %select_n3A_2606, %select_n3A_2615 : vector<16xi32>
      %and3A_2628 = arith.andi %eq3A_2626, %lt3A_2627 : vector<16xi1>
      %or3A_2629 = arith.ori %gt3A_2625, %and3A_2628 : vector<16xi1>
      %select_n3A_2630 = arith.select %or3A_2629, %select_n3A_2605, %select_n3A_2614 : vector<16xi1>, vector<16xf32>
      %select_n3A_2631 = arith.select %or3A_2629, %select_n3A_2606, %select_n3A_2615 : vector<16xi1>, vector<16xi32>
      %select_n3A_2632 = arith.select %or3A_2629, %select_n3A_2614, %select_n3A_2605 : vector<16xi1>, vector<16xf32>
      %select_n3A_2633 = arith.select %or3A_2629, %select_n3A_2615, %select_n3A_2606 : vector<16xi1>, vector<16xi32>
      %masked_sort3A_2634 = arith.constant dense<true> : vector<16xi1>
      %masked_sort3A_2635, %masked_sort3A_2636, %masked_sort3A_2637 = tpu.sort %select_n3A_2621, %select_n3A_2622 masked %masked_sort3A_2634 {descending = true} : (vector<16xf32>, vector<16xi32>, vector<16xi1>) -> (vector<16xi1>, vector<16xf32>, vector<16xi32>)
      %masked_sort3A_2638 = arith.constant dense<true> : vector<16xi1>
      %masked_sort3A_2639, %masked_sort3A_2640, %masked_sort3A_2641 = tpu.sort %select_n3A_2623, %select_n3A_2624 masked %masked_sort3A_2638 {descending = true} : (vector<16xf32>, vector<16xi32>, vector<16xi1>) -> (vector<16xi1>, vector<16xf32>, vector<16xi32>)
      %masked_sort3A_2642 = arith.constant dense<true> : vector<16xi1>
      %masked_sort3A_2643, %masked_sort3A_2644, %masked_sort3A_2645 = tpu.sort %select_n3A_2630, %select_n3A_2631 masked %masked_sort3A_2642 {descending = true} : (vector<16xf32>, vector<16xi32>, vector<16xi1>) -> (vector<16xi1>, vector<16xf32>, vector<16xi32>)
      %masked_sort3A_2646 = arith.constant dense<true> : vector<16xi1>
      %masked_sort3A_2647, %masked_sort3A_2648, %masked_sort3A_2649 = tpu.sort %select_n3A_2632, %select_n3A_2633 masked %masked_sort3A_2646 {descending = true} : (vector<16xf32>, vector<16xi32>, vector<16xi1>) -> (vector<16xi1>, vector<16xf32>, vector<16xi32>)
      %rev3A_2650 = arith.constant 15 : i32
      %rev3A_2651 = vector.broadcast %rev3A_2650 : i32 to vector<16xi32>
      %rev3A_2652 = tpu.iota {dimensions = array<i32: 0>} : vector<16xi32>
      %rev3A_2653 = arith.subi %rev3A_2651, %rev3A_2652 : vector<16xi32>
      %rev3A_2654 = tpu.dynamic_gather %get3A_1804[%rev3A_2653] in [0] : vector<16xf32>, vector<16xi32> -> vector<16xf32>
      %rev3A_2655 = arith.constant 15 : i32
      %rev3A_2656 = vector.broadcast %rev3A_2655 : i32 to vector<16xi32>
      %rev3A_2657 = tpu.iota {dimensions = array<i32: 0>} : vector<16xi32>
      %rev3A_2658 = arith.subi %rev3A_2656, %rev3A_2657 : vector<16xi32>
      %rev3A_2659 = tpu.dynamic_gather %bitcast3A_1809[%rev3A_2658] in [0] : vector<16xi32>, vector<16xi32> -> vector<16xi32>
      %gt3A_2660 = arith.cmpf ogt, %get3A_1741, %rev3A_2654 : vector<16xf32>
      %eq3A_2661 = arith.cmpf oeq, %get3A_1741, %rev3A_2654 : vector<16xf32>
      %lt3A_2662 = arith.cmpi slt, %bitcast3A_1746, %rev3A_2659 : vector<16xi32>
      %and3A_2663 = arith.andi %eq3A_2661, %lt3A_2662 : vector<16xi1>
      %or3A_2664 = arith.ori %gt3A_2660, %and3A_2663 : vector<16xi1>
      %select_n3A_2665 = arith.select %or3A_2664, %get3A_1741, %rev3A_2654 : vector<16xi1>, vector<16xf32>
      %select_n3A_2666 = arith.select %or3A_2664, %bitcast3A_1746, %rev3A_2659 : vector<16xi1>, vector<16xi32>
      %rev3A_2667 = arith.constant 15 : i32
      %rev3A_2668 = vector.broadcast %rev3A_2667 : i32 to vector<16xi32>
      %rev3A_2669 = tpu.iota {dimensions = array<i32: 0>} : vector<16xi32>
      %rev3A_2670 = arith.subi %rev3A_2668, %rev3A_2669 : vector<16xi32>
      %rev3A_2671 = tpu.dynamic_gather %get3A_1795[%rev3A_2670] in [0] : vector<16xf32>, vector<16xi32> -> vector<16xf32>
      %rev3A_2672 = arith.constant 15 : i32
      %rev3A_2673 = vector.broadcast %rev3A_2672 : i32 to vector<16xi32>
      %rev3A_2674 = tpu.iota {dimensions = array<i32: 0>} : vector<16xi32>
      %rev3A_2675 = arith.subi %rev3A_2673, %rev3A_2674 : vector<16xi32>
      %rev3A_2676 = tpu.dynamic_gather %bitcast3A_1800[%rev3A_2675] in [0] : vector<16xi32>, vector<16xi32> -> vector<16xi32>
      %gt3A_2677 = arith.cmpf ogt, %get3A_1750, %rev3A_2671 : vector<16xf32>
      %eq3A_2678 = arith.cmpf oeq, %get3A_1750, %rev3A_2671 : vector<16xf32>
      %lt3A_2679 = arith.cmpi slt, %bitcast3A_1755, %rev3A_2676 : vector<16xi32>
      %and3A_2680 = arith.andi %eq3A_2678, %lt3A_2679 : vector<16xi1>
      %or3A_2681 = arith.ori %gt3A_2677, %and3A_2680 : vector<16xi1>
      %select_n3A_2682 = arith.select %or3A_2681, %get3A_1750, %rev3A_2671 : vector<16xi1>, vector<16xf32>
      %select_n3A_2683 = arith.select %or3A_2681, %bitcast3A_1755, %rev3A_2676 : vector<16xi1>, vector<16xi32>
      %rev3A_2684 = arith.constant 15 : i32
      %rev3A_2685 = vector.broadcast %rev3A_2684 : i32 to vector<16xi32>
      %rev3A_2686 = tpu.iota {dimensions = array<i32: 0>} : vector<16xi32>
      %rev3A_2687 = arith.subi %rev3A_2685, %rev3A_2686 : vector<16xi32>
      %rev3A_2688 = tpu.dynamic_gather %get3A_1786[%rev3A_2687] in [0] : vector<16xf32>, vector<16xi32> -> vector<16xf32>
      %rev3A_2689 = arith.constant 15 : i32
      %rev3A_2690 = vector.broadcast %rev3A_2689 : i32 to vector<16xi32>
      %rev3A_2691 = tpu.iota {dimensions = array<i32: 0>} : vector<16xi32>
      %rev3A_2692 = arith.subi %rev3A_2690, %rev3A_2691 : vector<16xi32>
      %rev3A_2693 = tpu.dynamic_gather %bitcast3A_1791[%rev3A_2692] in [0] : vector<16xi32>, vector<16xi32> -> vector<16xi32>
      %gt3A_2694 = arith.cmpf ogt, %get3A_1759, %rev3A_2688 : vector<16xf32>
      %eq3A_2695 = arith.cmpf oeq, %get3A_1759, %rev3A_2688 : vector<16xf32>
      %lt3A_2696 = arith.cmpi slt, %bitcast3A_1764, %rev3A_2693 : vector<16xi32>
      %and3A_2697 = arith.andi %eq3A_2695, %lt3A_2696 : vector<16xi1>
      %or3A_2698 = arith.ori %gt3A_2694, %and3A_2697 : vector<16xi1>
      %select_n3A_2699 = arith.select %or3A_2698, %get3A_1759, %rev3A_2688 : vector<16xi1>, vector<16xf32>
      %select_n3A_2700 = arith.select %or3A_2698, %bitcast3A_1764, %rev3A_2693 : vector<16xi1>, vector<16xi32>
      %rev3A_2701 = arith.constant 15 : i32
      %rev3A_2702 = vector.broadcast %rev3A_2701 : i32 to vector<16xi32>
      %rev3A_2703 = tpu.iota {dimensions = array<i32: 0>} : vector<16xi32>
      %rev3A_2704 = arith.subi %rev3A_2702, %rev3A_2703 : vector<16xi32>
      %rev3A_2705 = tpu.dynamic_gather %get3A_1777[%rev3A_2704] in [0] : vector<16xf32>, vector<16xi32> -> vector<16xf32>
      %rev3A_2706 = arith.constant 15 : i32
      %rev3A_2707 = vector.broadcast %rev3A_2706 : i32 to vector<16xi32>
      %rev3A_2708 = tpu.iota {dimensions = array<i32: 0>} : vector<16xi32>
      %rev3A_2709 = arith.subi %rev3A_2707, %rev3A_2708 : vector<16xi32>
      %rev3A_2710 = tpu.dynamic_gather %bitcast3A_1782[%rev3A_2709] in [0] : vector<16xi32>, vector<16xi32> -> vector<16xi32>
      %gt3A_2711 = arith.cmpf ogt, %get3A_1768, %rev3A_2705 : vector<16xf32>
      %eq3A_2712 = arith.cmpf oeq, %get3A_1768, %rev3A_2705 : vector<16xf32>
      %lt3A_2713 = arith.cmpi slt, %bitcast3A_1773, %rev3A_2710 : vector<16xi32>
      %and3A_2714 = arith.andi %eq3A_2712, %lt3A_2713 : vector<16xi1>
      %or3A_2715 = arith.ori %gt3A_2711, %and3A_2714 : vector<16xi1>
      %select_n3A_2716 = arith.select %or3A_2715, %get3A_1768, %rev3A_2705 : vector<16xi1>, vector<16xf32>
      %select_n3A_2717 = arith.select %or3A_2715, %bitcast3A_1773, %rev3A_2710 : vector<16xi1>, vector<16xi32>
      %gt3A_2718 = arith.cmpf ogt, %select_n3A_2665, %select_n3A_2699 : vector<16xf32>
      %eq3A_2719 = arith.cmpf oeq, %select_n3A_2665, %select_n3A_2699 : vector<16xf32>
      %lt3A_2720 = arith.cmpi slt, %select_n3A_2666, %select_n3A_2700 : vector<16xi32>
      %and3A_2721 = arith.andi %eq3A_2719, %lt3A_2720 : vector<16xi1>
      %or3A_2722 = arith.ori %gt3A_2718, %and3A_2721 : vector<16xi1>
      %select_n3A_2723 = arith.select %or3A_2722, %select_n3A_2665, %select_n3A_2699 : vector<16xi1>, vector<16xf32>
      %select_n3A_2724 = arith.select %or3A_2722, %select_n3A_2666, %select_n3A_2700 : vector<16xi1>, vector<16xi32>
      %select_n3A_2725 = arith.select %or3A_2722, %select_n3A_2699, %select_n3A_2665 : vector<16xi1>, vector<16xf32>
      %select_n3A_2726 = arith.select %or3A_2722, %select_n3A_2700, %select_n3A_2666 : vector<16xi1>, vector<16xi32>
      %gt3A_2727 = arith.cmpf ogt, %select_n3A_2682, %select_n3A_2716 : vector<16xf32>
      %eq3A_2728 = arith.cmpf oeq, %select_n3A_2682, %select_n3A_2716 : vector<16xf32>
      %lt3A_2729 = arith.cmpi slt, %select_n3A_2683, %select_n3A_2717 : vector<16xi32>
      %and3A_2730 = arith.andi %eq3A_2728, %lt3A_2729 : vector<16xi1>
      %or3A_2731 = arith.ori %gt3A_2727, %and3A_2730 : vector<16xi1>
      %select_n3A_2732 = arith.select %or3A_2731, %select_n3A_2682, %select_n3A_2716 : vector<16xi1>, vector<16xf32>
      %select_n3A_2733 = arith.select %or3A_2731, %select_n3A_2683, %select_n3A_2717 : vector<16xi1>, vector<16xi32>
      %select_n3A_2734 = arith.select %or3A_2731, %select_n3A_2716, %select_n3A_2682 : vector<16xi1>, vector<16xf32>
      %select_n3A_2735 = arith.select %or3A_2731, %select_n3A_2717, %select_n3A_2683 : vector<16xi1>, vector<16xi32>
      %gt3A_2736 = arith.cmpf ogt, %select_n3A_2723, %select_n3A_2732 : vector<16xf32>
      %eq3A_2737 = arith.cmpf oeq, %select_n3A_2723, %select_n3A_2732 : vector<16xf32>
      %lt3A_2738 = arith.cmpi slt, %select_n3A_2724, %select_n3A_2733 : vector<16xi32>
      %and3A_2739 = arith.andi %eq3A_2737, %lt3A_2738 : vector<16xi1>
      %or3A_2740 = arith.ori %gt3A_2736, %and3A_2739 : vector<16xi1>
      %select_n3A_2741 = arith.select %or3A_2740, %select_n3A_2723, %select_n3A_2732 : vector<16xi1>, vector<16xf32>
      %select_n3A_2742 = arith.select %or3A_2740, %select_n3A_2724, %select_n3A_2733 : vector<16xi1>, vector<16xi32>
      %select_n3A_2743 = arith.select %or3A_2740, %select_n3A_2732, %select_n3A_2723 : vector<16xi1>, vector<16xf32>
      %select_n3A_2744 = arith.select %or3A_2740, %select_n3A_2733, %select_n3A_2724 : vector<16xi1>, vector<16xi32>
      %gt3A_2745 = arith.cmpf ogt, %select_n3A_2725, %select_n3A_2734 : vector<16xf32>
      %eq3A_2746 = arith.cmpf oeq, %select_n3A_2725, %select_n3A_2734 : vector<16xf32>
      %lt3A_2747 = arith.cmpi slt, %select_n3A_2726, %select_n3A_2735 : vector<16xi32>
      %and3A_2748 = arith.andi %eq3A_2746, %lt3A_2747 : vector<16xi1>
      %or3A_2749 = arith.ori %gt3A_2745, %and3A_2748 : vector<16xi1>
      %select_n3A_2750 = arith.select %or3A_2749, %select_n3A_2725, %select_n3A_2734 : vector<16xi1>, vector<16xf32>
      %select_n3A_2751 = arith.select %or3A_2749, %select_n3A_2726, %select_n3A_2735 : vector<16xi1>, vector<16xi32>
      %select_n3A_2752 = arith.select %or3A_2749, %select_n3A_2734, %select_n3A_2725 : vector<16xi1>, vector<16xf32>
      %select_n3A_2753 = arith.select %or3A_2749, %select_n3A_2735, %select_n3A_2726 : vector<16xi1>, vector<16xi32>
      %masked_sort3A_2754 = arith.constant dense<true> : vector<16xi1>
      %masked_sort3A_2755, %masked_sort3A_2756, %masked_sort3A_2757 = tpu.sort %select_n3A_2741, %select_n3A_2742 masked %masked_sort3A_2754 {descending = true} : (vector<16xf32>, vector<16xi32>, vector<16xi1>) -> (vector<16xi1>, vector<16xf32>, vector<16xi32>)
      %masked_sort3A_2758 = arith.constant dense<true> : vector<16xi1>
      %masked_sort3A_2759, %masked_sort3A_2760, %masked_sort3A_2761 = tpu.sort %select_n3A_2743, %select_n3A_2744 masked %masked_sort3A_2758 {descending = true} : (vector<16xf32>, vector<16xi32>, vector<16xi1>) -> (vector<16xi1>, vector<16xf32>, vector<16xi32>)
      %masked_sort3A_2762 = arith.constant dense<true> : vector<16xi1>
      %masked_sort3A_2763, %masked_sort3A_2764, %masked_sort3A_2765 = tpu.sort %select_n3A_2750, %select_n3A_2751 masked %masked_sort3A_2762 {descending = true} : (vector<16xf32>, vector<16xi32>, vector<16xi1>) -> (vector<16xi1>, vector<16xf32>, vector<16xi32>)
      %masked_sort3A_2766 = arith.constant dense<true> : vector<16xi1>
      %masked_sort3A_2767, %masked_sort3A_2768, %masked_sort3A_2769 = tpu.sort %select_n3A_2752, %select_n3A_2753 masked %masked_sort3A_2766 {descending = true} : (vector<16xf32>, vector<16xi32>, vector<16xi1>) -> (vector<16xi1>, vector<16xf32>, vector<16xi32>)
      %rev3A_2770 = arith.constant 15 : i32
      %rev3A_2771 = vector.broadcast %rev3A_2770 : i32 to vector<16xi32>
      %rev3A_2772 = tpu.iota {dimensions = array<i32: 0>} : vector<16xi32>
      %rev3A_2773 = arith.subi %rev3A_2771, %rev3A_2772 : vector<16xi32>
      %rev3A_2774 = tpu.dynamic_gather %masked_sort3A_2048[%rev3A_2773] in [0] : vector<16xf32>, vector<16xi32> -> vector<16xf32>
      %rev3A_2775 = arith.constant 15 : i32
      %rev3A_2776 = vector.broadcast %rev3A_2775 : i32 to vector<16xi32>
      %rev3A_2777 = tpu.iota {dimensions = array<i32: 0>} : vector<16xi32>
      %rev3A_2778 = arith.subi %rev3A_2776, %rev3A_2777 : vector<16xi32>
      %rev3A_2779 = tpu.dynamic_gather %masked_sort3A_2049[%rev3A_2778] in [0] : vector<16xi32>, vector<16xi32> -> vector<16xi32>
      %gt3A_2780 = arith.cmpf ogt, %masked_sort3A_1916, %rev3A_2774 : vector<16xf32>
      %eq3A_2781 = arith.cmpf oeq, %masked_sort3A_1916, %rev3A_2774 : vector<16xf32>
      %lt3A_2782 = arith.cmpi slt, %masked_sort3A_1917, %rev3A_2779 : vector<16xi32>
      %and3A_2783 = arith.andi %eq3A_2781, %lt3A_2782 : vector<16xi1>
      %or3A_2784 = arith.ori %gt3A_2780, %and3A_2783 : vector<16xi1>
      %select_n3A_2785 = arith.select %or3A_2784, %masked_sort3A_1916, %rev3A_2774 : vector<16xi1>, vector<16xf32>
      %select_n3A_2786 = arith.select %or3A_2784, %masked_sort3A_1917, %rev3A_2779 : vector<16xi1>, vector<16xi32>
      %rev3A_2787 = arith.constant 15 : i32
      %rev3A_2788 = vector.broadcast %rev3A_2787 : i32 to vector<16xi32>
      %rev3A_2789 = tpu.iota {dimensions = array<i32: 0>} : vector<16xi32>
      %rev3A_2790 = arith.subi %rev3A_2788, %rev3A_2789 : vector<16xi32>
      %rev3A_2791 = tpu.dynamic_gather %masked_sort3A_2044[%rev3A_2790] in [0] : vector<16xf32>, vector<16xi32> -> vector<16xf32>
      %rev3A_2792 = arith.constant 15 : i32
      %rev3A_2793 = vector.broadcast %rev3A_2792 : i32 to vector<16xi32>
      %rev3A_2794 = tpu.iota {dimensions = array<i32: 0>} : vector<16xi32>
      %rev3A_2795 = arith.subi %rev3A_2793, %rev3A_2794 : vector<16xi32>
      %rev3A_2796 = tpu.dynamic_gather %masked_sort3A_2045[%rev3A_2795] in [0] : vector<16xi32>, vector<16xi32> -> vector<16xi32>
      %gt3A_2797 = arith.cmpf ogt, %masked_sort3A_1920, %rev3A_2791 : vector<16xf32>
      %eq3A_2798 = arith.cmpf oeq, %masked_sort3A_1920, %rev3A_2791 : vector<16xf32>
      %lt3A_2799 = arith.cmpi slt, %masked_sort3A_1921, %rev3A_2796 : vector<16xi32>
      %and3A_2800 = arith.andi %eq3A_2798, %lt3A_2799 : vector<16xi1>
      %or3A_2801 = arith.ori %gt3A_2797, %and3A_2800 : vector<16xi1>
      %select_n3A_2802 = arith.select %or3A_2801, %masked_sort3A_1920, %rev3A_2791 : vector<16xi1>, vector<16xf32>
      %select_n3A_2803 = arith.select %or3A_2801, %masked_sort3A_1921, %rev3A_2796 : vector<16xi1>, vector<16xi32>
      %rev3A_2804 = arith.constant 15 : i32
      %rev3A_2805 = vector.broadcast %rev3A_2804 : i32 to vector<16xi32>
      %rev3A_2806 = tpu.iota {dimensions = array<i32: 0>} : vector<16xi32>
      %rev3A_2807 = arith.subi %rev3A_2805, %rev3A_2806 : vector<16xi32>
      %rev3A_2808 = tpu.dynamic_gather %masked_sort3A_2040[%rev3A_2807] in [0] : vector<16xf32>, vector<16xi32> -> vector<16xf32>
      %rev3A_2809 = arith.constant 15 : i32
      %rev3A_2810 = vector.broadcast %rev3A_2809 : i32 to vector<16xi32>
      %rev3A_2811 = tpu.iota {dimensions = array<i32: 0>} : vector<16xi32>
      %rev3A_2812 = arith.subi %rev3A_2810, %rev3A_2811 : vector<16xi32>
      %rev3A_2813 = tpu.dynamic_gather %masked_sort3A_2041[%rev3A_2812] in [0] : vector<16xi32>, vector<16xi32> -> vector<16xi32>
      %gt3A_2814 = arith.cmpf ogt, %masked_sort3A_1924, %rev3A_2808 : vector<16xf32>
      %eq3A_2815 = arith.cmpf oeq, %masked_sort3A_1924, %rev3A_2808 : vector<16xf32>
      %lt3A_2816 = arith.cmpi slt, %masked_sort3A_1925, %rev3A_2813 : vector<16xi32>
      %and3A_2817 = arith.andi %eq3A_2815, %lt3A_2816 : vector<16xi1>
      %or3A_2818 = arith.ori %gt3A_2814, %and3A_2817 : vector<16xi1>
      %select_n3A_2819 = arith.select %or3A_2818, %masked_sort3A_1924, %rev3A_2808 : vector<16xi1>, vector<16xf32>
      %select_n3A_2820 = arith.select %or3A_2818, %masked_sort3A_1925, %rev3A_2813 : vector<16xi1>, vector<16xi32>
      %rev3A_2821 = arith.constant 15 : i32
      %rev3A_2822 = vector.broadcast %rev3A_2821 : i32 to vector<16xi32>
      %rev3A_2823 = tpu.iota {dimensions = array<i32: 0>} : vector<16xi32>
      %rev3A_2824 = arith.subi %rev3A_2822, %rev3A_2823 : vector<16xi32>
      %rev3A_2825 = tpu.dynamic_gather %masked_sort3A_2036[%rev3A_2824] in [0] : vector<16xf32>, vector<16xi32> -> vector<16xf32>
      %rev3A_2826 = arith.constant 15 : i32
      %rev3A_2827 = vector.broadcast %rev3A_2826 : i32 to vector<16xi32>
      %rev3A_2828 = tpu.iota {dimensions = array<i32: 0>} : vector<16xi32>
      %rev3A_2829 = arith.subi %rev3A_2827, %rev3A_2828 : vector<16xi32>
      %rev3A_2830 = tpu.dynamic_gather %masked_sort3A_2037[%rev3A_2829] in [0] : vector<16xi32>, vector<16xi32> -> vector<16xi32>
      %gt3A_2831 = arith.cmpf ogt, %masked_sort3A_1928, %rev3A_2825 : vector<16xf32>
      %eq3A_2832 = arith.cmpf oeq, %masked_sort3A_1928, %rev3A_2825 : vector<16xf32>
      %lt3A_2833 = arith.cmpi slt, %masked_sort3A_1929, %rev3A_2830 : vector<16xi32>
      %and3A_2834 = arith.andi %eq3A_2832, %lt3A_2833 : vector<16xi1>
      %or3A_2835 = arith.ori %gt3A_2831, %and3A_2834 : vector<16xi1>
      %select_n3A_2836 = arith.select %or3A_2835, %masked_sort3A_1928, %rev3A_2825 : vector<16xi1>, vector<16xf32>
      %select_n3A_2837 = arith.select %or3A_2835, %masked_sort3A_1929, %rev3A_2830 : vector<16xi1>, vector<16xi32>
      %gt3A_2838 = arith.cmpf ogt, %select_n3A_2785, %select_n3A_2819 : vector<16xf32>
      %eq3A_2839 = arith.cmpf oeq, %select_n3A_2785, %select_n3A_2819 : vector<16xf32>
      %lt3A_2840 = arith.cmpi slt, %select_n3A_2786, %select_n3A_2820 : vector<16xi32>
      %and3A_2841 = arith.andi %eq3A_2839, %lt3A_2840 : vector<16xi1>
      %or3A_2842 = arith.ori %gt3A_2838, %and3A_2841 : vector<16xi1>
      %select_n3A_2843 = arith.select %or3A_2842, %select_n3A_2785, %select_n3A_2819 : vector<16xi1>, vector<16xf32>
      %select_n3A_2844 = arith.select %or3A_2842, %select_n3A_2786, %select_n3A_2820 : vector<16xi1>, vector<16xi32>
      %select_n3A_2845 = arith.select %or3A_2842, %select_n3A_2819, %select_n3A_2785 : vector<16xi1>, vector<16xf32>
      %select_n3A_2846 = arith.select %or3A_2842, %select_n3A_2820, %select_n3A_2786 : vector<16xi1>, vector<16xi32>
      %gt3A_2847 = arith.cmpf ogt, %select_n3A_2802, %select_n3A_2836 : vector<16xf32>
      %eq3A_2848 = arith.cmpf oeq, %select_n3A_2802, %select_n3A_2836 : vector<16xf32>
      %lt3A_2849 = arith.cmpi slt, %select_n3A_2803, %select_n3A_2837 : vector<16xi32>
      %and3A_2850 = arith.andi %eq3A_2848, %lt3A_2849 : vector<16xi1>
      %or3A_2851 = arith.ori %gt3A_2847, %and3A_2850 : vector<16xi1>
      %select_n3A_2852 = arith.select %or3A_2851, %select_n3A_2802, %select_n3A_2836 : vector<16xi1>, vector<16xf32>
      %select_n3A_2853 = arith.select %or3A_2851, %select_n3A_2803, %select_n3A_2837 : vector<16xi1>, vector<16xi32>
      %select_n3A_2854 = arith.select %or3A_2851, %select_n3A_2836, %select_n3A_2802 : vector<16xi1>, vector<16xf32>
      %select_n3A_2855 = arith.select %or3A_2851, %select_n3A_2837, %select_n3A_2803 : vector<16xi1>, vector<16xi32>
      %gt3A_2856 = arith.cmpf ogt, %select_n3A_2843, %select_n3A_2852 : vector<16xf32>
      %eq3A_2857 = arith.cmpf oeq, %select_n3A_2843, %select_n3A_2852 : vector<16xf32>
      %lt3A_2858 = arith.cmpi slt, %select_n3A_2844, %select_n3A_2853 : vector<16xi32>
      %and3A_2859 = arith.andi %eq3A_2857, %lt3A_2858 : vector<16xi1>
      %or3A_2860 = arith.ori %gt3A_2856, %and3A_2859 : vector<16xi1>
      %select_n3A_2861 = arith.select %or3A_2860, %select_n3A_2843, %select_n3A_2852 : vector<16xi1>, vector<16xf32>
      %select_n3A_2862 = arith.select %or3A_2860, %select_n3A_2844, %select_n3A_2853 : vector<16xi1>, vector<16xi32>
      %select_n3A_2863 = arith.select %or3A_2860, %select_n3A_2852, %select_n3A_2843 : vector<16xi1>, vector<16xf32>
      %select_n3A_2864 = arith.select %or3A_2860, %select_n3A_2853, %select_n3A_2844 : vector<16xi1>, vector<16xi32>
      %gt3A_2865 = arith.cmpf ogt, %select_n3A_2845, %select_n3A_2854 : vector<16xf32>
      %eq3A_2866 = arith.cmpf oeq, %select_n3A_2845, %select_n3A_2854 : vector<16xf32>
      %lt3A_2867 = arith.cmpi slt, %select_n3A_2846, %select_n3A_2855 : vector<16xi32>
      %and3A_2868 = arith.andi %eq3A_2866, %lt3A_2867 : vector<16xi1>
      %or3A_2869 = arith.ori %gt3A_2865, %and3A_2868 : vector<16xi1>
      %select_n3A_2870 = arith.select %or3A_2869, %select_n3A_2845, %select_n3A_2854 : vector<16xi1>, vector<16xf32>
      %select_n3A_2871 = arith.select %or3A_2869, %select_n3A_2846, %select_n3A_2855 : vector<16xi1>, vector<16xi32>
      %select_n3A_2872 = arith.select %or3A_2869, %select_n3A_2854, %select_n3A_2845 : vector<16xi1>, vector<16xf32>
      %select_n3A_2873 = arith.select %or3A_2869, %select_n3A_2855, %select_n3A_2846 : vector<16xi1>, vector<16xi32>
      %masked_sort3A_2874 = arith.constant dense<true> : vector<16xi1>
      %masked_sort3A_2875, %masked_sort3A_2876, %masked_sort3A_2877 = tpu.sort %select_n3A_2861, %select_n3A_2862 masked %masked_sort3A_2874 {descending = true} : (vector<16xf32>, vector<16xi32>, vector<16xi1>) -> (vector<16xi1>, vector<16xf32>, vector<16xi32>)
      %masked_sort3A_2878 = arith.constant dense<true> : vector<16xi1>
      %masked_sort3A_2879, %masked_sort3A_2880, %masked_sort3A_2881 = tpu.sort %select_n3A_2863, %select_n3A_2864 masked %masked_sort3A_2878 {descending = true} : (vector<16xf32>, vector<16xi32>, vector<16xi1>) -> (vector<16xi1>, vector<16xf32>, vector<16xi32>)
      %masked_sort3A_2882 = arith.constant dense<true> : vector<16xi1>
      %masked_sort3A_2883, %masked_sort3A_2884, %masked_sort3A_2885 = tpu.sort %select_n3A_2870, %select_n3A_2871 masked %masked_sort3A_2882 {descending = true} : (vector<16xf32>, vector<16xi32>, vector<16xi1>) -> (vector<16xi1>, vector<16xf32>, vector<16xi32>)
      %masked_sort3A_2886 = arith.constant dense<true> : vector<16xi1>
      %masked_sort3A_2887, %masked_sort3A_2888, %masked_sort3A_2889 = tpu.sort %select_n3A_2872, %select_n3A_2873 masked %masked_sort3A_2886 {descending = true} : (vector<16xf32>, vector<16xi32>, vector<16xi1>) -> (vector<16xi1>, vector<16xf32>, vector<16xi32>)
      %rev3A_2890 = arith.constant 15 : i32
      %rev3A_2891 = vector.broadcast %rev3A_2890 : i32 to vector<16xi32>
      %rev3A_2892 = tpu.iota {dimensions = array<i32: 0>} : vector<16xi32>
      %rev3A_2893 = arith.subi %rev3A_2891, %rev3A_2892 : vector<16xi32>
      %rev3A_2894 = tpu.dynamic_gather %masked_sort3A_2288[%rev3A_2893] in [0] : vector<16xf32>, vector<16xi32> -> vector<16xf32>
      %rev3A_2895 = arith.constant 15 : i32
      %rev3A_2896 = vector.broadcast %rev3A_2895 : i32 to vector<16xi32>
      %rev3A_2897 = tpu.iota {dimensions = array<i32: 0>} : vector<16xi32>
      %rev3A_2898 = arith.subi %rev3A_2896, %rev3A_2897 : vector<16xi32>
      %rev3A_2899 = tpu.dynamic_gather %masked_sort3A_2289[%rev3A_2898] in [0] : vector<16xi32>, vector<16xi32> -> vector<16xi32>
      %gt3A_2900 = arith.cmpf ogt, %masked_sort3A_2156, %rev3A_2894 : vector<16xf32>
      %eq3A_2901 = arith.cmpf oeq, %masked_sort3A_2156, %rev3A_2894 : vector<16xf32>
      %lt3A_2902 = arith.cmpi slt, %masked_sort3A_2157, %rev3A_2899 : vector<16xi32>
      %and3A_2903 = arith.andi %eq3A_2901, %lt3A_2902 : vector<16xi1>
      %or3A_2904 = arith.ori %gt3A_2900, %and3A_2903 : vector<16xi1>
      %select_n3A_2905 = arith.select %or3A_2904, %masked_sort3A_2156, %rev3A_2894 : vector<16xi1>, vector<16xf32>
      %select_n3A_2906 = arith.select %or3A_2904, %masked_sort3A_2157, %rev3A_2899 : vector<16xi1>, vector<16xi32>
      %rev3A_2907 = arith.constant 15 : i32
      %rev3A_2908 = vector.broadcast %rev3A_2907 : i32 to vector<16xi32>
      %rev3A_2909 = tpu.iota {dimensions = array<i32: 0>} : vector<16xi32>
      %rev3A_2910 = arith.subi %rev3A_2908, %rev3A_2909 : vector<16xi32>
      %rev3A_2911 = tpu.dynamic_gather %masked_sort3A_2284[%rev3A_2910] in [0] : vector<16xf32>, vector<16xi32> -> vector<16xf32>
      %rev3A_2912 = arith.constant 15 : i32
      %rev3A_2913 = vector.broadcast %rev3A_2912 : i32 to vector<16xi32>
      %rev3A_2914 = tpu.iota {dimensions = array<i32: 0>} : vector<16xi32>
      %rev3A_2915 = arith.subi %rev3A_2913, %rev3A_2914 : vector<16xi32>
      %rev3A_2916 = tpu.dynamic_gather %masked_sort3A_2285[%rev3A_2915] in [0] : vector<16xi32>, vector<16xi32> -> vector<16xi32>
      %gt3A_2917 = arith.cmpf ogt, %masked_sort3A_2160, %rev3A_2911 : vector<16xf32>
      %eq3A_2918 = arith.cmpf oeq, %masked_sort3A_2160, %rev3A_2911 : vector<16xf32>
      %lt3A_2919 = arith.cmpi slt, %masked_sort3A_2161, %rev3A_2916 : vector<16xi32>
      %and3A_2920 = arith.andi %eq3A_2918, %lt3A_2919 : vector<16xi1>
      %or3A_2921 = arith.ori %gt3A_2917, %and3A_2920 : vector<16xi1>
      %select_n3A_2922 = arith.select %or3A_2921, %masked_sort3A_2160, %rev3A_2911 : vector<16xi1>, vector<16xf32>
      %select_n3A_2923 = arith.select %or3A_2921, %masked_sort3A_2161, %rev3A_2916 : vector<16xi1>, vector<16xi32>
      %rev3A_2924 = arith.constant 15 : i32
      %rev3A_2925 = vector.broadcast %rev3A_2924 : i32 to vector<16xi32>
      %rev3A_2926 = tpu.iota {dimensions = array<i32: 0>} : vector<16xi32>
      %rev3A_2927 = arith.subi %rev3A_2925, %rev3A_2926 : vector<16xi32>
      %rev3A_2928 = tpu.dynamic_gather %masked_sort3A_2280[%rev3A_2927] in [0] : vector<16xf32>, vector<16xi32> -> vector<16xf32>
      %rev3A_2929 = arith.constant 15 : i32
      %rev3A_2930 = vector.broadcast %rev3A_2929 : i32 to vector<16xi32>
      %rev3A_2931 = tpu.iota {dimensions = array<i32: 0>} : vector<16xi32>
      %rev3A_2932 = arith.subi %rev3A_2930, %rev3A_2931 : vector<16xi32>
      %rev3A_2933 = tpu.dynamic_gather %masked_sort3A_2281[%rev3A_2932] in [0] : vector<16xi32>, vector<16xi32> -> vector<16xi32>
      %gt3A_2934 = arith.cmpf ogt, %masked_sort3A_2164, %rev3A_2928 : vector<16xf32>
      %eq3A_2935 = arith.cmpf oeq, %masked_sort3A_2164, %rev3A_2928 : vector<16xf32>
      %lt3A_2936 = arith.cmpi slt, %masked_sort3A_2165, %rev3A_2933 : vector<16xi32>
      %and3A_2937 = arith.andi %eq3A_2935, %lt3A_2936 : vector<16xi1>
      %or3A_2938 = arith.ori %gt3A_2934, %and3A_2937 : vector<16xi1>
      %select_n3A_2939 = arith.select %or3A_2938, %masked_sort3A_2164, %rev3A_2928 : vector<16xi1>, vector<16xf32>
      %select_n3A_2940 = arith.select %or3A_2938, %masked_sort3A_2165, %rev3A_2933 : vector<16xi1>, vector<16xi32>
      %rev3A_2941 = arith.constant 15 : i32
      %rev3A_2942 = vector.broadcast %rev3A_2941 : i32 to vector<16xi32>
      %rev3A_2943 = tpu.iota {dimensions = array<i32: 0>} : vector<16xi32>
      %rev3A_2944 = arith.subi %rev3A_2942, %rev3A_2943 : vector<16xi32>
      %rev3A_2945 = tpu.dynamic_gather %masked_sort3A_2276[%rev3A_2944] in [0] : vector<16xf32>, vector<16xi32> -> vector<16xf32>
      %rev3A_2946 = arith.constant 15 : i32
      %rev3A_2947 = vector.broadcast %rev3A_2946 : i32 to vector<16xi32>
      %rev3A_2948 = tpu.iota {dimensions = array<i32: 0>} : vector<16xi32>
      %rev3A_2949 = arith.subi %rev3A_2947, %rev3A_2948 : vector<16xi32>
      %rev3A_2950 = tpu.dynamic_gather %masked_sort3A_2277[%rev3A_2949] in [0] : vector<16xi32>, vector<16xi32> -> vector<16xi32>
      %gt3A_2951 = arith.cmpf ogt, %masked_sort3A_2168, %rev3A_2945 : vector<16xf32>
      %eq3A_2952 = arith.cmpf oeq, %masked_sort3A_2168, %rev3A_2945 : vector<16xf32>
      %lt3A_2953 = arith.cmpi slt, %masked_sort3A_2169, %rev3A_2950 : vector<16xi32>
      %and3A_2954 = arith.andi %eq3A_2952, %lt3A_2953 : vector<16xi1>
      %or3A_2955 = arith.ori %gt3A_2951, %and3A_2954 : vector<16xi1>
      %select_n3A_2956 = arith.select %or3A_2955, %masked_sort3A_2168, %rev3A_2945 : vector<16xi1>, vector<16xf32>
      %select_n3A_2957 = arith.select %or3A_2955, %masked_sort3A_2169, %rev3A_2950 : vector<16xi1>, vector<16xi32>
      %gt3A_2958 = arith.cmpf ogt, %select_n3A_2905, %select_n3A_2939 : vector<16xf32>
      %eq3A_2959 = arith.cmpf oeq, %select_n3A_2905, %select_n3A_2939 : vector<16xf32>
      %lt3A_2960 = arith.cmpi slt, %select_n3A_2906, %select_n3A_2940 : vector<16xi32>
      %and3A_2961 = arith.andi %eq3A_2959, %lt3A_2960 : vector<16xi1>
      %or3A_2962 = arith.ori %gt3A_2958, %and3A_2961 : vector<16xi1>
      %select_n3A_2963 = arith.select %or3A_2962, %select_n3A_2905, %select_n3A_2939 : vector<16xi1>, vector<16xf32>
      %select_n3A_2964 = arith.select %or3A_2962, %select_n3A_2906, %select_n3A_2940 : vector<16xi1>, vector<16xi32>
      %select_n3A_2965 = arith.select %or3A_2962, %select_n3A_2939, %select_n3A_2905 : vector<16xi1>, vector<16xf32>
      %select_n3A_2966 = arith.select %or3A_2962, %select_n3A_2940, %select_n3A_2906 : vector<16xi1>, vector<16xi32>
      %gt3A_2967 = arith.cmpf ogt, %select_n3A_2922, %select_n3A_2956 : vector<16xf32>
      %eq3A_2968 = arith.cmpf oeq, %select_n3A_2922, %select_n3A_2956 : vector<16xf32>
      %lt3A_2969 = arith.cmpi slt, %select_n3A_2923, %select_n3A_2957 : vector<16xi32>
      %and3A_2970 = arith.andi %eq3A_2968, %lt3A_2969 : vector<16xi1>
      %or3A_2971 = arith.ori %gt3A_2967, %and3A_2970 : vector<16xi1>
      %select_n3A_2972 = arith.select %or3A_2971, %select_n3A_2922, %select_n3A_2956 : vector<16xi1>, vector<16xf32>
      %select_n3A_2973 = arith.select %or3A_2971, %select_n3A_2923, %select_n3A_2957 : vector<16xi1>, vector<16xi32>
      %select_n3A_2974 = arith.select %or3A_2971, %select_n3A_2956, %select_n3A_2922 : vector<16xi1>, vector<16xf32>
      %select_n3A_2975 = arith.select %or3A_2971, %select_n3A_2957, %select_n3A_2923 : vector<16xi1>, vector<16xi32>
      %gt3A_2976 = arith.cmpf ogt, %select_n3A_2963, %select_n3A_2972 : vector<16xf32>
      %eq3A_2977 = arith.cmpf oeq, %select_n3A_2963, %select_n3A_2972 : vector<16xf32>
      %lt3A_2978 = arith.cmpi slt, %select_n3A_2964, %select_n3A_2973 : vector<16xi32>
      %and3A_2979 = arith.andi %eq3A_2977, %lt3A_2978 : vector<16xi1>
      %or3A_2980 = arith.ori %gt3A_2976, %and3A_2979 : vector<16xi1>
      %select_n3A_2981 = arith.select %or3A_2980, %select_n3A_2963, %select_n3A_2972 : vector<16xi1>, vector<16xf32>
      %select_n3A_2982 = arith.select %or3A_2980, %select_n3A_2964, %select_n3A_2973 : vector<16xi1>, vector<16xi32>
      %select_n3A_2983 = arith.select %or3A_2980, %select_n3A_2972, %select_n3A_2963 : vector<16xi1>, vector<16xf32>
      %select_n3A_2984 = arith.select %or3A_2980, %select_n3A_2973, %select_n3A_2964 : vector<16xi1>, vector<16xi32>
      %gt3A_2985 = arith.cmpf ogt, %select_n3A_2965, %select_n3A_2974 : vector<16xf32>
      %eq3A_2986 = arith.cmpf oeq, %select_n3A_2965, %select_n3A_2974 : vector<16xf32>
      %lt3A_2987 = arith.cmpi slt, %select_n3A_2966, %select_n3A_2975 : vector<16xi32>
      %and3A_2988 = arith.andi %eq3A_2986, %lt3A_2987 : vector<16xi1>
      %or3A_2989 = arith.ori %gt3A_2985, %and3A_2988 : vector<16xi1>
      %select_n3A_2990 = arith.select %or3A_2989, %select_n3A_2965, %select_n3A_2974 : vector<16xi1>, vector<16xf32>
      %select_n3A_2991 = arith.select %or3A_2989, %select_n3A_2966, %select_n3A_2975 : vector<16xi1>, vector<16xi32>
      %select_n3A_2992 = arith.select %or3A_2989, %select_n3A_2974, %select_n3A_2965 : vector<16xi1>, vector<16xf32>
      %select_n3A_2993 = arith.select %or3A_2989, %select_n3A_2975, %select_n3A_2966 : vector<16xi1>, vector<16xi32>
      %masked_sort3A_2994 = arith.constant dense<true> : vector<16xi1>
      %masked_sort3A_2995, %masked_sort3A_2996, %masked_sort3A_2997 = tpu.sort %select_n3A_2981, %select_n3A_2982 masked %masked_sort3A_2994 {descending = true} : (vector<16xf32>, vector<16xi32>, vector<16xi1>) -> (vector<16xi1>, vector<16xf32>, vector<16xi32>)
      %masked_sort3A_2998 = arith.constant dense<true> : vector<16xi1>
      %masked_sort3A_2999, %masked_sort3A_3000, %masked_sort3A_3001 = tpu.sort %select_n3A_2983, %select_n3A_2984 masked %masked_sort3A_2998 {descending = true} : (vector<16xf32>, vector<16xi32>, vector<16xi1>) -> (vector<16xi1>, vector<16xf32>, vector<16xi32>)
      %masked_sort3A_3002 = arith.constant dense<true> : vector<16xi1>
      %masked_sort3A_3003, %masked_sort3A_3004, %masked_sort3A_3005 = tpu.sort %select_n3A_2990, %select_n3A_2991 masked %masked_sort3A_3002 {descending = true} : (vector<16xf32>, vector<16xi32>, vector<16xi1>) -> (vector<16xi1>, vector<16xf32>, vector<16xi32>)
      %masked_sort3A_3006 = arith.constant dense<true> : vector<16xi1>
      %masked_sort3A_3007, %masked_sort3A_3008, %masked_sort3A_3009 = tpu.sort %select_n3A_2992, %select_n3A_2993 masked %masked_sort3A_3006 {descending = true} : (vector<16xf32>, vector<16xi32>, vector<16xi1>) -> (vector<16xi1>, vector<16xf32>, vector<16xi32>)
      %rev3A_3010 = arith.constant 15 : i32
      %rev3A_3011 = vector.broadcast %rev3A_3010 : i32 to vector<16xi32>
      %rev3A_3012 = tpu.iota {dimensions = array<i32: 0>} : vector<16xi32>
      %rev3A_3013 = arith.subi %rev3A_3011, %rev3A_3012 : vector<16xi32>
      %rev3A_3014 = tpu.dynamic_gather %masked_sort3A_2528[%rev3A_3013] in [0] : vector<16xf32>, vector<16xi32> -> vector<16xf32>
      %rev3A_3015 = arith.constant 15 : i32
      %rev3A_3016 = vector.broadcast %rev3A_3015 : i32 to vector<16xi32>
      %rev3A_3017 = tpu.iota {dimensions = array<i32: 0>} : vector<16xi32>
      %rev3A_3018 = arith.subi %rev3A_3016, %rev3A_3017 : vector<16xi32>
      %rev3A_3019 = tpu.dynamic_gather %masked_sort3A_2529[%rev3A_3018] in [0] : vector<16xi32>, vector<16xi32> -> vector<16xi32>
      %gt3A_3020 = arith.cmpf ogt, %masked_sort3A_2396, %rev3A_3014 : vector<16xf32>
      %eq3A_3021 = arith.cmpf oeq, %masked_sort3A_2396, %rev3A_3014 : vector<16xf32>
      %lt3A_3022 = arith.cmpi slt, %masked_sort3A_2397, %rev3A_3019 : vector<16xi32>
      %and3A_3023 = arith.andi %eq3A_3021, %lt3A_3022 : vector<16xi1>
      %or3A_3024 = arith.ori %gt3A_3020, %and3A_3023 : vector<16xi1>
      %select_n3A_3025 = arith.select %or3A_3024, %masked_sort3A_2396, %rev3A_3014 : vector<16xi1>, vector<16xf32>
      %select_n3A_3026 = arith.select %or3A_3024, %masked_sort3A_2397, %rev3A_3019 : vector<16xi1>, vector<16xi32>
      %rev3A_3027 = arith.constant 15 : i32
      %rev3A_3028 = vector.broadcast %rev3A_3027 : i32 to vector<16xi32>
      %rev3A_3029 = tpu.iota {dimensions = array<i32: 0>} : vector<16xi32>
      %rev3A_3030 = arith.subi %rev3A_3028, %rev3A_3029 : vector<16xi32>
      %rev3A_3031 = tpu.dynamic_gather %masked_sort3A_2524[%rev3A_3030] in [0] : vector<16xf32>, vector<16xi32> -> vector<16xf32>
      %rev3A_3032 = arith.constant 15 : i32
      %rev3A_3033 = vector.broadcast %rev3A_3032 : i32 to vector<16xi32>
      %rev3A_3034 = tpu.iota {dimensions = array<i32: 0>} : vector<16xi32>
      %rev3A_3035 = arith.subi %rev3A_3033, %rev3A_3034 : vector<16xi32>
      %rev3A_3036 = tpu.dynamic_gather %masked_sort3A_2525[%rev3A_3035] in [0] : vector<16xi32>, vector<16xi32> -> vector<16xi32>
      %gt3A_3037 = arith.cmpf ogt, %masked_sort3A_2400, %rev3A_3031 : vector<16xf32>
      %eq3A_3038 = arith.cmpf oeq, %masked_sort3A_2400, %rev3A_3031 : vector<16xf32>
      %lt3A_3039 = arith.cmpi slt, %masked_sort3A_2401, %rev3A_3036 : vector<16xi32>
      %and3A_3040 = arith.andi %eq3A_3038, %lt3A_3039 : vector<16xi1>
      %or3A_3041 = arith.ori %gt3A_3037, %and3A_3040 : vector<16xi1>
      %select_n3A_3042 = arith.select %or3A_3041, %masked_sort3A_2400, %rev3A_3031 : vector<16xi1>, vector<16xf32>
      %select_n3A_3043 = arith.select %or3A_3041, %masked_sort3A_2401, %rev3A_3036 : vector<16xi1>, vector<16xi32>
      %rev3A_3044 = arith.constant 15 : i32
      %rev3A_3045 = vector.broadcast %rev3A_3044 : i32 to vector<16xi32>
      %rev3A_3046 = tpu.iota {dimensions = array<i32: 0>} : vector<16xi32>
      %rev3A_3047 = arith.subi %rev3A_3045, %rev3A_3046 : vector<16xi32>
      %rev3A_3048 = tpu.dynamic_gather %masked_sort3A_2520[%rev3A_3047] in [0] : vector<16xf32>, vector<16xi32> -> vector<16xf32>
      %rev3A_3049 = arith.constant 15 : i32
      %rev3A_3050 = vector.broadcast %rev3A_3049 : i32 to vector<16xi32>
      %rev3A_3051 = tpu.iota {dimensions = array<i32: 0>} : vector<16xi32>
      %rev3A_3052 = arith.subi %rev3A_3050, %rev3A_3051 : vector<16xi32>
      %rev3A_3053 = tpu.dynamic_gather %masked_sort3A_2521[%rev3A_3052] in [0] : vector<16xi32>, vector<16xi32> -> vector<16xi32>
      %gt3A_3054 = arith.cmpf ogt, %masked_sort3A_2404, %rev3A_3048 : vector<16xf32>
      %eq3A_3055 = arith.cmpf oeq, %masked_sort3A_2404, %rev3A_3048 : vector<16xf32>
      %lt3A_3056 = arith.cmpi slt, %masked_sort3A_2405, %rev3A_3053 : vector<16xi32>
      %and3A_3057 = arith.andi %eq3A_3055, %lt3A_3056 : vector<16xi1>
      %or3A_3058 = arith.ori %gt3A_3054, %and3A_3057 : vector<16xi1>
      %select_n3A_3059 = arith.select %or3A_3058, %masked_sort3A_2404, %rev3A_3048 : vector<16xi1>, vector<16xf32>
      %select_n3A_3060 = arith.select %or3A_3058, %masked_sort3A_2405, %rev3A_3053 : vector<16xi1>, vector<16xi32>
      %rev3A_3061 = arith.constant 15 : i32
      %rev3A_3062 = vector.broadcast %rev3A_3061 : i32 to vector<16xi32>
      %rev3A_3063 = tpu.iota {dimensions = array<i32: 0>} : vector<16xi32>
      %rev3A_3064 = arith.subi %rev3A_3062, %rev3A_3063 : vector<16xi32>
      %rev3A_3065 = tpu.dynamic_gather %masked_sort3A_2516[%rev3A_3064] in [0] : vector<16xf32>, vector<16xi32> -> vector<16xf32>
      %rev3A_3066 = arith.constant 15 : i32
      %rev3A_3067 = vector.broadcast %rev3A_3066 : i32 to vector<16xi32>
      %rev3A_3068 = tpu.iota {dimensions = array<i32: 0>} : vector<16xi32>
      %rev3A_3069 = arith.subi %rev3A_3067, %rev3A_3068 : vector<16xi32>
      %rev3A_3070 = tpu.dynamic_gather %masked_sort3A_2517[%rev3A_3069] in [0] : vector<16xi32>, vector<16xi32> -> vector<16xi32>
      %gt3A_3071 = arith.cmpf ogt, %masked_sort3A_2408, %rev3A_3065 : vector<16xf32>
      %eq3A_3072 = arith.cmpf oeq, %masked_sort3A_2408, %rev3A_3065 : vector<16xf32>
      %lt3A_3073 = arith.cmpi slt, %masked_sort3A_2409, %rev3A_3070 : vector<16xi32>
      %and3A_3074 = arith.andi %eq3A_3072, %lt3A_3073 : vector<16xi1>
      %or3A_3075 = arith.ori %gt3A_3071, %and3A_3074 : vector<16xi1>
      %select_n3A_3076 = arith.select %or3A_3075, %masked_sort3A_2408, %rev3A_3065 : vector<16xi1>, vector<16xf32>
      %select_n3A_3077 = arith.select %or3A_3075, %masked_sort3A_2409, %rev3A_3070 : vector<16xi1>, vector<16xi32>
      %gt3A_3078 = arith.cmpf ogt, %select_n3A_3025, %select_n3A_3059 : vector<16xf32>
      %eq3A_3079 = arith.cmpf oeq, %select_n3A_3025, %select_n3A_3059 : vector<16xf32>
      %lt3A_3080 = arith.cmpi slt, %select_n3A_3026, %select_n3A_3060 : vector<16xi32>
      %and3A_3081 = arith.andi %eq3A_3079, %lt3A_3080 : vector<16xi1>
      %or3A_3082 = arith.ori %gt3A_3078, %and3A_3081 : vector<16xi1>
      %select_n3A_3083 = arith.select %or3A_3082, %select_n3A_3025, %select_n3A_3059 : vector<16xi1>, vector<16xf32>
      %select_n3A_3084 = arith.select %or3A_3082, %select_n3A_3026, %select_n3A_3060 : vector<16xi1>, vector<16xi32>
      %select_n3A_3085 = arith.select %or3A_3082, %select_n3A_3059, %select_n3A_3025 : vector<16xi1>, vector<16xf32>
      %select_n3A_3086 = arith.select %or3A_3082, %select_n3A_3060, %select_n3A_3026 : vector<16xi1>, vector<16xi32>
      %gt3A_3087 = arith.cmpf ogt, %select_n3A_3042, %select_n3A_3076 : vector<16xf32>
      %eq3A_3088 = arith.cmpf oeq, %select_n3A_3042, %select_n3A_3076 : vector<16xf32>
      %lt3A_3089 = arith.cmpi slt, %select_n3A_3043, %select_n3A_3077 : vector<16xi32>
      %and3A_3090 = arith.andi %eq3A_3088, %lt3A_3089 : vector<16xi1>
      %or3A_3091 = arith.ori %gt3A_3087, %and3A_3090 : vector<16xi1>
      %select_n3A_3092 = arith.select %or3A_3091, %select_n3A_3042, %select_n3A_3076 : vector<16xi1>, vector<16xf32>
      %select_n3A_3093 = arith.select %or3A_3091, %select_n3A_3043, %select_n3A_3077 : vector<16xi1>, vector<16xi32>
      %select_n3A_3094 = arith.select %or3A_3091, %select_n3A_3076, %select_n3A_3042 : vector<16xi1>, vector<16xf32>
      %select_n3A_3095 = arith.select %or3A_3091, %select_n3A_3077, %select_n3A_3043 : vector<16xi1>, vector<16xi32>
      %gt3A_3096 = arith.cmpf ogt, %select_n3A_3083, %select_n3A_3092 : vector<16xf32>
      %eq3A_3097 = arith.cmpf oeq, %select_n3A_3083, %select_n3A_3092 : vector<16xf32>
      %lt3A_3098 = arith.cmpi slt, %select_n3A_3084, %select_n3A_3093 : vector<16xi32>
      %and3A_3099 = arith.andi %eq3A_3097, %lt3A_3098 : vector<16xi1>
      %or3A_3100 = arith.ori %gt3A_3096, %and3A_3099 : vector<16xi1>
      %select_n3A_3101 = arith.select %or3A_3100, %select_n3A_3083, %select_n3A_3092 : vector<16xi1>, vector<16xf32>
      %select_n3A_3102 = arith.select %or3A_3100, %select_n3A_3084, %select_n3A_3093 : vector<16xi1>, vector<16xi32>
      %select_n3A_3103 = arith.select %or3A_3100, %select_n3A_3092, %select_n3A_3083 : vector<16xi1>, vector<16xf32>
      %select_n3A_3104 = arith.select %or3A_3100, %select_n3A_3093, %select_n3A_3084 : vector<16xi1>, vector<16xi32>
      %gt3A_3105 = arith.cmpf ogt, %select_n3A_3085, %select_n3A_3094 : vector<16xf32>
      %eq3A_3106 = arith.cmpf oeq, %select_n3A_3085, %select_n3A_3094 : vector<16xf32>
      %lt3A_3107 = arith.cmpi slt, %select_n3A_3086, %select_n3A_3095 : vector<16xi32>
      %and3A_3108 = arith.andi %eq3A_3106, %lt3A_3107 : vector<16xi1>
      %or3A_3109 = arith.ori %gt3A_3105, %and3A_3108 : vector<16xi1>
      %select_n3A_3110 = arith.select %or3A_3109, %select_n3A_3085, %select_n3A_3094 : vector<16xi1>, vector<16xf32>
      %select_n3A_3111 = arith.select %or3A_3109, %select_n3A_3086, %select_n3A_3095 : vector<16xi1>, vector<16xi32>
      %select_n3A_3112 = arith.select %or3A_3109, %select_n3A_3094, %select_n3A_3085 : vector<16xi1>, vector<16xf32>
      %select_n3A_3113 = arith.select %or3A_3109, %select_n3A_3095, %select_n3A_3086 : vector<16xi1>, vector<16xi32>
      %masked_sort3A_3114 = arith.constant dense<true> : vector<16xi1>
      %masked_sort3A_3115, %masked_sort3A_3116, %masked_sort3A_3117 = tpu.sort %select_n3A_3101, %select_n3A_3102 masked %masked_sort3A_3114 {descending = true} : (vector<16xf32>, vector<16xi32>, vector<16xi1>) -> (vector<16xi1>, vector<16xf32>, vector<16xi32>)
      %masked_sort3A_3118 = arith.constant dense<true> : vector<16xi1>
      %masked_sort3A_3119, %masked_sort3A_3120, %masked_sort3A_3121 = tpu.sort %select_n3A_3103, %select_n3A_3104 masked %masked_sort3A_3118 {descending = true} : (vector<16xf32>, vector<16xi32>, vector<16xi1>) -> (vector<16xi1>, vector<16xf32>, vector<16xi32>)
      %masked_sort3A_3122 = arith.constant dense<true> : vector<16xi1>
      %masked_sort3A_3123, %masked_sort3A_3124, %masked_sort3A_3125 = tpu.sort %select_n3A_3110, %select_n3A_3111 masked %masked_sort3A_3122 {descending = true} : (vector<16xf32>, vector<16xi32>, vector<16xi1>) -> (vector<16xi1>, vector<16xf32>, vector<16xi32>)
      %masked_sort3A_3126 = arith.constant dense<true> : vector<16xi1>
      %masked_sort3A_3127, %masked_sort3A_3128, %masked_sort3A_3129 = tpu.sort %select_n3A_3112, %select_n3A_3113 masked %masked_sort3A_3126 {descending = true} : (vector<16xf32>, vector<16xi32>, vector<16xi1>) -> (vector<16xi1>, vector<16xf32>, vector<16xi32>)
      %rev3A_3130 = arith.constant 15 : i32
      %rev3A_3131 = vector.broadcast %rev3A_3130 : i32 to vector<16xi32>
      %rev3A_3132 = tpu.iota {dimensions = array<i32: 0>} : vector<16xi32>
      %rev3A_3133 = arith.subi %rev3A_3131, %rev3A_3132 : vector<16xi32>
      %rev3A_3134 = tpu.dynamic_gather %masked_sort3A_2768[%rev3A_3133] in [0] : vector<16xf32>, vector<16xi32> -> vector<16xf32>
      %rev3A_3135 = arith.constant 15 : i32
      %rev3A_3136 = vector.broadcast %rev3A_3135 : i32 to vector<16xi32>
      %rev3A_3137 = tpu.iota {dimensions = array<i32: 0>} : vector<16xi32>
      %rev3A_3138 = arith.subi %rev3A_3136, %rev3A_3137 : vector<16xi32>
      %rev3A_3139 = tpu.dynamic_gather %masked_sort3A_2769[%rev3A_3138] in [0] : vector<16xi32>, vector<16xi32> -> vector<16xi32>
      %gt3A_3140 = arith.cmpf ogt, %masked_sort3A_2636, %rev3A_3134 : vector<16xf32>
      %eq3A_3141 = arith.cmpf oeq, %masked_sort3A_2636, %rev3A_3134 : vector<16xf32>
      %lt3A_3142 = arith.cmpi slt, %masked_sort3A_2637, %rev3A_3139 : vector<16xi32>
      %and3A_3143 = arith.andi %eq3A_3141, %lt3A_3142 : vector<16xi1>
      %or3A_3144 = arith.ori %gt3A_3140, %and3A_3143 : vector<16xi1>
      %select_n3A_3145 = arith.select %or3A_3144, %masked_sort3A_2636, %rev3A_3134 : vector<16xi1>, vector<16xf32>
      %select_n3A_3146 = arith.select %or3A_3144, %masked_sort3A_2637, %rev3A_3139 : vector<16xi1>, vector<16xi32>
      %rev3A_3147 = arith.constant 15 : i32
      %rev3A_3148 = vector.broadcast %rev3A_3147 : i32 to vector<16xi32>
      %rev3A_3149 = tpu.iota {dimensions = array<i32: 0>} : vector<16xi32>
      %rev3A_3150 = arith.subi %rev3A_3148, %rev3A_3149 : vector<16xi32>
      %rev3A_3151 = tpu.dynamic_gather %masked_sort3A_2764[%rev3A_3150] in [0] : vector<16xf32>, vector<16xi32> -> vector<16xf32>
      %rev3A_3152 = arith.constant 15 : i32
      %rev3A_3153 = vector.broadcast %rev3A_3152 : i32 to vector<16xi32>
      %rev3A_3154 = tpu.iota {dimensions = array<i32: 0>} : vector<16xi32>
      %rev3A_3155 = arith.subi %rev3A_3153, %rev3A_3154 : vector<16xi32>
      %rev3A_3156 = tpu.dynamic_gather %masked_sort3A_2765[%rev3A_3155] in [0] : vector<16xi32>, vector<16xi32> -> vector<16xi32>
      %gt3A_3157 = arith.cmpf ogt, %masked_sort3A_2640, %rev3A_3151 : vector<16xf32>
      %eq3A_3158 = arith.cmpf oeq, %masked_sort3A_2640, %rev3A_3151 : vector<16xf32>
      %lt3A_3159 = arith.cmpi slt, %masked_sort3A_2641, %rev3A_3156 : vector<16xi32>
      %and3A_3160 = arith.andi %eq3A_3158, %lt3A_3159 : vector<16xi1>
      %or3A_3161 = arith.ori %gt3A_3157, %and3A_3160 : vector<16xi1>
      %select_n3A_3162 = arith.select %or3A_3161, %masked_sort3A_2640, %rev3A_3151 : vector<16xi1>, vector<16xf32>
      %select_n3A_3163 = arith.select %or3A_3161, %masked_sort3A_2641, %rev3A_3156 : vector<16xi1>, vector<16xi32>
      %rev3A_3164 = arith.constant 15 : i32
      %rev3A_3165 = vector.broadcast %rev3A_3164 : i32 to vector<16xi32>
      %rev3A_3166 = tpu.iota {dimensions = array<i32: 0>} : vector<16xi32>
      %rev3A_3167 = arith.subi %rev3A_3165, %rev3A_3166 : vector<16xi32>
      %rev3A_3168 = tpu.dynamic_gather %masked_sort3A_2760[%rev3A_3167] in [0] : vector<16xf32>, vector<16xi32> -> vector<16xf32>
      %rev3A_3169 = arith.constant 15 : i32
      %rev3A_3170 = vector.broadcast %rev3A_3169 : i32 to vector<16xi32>
      %rev3A_3171 = tpu.iota {dimensions = array<i32: 0>} : vector<16xi32>
      %rev3A_3172 = arith.subi %rev3A_3170, %rev3A_3171 : vector<16xi32>
      %rev3A_3173 = tpu.dynamic_gather %masked_sort3A_2761[%rev3A_3172] in [0] : vector<16xi32>, vector<16xi32> -> vector<16xi32>
      %gt3A_3174 = arith.cmpf ogt, %masked_sort3A_2644, %rev3A_3168 : vector<16xf32>
      %eq3A_3175 = arith.cmpf oeq, %masked_sort3A_2644, %rev3A_3168 : vector<16xf32>
      %lt3A_3176 = arith.cmpi slt, %masked_sort3A_2645, %rev3A_3173 : vector<16xi32>
      %and3A_3177 = arith.andi %eq3A_3175, %lt3A_3176 : vector<16xi1>
      %or3A_3178 = arith.ori %gt3A_3174, %and3A_3177 : vector<16xi1>
      %select_n3A_3179 = arith.select %or3A_3178, %masked_sort3A_2644, %rev3A_3168 : vector<16xi1>, vector<16xf32>
      %select_n3A_3180 = arith.select %or3A_3178, %masked_sort3A_2645, %rev3A_3173 : vector<16xi1>, vector<16xi32>
      %rev3A_3181 = arith.constant 15 : i32
      %rev3A_3182 = vector.broadcast %rev3A_3181 : i32 to vector<16xi32>
      %rev3A_3183 = tpu.iota {dimensions = array<i32: 0>} : vector<16xi32>
      %rev3A_3184 = arith.subi %rev3A_3182, %rev3A_3183 : vector<16xi32>
      %rev3A_3185 = tpu.dynamic_gather %masked_sort3A_2756[%rev3A_3184] in [0] : vector<16xf32>, vector<16xi32> -> vector<16xf32>
      %rev3A_3186 = arith.constant 15 : i32
      %rev3A_3187 = vector.broadcast %rev3A_3186 : i32 to vector<16xi32>
      %rev3A_3188 = tpu.iota {dimensions = array<i32: 0>} : vector<16xi32>
      %rev3A_3189 = arith.subi %rev3A_3187, %rev3A_3188 : vector<16xi32>
      %rev3A_3190 = tpu.dynamic_gather %masked_sort3A_2757[%rev3A_3189] in [0] : vector<16xi32>, vector<16xi32> -> vector<16xi32>
      %gt3A_3191 = arith.cmpf ogt, %masked_sort3A_2648, %rev3A_3185 : vector<16xf32>
      %eq3A_3192 = arith.cmpf oeq, %masked_sort3A_2648, %rev3A_3185 : vector<16xf32>
      %lt3A_3193 = arith.cmpi slt, %masked_sort3A_2649, %rev3A_3190 : vector<16xi32>
      %and3A_3194 = arith.andi %eq3A_3192, %lt3A_3193 : vector<16xi1>
      %or3A_3195 = arith.ori %gt3A_3191, %and3A_3194 : vector<16xi1>
      %select_n3A_3196 = arith.select %or3A_3195, %masked_sort3A_2648, %rev3A_3185 : vector<16xi1>, vector<16xf32>
      %select_n3A_3197 = arith.select %or3A_3195, %masked_sort3A_2649, %rev3A_3190 : vector<16xi1>, vector<16xi32>
      %gt3A_3198 = arith.cmpf ogt, %select_n3A_3145, %select_n3A_3179 : vector<16xf32>
      %eq3A_3199 = arith.cmpf oeq, %select_n3A_3145, %select_n3A_3179 : vector<16xf32>
      %lt3A_3200 = arith.cmpi slt, %select_n3A_3146, %select_n3A_3180 : vector<16xi32>
      %and3A_3201 = arith.andi %eq3A_3199, %lt3A_3200 : vector<16xi1>
      %or3A_3202 = arith.ori %gt3A_3198, %and3A_3201 : vector<16xi1>
      %select_n3A_3203 = arith.select %or3A_3202, %select_n3A_3145, %select_n3A_3179 : vector<16xi1>, vector<16xf32>
      %select_n3A_3204 = arith.select %or3A_3202, %select_n3A_3146, %select_n3A_3180 : vector<16xi1>, vector<16xi32>
      %select_n3A_3205 = arith.select %or3A_3202, %select_n3A_3179, %select_n3A_3145 : vector<16xi1>, vector<16xf32>
      %select_n3A_3206 = arith.select %or3A_3202, %select_n3A_3180, %select_n3A_3146 : vector<16xi1>, vector<16xi32>
      %gt3A_3207 = arith.cmpf ogt, %select_n3A_3162, %select_n3A_3196 : vector<16xf32>
      %eq3A_3208 = arith.cmpf oeq, %select_n3A_3162, %select_n3A_3196 : vector<16xf32>
      %lt3A_3209 = arith.cmpi slt, %select_n3A_3163, %select_n3A_3197 : vector<16xi32>
      %and3A_3210 = arith.andi %eq3A_3208, %lt3A_3209 : vector<16xi1>
      %or3A_3211 = arith.ori %gt3A_3207, %and3A_3210 : vector<16xi1>
      %select_n3A_3212 = arith.select %or3A_3211, %select_n3A_3162, %select_n3A_3196 : vector<16xi1>, vector<16xf32>
      %select_n3A_3213 = arith.select %or3A_3211, %select_n3A_3163, %select_n3A_3197 : vector<16xi1>, vector<16xi32>
      %select_n3A_3214 = arith.select %or3A_3211, %select_n3A_3196, %select_n3A_3162 : vector<16xi1>, vector<16xf32>
      %select_n3A_3215 = arith.select %or3A_3211, %select_n3A_3197, %select_n3A_3163 : vector<16xi1>, vector<16xi32>
      %gt3A_3216 = arith.cmpf ogt, %select_n3A_3203, %select_n3A_3212 : vector<16xf32>
      %eq3A_3217 = arith.cmpf oeq, %select_n3A_3203, %select_n3A_3212 : vector<16xf32>
      %lt3A_3218 = arith.cmpi slt, %select_n3A_3204, %select_n3A_3213 : vector<16xi32>
      %and3A_3219 = arith.andi %eq3A_3217, %lt3A_3218 : vector<16xi1>
      %or3A_3220 = arith.ori %gt3A_3216, %and3A_3219 : vector<16xi1>
      %select_n3A_3221 = arith.select %or3A_3220, %select_n3A_3203, %select_n3A_3212 : vector<16xi1>, vector<16xf32>
      %select_n3A_3222 = arith.select %or3A_3220, %select_n3A_3204, %select_n3A_3213 : vector<16xi1>, vector<16xi32>
      %select_n3A_3223 = arith.select %or3A_3220, %select_n3A_3212, %select_n3A_3203 : vector<16xi1>, vector<16xf32>
      %select_n3A_3224 = arith.select %or3A_3220, %select_n3A_3213, %select_n3A_3204 : vector<16xi1>, vector<16xi32>
      %gt3A_3225 = arith.cmpf ogt, %select_n3A_3205, %select_n3A_3214 : vector<16xf32>
      %eq3A_3226 = arith.cmpf oeq, %select_n3A_3205, %select_n3A_3214 : vector<16xf32>
      %lt3A_3227 = arith.cmpi slt, %select_n3A_3206, %select_n3A_3215 : vector<16xi32>
      %and3A_3228 = arith.andi %eq3A_3226, %lt3A_3227 : vector<16xi1>
      %or3A_3229 = arith.ori %gt3A_3225, %and3A_3228 : vector<16xi1>
      %select_n3A_3230 = arith.select %or3A_3229, %select_n3A_3205, %select_n3A_3214 : vector<16xi1>, vector<16xf32>
      %select_n3A_3231 = arith.select %or3A_3229, %select_n3A_3206, %select_n3A_3215 : vector<16xi1>, vector<16xi32>
      %select_n3A_3232 = arith.select %or3A_3229, %select_n3A_3214, %select_n3A_3205 : vector<16xi1>, vector<16xf32>
      %select_n3A_3233 = arith.select %or3A_3229, %select_n3A_3215, %select_n3A_3206 : vector<16xi1>, vector<16xi32>
      %masked_sort3A_3234 = arith.constant dense<true> : vector<16xi1>
      %masked_sort3A_3235, %masked_sort3A_3236, %masked_sort3A_3237 = tpu.sort %select_n3A_3221, %select_n3A_3222 masked %masked_sort3A_3234 {descending = true} : (vector<16xf32>, vector<16xi32>, vector<16xi1>) -> (vector<16xi1>, vector<16xf32>, vector<16xi32>)
      %masked_sort3A_3238 = arith.constant dense<true> : vector<16xi1>
      %masked_sort3A_3239, %masked_sort3A_3240, %masked_sort3A_3241 = tpu.sort %select_n3A_3223, %select_n3A_3224 masked %masked_sort3A_3238 {descending = true} : (vector<16xf32>, vector<16xi32>, vector<16xi1>) -> (vector<16xi1>, vector<16xf32>, vector<16xi32>)
      %masked_sort3A_3242 = arith.constant dense<true> : vector<16xi1>
      %masked_sort3A_3243, %masked_sort3A_3244, %masked_sort3A_3245 = tpu.sort %select_n3A_3230, %select_n3A_3231 masked %masked_sort3A_3242 {descending = true} : (vector<16xf32>, vector<16xi32>, vector<16xi1>) -> (vector<16xi1>, vector<16xf32>, vector<16xi32>)
      %masked_sort3A_3246 = arith.constant dense<true> : vector<16xi1>
      %masked_sort3A_3247, %masked_sort3A_3248, %masked_sort3A_3249 = tpu.sort %select_n3A_3232, %select_n3A_3233 masked %masked_sort3A_3246 {descending = true} : (vector<16xf32>, vector<16xi32>, vector<16xi1>) -> (vector<16xi1>, vector<16xf32>, vector<16xi32>)
      %rev3A_3250 = arith.constant 15 : i32
      %rev3A_3251 = vector.broadcast %rev3A_3250 : i32 to vector<16xi32>
      %rev3A_3252 = tpu.iota {dimensions = array<i32: 0>} : vector<16xi32>
      %rev3A_3253 = arith.subi %rev3A_3251, %rev3A_3252 : vector<16xi32>
      %rev3A_3254 = tpu.dynamic_gather %masked_sort3A_3008[%rev3A_3253] in [0] : vector<16xf32>, vector<16xi32> -> vector<16xf32>
      %rev3A_3255 = arith.constant 15 : i32
      %rev3A_3256 = vector.broadcast %rev3A_3255 : i32 to vector<16xi32>
      %rev3A_3257 = tpu.iota {dimensions = array<i32: 0>} : vector<16xi32>
      %rev3A_3258 = arith.subi %rev3A_3256, %rev3A_3257 : vector<16xi32>
      %rev3A_3259 = tpu.dynamic_gather %masked_sort3A_3009[%rev3A_3258] in [0] : vector<16xi32>, vector<16xi32> -> vector<16xi32>
      %gt3A_3260 = arith.cmpf ogt, %masked_sort3A_2876, %rev3A_3254 : vector<16xf32>
      %eq3A_3261 = arith.cmpf oeq, %masked_sort3A_2876, %rev3A_3254 : vector<16xf32>
      %lt3A_3262 = arith.cmpi slt, %masked_sort3A_2877, %rev3A_3259 : vector<16xi32>
      %and3A_3263 = arith.andi %eq3A_3261, %lt3A_3262 : vector<16xi1>
      %or3A_3264 = arith.ori %gt3A_3260, %and3A_3263 : vector<16xi1>
      %select_n3A_3265 = arith.select %or3A_3264, %masked_sort3A_2876, %rev3A_3254 : vector<16xi1>, vector<16xf32>
      %select_n3A_3266 = arith.select %or3A_3264, %masked_sort3A_2877, %rev3A_3259 : vector<16xi1>, vector<16xi32>
      %rev3A_3267 = arith.constant 15 : i32
      %rev3A_3268 = vector.broadcast %rev3A_3267 : i32 to vector<16xi32>
      %rev3A_3269 = tpu.iota {dimensions = array<i32: 0>} : vector<16xi32>
      %rev3A_3270 = arith.subi %rev3A_3268, %rev3A_3269 : vector<16xi32>
      %rev3A_3271 = tpu.dynamic_gather %masked_sort3A_3004[%rev3A_3270] in [0] : vector<16xf32>, vector<16xi32> -> vector<16xf32>
      %rev3A_3272 = arith.constant 15 : i32
      %rev3A_3273 = vector.broadcast %rev3A_3272 : i32 to vector<16xi32>
      %rev3A_3274 = tpu.iota {dimensions = array<i32: 0>} : vector<16xi32>
      %rev3A_3275 = arith.subi %rev3A_3273, %rev3A_3274 : vector<16xi32>
      %rev3A_3276 = tpu.dynamic_gather %masked_sort3A_3005[%rev3A_3275] in [0] : vector<16xi32>, vector<16xi32> -> vector<16xi32>
      %gt3A_3277 = arith.cmpf ogt, %masked_sort3A_2880, %rev3A_3271 : vector<16xf32>
      %eq3A_3278 = arith.cmpf oeq, %masked_sort3A_2880, %rev3A_3271 : vector<16xf32>
      %lt3A_3279 = arith.cmpi slt, %masked_sort3A_2881, %rev3A_3276 : vector<16xi32>
      %and3A_3280 = arith.andi %eq3A_3278, %lt3A_3279 : vector<16xi1>
      %or3A_3281 = arith.ori %gt3A_3277, %and3A_3280 : vector<16xi1>
      %select_n3A_3282 = arith.select %or3A_3281, %masked_sort3A_2880, %rev3A_3271 : vector<16xi1>, vector<16xf32>
      %select_n3A_3283 = arith.select %or3A_3281, %masked_sort3A_2881, %rev3A_3276 : vector<16xi1>, vector<16xi32>
      %rev3A_3284 = arith.constant 15 : i32
      %rev3A_3285 = vector.broadcast %rev3A_3284 : i32 to vector<16xi32>
      %rev3A_3286 = tpu.iota {dimensions = array<i32: 0>} : vector<16xi32>
      %rev3A_3287 = arith.subi %rev3A_3285, %rev3A_3286 : vector<16xi32>
      %rev3A_3288 = tpu.dynamic_gather %masked_sort3A_3000[%rev3A_3287] in [0] : vector<16xf32>, vector<16xi32> -> vector<16xf32>
      %rev3A_3289 = arith.constant 15 : i32
      %rev3A_3290 = vector.broadcast %rev3A_3289 : i32 to vector<16xi32>
      %rev3A_3291 = tpu.iota {dimensions = array<i32: 0>} : vector<16xi32>
      %rev3A_3292 = arith.subi %rev3A_3290, %rev3A_3291 : vector<16xi32>
      %rev3A_3293 = tpu.dynamic_gather %masked_sort3A_3001[%rev3A_3292] in [0] : vector<16xi32>, vector<16xi32> -> vector<16xi32>
      %gt3A_3294 = arith.cmpf ogt, %masked_sort3A_2884, %rev3A_3288 : vector<16xf32>
      %eq3A_3295 = arith.cmpf oeq, %masked_sort3A_2884, %rev3A_3288 : vector<16xf32>
      %lt3A_3296 = arith.cmpi slt, %masked_sort3A_2885, %rev3A_3293 : vector<16xi32>
      %and3A_3297 = arith.andi %eq3A_3295, %lt3A_3296 : vector<16xi1>
      %or3A_3298 = arith.ori %gt3A_3294, %and3A_3297 : vector<16xi1>
      %select_n3A_3299 = arith.select %or3A_3298, %masked_sort3A_2884, %rev3A_3288 : vector<16xi1>, vector<16xf32>
      %select_n3A_3300 = arith.select %or3A_3298, %masked_sort3A_2885, %rev3A_3293 : vector<16xi1>, vector<16xi32>
      %rev3A_3301 = arith.constant 15 : i32
      %rev3A_3302 = vector.broadcast %rev3A_3301 : i32 to vector<16xi32>
      %rev3A_3303 = tpu.iota {dimensions = array<i32: 0>} : vector<16xi32>
      %rev3A_3304 = arith.subi %rev3A_3302, %rev3A_3303 : vector<16xi32>
      %rev3A_3305 = tpu.dynamic_gather %masked_sort3A_2996[%rev3A_3304] in [0] : vector<16xf32>, vector<16xi32> -> vector<16xf32>
      %rev3A_3306 = arith.constant 15 : i32
      %rev3A_3307 = vector.broadcast %rev3A_3306 : i32 to vector<16xi32>
      %rev3A_3308 = tpu.iota {dimensions = array<i32: 0>} : vector<16xi32>
      %rev3A_3309 = arith.subi %rev3A_3307, %rev3A_3308 : vector<16xi32>
      %rev3A_3310 = tpu.dynamic_gather %masked_sort3A_2997[%rev3A_3309] in [0] : vector<16xi32>, vector<16xi32> -> vector<16xi32>
      %gt3A_3311 = arith.cmpf ogt, %masked_sort3A_2888, %rev3A_3305 : vector<16xf32>
      %eq3A_3312 = arith.cmpf oeq, %masked_sort3A_2888, %rev3A_3305 : vector<16xf32>
      %lt3A_3313 = arith.cmpi slt, %masked_sort3A_2889, %rev3A_3310 : vector<16xi32>
      %and3A_3314 = arith.andi %eq3A_3312, %lt3A_3313 : vector<16xi1>
      %or3A_3315 = arith.ori %gt3A_3311, %and3A_3314 : vector<16xi1>
      %select_n3A_3316 = arith.select %or3A_3315, %masked_sort3A_2888, %rev3A_3305 : vector<16xi1>, vector<16xf32>
      %select_n3A_3317 = arith.select %or3A_3315, %masked_sort3A_2889, %rev3A_3310 : vector<16xi1>, vector<16xi32>
      %gt3A_3318 = arith.cmpf ogt, %select_n3A_3265, %select_n3A_3299 : vector<16xf32>
      %eq3A_3319 = arith.cmpf oeq, %select_n3A_3265, %select_n3A_3299 : vector<16xf32>
      %lt3A_3320 = arith.cmpi slt, %select_n3A_3266, %select_n3A_3300 : vector<16xi32>
      %and3A_3321 = arith.andi %eq3A_3319, %lt3A_3320 : vector<16xi1>
      %or3A_3322 = arith.ori %gt3A_3318, %and3A_3321 : vector<16xi1>
      %select_n3A_3323 = arith.select %or3A_3322, %select_n3A_3265, %select_n3A_3299 : vector<16xi1>, vector<16xf32>
      %select_n3A_3324 = arith.select %or3A_3322, %select_n3A_3266, %select_n3A_3300 : vector<16xi1>, vector<16xi32>
      %select_n3A_3325 = arith.select %or3A_3322, %select_n3A_3299, %select_n3A_3265 : vector<16xi1>, vector<16xf32>
      %select_n3A_3326 = arith.select %or3A_3322, %select_n3A_3300, %select_n3A_3266 : vector<16xi1>, vector<16xi32>
      %gt3A_3327 = arith.cmpf ogt, %select_n3A_3282, %select_n3A_3316 : vector<16xf32>
      %eq3A_3328 = arith.cmpf oeq, %select_n3A_3282, %select_n3A_3316 : vector<16xf32>
      %lt3A_3329 = arith.cmpi slt, %select_n3A_3283, %select_n3A_3317 : vector<16xi32>
      %and3A_3330 = arith.andi %eq3A_3328, %lt3A_3329 : vector<16xi1>
      %or3A_3331 = arith.ori %gt3A_3327, %and3A_3330 : vector<16xi1>
      %select_n3A_3332 = arith.select %or3A_3331, %select_n3A_3282, %select_n3A_3316 : vector<16xi1>, vector<16xf32>
      %select_n3A_3333 = arith.select %or3A_3331, %select_n3A_3283, %select_n3A_3317 : vector<16xi1>, vector<16xi32>
      %select_n3A_3334 = arith.select %or3A_3331, %select_n3A_3316, %select_n3A_3282 : vector<16xi1>, vector<16xf32>
      %select_n3A_3335 = arith.select %or3A_3331, %select_n3A_3317, %select_n3A_3283 : vector<16xi1>, vector<16xi32>
      %gt3A_3336 = arith.cmpf ogt, %select_n3A_3323, %select_n3A_3332 : vector<16xf32>
      %eq3A_3337 = arith.cmpf oeq, %select_n3A_3323, %select_n3A_3332 : vector<16xf32>
      %lt3A_3338 = arith.cmpi slt, %select_n3A_3324, %select_n3A_3333 : vector<16xi32>
      %and3A_3339 = arith.andi %eq3A_3337, %lt3A_3338 : vector<16xi1>
      %or3A_3340 = arith.ori %gt3A_3336, %and3A_3339 : vector<16xi1>
      %select_n3A_3341 = arith.select %or3A_3340, %select_n3A_3323, %select_n3A_3332 : vector<16xi1>, vector<16xf32>
      %select_n3A_3342 = arith.select %or3A_3340, %select_n3A_3324, %select_n3A_3333 : vector<16xi1>, vector<16xi32>
      %select_n3A_3343 = arith.select %or3A_3340, %select_n3A_3332, %select_n3A_3323 : vector<16xi1>, vector<16xf32>
      %select_n3A_3344 = arith.select %or3A_3340, %select_n3A_3333, %select_n3A_3324 : vector<16xi1>, vector<16xi32>
      %gt3A_3345 = arith.cmpf ogt, %select_n3A_3325, %select_n3A_3334 : vector<16xf32>
      %eq3A_3346 = arith.cmpf oeq, %select_n3A_3325, %select_n3A_3334 : vector<16xf32>
      %lt3A_3347 = arith.cmpi slt, %select_n3A_3326, %select_n3A_3335 : vector<16xi32>
      %and3A_3348 = arith.andi %eq3A_3346, %lt3A_3347 : vector<16xi1>
      %or3A_3349 = arith.ori %gt3A_3345, %and3A_3348 : vector<16xi1>
      %select_n3A_3350 = arith.select %or3A_3349, %select_n3A_3325, %select_n3A_3334 : vector<16xi1>, vector<16xf32>
      %select_n3A_3351 = arith.select %or3A_3349, %select_n3A_3326, %select_n3A_3335 : vector<16xi1>, vector<16xi32>
      %select_n3A_3352 = arith.select %or3A_3349, %select_n3A_3334, %select_n3A_3325 : vector<16xi1>, vector<16xf32>
      %select_n3A_3353 = arith.select %or3A_3349, %select_n3A_3335, %select_n3A_3326 : vector<16xi1>, vector<16xi32>
      %masked_sort3A_3354 = arith.constant dense<true> : vector<16xi1>
      %masked_sort3A_3355, %masked_sort3A_3356, %masked_sort3A_3357 = tpu.sort %select_n3A_3341, %select_n3A_3342 masked %masked_sort3A_3354 {descending = true} : (vector<16xf32>, vector<16xi32>, vector<16xi1>) -> (vector<16xi1>, vector<16xf32>, vector<16xi32>)
      %masked_sort3A_3358 = arith.constant dense<true> : vector<16xi1>
      %masked_sort3A_3359, %masked_sort3A_3360, %masked_sort3A_3361 = tpu.sort %select_n3A_3343, %select_n3A_3344 masked %masked_sort3A_3358 {descending = true} : (vector<16xf32>, vector<16xi32>, vector<16xi1>) -> (vector<16xi1>, vector<16xf32>, vector<16xi32>)
      %masked_sort3A_3362 = arith.constant dense<true> : vector<16xi1>
      %masked_sort3A_3363, %masked_sort3A_3364, %masked_sort3A_3365 = tpu.sort %select_n3A_3350, %select_n3A_3351 masked %masked_sort3A_3362 {descending = true} : (vector<16xf32>, vector<16xi32>, vector<16xi1>) -> (vector<16xi1>, vector<16xf32>, vector<16xi32>)
      %masked_sort3A_3366 = arith.constant dense<true> : vector<16xi1>
      %masked_sort3A_3367, %masked_sort3A_3368, %masked_sort3A_3369 = tpu.sort %select_n3A_3352, %select_n3A_3353 masked %masked_sort3A_3366 {descending = true} : (vector<16xf32>, vector<16xi32>, vector<16xi1>) -> (vector<16xi1>, vector<16xf32>, vector<16xi32>)
      %rev3A_3370 = arith.constant 15 : i32
      %rev3A_3371 = vector.broadcast %rev3A_3370 : i32 to vector<16xi32>
      %rev3A_3372 = tpu.iota {dimensions = array<i32: 0>} : vector<16xi32>
      %rev3A_3373 = arith.subi %rev3A_3371, %rev3A_3372 : vector<16xi32>
      %rev3A_3374 = tpu.dynamic_gather %masked_sort3A_3248[%rev3A_3373] in [0] : vector<16xf32>, vector<16xi32> -> vector<16xf32>
      %rev3A_3375 = arith.constant 15 : i32
      %rev3A_3376 = vector.broadcast %rev3A_3375 : i32 to vector<16xi32>
      %rev3A_3377 = tpu.iota {dimensions = array<i32: 0>} : vector<16xi32>
      %rev3A_3378 = arith.subi %rev3A_3376, %rev3A_3377 : vector<16xi32>
      %rev3A_3379 = tpu.dynamic_gather %masked_sort3A_3249[%rev3A_3378] in [0] : vector<16xi32>, vector<16xi32> -> vector<16xi32>
      %gt3A_3380 = arith.cmpf ogt, %masked_sort3A_3116, %rev3A_3374 : vector<16xf32>
      %eq3A_3381 = arith.cmpf oeq, %masked_sort3A_3116, %rev3A_3374 : vector<16xf32>
      %lt3A_3382 = arith.cmpi slt, %masked_sort3A_3117, %rev3A_3379 : vector<16xi32>
      %and3A_3383 = arith.andi %eq3A_3381, %lt3A_3382 : vector<16xi1>
      %or3A_3384 = arith.ori %gt3A_3380, %and3A_3383 : vector<16xi1>
      %select_n3A_3385 = arith.select %or3A_3384, %masked_sort3A_3116, %rev3A_3374 : vector<16xi1>, vector<16xf32>
      %select_n3A_3386 = arith.select %or3A_3384, %masked_sort3A_3117, %rev3A_3379 : vector<16xi1>, vector<16xi32>
      %rev3A_3387 = arith.constant 15 : i32
      %rev3A_3388 = vector.broadcast %rev3A_3387 : i32 to vector<16xi32>
      %rev3A_3389 = tpu.iota {dimensions = array<i32: 0>} : vector<16xi32>
      %rev3A_3390 = arith.subi %rev3A_3388, %rev3A_3389 : vector<16xi32>
      %rev3A_3391 = tpu.dynamic_gather %masked_sort3A_3244[%rev3A_3390] in [0] : vector<16xf32>, vector<16xi32> -> vector<16xf32>
      %rev3A_3392 = arith.constant 15 : i32
      %rev3A_3393 = vector.broadcast %rev3A_3392 : i32 to vector<16xi32>
      %rev3A_3394 = tpu.iota {dimensions = array<i32: 0>} : vector<16xi32>
      %rev3A_3395 = arith.subi %rev3A_3393, %rev3A_3394 : vector<16xi32>
      %rev3A_3396 = tpu.dynamic_gather %masked_sort3A_3245[%rev3A_3395] in [0] : vector<16xi32>, vector<16xi32> -> vector<16xi32>
      %gt3A_3397 = arith.cmpf ogt, %masked_sort3A_3120, %rev3A_3391 : vector<16xf32>
      %eq3A_3398 = arith.cmpf oeq, %masked_sort3A_3120, %rev3A_3391 : vector<16xf32>
      %lt3A_3399 = arith.cmpi slt, %masked_sort3A_3121, %rev3A_3396 : vector<16xi32>
      %and3A_3400 = arith.andi %eq3A_3398, %lt3A_3399 : vector<16xi1>
      %or3A_3401 = arith.ori %gt3A_3397, %and3A_3400 : vector<16xi1>
      %select_n3A_3402 = arith.select %or3A_3401, %masked_sort3A_3120, %rev3A_3391 : vector<16xi1>, vector<16xf32>
      %select_n3A_3403 = arith.select %or3A_3401, %masked_sort3A_3121, %rev3A_3396 : vector<16xi1>, vector<16xi32>
      %rev3A_3404 = arith.constant 15 : i32
      %rev3A_3405 = vector.broadcast %rev3A_3404 : i32 to vector<16xi32>
      %rev3A_3406 = tpu.iota {dimensions = array<i32: 0>} : vector<16xi32>
      %rev3A_3407 = arith.subi %rev3A_3405, %rev3A_3406 : vector<16xi32>
      %rev3A_3408 = tpu.dynamic_gather %masked_sort3A_3240[%rev3A_3407] in [0] : vector<16xf32>, vector<16xi32> -> vector<16xf32>
      %rev3A_3409 = arith.constant 15 : i32
      %rev3A_3410 = vector.broadcast %rev3A_3409 : i32 to vector<16xi32>
      %rev3A_3411 = tpu.iota {dimensions = array<i32: 0>} : vector<16xi32>
      %rev3A_3412 = arith.subi %rev3A_3410, %rev3A_3411 : vector<16xi32>
      %rev3A_3413 = tpu.dynamic_gather %masked_sort3A_3241[%rev3A_3412] in [0] : vector<16xi32>, vector<16xi32> -> vector<16xi32>
      %gt3A_3414 = arith.cmpf ogt, %masked_sort3A_3124, %rev3A_3408 : vector<16xf32>
      %eq3A_3415 = arith.cmpf oeq, %masked_sort3A_3124, %rev3A_3408 : vector<16xf32>
      %lt3A_3416 = arith.cmpi slt, %masked_sort3A_3125, %rev3A_3413 : vector<16xi32>
      %and3A_3417 = arith.andi %eq3A_3415, %lt3A_3416 : vector<16xi1>
      %or3A_3418 = arith.ori %gt3A_3414, %and3A_3417 : vector<16xi1>
      %select_n3A_3419 = arith.select %or3A_3418, %masked_sort3A_3124, %rev3A_3408 : vector<16xi1>, vector<16xf32>
      %select_n3A_3420 = arith.select %or3A_3418, %masked_sort3A_3125, %rev3A_3413 : vector<16xi1>, vector<16xi32>
      %rev3A_3421 = arith.constant 15 : i32
      %rev3A_3422 = vector.broadcast %rev3A_3421 : i32 to vector<16xi32>
      %rev3A_3423 = tpu.iota {dimensions = array<i32: 0>} : vector<16xi32>
      %rev3A_3424 = arith.subi %rev3A_3422, %rev3A_3423 : vector<16xi32>
      %rev3A_3425 = tpu.dynamic_gather %masked_sort3A_3236[%rev3A_3424] in [0] : vector<16xf32>, vector<16xi32> -> vector<16xf32>
      %rev3A_3426 = arith.constant 15 : i32
      %rev3A_3427 = vector.broadcast %rev3A_3426 : i32 to vector<16xi32>
      %rev3A_3428 = tpu.iota {dimensions = array<i32: 0>} : vector<16xi32>
      %rev3A_3429 = arith.subi %rev3A_3427, %rev3A_3428 : vector<16xi32>
      %rev3A_3430 = tpu.dynamic_gather %masked_sort3A_3237[%rev3A_3429] in [0] : vector<16xi32>, vector<16xi32> -> vector<16xi32>
      %gt3A_3431 = arith.cmpf ogt, %masked_sort3A_3128, %rev3A_3425 : vector<16xf32>
      %eq3A_3432 = arith.cmpf oeq, %masked_sort3A_3128, %rev3A_3425 : vector<16xf32>
      %lt3A_3433 = arith.cmpi slt, %masked_sort3A_3129, %rev3A_3430 : vector<16xi32>
      %and3A_3434 = arith.andi %eq3A_3432, %lt3A_3433 : vector<16xi1>
      %or3A_3435 = arith.ori %gt3A_3431, %and3A_3434 : vector<16xi1>
      %select_n3A_3436 = arith.select %or3A_3435, %masked_sort3A_3128, %rev3A_3425 : vector<16xi1>, vector<16xf32>
      %select_n3A_3437 = arith.select %or3A_3435, %masked_sort3A_3129, %rev3A_3430 : vector<16xi1>, vector<16xi32>
      %gt3A_3438 = arith.cmpf ogt, %select_n3A_3385, %select_n3A_3419 : vector<16xf32>
      %eq3A_3439 = arith.cmpf oeq, %select_n3A_3385, %select_n3A_3419 : vector<16xf32>
      %lt3A_3440 = arith.cmpi slt, %select_n3A_3386, %select_n3A_3420 : vector<16xi32>
      %and3A_3441 = arith.andi %eq3A_3439, %lt3A_3440 : vector<16xi1>
      %or3A_3442 = arith.ori %gt3A_3438, %and3A_3441 : vector<16xi1>
      %select_n3A_3443 = arith.select %or3A_3442, %select_n3A_3385, %select_n3A_3419 : vector<16xi1>, vector<16xf32>
      %select_n3A_3444 = arith.select %or3A_3442, %select_n3A_3386, %select_n3A_3420 : vector<16xi1>, vector<16xi32>
      %select_n3A_3445 = arith.select %or3A_3442, %select_n3A_3419, %select_n3A_3385 : vector<16xi1>, vector<16xf32>
      %select_n3A_3446 = arith.select %or3A_3442, %select_n3A_3420, %select_n3A_3386 : vector<16xi1>, vector<16xi32>
      %gt3A_3447 = arith.cmpf ogt, %select_n3A_3402, %select_n3A_3436 : vector<16xf32>
      %eq3A_3448 = arith.cmpf oeq, %select_n3A_3402, %select_n3A_3436 : vector<16xf32>
      %lt3A_3449 = arith.cmpi slt, %select_n3A_3403, %select_n3A_3437 : vector<16xi32>
      %and3A_3450 = arith.andi %eq3A_3448, %lt3A_3449 : vector<16xi1>
      %or3A_3451 = arith.ori %gt3A_3447, %and3A_3450 : vector<16xi1>
      %select_n3A_3452 = arith.select %or3A_3451, %select_n3A_3402, %select_n3A_3436 : vector<16xi1>, vector<16xf32>
      %select_n3A_3453 = arith.select %or3A_3451, %select_n3A_3403, %select_n3A_3437 : vector<16xi1>, vector<16xi32>
      %select_n3A_3454 = arith.select %or3A_3451, %select_n3A_3436, %select_n3A_3402 : vector<16xi1>, vector<16xf32>
      %select_n3A_3455 = arith.select %or3A_3451, %select_n3A_3437, %select_n3A_3403 : vector<16xi1>, vector<16xi32>
      %gt3A_3456 = arith.cmpf ogt, %select_n3A_3443, %select_n3A_3452 : vector<16xf32>
      %eq3A_3457 = arith.cmpf oeq, %select_n3A_3443, %select_n3A_3452 : vector<16xf32>
      %lt3A_3458 = arith.cmpi slt, %select_n3A_3444, %select_n3A_3453 : vector<16xi32>
      %and3A_3459 = arith.andi %eq3A_3457, %lt3A_3458 : vector<16xi1>
      %or3A_3460 = arith.ori %gt3A_3456, %and3A_3459 : vector<16xi1>
      %select_n3A_3461 = arith.select %or3A_3460, %select_n3A_3443, %select_n3A_3452 : vector<16xi1>, vector<16xf32>
      %select_n3A_3462 = arith.select %or3A_3460, %select_n3A_3444, %select_n3A_3453 : vector<16xi1>, vector<16xi32>
      %select_n3A_3463 = arith.select %or3A_3460, %select_n3A_3452, %select_n3A_3443 : vector<16xi1>, vector<16xf32>
      %select_n3A_3464 = arith.select %or3A_3460, %select_n3A_3453, %select_n3A_3444 : vector<16xi1>, vector<16xi32>
      %gt3A_3465 = arith.cmpf ogt, %select_n3A_3445, %select_n3A_3454 : vector<16xf32>
      %eq3A_3466 = arith.cmpf oeq, %select_n3A_3445, %select_n3A_3454 : vector<16xf32>
      %lt3A_3467 = arith.cmpi slt, %select_n3A_3446, %select_n3A_3455 : vector<16xi32>
      %and3A_3468 = arith.andi %eq3A_3466, %lt3A_3467 : vector<16xi1>
      %or3A_3469 = arith.ori %gt3A_3465, %and3A_3468 : vector<16xi1>
      %select_n3A_3470 = arith.select %or3A_3469, %select_n3A_3445, %select_n3A_3454 : vector<16xi1>, vector<16xf32>
      %select_n3A_3471 = arith.select %or3A_3469, %select_n3A_3446, %select_n3A_3455 : vector<16xi1>, vector<16xi32>
      %select_n3A_3472 = arith.select %or3A_3469, %select_n3A_3454, %select_n3A_3445 : vector<16xi1>, vector<16xf32>
      %select_n3A_3473 = arith.select %or3A_3469, %select_n3A_3455, %select_n3A_3446 : vector<16xi1>, vector<16xi32>
      %masked_sort3A_3474 = arith.constant dense<true> : vector<16xi1>
      %masked_sort3A_3475, %masked_sort3A_3476, %masked_sort3A_3477 = tpu.sort %select_n3A_3461, %select_n3A_3462 masked %masked_sort3A_3474 {descending = true} : (vector<16xf32>, vector<16xi32>, vector<16xi1>) -> (vector<16xi1>, vector<16xf32>, vector<16xi32>)
      %masked_sort3A_3478 = arith.constant dense<true> : vector<16xi1>
      %masked_sort3A_3479, %masked_sort3A_3480, %masked_sort3A_3481 = tpu.sort %select_n3A_3463, %select_n3A_3464 masked %masked_sort3A_3478 {descending = true} : (vector<16xf32>, vector<16xi32>, vector<16xi1>) -> (vector<16xi1>, vector<16xf32>, vector<16xi32>)
      %masked_sort3A_3482 = arith.constant dense<true> : vector<16xi1>
      %masked_sort3A_3483, %masked_sort3A_3484, %masked_sort3A_3485 = tpu.sort %select_n3A_3470, %select_n3A_3471 masked %masked_sort3A_3482 {descending = true} : (vector<16xf32>, vector<16xi32>, vector<16xi1>) -> (vector<16xi1>, vector<16xf32>, vector<16xi32>)
      %masked_sort3A_3486 = arith.constant dense<true> : vector<16xi1>
      %masked_sort3A_3487, %masked_sort3A_3488, %masked_sort3A_3489 = tpu.sort %select_n3A_3472, %select_n3A_3473 masked %masked_sort3A_3486 {descending = true} : (vector<16xf32>, vector<16xi32>, vector<16xi1>) -> (vector<16xi1>, vector<16xf32>, vector<16xi32>)
      %rev3A_3490 = arith.constant 15 : i32
      %rev3A_3491 = vector.broadcast %rev3A_3490 : i32 to vector<16xi32>
      %rev3A_3492 = tpu.iota {dimensions = array<i32: 0>} : vector<16xi32>
      %rev3A_3493 = arith.subi %rev3A_3491, %rev3A_3492 : vector<16xi32>
      %rev3A_3494 = tpu.dynamic_gather %masked_sort3A_3488[%rev3A_3493] in [0] : vector<16xf32>, vector<16xi32> -> vector<16xf32>
      %rev3A_3495 = arith.constant 15 : i32
      %rev3A_3496 = vector.broadcast %rev3A_3495 : i32 to vector<16xi32>
      %rev3A_3497 = tpu.iota {dimensions = array<i32: 0>} : vector<16xi32>
      %rev3A_3498 = arith.subi %rev3A_3496, %rev3A_3497 : vector<16xi32>
      %rev3A_3499 = tpu.dynamic_gather %masked_sort3A_3489[%rev3A_3498] in [0] : vector<16xi32>, vector<16xi32> -> vector<16xi32>
      %gt3A_3500 = arith.cmpf ogt, %masked_sort3A_3356, %rev3A_3494 : vector<16xf32>
      %eq3A_3501 = arith.cmpf oeq, %masked_sort3A_3356, %rev3A_3494 : vector<16xf32>
      %lt3A_3502 = arith.cmpi slt, %masked_sort3A_3357, %rev3A_3499 : vector<16xi32>
      %and3A_3503 = arith.andi %eq3A_3501, %lt3A_3502 : vector<16xi1>
      %or3A_3504 = arith.ori %gt3A_3500, %and3A_3503 : vector<16xi1>
      %select_n3A_3505 = arith.select %or3A_3504, %masked_sort3A_3356, %rev3A_3494 : vector<16xi1>, vector<16xf32>
      %select_n3A_3506 = arith.select %or3A_3504, %masked_sort3A_3357, %rev3A_3499 : vector<16xi1>, vector<16xi32>
      %rev3A_3507 = arith.constant 15 : i32
      %rev3A_3508 = vector.broadcast %rev3A_3507 : i32 to vector<16xi32>
      %rev3A_3509 = tpu.iota {dimensions = array<i32: 0>} : vector<16xi32>
      %rev3A_3510 = arith.subi %rev3A_3508, %rev3A_3509 : vector<16xi32>
      %rev3A_3511 = tpu.dynamic_gather %masked_sort3A_3484[%rev3A_3510] in [0] : vector<16xf32>, vector<16xi32> -> vector<16xf32>
      %rev3A_3512 = arith.constant 15 : i32
      %rev3A_3513 = vector.broadcast %rev3A_3512 : i32 to vector<16xi32>
      %rev3A_3514 = tpu.iota {dimensions = array<i32: 0>} : vector<16xi32>
      %rev3A_3515 = arith.subi %rev3A_3513, %rev3A_3514 : vector<16xi32>
      %rev3A_3516 = tpu.dynamic_gather %masked_sort3A_3485[%rev3A_3515] in [0] : vector<16xi32>, vector<16xi32> -> vector<16xi32>
      %gt3A_3517 = arith.cmpf ogt, %masked_sort3A_3360, %rev3A_3511 : vector<16xf32>
      %eq3A_3518 = arith.cmpf oeq, %masked_sort3A_3360, %rev3A_3511 : vector<16xf32>
      %lt3A_3519 = arith.cmpi slt, %masked_sort3A_3361, %rev3A_3516 : vector<16xi32>
      %and3A_3520 = arith.andi %eq3A_3518, %lt3A_3519 : vector<16xi1>
      %or3A_3521 = arith.ori %gt3A_3517, %and3A_3520 : vector<16xi1>
      %select_n3A_3522 = arith.select %or3A_3521, %masked_sort3A_3360, %rev3A_3511 : vector<16xi1>, vector<16xf32>
      %select_n3A_3523 = arith.select %or3A_3521, %masked_sort3A_3361, %rev3A_3516 : vector<16xi1>, vector<16xi32>
      %rev3A_3524 = arith.constant 15 : i32
      %rev3A_3525 = vector.broadcast %rev3A_3524 : i32 to vector<16xi32>
      %rev3A_3526 = tpu.iota {dimensions = array<i32: 0>} : vector<16xi32>
      %rev3A_3527 = arith.subi %rev3A_3525, %rev3A_3526 : vector<16xi32>
      %rev3A_3528 = tpu.dynamic_gather %masked_sort3A_3480[%rev3A_3527] in [0] : vector<16xf32>, vector<16xi32> -> vector<16xf32>
      %rev3A_3529 = arith.constant 15 : i32
      %rev3A_3530 = vector.broadcast %rev3A_3529 : i32 to vector<16xi32>
      %rev3A_3531 = tpu.iota {dimensions = array<i32: 0>} : vector<16xi32>
      %rev3A_3532 = arith.subi %rev3A_3530, %rev3A_3531 : vector<16xi32>
      %rev3A_3533 = tpu.dynamic_gather %masked_sort3A_3481[%rev3A_3532] in [0] : vector<16xi32>, vector<16xi32> -> vector<16xi32>
      %gt3A_3534 = arith.cmpf ogt, %masked_sort3A_3364, %rev3A_3528 : vector<16xf32>
      %eq3A_3535 = arith.cmpf oeq, %masked_sort3A_3364, %rev3A_3528 : vector<16xf32>
      %lt3A_3536 = arith.cmpi slt, %masked_sort3A_3365, %rev3A_3533 : vector<16xi32>
      %and3A_3537 = arith.andi %eq3A_3535, %lt3A_3536 : vector<16xi1>
      %or3A_3538 = arith.ori %gt3A_3534, %and3A_3537 : vector<16xi1>
      %select_n3A_3539 = arith.select %or3A_3538, %masked_sort3A_3364, %rev3A_3528 : vector<16xi1>, vector<16xf32>
      %select_n3A_3540 = arith.select %or3A_3538, %masked_sort3A_3365, %rev3A_3533 : vector<16xi1>, vector<16xi32>
      %rev3A_3541 = arith.constant 15 : i32
      %rev3A_3542 = vector.broadcast %rev3A_3541 : i32 to vector<16xi32>
      %rev3A_3543 = tpu.iota {dimensions = array<i32: 0>} : vector<16xi32>
      %rev3A_3544 = arith.subi %rev3A_3542, %rev3A_3543 : vector<16xi32>
      %rev3A_3545 = tpu.dynamic_gather %masked_sort3A_3476[%rev3A_3544] in [0] : vector<16xf32>, vector<16xi32> -> vector<16xf32>
      %rev3A_3546 = arith.constant 15 : i32
      %rev3A_3547 = vector.broadcast %rev3A_3546 : i32 to vector<16xi32>
      %rev3A_3548 = tpu.iota {dimensions = array<i32: 0>} : vector<16xi32>
      %rev3A_3549 = arith.subi %rev3A_3547, %rev3A_3548 : vector<16xi32>
      %rev3A_3550 = tpu.dynamic_gather %masked_sort3A_3477[%rev3A_3549] in [0] : vector<16xi32>, vector<16xi32> -> vector<16xi32>
      %gt3A_3551 = arith.cmpf ogt, %masked_sort3A_3368, %rev3A_3545 : vector<16xf32>
      %eq3A_3552 = arith.cmpf oeq, %masked_sort3A_3368, %rev3A_3545 : vector<16xf32>
      %lt3A_3553 = arith.cmpi slt, %masked_sort3A_3369, %rev3A_3550 : vector<16xi32>
      %and3A_3554 = arith.andi %eq3A_3552, %lt3A_3553 : vector<16xi1>
      %or3A_3555 = arith.ori %gt3A_3551, %and3A_3554 : vector<16xi1>
      %select_n3A_3556 = arith.select %or3A_3555, %masked_sort3A_3368, %rev3A_3545 : vector<16xi1>, vector<16xf32>
      %select_n3A_3557 = arith.select %or3A_3555, %masked_sort3A_3369, %rev3A_3550 : vector<16xi1>, vector<16xi32>
      %gt3A_3558 = arith.cmpf ogt, %select_n3A_3505, %select_n3A_3539 : vector<16xf32>
      %eq3A_3559 = arith.cmpf oeq, %select_n3A_3505, %select_n3A_3539 : vector<16xf32>
      %lt3A_3560 = arith.cmpi slt, %select_n3A_3506, %select_n3A_3540 : vector<16xi32>
      %and3A_3561 = arith.andi %eq3A_3559, %lt3A_3560 : vector<16xi1>
      %or3A_3562 = arith.ori %gt3A_3558, %and3A_3561 : vector<16xi1>
      %select_n3A_3563 = arith.select %or3A_3562, %select_n3A_3505, %select_n3A_3539 : vector<16xi1>, vector<16xf32>
      %select_n3A_3564 = arith.select %or3A_3562, %select_n3A_3506, %select_n3A_3540 : vector<16xi1>, vector<16xi32>
      %select_n3A_3565 = arith.select %or3A_3562, %select_n3A_3539, %select_n3A_3505 : vector<16xi1>, vector<16xf32>
      %select_n3A_3566 = arith.select %or3A_3562, %select_n3A_3540, %select_n3A_3506 : vector<16xi1>, vector<16xi32>
      %gt3A_3567 = arith.cmpf ogt, %select_n3A_3522, %select_n3A_3556 : vector<16xf32>
      %eq3A_3568 = arith.cmpf oeq, %select_n3A_3522, %select_n3A_3556 : vector<16xf32>
      %lt3A_3569 = arith.cmpi slt, %select_n3A_3523, %select_n3A_3557 : vector<16xi32>
      %and3A_3570 = arith.andi %eq3A_3568, %lt3A_3569 : vector<16xi1>
      %or3A_3571 = arith.ori %gt3A_3567, %and3A_3570 : vector<16xi1>
      %select_n3A_3572 = arith.select %or3A_3571, %select_n3A_3522, %select_n3A_3556 : vector<16xi1>, vector<16xf32>
      %select_n3A_3573 = arith.select %or3A_3571, %select_n3A_3523, %select_n3A_3557 : vector<16xi1>, vector<16xi32>
      %select_n3A_3574 = arith.select %or3A_3571, %select_n3A_3556, %select_n3A_3522 : vector<16xi1>, vector<16xf32>
      %select_n3A_3575 = arith.select %or3A_3571, %select_n3A_3557, %select_n3A_3523 : vector<16xi1>, vector<16xi32>
      %gt3A_3576 = arith.cmpf ogt, %select_n3A_3563, %select_n3A_3572 : vector<16xf32>
      %eq3A_3577 = arith.cmpf oeq, %select_n3A_3563, %select_n3A_3572 : vector<16xf32>
      %lt3A_3578 = arith.cmpi slt, %select_n3A_3564, %select_n3A_3573 : vector<16xi32>
      %and3A_3579 = arith.andi %eq3A_3577, %lt3A_3578 : vector<16xi1>
      %or3A_3580 = arith.ori %gt3A_3576, %and3A_3579 : vector<16xi1>
      %select_n3A_3581 = arith.select %or3A_3580, %select_n3A_3563, %select_n3A_3572 : vector<16xi1>, vector<16xf32>
      %select_n3A_3582 = arith.select %or3A_3580, %select_n3A_3564, %select_n3A_3573 : vector<16xi1>, vector<16xi32>
      %select_n3A_3583 = arith.select %or3A_3580, %select_n3A_3572, %select_n3A_3563 : vector<16xi1>, vector<16xf32>
      %select_n3A_3584 = arith.select %or3A_3580, %select_n3A_3573, %select_n3A_3564 : vector<16xi1>, vector<16xi32>
      %gt3A_3585 = arith.cmpf ogt, %select_n3A_3565, %select_n3A_3574 : vector<16xf32>
      %eq3A_3586 = arith.cmpf oeq, %select_n3A_3565, %select_n3A_3574 : vector<16xf32>
      %lt3A_3587 = arith.cmpi slt, %select_n3A_3566, %select_n3A_3575 : vector<16xi32>
      %and3A_3588 = arith.andi %eq3A_3586, %lt3A_3587 : vector<16xi1>
      %or3A_3589 = arith.ori %gt3A_3585, %and3A_3588 : vector<16xi1>
      %select_n3A_3590 = arith.select %or3A_3589, %select_n3A_3565, %select_n3A_3574 : vector<16xi1>, vector<16xf32>
      %select_n3A_3591 = arith.select %or3A_3589, %select_n3A_3566, %select_n3A_3575 : vector<16xi1>, vector<16xi32>
      %select_n3A_3592 = arith.select %or3A_3589, %select_n3A_3574, %select_n3A_3565 : vector<16xi1>, vector<16xf32>
      %select_n3A_3593 = arith.select %or3A_3589, %select_n3A_3575, %select_n3A_3566 : vector<16xi1>, vector<16xi32>
      %masked_sort3A_3594 = arith.constant dense<true> : vector<16xi1>
      %masked_sort3A_3595, %masked_sort3A_3596, %masked_sort3A_3597 = tpu.sort %select_n3A_3581, %select_n3A_3582 masked %masked_sort3A_3594 {descending = true} : (vector<16xf32>, vector<16xi32>, vector<16xi1>) -> (vector<16xi1>, vector<16xf32>, vector<16xi32>)
      %masked_sort3A_3598 = arith.constant dense<true> : vector<16xi1>
      %masked_sort3A_3599, %masked_sort3A_3600, %masked_sort3A_3601 = tpu.sort %select_n3A_3583, %select_n3A_3584 masked %masked_sort3A_3598 {descending = true} : (vector<16xf32>, vector<16xi32>, vector<16xi1>) -> (vector<16xi1>, vector<16xf32>, vector<16xi32>)
      %masked_sort3A_3602 = arith.constant dense<true> : vector<16xi1>
      %masked_sort3A_3603, %masked_sort3A_3604, %masked_sort3A_3605 = tpu.sort %select_n3A_3590, %select_n3A_3591 masked %masked_sort3A_3602 {descending = true} : (vector<16xf32>, vector<16xi32>, vector<16xi1>) -> (vector<16xi1>, vector<16xf32>, vector<16xi32>)
      %masked_sort3A_3606 = arith.constant dense<true> : vector<16xi1>
      %masked_sort3A_3607, %masked_sort3A_3608, %masked_sort3A_3609 = tpu.sort %select_n3A_3592, %select_n3A_3593 masked %masked_sort3A_3606 {descending = true} : (vector<16xf32>, vector<16xi32>, vector<16xi1>) -> (vector<16xi1>, vector<16xf32>, vector<16xi32>)
      %sub3A_3610 = vector.broadcast %mul3A_0 : i32 to vector<16xi32>
      %sub3A_3611 = arith.subi %masked_sort3A_3597, %sub3A_3610 : vector<16xi32>
      %lt3A_3612 = arith.constant 16 : i32
      %lt3A_3613 = vector.broadcast %lt3A_3612 : i32 to vector<16xi32>
      %lt3A_3614 = arith.cmpi slt, %iota3A, %lt3A_3613 : vector<16xi32>
      %ge3A = arith.constant 0 : i32
      %ge3A_3615 = vector.broadcast %ge3A : i32 to vector<16xi32>
      %ge3A_3616 = arith.cmpi sge, %sub3A_3611, %ge3A_3615 : vector<16xi32>
      %and3A_3617 = arith.andi %lt3A_3614, %ge3A_3616 : vector<16xi1>
      %lt3A_3618 = arith.constant 256 : i32
      %lt3A_3619 = vector.broadcast %lt3A_3618 : i32 to vector<16xi32>
      %lt3A_3620 = arith.cmpi slt, %sub3A_3611, %lt3A_3619 : vector<16xi32>
      %and3A_3621 = arith.andi %and3A_3617, %lt3A_3620 : vector<16xi1>
      %max3A = arith.constant 0 : i32
      %max3A_3622 = vector.broadcast %max3A : i32 to vector<16xi32>
      %max3A_3623 = arith.maxsi %sub3A_3611, %max3A_3622 : vector<16xi32>
      %min3A = arith.constant 255 : i32
      %min3A_3624 = vector.broadcast %min3A : i32 to vector<16xi32>
      %min3A_3625 = arith.minsi %max3A_3623, %min3A_3624 : vector<16xi32>
      tpu.vector_store_idx %arg6[%min3A_3625], %broadcast_in_dim3A_3 masked %and3A_3621 : memref<256xf32, #tpu.memory_space<vmem>>[vector<16xi32>], vector<16xf32>, vector<16xi1>
      %sub3A_3626 = vector.broadcast %mul3A_0 : i32 to vector<16xi32>
      %sub3A_3627 = arith.subi %masked_sort3A_3601, %sub3A_3626 : vector<16xi32>
      %lt3A_3628 = arith.constant 16 : i32
      %lt3A_3629 = vector.broadcast %lt3A_3628 : i32 to vector<16xi32>
      %lt3A_3630 = arith.cmpi slt, %iota3A, %lt3A_3629 : vector<16xi32>
      %ge3A_3631 = arith.constant 0 : i32
      %ge3A_3632 = vector.broadcast %ge3A_3631 : i32 to vector<16xi32>
      %ge3A_3633 = arith.cmpi sge, %sub3A_3627, %ge3A_3632 : vector<16xi32>
      %and3A_3634 = arith.andi %lt3A_3630, %ge3A_3633 : vector<16xi1>
      %lt3A_3635 = arith.constant 256 : i32
      %lt3A_3636 = vector.broadcast %lt3A_3635 : i32 to vector<16xi32>
      %lt3A_3637 = arith.cmpi slt, %sub3A_3627, %lt3A_3636 : vector<16xi32>
      %and3A_3638 = arith.andi %and3A_3634, %lt3A_3637 : vector<16xi1>
      %max3A_3639 = arith.constant 0 : i32
      %max3A_3640 = vector.broadcast %max3A_3639 : i32 to vector<16xi32>
      %max3A_3641 = arith.maxsi %sub3A_3627, %max3A_3640 : vector<16xi32>
      %min3A_3642 = arith.constant 255 : i32
      %min3A_3643 = vector.broadcast %min3A_3642 : i32 to vector<16xi32>
      %min3A_3644 = arith.minsi %max3A_3641, %min3A_3643 : vector<16xi32>
      tpu.vector_store_idx %arg6[%min3A_3644], %broadcast_in_dim3A_3 masked %and3A_3638 : memref<256xf32, #tpu.memory_space<vmem>>[vector<16xi32>], vector<16xf32>, vector<16xi1>
      %sub3A_3645 = vector.broadcast %mul3A_0 : i32 to vector<16xi32>
      %sub3A_3646 = arith.subi %masked_sort3A_3605, %sub3A_3645 : vector<16xi32>
      %lt3A_3647 = arith.constant 16 : i32
      %lt3A_3648 = vector.broadcast %lt3A_3647 : i32 to vector<16xi32>
      %lt3A_3649 = arith.cmpi slt, %iota3A, %lt3A_3648 : vector<16xi32>
      %ge3A_3650 = arith.constant 0 : i32
      %ge3A_3651 = vector.broadcast %ge3A_3650 : i32 to vector<16xi32>
      %ge3A_3652 = arith.cmpi sge, %sub3A_3646, %ge3A_3651 : vector<16xi32>
      %and3A_3653 = arith.andi %lt3A_3649, %ge3A_3652 : vector<16xi1>
      %lt3A_3654 = arith.constant 256 : i32
      %lt3A_3655 = vector.broadcast %lt3A_3654 : i32 to vector<16xi32>
      %lt3A_3656 = arith.cmpi slt, %sub3A_3646, %lt3A_3655 : vector<16xi32>
      %and3A_3657 = arith.andi %and3A_3653, %lt3A_3656 : vector<16xi1>
      %max3A_3658 = arith.constant 0 : i32
      %max3A_3659 = vector.broadcast %max3A_3658 : i32 to vector<16xi32>
      %max3A_3660 = arith.maxsi %sub3A_3646, %max3A_3659 : vector<16xi32>
      %min3A_3661 = arith.constant 255 : i32
      %min3A_3662 = vector.broadcast %min3A_3661 : i32 to vector<16xi32>
      %min3A_3663 = arith.minsi %max3A_3660, %min3A_3662 : vector<16xi32>
      tpu.vector_store_idx %arg6[%min3A_3663], %broadcast_in_dim3A_3 masked %and3A_3657 : memref<256xf32, #tpu.memory_space<vmem>>[vector<16xi32>], vector<16xf32>, vector<16xi1>
      %sub3A_3664 = vector.broadcast %mul3A_0 : i32 to vector<16xi32>
      %sub3A_3665 = arith.subi %masked_sort3A_3609, %sub3A_3664 : vector<16xi32>
      %lt3A_3666 = arith.constant 2 : i32
      %lt3A_3667 = vector.broadcast %lt3A_3666 : i32 to vector<16xi32>
      %lt3A_3668 = arith.cmpi slt, %iota3A, %lt3A_3667 : vector<16xi32>
      %ge3A_3669 = arith.constant 0 : i32
      %ge3A_3670 = vector.broadcast %ge3A_3669 : i32 to vector<16xi32>
      %ge3A_3671 = arith.cmpi sge, %sub3A_3665, %ge3A_3670 : vector<16xi32>
      %and3A_3672 = arith.andi %lt3A_3668, %ge3A_3671 : vector<16xi1>
      %lt3A_3673 = arith.constant 256 : i32
      %lt3A_3674 = vector.broadcast %lt3A_3673 : i32 to vector<16xi32>
      %lt3A_3675 = arith.cmpi slt, %sub3A_3665, %lt3A_3674 : vector<16xi32>
      %and3A_3676 = arith.andi %and3A_3672, %lt3A_3675 : vector<16xi1>
      %max3A_3677 = arith.constant 0 : i32
      %max3A_3678 = vector.broadcast %max3A_3677 : i32 to vector<16xi32>
      %max3A_3679 = arith.maxsi %sub3A_3665, %max3A_3678 : vector<16xi32>
      %min3A_3680 = arith.constant 255 : i32
      %min3A_3681 = vector.broadcast %min3A_3680 : i32 to vector<16xi32>
      %min3A_3682 = arith.minsi %max3A_3679, %min3A_3681 : vector<16xi32>
      tpu.vector_store_idx %arg6[%min3A_3682], %broadcast_in_dim3A_3 masked %and3A_3676 : memref<256xf32, #tpu.memory_space<vmem>>[vector<16xi32>], vector<16xf32>, vector<16xi1>
      %get3A_3683 = arith.constant 0 : index
      %get3A_3684 = tpu.vector_load %arg6[%get3A_3683] {strides = array<i32>} : memref<256xf32, #tpu.memory_space<vmem>>, vector<16xf32>,
      %get3A_3685 = arith.index_cast %scan3A_40 : i32 to index
      %get3A_3686 = arith.constant 0 : index
      %get3A_3687 = tpu.vector_load %arg4[%get3A_3685, %get3A_3686] {strides = array<i32>} : memref<64x256xf32, #tpu.memory_space<vmem>>, vector<16xf32>,
      %mul3A_3688 = arith.mulf %get3A_3687, %get3A_3684 : vector<16xf32>
      %swap3A_3689 = arith.index_cast %scan3A_40 : i32 to index
      %swap3A_3690 = arith.constant 0 : index
      %swap3A_3691 = tpu.vector_load %arg5[%swap3A_3689, %swap3A_3690] {strides = array<i32>} : memref<64x256xf32, #tpu.memory_space<vmem>>, vector<16xf32>,
      tpu.vector_store %arg5[%swap3A_3689, %swap3A_3690], %mul3A_3688 {strides = array<i32>} : memref<64x256xf32, #tpu.memory_space<vmem>>, vector<16xf32>,
      %get3A_3692 = arith.constant 0 : index
      %get3A_3693 = tpu.vector_load %arg7[%get3A_3692] {strides = array<i32>} : memref<256xf32, #tpu.memory_space<vmem>>, vector<16xf32>,
      %mul3A_3694 = arith.constant 0.949999988 : f32
      %mul3A_3695 = vector.broadcast %mul3A_3694 : f32 to vector<16xf32>
      %mul3A_3696 = arith.mulf %get3A_3693, %mul3A_3695 : vector<16xf32>
      %add3A_3697 = arith.addf %mul3A_3696, %get3A_3684 : vector<16xf32>
      %swap3A_3698 = arith.constant 0 : index
      %swap3A_3699 = tpu.vector_load %arg7[%swap3A_3698] {strides = array<i32>} : memref<256xf32, #tpu.memory_space<vmem>>, vector<16xf32>,
      tpu.vector_store %arg7[%swap3A_3698], %add3A_3697 {strides = array<i32>} : memref<256xf32, #tpu.memory_space<vmem>>, vector<16xf32>,
      %get3A_3700 = arith.constant 16 : index
      %get3A_3701 = tpu.vector_load %arg6[%get3A_3700] {strides = array<i32>} : memref<256xf32, #tpu.memory_space<vmem>>, vector<16xf32>,
      %get3A_3702 = arith.index_cast %scan3A_40 : i32 to index
      %get3A_3703 = arith.constant 16 : index
      %get3A_3704 = tpu.vector_load %arg4[%get3A_3702, %get3A_3703] {strides = array<i32>} : memref<64x256xf32, #tpu.memory_space<vmem>>, vector<16xf32>,
      %mul3A_3705 = arith.mulf %get3A_3704, %get3A_3701 : vector<16xf32>
      %swap3A_3706 = arith.index_cast %scan3A_40 : i32 to index
      %swap3A_3707 = arith.constant 16 : index
      %swap3A_3708 = tpu.vector_load %arg5[%swap3A_3706, %swap3A_3707] {strides = array<i32>} : memref<64x256xf32, #tpu.memory_space<vmem>>, vector<16xf32>,
      tpu.vector_store %arg5[%swap3A_3706, %swap3A_3707], %mul3A_3705 {strides = array<i32>} : memref<64x256xf32, #tpu.memory_space<vmem>>, vector<16xf32>,
      %get3A_3709 = arith.constant 16 : index
      %get3A_3710 = tpu.vector_load %arg7[%get3A_3709] {strides = array<i32>} : memref<256xf32, #tpu.memory_space<vmem>>, vector<16xf32>,
      %mul3A_3711 = arith.constant 0.949999988 : f32
      %mul3A_3712 = vector.broadcast %mul3A_3711 : f32 to vector<16xf32>
      %mul3A_3713 = arith.mulf %get3A_3710, %mul3A_3712 : vector<16xf32>
      %add3A_3714 = arith.addf %mul3A_3713, %get3A_3701 : vector<16xf32>
      %swap3A_3715 = arith.constant 16 : index
      %swap3A_3716 = tpu.vector_load %arg7[%swap3A_3715] {strides = array<i32>} : memref<256xf32, #tpu.memory_space<vmem>>, vector<16xf32>,
      tpu.vector_store %arg7[%swap3A_3715], %add3A_3714 {strides = array<i32>} : memref<256xf32, #tpu.memory_space<vmem>>, vector<16xf32>,
      %get3A_3717 = arith.constant 32 : index
      %get3A_3718 = tpu.vector_load %arg6[%get3A_3717] {strides = array<i32>} : memref<256xf32, #tpu.memory_space<vmem>>, vector<16xf32>,
      %get3A_3719 = arith.index_cast %scan3A_40 : i32 to index
      %get3A_3720 = arith.constant 32 : index
      %get3A_3721 = tpu.vector_load %arg4[%get3A_3719, %get3A_3720] {strides = array<i32>} : memref<64x256xf32, #tpu.memory_space<vmem>>, vector<16xf32>,
      %mul3A_3722 = arith.mulf %get3A_3721, %get3A_3718 : vector<16xf32>
      %swap3A_3723 = arith.index_cast %scan3A_40 : i32 to index
      %swap3A_3724 = arith.constant 32 : index
      %swap3A_3725 = tpu.vector_load %arg5[%swap3A_3723, %swap3A_3724] {strides = array<i32>} : memref<64x256xf32, #tpu.memory_space<vmem>>, vector<16xf32>,
      tpu.vector_store %arg5[%swap3A_3723, %swap3A_3724], %mul3A_3722 {strides = array<i32>} : memref<64x256xf32, #tpu.memory_space<vmem>>, vector<16xf32>,
      %get3A_3726 = arith.constant 32 : index
      %get3A_3727 = tpu.vector_load %arg7[%get3A_3726] {strides = array<i32>} : memref<256xf32, #tpu.memory_space<vmem>>, vector<16xf32>,
      %mul3A_3728 = arith.constant 0.949999988 : f32
      %mul3A_3729 = vector.broadcast %mul3A_3728 : f32 to vector<16xf32>
      %mul3A_3730 = arith.mulf %get3A_3727, %mul3A_3729 : vector<16xf32>
      %add3A_3731 = arith.addf %mul3A_3730, %get3A_3718 : vector<16xf32>
      %swap3A_3732 = arith.constant 32 : index
      %swap3A_3733 = tpu.vector_load %arg7[%swap3A_3732] {strides = array<i32>} : memref<256xf32, #tpu.memory_space<vmem>>, vector<16xf32>,
      tpu.vector_store %arg7[%swap3A_3732], %add3A_3731 {strides = array<i32>} : memref<256xf32, #tpu.memory_space<vmem>>, vector<16xf32>,
      %get3A_3734 = arith.constant 48 : index
      %get3A_3735 = tpu.vector_load %arg6[%get3A_3734] {strides = array<i32>} : memref<256xf32, #tpu.memory_space<vmem>>, vector<16xf32>,
      %get3A_3736 = arith.index_cast %scan3A_40 : i32 to index
      %get3A_3737 = arith.constant 48 : index
      %get3A_3738 = tpu.vector_load %arg4[%get3A_3736, %get3A_3737] {strides = array<i32>} : memref<64x256xf32, #tpu.memory_space<vmem>>, vector<16xf32>,
      %mul3A_3739 = arith.mulf %get3A_3738, %get3A_3735 : vector<16xf32>
      %swap3A_3740 = arith.index_cast %scan3A_40 : i32 to index
      %swap3A_3741 = arith.constant 48 : index
      %swap3A_3742 = tpu.vector_load %arg5[%swap3A_3740, %swap3A_3741] {strides = array<i32>} : memref<64x256xf32, #tpu.memory_space<vmem>>, vector<16xf32>,
      tpu.vector_store %arg5[%swap3A_3740, %swap3A_3741], %mul3A_3739 {strides = array<i32>} : memref<64x256xf32, #tpu.memory_space<vmem>>, vector<16xf32>,
      %get3A_3743 = arith.constant 48 : index
      %get3A_3744 = tpu.vector_load %arg7[%get3A_3743] {strides = array<i32>} : memref<256xf32, #tpu.memory_space<vmem>>, vector<16xf32>,
      %mul3A_3745 = arith.constant 0.949999988 : f32
      %mul3A_3746 = vector.broadcast %mul3A_3745 : f32 to vector<16xf32>
      %mul3A_3747 = arith.mulf %get3A_3744, %mul3A_3746 : vector<16xf32>
      %add3A_3748 = arith.addf %mul3A_3747, %get3A_3735 : vector<16xf32>
      %swap3A_3749 = arith.constant 48 : index
      %swap3A_3750 = tpu.vector_load %arg7[%swap3A_3749] {strides = array<i32>} : memref<256xf32, #tpu.memory_space<vmem>>, vector<16xf32>,
      tpu.vector_store %arg7[%swap3A_3749], %add3A_3748 {strides = array<i32>} : memref<256xf32, #tpu.memory_space<vmem>>, vector<16xf32>,
      %get3A_3751 = arith.constant 64 : index
      %get3A_3752 = tpu.vector_load %arg6[%get3A_3751] {strides = array<i32>} : memref<256xf32, #tpu.memory_space<vmem>>, vector<16xf32>,
      %get3A_3753 = arith.index_cast %scan3A_40 : i32 to index
      %get3A_3754 = arith.constant 64 : index
      %get3A_3755 = tpu.vector_load %arg4[%get3A_3753, %get3A_3754] {strides = array<i32>} : memref<64x256xf32, #tpu.memory_space<vmem>>, vector<16xf32>,
      %mul3A_3756 = arith.mulf %get3A_3755, %get3A_3752 : vector<16xf32>
      %swap3A_3757 = arith.index_cast %scan3A_40 : i32 to index
      %swap3A_3758 = arith.constant 64 : index
      %swap3A_3759 = tpu.vector_load %arg5[%swap3A_3757, %swap3A_3758] {strides = array<i32>} : memref<64x256xf32, #tpu.memory_space<vmem>>, vector<16xf32>,
      tpu.vector_store %arg5[%swap3A_3757, %swap3A_3758], %mul3A_3756 {strides = array<i32>} : memref<64x256xf32, #tpu.memory_space<vmem>>, vector<16xf32>,
      %get3A_3760 = arith.constant 64 : index
      %get3A_3761 = tpu.vector_load %arg7[%get3A_3760] {strides = array<i32>} : memref<256xf32, #tpu.memory_space<vmem>>, vector<16xf32>,
      %mul3A_3762 = arith.constant 0.949999988 : f32
      %mul3A_3763 = vector.broadcast %mul3A_3762 : f32 to vector<16xf32>
      %mul3A_3764 = arith.mulf %get3A_3761, %mul3A_3763 : vector<16xf32>
      %add3A_3765 = arith.addf %mul3A_3764, %get3A_3752 : vector<16xf32>
      %swap3A_3766 = arith.constant 64 : index
      %swap3A_3767 = tpu.vector_load %arg7[%swap3A_3766] {strides = array<i32>} : memref<256xf32, #tpu.memory_space<vmem>>, vector<16xf32>,
      tpu.vector_store %arg7[%swap3A_3766], %add3A_3765 {strides = array<i32>} : memref<256xf32, #tpu.memory_space<vmem>>, vector<16xf32>,
      %get3A_3768 = arith.constant 80 : index
      %get3A_3769 = tpu.vector_load %arg6[%get3A_3768] {strides = array<i32>} : memref<256xf32, #tpu.memory_space<vmem>>, vector<16xf32>,
      %get3A_3770 = arith.index_cast %scan3A_40 : i32 to index
      %get3A_3771 = arith.constant 80 : index
      %get3A_3772 = tpu.vector_load %arg4[%get3A_3770, %get3A_3771] {strides = array<i32>} : memref<64x256xf32, #tpu.memory_space<vmem>>, vector<16xf32>,
      %mul3A_3773 = arith.mulf %get3A_3772, %get3A_3769 : vector<16xf32>
      %swap3A_3774 = arith.index_cast %scan3A_40 : i32 to index
      %swap3A_3775 = arith.constant 80 : index
      %swap3A_3776 = tpu.vector_load %arg5[%swap3A_3774, %swap3A_3775] {strides = array<i32>} : memref<64x256xf32, #tpu.memory_space<vmem>>, vector<16xf32>,
      tpu.vector_store %arg5[%swap3A_3774, %swap3A_3775], %mul3A_3773 {strides = array<i32>} : memref<64x256xf32, #tpu.memory_space<vmem>>, vector<16xf32>,
      %get3A_3777 = arith.constant 80 : index
      %get3A_3778 = tpu.vector_load %arg7[%get3A_3777] {strides = array<i32>} : memref<256xf32, #tpu.memory_space<vmem>>, vector<16xf32>,
      %mul3A_3779 = arith.constant 0.949999988 : f32
      %mul3A_3780 = vector.broadcast %mul3A_3779 : f32 to vector<16xf32>
      %mul3A_3781 = arith.mulf %get3A_3778, %mul3A_3780 : vector<16xf32>
      %add3A_3782 = arith.addf %mul3A_3781, %get3A_3769 : vector<16xf32>
      %swap3A_3783 = arith.constant 80 : index
      %swap3A_3784 = tpu.vector_load %arg7[%swap3A_3783] {strides = array<i32>} : memref<256xf32, #tpu.memory_space<vmem>>, vector<16xf32>,
      tpu.vector_store %arg7[%swap3A_3783], %add3A_3782 {strides = array<i32>} : memref<256xf32, #tpu.memory_space<vmem>>, vector<16xf32>,
      %get3A_3785 = arith.constant 96 : index
      %get3A_3786 = tpu.vector_load %arg6[%get3A_3785] {strides = array<i32>} : memref<256xf32, #tpu.memory_space<vmem>>, vector<16xf32>,
      %get3A_3787 = arith.index_cast %scan3A_40 : i32 to index
      %get3A_3788 = arith.constant 96 : index
      %get3A_3789 = tpu.vector_load %arg4[%get3A_3787, %get3A_3788] {strides = array<i32>} : memref<64x256xf32, #tpu.memory_space<vmem>>, vector<16xf32>,
      %mul3A_3790 = arith.mulf %get3A_3789, %get3A_3786 : vector<16xf32>
      %swap3A_3791 = arith.index_cast %scan3A_40 : i32 to index
      %swap3A_3792 = arith.constant 96 : index
      %swap3A_3793 = tpu.vector_load %arg5[%swap3A_3791, %swap3A_3792] {strides = array<i32>} : memref<64x256xf32, #tpu.memory_space<vmem>>, vector<16xf32>,
      tpu.vector_store %arg5[%swap3A_3791, %swap3A_3792], %mul3A_3790 {strides = array<i32>} : memref<64x256xf32, #tpu.memory_space<vmem>>, vector<16xf32>,
      %get3A_3794 = arith.constant 96 : index
      %get3A_3795 = tpu.vector_load %arg7[%get3A_3794] {strides = array<i32>} : memref<256xf32, #tpu.memory_space<vmem>>, vector<16xf32>,
      %mul3A_3796 = arith.constant 0.949999988 : f32
      %mul3A_3797 = vector.broadcast %mul3A_3796 : f32 to vector<16xf32>
      %mul3A_3798 = arith.mulf %get3A_3795, %mul3A_3797 : vector<16xf32>
      %add3A_3799 = arith.addf %mul3A_3798, %get3A_3786 : vector<16xf32>
      %swap3A_3800 = arith.constant 96 : index
      %swap3A_3801 = tpu.vector_load %arg7[%swap3A_3800] {strides = array<i32>} : memref<256xf32, #tpu.memory_space<vmem>>, vector<16xf32>,
      tpu.vector_store %arg7[%swap3A_3800], %add3A_3799 {strides = array<i32>} : memref<256xf32, #tpu.memory_space<vmem>>, vector<16xf32>,
      %get3A_3802 = arith.constant 112 : index
      %get3A_3803 = tpu.vector_load %arg6[%get3A_3802] {strides = array<i32>} : memref<256xf32, #tpu.memory_space<vmem>>, vector<16xf32>,
      %get3A_3804 = arith.index_cast %scan3A_40 : i32 to index
      %get3A_3805 = arith.constant 112 : index
      %get3A_3806 = tpu.vector_load %arg4[%get3A_3804, %get3A_3805] {strides = array<i32>} : memref<64x256xf32, #tpu.memory_space<vmem>>, vector<16xf32>,
      %mul3A_3807 = arith.mulf %get3A_3806, %get3A_3803 : vector<16xf32>
      %swap3A_3808 = arith.index_cast %scan3A_40 : i32 to index
      %swap3A_3809 = arith.constant 112 : index
      %swap3A_3810 = tpu.vector_load %arg5[%swap3A_3808, %swap3A_3809] {strides = array<i32>} : memref<64x256xf32, #tpu.memory_space<vmem>>, vector<16xf32>,
      tpu.vector_store %arg5[%swap3A_3808, %swap3A_3809], %mul3A_3807 {strides = array<i32>} : memref<64x256xf32, #tpu.memory_space<vmem>>, vector<16xf32>,
      %get3A_3811 = arith.constant 112 : index
      %get3A_3812 = tpu.vector_load %arg7[%get3A_3811] {strides = array<i32>} : memref<256xf32, #tpu.memory_space<vmem>>, vector<16xf32>,
      %mul3A_3813 = arith.constant 0.949999988 : f32
      %mul3A_3814 = vector.broadcast %mul3A_3813 : f32 to vector<16xf32>
      %mul3A_3815 = arith.mulf %get3A_3812, %mul3A_3814 : vector<16xf32>
      %add3A_3816 = arith.addf %mul3A_3815, %get3A_3803 : vector<16xf32>
      %swap3A_3817 = arith.constant 112 : index
      %swap3A_3818 = tpu.vector_load %arg7[%swap3A_3817] {strides = array<i32>} : memref<256xf32, #tpu.memory_space<vmem>>, vector<16xf32>,
      tpu.vector_store %arg7[%swap3A_3817], %add3A_3816 {strides = array<i32>} : memref<256xf32, #tpu.memory_space<vmem>>, vector<16xf32>,
      %get3A_3819 = arith.constant 128 : index
      %get3A_3820 = tpu.vector_load %arg6[%get3A_3819] {strides = array<i32>} : memref<256xf32, #tpu.memory_space<vmem>>, vector<16xf32>,
      %get3A_3821 = arith.index_cast %scan3A_40 : i32 to index
      %get3A_3822 = arith.constant 128 : index
      %get3A_3823 = tpu.vector_load %arg4[%get3A_3821, %get3A_3822] {strides = array<i32>} : memref<64x256xf32, #tpu.memory_space<vmem>>, vector<16xf32>,
      %mul3A_3824 = arith.mulf %get3A_3823, %get3A_3820 : vector<16xf32>
      %swap3A_3825 = arith.index_cast %scan3A_40 : i32 to index
      %swap3A_3826 = arith.constant 128 : index
      %swap3A_3827 = tpu.vector_load %arg5[%swap3A_3825, %swap3A_3826] {strides = array<i32>} : memref<64x256xf32, #tpu.memory_space<vmem>>, vector<16xf32>,
      tpu.vector_store %arg5[%swap3A_3825, %swap3A_3826], %mul3A_3824 {strides = array<i32>} : memref<64x256xf32, #tpu.memory_space<vmem>>, vector<16xf32>,
      %get3A_3828 = arith.constant 128 : index
      %get3A_3829 = tpu.vector_load %arg7[%get3A_3828] {strides = array<i32>} : memref<256xf32, #tpu.memory_space<vmem>>, vector<16xf32>,
      %mul3A_3830 = arith.constant 0.949999988 : f32
      %mul3A_3831 = vector.broadcast %mul3A_3830 : f32 to vector<16xf32>
      %mul3A_3832 = arith.mulf %get3A_3829, %mul3A_3831 : vector<16xf32>
      %add3A_3833 = arith.addf %mul3A_3832, %get3A_3820 : vector<16xf32>
      %swap3A_3834 = arith.constant 128 : index
      %swap3A_3835 = tpu.vector_load %arg7[%swap3A_3834] {strides = array<i32>} : memref<256xf32, #tpu.memory_space<vmem>>, vector<16xf32>,
      tpu.vector_store %arg7[%swap3A_3834], %add3A_3833 {strides = array<i32>} : memref<256xf32, #tpu.memory_space<vmem>>, vector<16xf32>,
      %get3A_3836 = arith.constant 144 : index
      %get3A_3837 = tpu.vector_load %arg6[%get3A_3836] {strides = array<i32>} : memref<256xf32, #tpu.memory_space<vmem>>, vector<16xf32>,
      %get3A_3838 = arith.index_cast %scan3A_40 : i32 to index
      %get3A_3839 = arith.constant 144 : index
      %get3A_3840 = tpu.vector_load %arg4[%get3A_3838, %get3A_3839] {strides = array<i32>} : memref<64x256xf32, #tpu.memory_space<vmem>>, vector<16xf32>,
      %mul3A_3841 = arith.mulf %get3A_3840, %get3A_3837 : vector<16xf32>
      %swap3A_3842 = arith.index_cast %scan3A_40 : i32 to index
      %swap3A_3843 = arith.constant 144 : index
      %swap3A_3844 = tpu.vector_load %arg5[%swap3A_3842, %swap3A_3843] {strides = array<i32>} : memref<64x256xf32, #tpu.memory_space<vmem>>, vector<16xf32>,
      tpu.vector_store %arg5[%swap3A_3842, %swap3A_3843], %mul3A_3841 {strides = array<i32>} : memref<64x256xf32, #tpu.memory_space<vmem>>, vector<16xf32>,
      %get3A_3845 = arith.constant 144 : index
      %get3A_3846 = tpu.vector_load %arg7[%get3A_3845] {strides = array<i32>} : memref<256xf32, #tpu.memory_space<vmem>>, vector<16xf32>,
      %mul3A_3847 = arith.constant 0.949999988 : f32
      %mul3A_3848 = vector.broadcast %mul3A_3847 : f32 to vector<16xf32>
      %mul3A_3849 = arith.mulf %get3A_3846, %mul3A_3848 : vector<16xf32>
      %add3A_3850 = arith.addf %mul3A_3849, %get3A_3837 : vector<16xf32>
      %swap3A_3851 = arith.constant 144 : index
      %swap3A_3852 = tpu.vector_load %arg7[%swap3A_3851] {strides = array<i32>} : memref<256xf32, #tpu.memory_space<vmem>>, vector<16xf32>,
      tpu.vector_store %arg7[%swap3A_3851], %add3A_3850 {strides = array<i32>} : memref<256xf32, #tpu.memory_space<vmem>>, vector<16xf32>,
      %get3A_3853 = arith.constant 160 : index
      %get3A_3854 = tpu.vector_load %arg6[%get3A_3853] {strides = array<i32>} : memref<256xf32, #tpu.memory_space<vmem>>, vector<16xf32>,
      %get3A_3855 = arith.index_cast %scan3A_40 : i32 to index
      %get3A_3856 = arith.constant 160 : index
      %get3A_3857 = tpu.vector_load %arg4[%get3A_3855, %get3A_3856] {strides = array<i32>} : memref<64x256xf32, #tpu.memory_space<vmem>>, vector<16xf32>,
      %mul3A_3858 = arith.mulf %get3A_3857, %get3A_3854 : vector<16xf32>
      %swap3A_3859 = arith.index_cast %scan3A_40 : i32 to index
      %swap3A_3860 = arith.constant 160 : index
      %swap3A_3861 = tpu.vector_load %arg5[%swap3A_3859, %swap3A_3860] {strides = array<i32>} : memref<64x256xf32, #tpu.memory_space<vmem>>, vector<16xf32>,
      tpu.vector_store %arg5[%swap3A_3859, %swap3A_3860], %mul3A_3858 {strides = array<i32>} : memref<64x256xf32, #tpu.memory_space<vmem>>, vector<16xf32>,
      %get3A_3862 = arith.constant 160 : index
      %get3A_3863 = tpu.vector_load %arg7[%get3A_3862] {strides = array<i32>} : memref<256xf32, #tpu.memory_space<vmem>>, vector<16xf32>,
      %mul3A_3864 = arith.constant 0.949999988 : f32
      %mul3A_3865 = vector.broadcast %mul3A_3864 : f32 to vector<16xf32>
      %mul3A_3866 = arith.mulf %get3A_3863, %mul3A_3865 : vector<16xf32>
      %add3A_3867 = arith.addf %mul3A_3866, %get3A_3854 : vector<16xf32>
      %swap3A_3868 = arith.constant 160 : index
      %swap3A_3869 = tpu.vector_load %arg7[%swap3A_3868] {strides = array<i32>} : memref<256xf32, #tpu.memory_space<vmem>>, vector<16xf32>,
      tpu.vector_store %arg7[%swap3A_3868], %add3A_3867 {strides = array<i32>} : memref<256xf32, #tpu.memory_space<vmem>>, vector<16xf32>,
      %get3A_3870 = arith.constant 176 : index
      %get3A_3871 = tpu.vector_load %arg6[%get3A_3870] {strides = array<i32>} : memref<256xf32, #tpu.memory_space<vmem>>, vector<16xf32>,
      %get3A_3872 = arith.index_cast %scan3A_40 : i32 to index
      %get3A_3873 = arith.constant 176 : index
      %get3A_3874 = tpu.vector_load %arg4[%get3A_3872, %get3A_3873] {strides = array<i32>} : memref<64x256xf32, #tpu.memory_space<vmem>>, vector<16xf32>,
      %mul3A_3875 = arith.mulf %get3A_3874, %get3A_3871 : vector<16xf32>
      %swap3A_3876 = arith.index_cast %scan3A_40 : i32 to index
      %swap3A_3877 = arith.constant 176 : index
      %swap3A_3878 = tpu.vector_load %arg5[%swap3A_3876, %swap3A_3877] {strides = array<i32>} : memref<64x256xf32, #tpu.memory_space<vmem>>, vector<16xf32>,
      tpu.vector_store %arg5[%swap3A_3876, %swap3A_3877], %mul3A_3875 {strides = array<i32>} : memref<64x256xf32, #tpu.memory_space<vmem>>, vector<16xf32>,
      %get3A_3879 = arith.constant 176 : index
      %get3A_3880 = tpu.vector_load %arg7[%get3A_3879] {strides = array<i32>} : memref<256xf32, #tpu.memory_space<vmem>>, vector<16xf32>,
      %mul3A_3881 = arith.constant 0.949999988 : f32
      %mul3A_3882 = vector.broadcast %mul3A_3881 : f32 to vector<16xf32>
      %mul3A_3883 = arith.mulf %get3A_3880, %mul3A_3882 : vector<16xf32>
      %add3A_3884 = arith.addf %mul3A_3883, %get3A_3871 : vector<16xf32>
      %swap3A_3885 = arith.constant 176 : index
      %swap3A_3886 = tpu.vector_load %arg7[%swap3A_3885] {strides = array<i32>} : memref<256xf32, #tpu.memory_space<vmem>>, vector<16xf32>,
      tpu.vector_store %arg7[%swap3A_3885], %add3A_3884 {strides = array<i32>} : memref<256xf32, #tpu.memory_space<vmem>>, vector<16xf32>,
      %get3A_3887 = arith.constant 192 : index
      %get3A_3888 = tpu.vector_load %arg6[%get3A_3887] {strides = array<i32>} : memref<256xf32, #tpu.memory_space<vmem>>, vector<16xf32>,
      %get3A_3889 = arith.index_cast %scan3A_40 : i32 to index
      %get3A_3890 = arith.constant 192 : index
      %get3A_3891 = tpu.vector_load %arg4[%get3A_3889, %get3A_3890] {strides = array<i32>} : memref<64x256xf32, #tpu.memory_space<vmem>>, vector<16xf32>,
      %mul3A_3892 = arith.mulf %get3A_3891, %get3A_3888 : vector<16xf32>
      %swap3A_3893 = arith.index_cast %scan3A_40 : i32 to index
      %swap3A_3894 = arith.constant 192 : index
      %swap3A_3895 = tpu.vector_load %arg5[%swap3A_3893, %swap3A_3894] {strides = array<i32>} : memref<64x256xf32, #tpu.memory_space<vmem>>, vector<16xf32>,
      tpu.vector_store %arg5[%swap3A_3893, %swap3A_3894], %mul3A_3892 {strides = array<i32>} : memref<64x256xf32, #tpu.memory_space<vmem>>, vector<16xf32>,
      %get3A_3896 = arith.constant 192 : index
      %get3A_3897 = tpu.vector_load %arg7[%get3A_3896] {strides = array<i32>} : memref<256xf32, #tpu.memory_space<vmem>>, vector<16xf32>,
      %mul3A_3898 = arith.constant 0.949999988 : f32
      %mul3A_3899 = vector.broadcast %mul3A_3898 : f32 to vector<16xf32>
      %mul3A_3900 = arith.mulf %get3A_3897, %mul3A_3899 : vector<16xf32>
      %add3A_3901 = arith.addf %mul3A_3900, %get3A_3888 : vector<16xf32>
      %swap3A_3902 = arith.constant 192 : index
      %swap3A_3903 = tpu.vector_load %arg7[%swap3A_3902] {strides = array<i32>} : memref<256xf32, #tpu.memory_space<vmem>>, vector<16xf32>,
      tpu.vector_store %arg7[%swap3A_3902], %add3A_3901 {strides = array<i32>} : memref<256xf32, #tpu.memory_space<vmem>>, vector<16xf32>,
      %get3A_3904 = arith.constant 208 : index
      %get3A_3905 = tpu.vector_load %arg6[%get3A_3904] {strides = array<i32>} : memref<256xf32, #tpu.memory_space<vmem>>, vector<16xf32>,
      %get3A_3906 = arith.index_cast %scan3A_40 : i32 to index
      %get3A_3907 = arith.constant 208 : index
      %get3A_3908 = tpu.vector_load %arg4[%get3A_3906, %get3A_3907] {strides = array<i32>} : memref<64x256xf32, #tpu.memory_space<vmem>>, vector<16xf32>,
      %mul3A_3909 = arith.mulf %get3A_3908, %get3A_3905 : vector<16xf32>
      %swap3A_3910 = arith.index_cast %scan3A_40 : i32 to index
      %swap3A_3911 = arith.constant 208 : index
      %swap3A_3912 = tpu.vector_load %arg5[%swap3A_3910, %swap3A_3911] {strides = array<i32>} : memref<64x256xf32, #tpu.memory_space<vmem>>, vector<16xf32>,
      tpu.vector_store %arg5[%swap3A_3910, %swap3A_3911], %mul3A_3909 {strides = array<i32>} : memref<64x256xf32, #tpu.memory_space<vmem>>, vector<16xf32>,
      %get3A_3913 = arith.constant 208 : index
      %get3A_3914 = tpu.vector_load %arg7[%get3A_3913] {strides = array<i32>} : memref<256xf32, #tpu.memory_space<vmem>>, vector<16xf32>,
      %mul3A_3915 = arith.constant 0.949999988 : f32
      %mul3A_3916 = vector.broadcast %mul3A_3915 : f32 to vector<16xf32>
      %mul3A_3917 = arith.mulf %get3A_3914, %mul3A_3916 : vector<16xf32>
      %add3A_3918 = arith.addf %mul3A_3917, %get3A_3905 : vector<16xf32>
      %swap3A_3919 = arith.constant 208 : index
      %swap3A_3920 = tpu.vector_load %arg7[%swap3A_3919] {strides = array<i32>} : memref<256xf32, #tpu.memory_space<vmem>>, vector<16xf32>,
      tpu.vector_store %arg7[%swap3A_3919], %add3A_3918 {strides = array<i32>} : memref<256xf32, #tpu.memory_space<vmem>>, vector<16xf32>,
      %get3A_3921 = arith.constant 224 : index
      %get3A_3922 = tpu.vector_load %arg6[%get3A_3921] {strides = array<i32>} : memref<256xf32, #tpu.memory_space<vmem>>, vector<16xf32>,
      %get3A_3923 = arith.index_cast %scan3A_40 : i32 to index
      %get3A_3924 = arith.constant 224 : index
      %get3A_3925 = tpu.vector_load %arg4[%get3A_3923, %get3A_3924] {strides = array<i32>} : memref<64x256xf32, #tpu.memory_space<vmem>>, vector<16xf32>,
      %mul3A_3926 = arith.mulf %get3A_3925, %get3A_3922 : vector<16xf32>
      %swap3A_3927 = arith.index_cast %scan3A_40 : i32 to index
      %swap3A_3928 = arith.constant 224 : index
      %swap3A_3929 = tpu.vector_load %arg5[%swap3A_3927, %swap3A_3928] {strides = array<i32>} : memref<64x256xf32, #tpu.memory_space<vmem>>, vector<16xf32>,
      tpu.vector_store %arg5[%swap3A_3927, %swap3A_3928], %mul3A_3926 {strides = array<i32>} : memref<64x256xf32, #tpu.memory_space<vmem>>, vector<16xf32>,
      %get3A_3930 = arith.constant 224 : index
      %get3A_3931 = tpu.vector_load %arg7[%get3A_3930] {strides = array<i32>} : memref<256xf32, #tpu.memory_space<vmem>>, vector<16xf32>,
      %mul3A_3932 = arith.constant 0.949999988 : f32
      %mul3A_3933 = vector.broadcast %mul3A_3932 : f32 to vector<16xf32>
      %mul3A_3934 = arith.mulf %get3A_3931, %mul3A_3933 : vector<16xf32>
      %add3A_3935 = arith.addf %mul3A_3934, %get3A_3922 : vector<16xf32>
      %swap3A_3936 = arith.constant 224 : index
      %swap3A_3937 = tpu.vector_load %arg7[%swap3A_3936] {strides = array<i32>} : memref<256xf32, #tpu.memory_space<vmem>>, vector<16xf32>,
      tpu.vector_store %arg7[%swap3A_3936], %add3A_3935 {strides = array<i32>} : memref<256xf32, #tpu.memory_space<vmem>>, vector<16xf32>,
      %get3A_3938 = arith.constant 240 : index
      %get3A_3939 = tpu.vector_load %arg6[%get3A_3938] {strides = array<i32>} : memref<256xf32, #tpu.memory_space<vmem>>, vector<16xf32>,
      %get3A_3940 = arith.index_cast %scan3A_40 : i32 to index
      %get3A_3941 = arith.constant 240 : index
      %get3A_3942 = tpu.vector_load %arg4[%get3A_3940, %get3A_3941] {strides = array<i32>} : memref<64x256xf32, #tpu.memory_space<vmem>>, vector<16xf32>,
      %mul3A_3943 = arith.mulf %get3A_3942, %get3A_3939 : vector<16xf32>
      %swap3A_3944 = arith.index_cast %scan3A_40 : i32 to index
      %swap3A_3945 = arith.constant 240 : index
      %swap3A_3946 = tpu.vector_load %arg5[%swap3A_3944, %swap3A_3945] {strides = array<i32>} : memref<64x256xf32, #tpu.memory_space<vmem>>, vector<16xf32>,
      tpu.vector_store %arg5[%swap3A_3944, %swap3A_3945], %mul3A_3943 {strides = array<i32>} : memref<64x256xf32, #tpu.memory_space<vmem>>, vector<16xf32>,
      %get3A_3947 = arith.constant 240 : index
      %get3A_3948 = tpu.vector_load %arg7[%get3A_3947] {strides = array<i32>} : memref<256xf32, #tpu.memory_space<vmem>>, vector<16xf32>,
      %mul3A_3949 = arith.constant 0.949999988 : f32
      %mul3A_3950 = vector.broadcast %mul3A_3949 : f32 to vector<16xf32>
      %mul3A_3951 = arith.mulf %get3A_3948, %mul3A_3950 : vector<16xf32>
      %add3A_3952 = arith.addf %mul3A_3951, %get3A_3939 : vector<16xf32>
      %swap3A_3953 = arith.constant 240 : index
      %swap3A_3954 = tpu.vector_load %arg7[%swap3A_3953] {strides = array<i32>} : memref<256xf32, #tpu.memory_space<vmem>>, vector<16xf32>,
      tpu.vector_store %arg7[%swap3A_3953], %add3A_3952 {strides = array<i32>} : memref<256xf32, #tpu.memory_space<vmem>>, vector<16xf32>,
    }
    %scan3A_39 = arith.constant 64 : i32
    "tpu.region"() ({
      %run_scoped3A = tpu.sem_alloc : memref<!tpu.dma_semaphore, #tpu.memory_space<semaphore_mem>>
      %dma_start3A = arith.constant 0 : i32
      %dma_start3A_40 = tpu.memref_slice %arg3[%dma_start3A, %mul3A_0] : memref<64x4096xf32, #tpu.memory_space<hbm>> -> memref<64x256xf32, #tpu.memory_space<hbm>>
      %dma_start3A_41 = arith.constant 0 : i32
      %dma_start3A_42 = tpu.memref_slice %arg3[%dma_start3A_41, %mul3A_0] : memref<64x4096xf32, #tpu.memory_space<hbm>> -> memref<64x256xf32, #tpu.memory_space<hbm>>
      tpu.enqueue_dma source(%arg5 : memref<64x256xf32, #tpu.memory_space<vmem>>) target(%dma_start3A_42 : memref<64x256xf32, #tpu.memory_space<hbm>>) target_semaphore(%run_scoped3A : memref<!tpu.dma_semaphore, #tpu.memory_space<semaphore_mem>>)
      %dma_wait3A = arith.constant 0 : i32
      %dma_wait3A_43 = tpu.memref_slice %arg3[%dma_wait3A, %mul3A_0] : memref<64x4096xf32, #tpu.memory_space<hbm>> -> memref<64x256xf32, #tpu.memory_space<hbm>>
      %dma_wait3A_44 = arith.constant 0 : i32
      %dma_wait3A_45 = tpu.memref_slice %arg3[%dma_wait3A_44, %mul3A_0] : memref<64x4096xf32, #tpu.memory_space<hbm>> -> memref<64x256xf32, #tpu.memory_space<hbm>>
      tpu.wait_dma2 semaphore(%run_scoped3A : memref<!tpu.dma_semaphore, #tpu.memory_space<semaphore_mem>>) src(%arg5 : memref<64x256xf32, #tpu.memory_space<vmem>>) dst(%dma_wait3A_45 : memref<64x256xf32, #tpu.memory_space<hbm>>)
      tpu.yield
    }) : () -> ()
    return
  }
}

module attributes {stable_mosaic.version = 14 : i64} {
  func.func @_matmul_body(%arg0: i32, %arg1: memref<64x2048xf32, #tpu.memory_space<vmem>>, %arg2: memref<1024x2048xf32, #tpu.memory_space<vmem>>, %arg3: memref<64x1024xf32, #tpu.memory_space<vmem>>) attributes {dimension_semantics = [#tpu.dimension_semantics<arbitrary>], iteration_bounds = array<i64: 4>, scalar_prefetch = 0 : i64, scratch_operands = 0 : i64, tpu.core_type = #tpu.core_type<tc>, window_params = [{pipeline_mode = #tpu.pipeline_mode<synchronous>, transform_indices = @transform_0, window_bounds = array<i64: 64, 2048>}, {transform_indices = @transform_1, window_bounds = array<i64: 1024, 2048>}, {transform_indices = @transform_2, window_bounds = array<i64: 64, 1024>}]} {
    %get3A = arith.constant 0 : index
    %get3A_0 = arith.constant 0 : index
    %get3A_1 = vector.load %arg1[%get3A, %get3A_0] : memref<64x2048xf32, #tpu.memory_space<vmem>>, vector<64x2048xf32>
    %get3A_2 = arith.constant 0 : index
    %get3A_3 = arith.constant 0 : index
    %get3A_4 = vector.load %arg2[%get3A_2, %get3A_3] : memref<1024x2048xf32, #tpu.memory_space<vmem>>, vector<1024x2048xf32>
    %dot_general3A = arith.constant dense<0.000000e+00> : vector<64x1024xf32>
    %dot_general3A_5 = tpu.matmul %get3A_1, %get3A_4, %dot_general3A {dimension_numbers = #tpu.dot_dimension_numbers<[1], [1], [0], [0], [0, 0, 1, 0], [], []>, transpose_lhs_hint = false} : vector<64x2048xf32>, vector<1024x2048xf32>, vector<64x1024xf32> -> vector<64x1024xf32>
    %swap3A = arith.constant 0 : index
    %swap3A_6 = arith.constant 0 : index
    %swap3A_7 = vector.load %arg3[%swap3A, %swap3A_6] : memref<64x1024xf32, #tpu.memory_space<vmem>>, vector<64x1024xf32>
    tpu.vector_store %arg3[%swap3A, %swap3A_6], %dot_general3A_5 {strides = array<i32>} : memref<64x1024xf32, #tpu.memory_space<vmem>>, vector<64x1024xf32>,
    return
  }
  func.func @transform_0(%arg0: i32) -> (i32, i32) {
    %c0_i32 = arith.constant 0 : i32
    %c0_i32_0 = arith.constant 0 : i32
    %c0_i32_1 = arith.constant 0 : i32
    return %c0_i32, %c0_i32_0 : i32, i32
  }
  func.func @transform_1(%arg0: i32) -> (i32, i32) {
    %c0_i32 = arith.constant 0 : i32
    %c0_i32_0 = arith.constant 0 : i32
    return %arg0, %c0_i32 : i32, i32
  }
  func.func @transform_2(%arg0: i32) -> (i32, i32) {
    %c0_i32 = arith.constant 0 : i32
    %c0_i32_0 = arith.constant 0 : i32
    return %c0_i32, %arg0 : i32, i32
  }
}

</mosaic_0001>

<sc_bundles>
// kernel: kernel.4.cloned.1.call-start
scs
__scs_entry_jumppad:
0x0: {  	(pc) =	sbr.rel $0x88, $3  }
0x1: {  	(tag) =	ssettag $0x0;
	lr =	simm.s32 $0x1  }
0x2: {  	[smem:$0x3F9F] =	sst lr;
	_ =	strace $0xD0000000  }
0x3: {  	_ = 	snop  }
0x4: {  	_ = 	snop  }
0x5: {  	_ = 	snop  }
0x6: {  	_ = 	snop  }
0x7: {  	_ = 	snop  }
__scs_overlays_trampoline_lowered:
0x8: {  	[smem:$0x3FAE] =	sst s0  }
0x9: {  	[smem:$0x3FAF] =	sst s1  }
0xa: {  	[smem:$0x3FB0] =	sst s2  }
0xb: {  	[smem:$0x3FB1] =	sst s3  }
0xc: {  	[smem:$0x3FB2] =	sst s4  }
0xd: {  	[smem:$0x3FB3] =	sst s5  }
0xe: {  	[smem:$0x3FB4] =	sst s6  }
0xf: {  	[smem:$0x3FB5] =	sst s7  }
0x10: {  	[smem:$0x3FB6] =	sst s8  }
0x11: {  	[smem:$0x3FB7] =	sst s9;
	s0 =	simm.s32 @!p0 $0x0  }
0x12: {  	s1 =	sld [smem:$0x3F9D];
	s0 =	simm.s32 @p0 $0x1  }
0x13: {  	[smem:$0x3FB8] =	sst s0;
	s0 =	simm.s32 @!p1 $0x0  }
0x14: {  	s2 =	sld [smem:$0x3F9C];
	s0 =	simm.s32 @p1 $0x1  }
0x15: {  	[smem:$0x3FB9] =	sst s0;
	s0 =	simm.s32 @!p2 $0x0  }
0x16: {  	s3 =	sld [smem:$0x3FDB];
	s0 =	simm.s32 @p2 $0x1  }
0x17: {  	s4 =	simm.s32 $0x1BF5;
	[smem:$0x3FBB] =	sst s0  }
0x18: {  	s0 =	sld [smem:$0x3F9E];
	_ =	swait.ge [sflag:s4], $0x0  }
0x19: {  	s7 =	sld [smem:$0x3F9F]  }
0x1a: {  	s8 =	sadd.s32 $0xFFFFE003, lr  }
0x1b: {  	s9 =	sadd.s32 $0xFFFFFEF7, lr;
	s5 =	simm.s32 $0xFFFFFFFF;
	p2 =	slt.u32 s8, $0xFFFFF086  }
0x1c: {  	p1 =	slt.u32 s9, $0xF7A;
	s5 =	simm.s32 @!p2 $0x0  }
0x1d: {  	s5 =	simm.s32 @p1 $0x1;
	p0 =	seq.s32 s7, s2  }
0x1e: {  	s7 =	smul.u32 @!p0 $0xF7A, s2;
	p2 =	seq.s32 @!p0 s5, $0x0  }
0x1f: {  	s9 =	smul.u32 $0xF7A, s1;
	s8 =	simm.s32 @!p0 $0x1BF5;
	p2 =	por !p2, p0  }
0x20: {  	[sflag:s8] =	ssyncset.s32 @!p0 $0xFFFFF086;
	s6 =	sadd.s32 @!p0 s3, s7;
	s7 =	simm.s32 @!p0 $0x108  }
0x21: {  	s3 =	sadd.s32 s3, s9;
	s6 =	sadd.s32 @!p0 $0x88, s6;
	s7 =	simm.s32 @p2 $0x1082  }
0x22: {  	[simem:s7], [sflag:s8] =	dma.local @!p0 [hbm:s6], $0xF7A  }
0x23: {  	s9 =	sor.u32 $0xD0000000, s2;
	s6 =	simm.s32 $0x108;
	_ =	swait.ge @!p0 [sflag:s8], $0x0  }
0x24: {  	s3 =	sadd.s32 $0x88, s3;
	s6 =	simm.s32 @!p1 $0x1082;
	[sflag:s4] =	ssyncset.s32 $0xFFFFF086  }
0x25: {  	[simem:s6], [sflag:s4] =	dma.local [hbm:s3], $0xF7A  }
0x26: {  	[smem:$0x3F9F] =	sst s1;
	(tag) =	ssettag s2;
	_ =	strace s9  }
0x27: {  	s1 =	sld [smem:$0x3FAF]  }
0x28: {  	s2 =	sld [smem:$0x3FB0]  }
0x29: {  	s4 =	sld [smem:$0x3FB2]  }
0x2a: {  	p0 =	seq.s32 s5, $0x0;
	s5 =	sld [smem:$0x3FB3]  }
0x2b: {  	s6 =	sld [smem:$0x3FB4]  }
0x2c: {  	s7 =	sld [smem:$0x3FB5]  }
0x2d: {  	s3 =	simm.s32 $0x108;
	s8 =	sld [smem:$0x3FB6]  }
0x2e: {  	s3 =	simm.s32 @!p0 $0x1082;
	s9 =	sld [smem:$0x3FB7]  }
0x2f: {  	lr =	sadd.s32 s0, s3;
	s0 =	sld [smem:$0x3FAE]  }
0x30: {  	s3 =	sld [smem:$0x3FB1]  }
0x31: {  	[smem:$0x3FBA] =	sst s10  }
0x32: {  	s10 =	sld [smem:$0x3FB8];
	_ =	sdelay $0x3  }
0x33: {  	p0 =	seq.s32 s10, $0x1;
	s10 =	sld [smem:$0x3FBA];
	_ =	sdelay $0x3  }
0x34: {  	[smem:$0x3FBA] =	sst s10  }
0x35: {  	s10 =	sld [smem:$0x3FB9];
	_ =	sdelay $0x3  }
0x36: {  	p1 =	seq.s32 s10, $0x1;
	s10 =	sld [smem:$0x3FBA];
	_ =	sdelay $0x3  }
0x37: {  	[smem:$0x3FBA] =	sst s10  }
0x38: {  	s10 =	sld [smem:$0x3FBB]  }
0x39: {  	_ = 	snop;
	(pc) =	sbr.ind lr, $3  }
0x3a: {  	_ = 	snop  }
0x3b: {  	_ = 	snop  }
0x3c: {  	p2 =	seq.s32 s10, $0x1;
	s10 =	sld [smem:$0x3FBA]  }
0x3d: {  	_ =	shalt  }
0x3e: {  	_ =	shalt  }
0x3f: {  	_ =	shalt  }
0x40: {  	_ =	shalt  }
0x41: {  	_ =	shalt  }
0x42: {  	_ =	shalt  }
0x43: {  	_ =	shalt  }
0x44: {  	_ =	shalt  }
0x45: {  	_ =	shalt  }
0x46: {  	_ =	shalt  }
0x47: {  	_ =	shalt  }
0x48: {  	_ =	shalt  }
0x49: {  	_ =	shalt  }
0x4a: {  	_ =	shalt  }
0x4b: {  	_ =	shalt  }
0x4c: {  	_ =	shalt  }
0x4d: {  	_ =	shalt  }
0x4e: {  	_ =	shalt  }
0x4f: {  	_ =	shalt  }
0x50: {  	_ =	shalt  }
0x51: {  	_ =	shalt  }
0x52: {  	_ =	shalt  }
0x53: {  	_ =	shalt  }
0x54: {  	_ =	shalt  }
0x55: {  	_ =	shalt  }
0x56: {  	_ =	shalt  }
0x57: {  	_ =	shalt  }
0x58: {  	_ =	shalt  }
0x59: {  	_ =	shalt  }
0x5a: {  	_ =	shalt  }
0x5b: {  	_ =	shalt  }
0x5c: {  	_ =	shalt  }
0x5d: {  	_ =	shalt  }
0x5e: {  	_ =	shalt  }
0x5f: {  	_ =	shalt  }
0x60: {  	_ =	shalt  }
0x61: {  	_ =	shalt  }
0x62: {  	_ =	shalt  }
0x63: {  	_ =	shalt  }
0x64: {  	_ =	shalt  }
0x65: {  	_ =	shalt  }
0x66: {  	_ =	shalt  }
0x67: {  	_ =	shalt  }
0x68: {  	_ =	shalt  }
0x69: {  	_ =	shalt  }
0x6a: {  	_ =	shalt  }
0x6b: {  	_ =	shalt  }
0x6c: {  	_ =	shalt  }
0x6d: {  	_ =	shalt  }
0x6e: {  	_ =	shalt  }
0x6f: {  	_ =	shalt  }
0x70: {  	_ =	shalt  }
0x71: {  	_ =	shalt  }
0x72: {  	_ =	shalt  }
0x73: {  	_ =	shalt  }
0x74: {  	_ =	shalt  }
0x75: {  	_ =	shalt  }
0x76: {  	_ =	shalt  }
0x77: {  	_ =	shalt  }
0x78: {  	_ =	shalt  }
0x79: {  	_ =	shalt  }
0x7a: {  	_ =	shalt  }
0x7b: {  	_ =	shalt  }
0x7c: {  	_ =	shalt  }
0x7d: {  	_ =	shalt  }
0x7e: {  	_ =	shalt  }
0x7f: {  	_ =	shalt  }
0x80: {  	_ =	shalt  }
0x81: {  	_ =	shalt  }
0x82: {  	_ =	shalt  }
0x83: {  	_ =	shalt  }
0x84: {  	_ =	shalt  }
0x85: {  	_ =	shalt  }
0x86: {  	_ =	shalt  }
0x87: {  	_ =	shalt  }
.Lfunc_end0:
.L_simem_size_0:
called_computation_lowered:
.L_overlay_start_0:
0x88: {  	s0 =	sld [smem:$0x3FD9]  }
0x89: {  	s1 =	sld [smem:$0x3FFE];
	_ =	sdelay $0x3  }
0x8a: {  	s0 =	sadd.s32 s1, s0  }
0x8b: {  	[smem:$0x3FC6] =	sst s0  }
0x8c: {  	_ = 	snop  }
0x8d: {  	s0 =	sld [smem:$0x3FD0];
	(tm) =	ssettm $0x1  }
0x8e: {  	s16 =	sld [smem:$0x3FFB];
	_ =	sdelay $0x3  }
0x8f: {  	_ =	strace s16  }
0x90: {  	s1 =	sld [smem:$0x3FFC];
	_ =	sdelay $0x3  }
0x91: {  	_ =	strace s1  }
0x92: {  	s1 =	sld [smem:$0x3FFD];
	_ =	sdelay $0x3  }
0x93: {  	_ =	strace s1  }
0x94: {  	_ =	strace $0x8FFFFFFF  }
0x95: {  	s17 =	sld [smem:$0x3FDB];
	_ =	sdelay $0x1  }
0x96: {  	s2 =	simm.s32 $_scs_section_size  }
0x97: {  	s3 =	simm.s32 $_size__tile_overlayer_lowered;
	s4 =	simm.s32 $_tile_overlayer_lowered  }
0x98: {  	s20 =	simm.s32 $0x1BFF;
	s19 =	sshll.u32 s4, $0x1;
	s1 =	sadd.s32 s2, s17  }
0x99: {  	s5 =	simm.s32 $0x0;
	s18 =	sshll.u32 s3, $0x1;
	s3 =	sadd.s32 s19, s1  }
0x9a: {  	[timem:s5], [sflag:s20] =	dma.local [hbm:s3], s18  }
0x9b: {  	_ =	swait.ge [sflag:s20], s18  }
0x9c: {  	s2 =	ssub.s32 $0x0, s18;
	[sflag:s20] =	ssyncset.done $0x0  }
0x9d: {  	[sflag:s20] =	ssyncadd.s32 s2;
	_ =	sdelay $0x1  }
0x9e: {  	s21 =	simm.s32 $0x1B8B  }
0x9f: {  	_ =	swait.ge [sflag:s21], $0x1  }
0xa0: {  	[sflag:s21] =	ssyncset.done $0x0  }
0xa1: {  	s23 =	simm.s32 $0x1B8E;
	s22 =	sld [smem:$0x3FFE];
	[sflag:s21] =	ssyncadd.s32 $0xFFFFFFFF  }
0xa2: {  	s24 =	simm.s32 $execute0_lowered;
	[smem:$0x3FD2] =	sst s23  }
0xa3: {  	s3 =	sshll.u32 s24, $0x1;
	_ =	strace $0x80000046;
	[dreg:$0x1] =	wrdreg $0xFFFFFFFF  }
0xa4: {  	s25 =	simm.s32 $_size_execute0_lowered;
	s1 =	sadd.s32 s1, s3;
	[dreg:$0x0] =	wrdreg $0x0  }
0xa5: {  	s3 =	sshll.u32 s25, $0x1;
	[dreg:$0x2] =	wrdreg s1  }
0xa6: {  	[dreg:$0x3] =	wrdreg s3  }
0xa7: {  	[dreg:$0x4] =	wrdreg $0xC0  }
0xa8: {  	_ =	task [dreg:s5], $0x5FFFF  }
0xa9: {  	[dreg:$0x1] =	wrdreg $0xFFFFFFFF  }
0xaa: {  	[dreg:$0x0] =	wrdreg $0x60  }
0xab: {  	[dreg:$0x2] =	wrdreg s0  }
0xac: {  	[dreg:$0x3] =	wrdreg s22  }
0xad: {  	[dreg:$0x4] =	wrdreg $0x8A800  }
0xae: {  	[dreg:$0x5] =	wrdreg $0x9  }
0xaf: {  	_ =	task.clear_ibuf [dreg:s5], $0x6FFFF;
	_ =	strace $0x90000046  }
0xb0: {  	s26 =	simm.s32 $0x9;
	_ =	strace $0x80000048  }
0xb1: {  	_ =	swait.ge [sflag:s26], $0x1  }
0xb2: {  	[sflag:s26] =	ssyncadd.s32 $0xFFFFFFFF  }
0xb3: {  	_ =	strace $0x90000048  }
0xb4: {  	_ =	sfence  }
0xb5: {  	s28 =	sld [smem:$0x0];
	_ =	sdelay $0x1  }
0xb6: {  	s29 =	srdreg.scid  }
0xb7: {  	s30 =	sshll.u32 s29, $0xD;
	s31 =	sshrl.u32 s29, $0x2  }
0xb8: {  	s2 =	sand.u32 $0x4000, s30;
	s1 =	sand.u32 $0x1, s29;
	s0 =	sadd.s32 s31, s28  }
0xb9: {  	s1 =	sor.u32 s2, s1;
	s0 =	sshll.u32 s0, $0x11  }
0xba: {  	s0 =	sor.u32 s0, s1  }
0xbb: {  	s0 =	sadd.s32 $0x8F2B, s0  }
0xbc: {  	[sflag:s0] =	ssyncadd.remote.s32 $0x1  }
0xbd: {  	_ =	sfence.sel $0xFFFF  }
0xbe: {  	[dreg:$0x0] =	wrdreg $0xFFFFFFFF;
	(pc) =	sbr.abs _section_cstart, $3  }
0xbf: {  	[dreg:$0x1] =	wrdreg $0xFFFFFFFF  }
0xc0: {  	_ =	task.clear_ibuf [dreg:s5], $0x2FFFF;
	_ =	strace $0x9FFFFFFF  }
0xc1: {  	(tm) =	ssettm $0x7FFFFFFF  }
tec
execute0_lowered:
.L_overlay_start_1:
0x0: {  	(tag) =	ssettag $0x1  }
0x1: {  	s5 =	rddreg [dreg:$0x0]  }
0x2: {  	s6 =	rddreg [dreg:$0x1]  }
0x3: {  	s2 =	rddreg [dreg:$0x2]  }
0x4: {  	s0 =	rddreg [dreg:$0x3];
	s3 =	simm.s32 $0x0;
	s1 =	stileid.u32  }
0x5: {  	s7 =	simm.s32 $0x100;
	[smem:$0x7FF] =	sst s3;
	s4 =	sshll.u32 s1, $0x5  }
0x6: {  	s8 =	simm.s32 $0x1000;
	_ =	strace $0x80000047;
	s5 =	sadd.s32 s5, s4  }
0x7: {  	[tilespmem:s3], [sflag:$0x1] =	stream.strided.gather [hbm4b:s5+s7], $0x4000, s8, s7, $0x38;
	[tilespmem:$0x8B80] =	vst v63  }
0x8: {  	s17 =	sshll.u32 s1, $0x8;
	s5 =	simm.s32 $0x1  }
0x9: {  	v2 =	vlaneseq.u32;
	v1 =	vmov s17;
	_ =	swait.ge [sflag:s5], $0x4000  }
0xa: {  	s18 =	sor.u32 $0x10, s17;
	v48 =	vor.u32 s17, v2;
	[tilespmem:$0x1FEF0] =	vst v1  }
0xb: {  	s19 =	sor.u32 $0x20, s17;
	v49 =	vor.u32 s18, v2;
	[tilespmem:$0x1FF00] =	vst v48  }
0xc: {  	s9 =	sor.u32 $0x30, s17;
	v50 =	vor.u32 s19, v2;
	[tilespmem:$0x1FF10] =	vst v49  }
0xd: {  	s10 =	sor.u32 $0x40, s17;
	v51 =	vor.u32 s9, v2;
	[tilespmem:$0x1FF20] =	vst v50  }
0xe: {  	s20 =	sor.u32 $0x50, s17;
	v52 =	vor.u32 s10, v2;
	[tilespmem:$0x1FF30] =	vst v51  }
0xf: {  	s21 =	sor.u32 $0x60, s17;
	v53 =	vor.u32 s20, v2;
	[tilespmem:$0x1FF40] =	vst v52  }
0x10: {  	s22 =	sor.u32 $0x70, s17;
	v54 =	vor.u32 s21, v2;
	[tilespmem:$0x1FF50] =	vst v53  }
0x11: {  	s23 =	sor.u32 $0x80, s17;
	v55 =	vor.u32 s22, v2;
	[tilespmem:$0x1FF60] =	vst v54  }
0x12: {  	s24 =	sor.u32 $0x90, s17;
	v56 =	vor.u32 s23, v2;
	[tilespmem:$0x1FF70] =	vst v55  }
0x13: {  	s25 =	sor.u32 $0xA0, s17;
	v57 =	vor.u32 s24, v2;
	[tilespmem:$0x1FF80] =	vst v56  }
0x14: {  	s26 =	sor.u32 $0xB0, s17;
	v58 =	vor.u32 s25, v2;
	[tilespmem:$0x1FF90] =	vst v57  }
0x15: {  	s28 =	sor.u32 $0xC0, s17;
	v59 =	vor.u32 s26, v2;
	[tilespmem:$0x1FFA0] =	vst v58  }
0x16: {  	s29 =	sor.u32 $0xD0, s17;
	v60 =	vor.u32 s28, v2;
	[tilespmem:$0x1FFB0] =	vst v59  }
0x17: {  	s30 =	sor.u32 $0xE0, s17;
	v61 =	vor.u32 s29, v2;
	[tilespmem:$0x1FFC0] =	vst v60  }
0x18: {  	s7 =	sor.u32 $0xF0, s17;
	v62 =	vor.u32 s30, v2;
	[tilespmem:$0x1FFD0] =	vst v61  }
0x19: {  	v63 =	vor.u32 s7, v2;
	[sflag:s5] =	ssyncset.done $0x0;
	[tilespmem:$0x1FFE0] =	vst v62  }
0x1a: {  	v0 =	vimm.f32 $0.0e+00;
	[tilespmem:$0x1FFF0] =	vst v63;
	[sflag:s5] =	ssyncadd.s32 $0xFFFFC000  }
0x1b: {  	[tilespmem:$0x8100] =	vst v0  }
0x1c: {  	[tilespmem:$0x8110] =	vst v0  }
0x1d: {  	[tilespmem:$0x8120] =	vst v0  }
0x1e: {  	[tilespmem:$0x8130] =	vst v0  }
0x1f: {  	[tilespmem:$0x8140] =	vst v0  }
0x20: {  	[tilespmem:$0x8150] =	vst v0  }
0x21: {  	[tilespmem:$0x8160] =	vst v0  }
0x22: {  	[tilespmem:$0x8170] =	vst v0  }
0x23: {  	[tilespmem:$0x8180] =	vst v0  }
0x24: {  	[tilespmem:$0x8190] =	vst v0  }
0x25: {  	[tilespmem:$0x81A0] =	vst v0  }
0x26: {  	[tilespmem:$0x81B0] =	vst v0  }
0x27: {  	[tilespmem:$0x81C0] =	vst v0  }
0x28: {  	s11 =	simm.s32 $0x8280;
	s12 =	simm.s32 $0x8000;
	v3 =	vmul.u32 $0xFFFFFFFF, v2;
	[tilespmem:$0x81D0] =	vst v0  }
0x29: {  	s6 =	sadd.s32 $0x600, s6;
	s31 =	sshll.u32 s1, $0x9;
	s8 =	simm.s32 $0x4080;
	[tilespmem:$0x81E0] =	vst v0  }
0x2a: {  	vm0 =	vmmov $0x3;
	s9 =	sshrl.u32 s31, $0x2;
	v19 =	vadd.s32 $0xF, v3;
	s10 =	simm.s32 $0x8200;
	s7 =	simm.s32 $0x80;
	[tilespmem:$0x81F0] =	vst v0  }
.LBB2_1:
0x2b: {  	v2 =	vld [tilespmem:s7+$0xFFFFFF80]  }
0x2c: {  	v3 =	vld [tilespmem:$0x8100]  }
0x2d: {  	v0 =	vimm.f32 $0.0e+00;
	v5 =	vld [tilespmem:$0x8110]  }
0x2e: {  	v20 =	vld [tilespmem:$0x8120];
	[tilespmem:$0x8000] =	vst v0  }
0x2f: {  	v4 =	vld [tilespmem:s7+$0xFFFFFF90];
	[tilespmem:$0x8010] =	vst v0  }
0x30: {  	v21 =	vld [tilespmem:s7+$0xFFFFFFA0]  }
0x31: {  	v1 =	vld [tilespmem:$0x1FF00]  }
0x32: {  	v39 =	vld [tilespmem:$0x1FF10];
	v3 =	vsub.f32 $1.000000000e+00, v3  }
0x33: {  	v40 =	vld [tilespmem:$0x1FF20];
	v2 =	vand.u32 $0x7FFFFFFF, v2;
	v5 =	vsub.f32 $1.000000000e+00, v5  }
0x34: {  	v36 =	vsub.f32 $1.000000000e+00, v20;
	v2 =	vmul.f32 v3, v2;
	v35 =	vand.u32 $0x7FFFFFFF, v4  }
0x35: {  	v3 =	vmul.f32 v5, v35;
	v37 =	vand.u32 $0x7FFFFFFF, v21  }
0x36: {  	(xrf1) =	vsort.dscd.msk.f32 $0xffff, v2, v1;
	v38 =	vmul.f32 v36, v37  }
0x37: {  	v23 =	vld [tilespmem:$0x8130];
	(xrf1) =	vsort.dscd.msk.f32 $0xffff, v3, v39  }
0x38: {  	v25 =	vld [tilespmem:$0x8140];
	(xrf1) =	vsort.dscd.msk.f32 $0xffff, v38, v40  }
0x39: {  	v27 =	vld [tilespmem:$0x8150]  }
0x3a: {  	v29 =	vld [tilespmem:$0x8160]  }
0x3b: {  	v31 =	vld [tilespmem:$0x8170]  }
0x3c: {  	v33 =	vld [tilespmem:$0x8180];
	[tilespmem:$0x8020] =	vst v0  }
0x3d: {  	v22 =	vld [tilespmem:s7+$0xFFFFFFB0];
	[tilespmem:$0x8030] =	vst v0  }
0x3e: {  	v24 =	vld [tilespmem:s7+$0xFFFFFFC0];
	[tilespmem:$0x8040] =	vst v0  }
0x3f: {  	v26 =	vld [tilespmem:s7+$0xFFFFFFD0];
	[tilespmem:$0x8050] =	vst v0  }
0x40: {  	v28 =	vld [tilespmem:s7+$0xFFFFFFE0];
	[tilespmem:$0x8060] =	vst v0  }
0x41: {  	v30 =	vld [tilespmem:s7+$0xFFFFFFF0]  }
0x42: {  	[tilespmem:$0x8070] =	vst v0;
	v35 =	vld [tilespmem:$0x8190]  }
0x43: {  	v32 =	vld [tilespmem:s7+$0x0]  }
0x44: {  	[tilespmem:$0x8080] =	vst v0;
	v36 =	vld [tilespmem:$0x81A0];
	v2, v3, _ =	vpop (xrf1)  }
0x45: {  	v34 =	vld [tilespmem:s7+$0x10];
	[tilespmem:$0x8090] =	vst v0;
	v4, v5, _ =	vpop (xrf1)  }
0x46: {  	v41 =	vld [tilespmem:s7+$0x20];
	v20, v21, _ =	vpop (xrf1);
	[tilespmem:$0x80A0] =	vst v0  }
0x47: {  	v42 =	vld [tilespmem:$0x1FF30]  }
0x48: {  	v45 =	vld [tilespmem:s7+$0x30]  }
0x49: {  	v47 =	vld [tilespmem:$0x81B0]  }
0x4a: {  	v50 =	vld [tilespmem:$0x1FF40]  }
0x4b: {  	v23 =	vsub.f32 $1.000000000e+00, v23;
	v52 =	vld [tilespmem:$0x81C0]  }
0x4c: {  	v22 =	vand.u32 $0x7FFFFFFF, v22;
	v53 =	vld [tilespmem:$0x1FF50]  }
0x4d: {  	v22 =	vmul.f32 v23, v22;
	v58 =	vld [tilespmem:$0x81D0]  }
0x4e: {  	v25 =	vsub.f32 $1.000000000e+00, v25;
	v59 =	vld [tilespmem:$0x1FF60]  }
0x4f: {  	v44 =	vsub.f32 $1.000000000e+00, v27;
	v43 =	vand.u32 $0x7FFFFFFF, v24;
	v8 =	vld [tilespmem:$0x81E0];
	(xrf1) =	vsort.dscd.msk.f32 $0xffff, v22, v42  }
0x50: {  	v46 =	vand.u32 $0x7FFFFFFF, v26;
	v9 =	vld [tilespmem:$0x1FF70];
	v22 =	vmul.f32 v25, v43  }
0x51: {  	v48 =	vsub.f32 $1.000000000e+00, v29;
	v54 =	vsub.f32 $1.000000000e+00, v31;
	v24 =	vmul.f32 v44, v46;
	v14 =	vld [tilespmem:$0x81F0]  }
0x52: {  	v56 =	vsub.f32 $1.000000000e+00, v33;
	v51 =	vand.u32 $0x7FFFFFFF, v28;
	v30 =	vand.u32 $0x7FFFFFFF, v30;
	v15 =	vld [tilespmem:$0x1FF80];
	(xrf1) =	vsort.dscd.msk.f32 $0xffff, v22, v50  }
0x53: {  	v57 =	vsub.f32 $1.000000000e+00, v35;
	v60 =	vmul.f32 v54, v30;
	v37 =	vld [tilespmem:$0x1FF90];
	v22 =	vmul.f32 v48, v51;
	(xrf1) =	vsort.dscd.msk.f32 $0xffff, v24, v53  }
0x54: {  	v61 =	vand.u32 $0x7FFFFFFF, v32;
	v4 =	vperm.xlane v4, v19;
	v5 =	vperm.xlane v5, v19;
	[tilespmem:$0x80B0] =	vst v0;
	v38 =	vld [tilespmem:$0x1FFA0]  }
0x55: {  	v7 =	vsub.f32 $1.000000000e+00, v36;
	v62 =	vand.u32 $0x7FFFFFFF, v34;
	v49 =	vld [tilespmem:s7+$0x40];
	[tilespmem:$0x80C0] =	vst v0;
	(xrf1) =	vsort.dscd.msk.f32 $0xffff, v22, v59  }
0x56: {  	vm1 =	veq.f32 v2, v4;
	vm2 =	vlt.s32 v3, v5;
	v55 =	vld [tilespmem:s7+$0x50];
	[tilespmem:$0x80D0] =	vst v0;
	(xrf1) =	vsort.dscd.msk.f32 $0xffff, v60, v9  }
0x57: {  	vm3 =	vgt.f32 v2, v4;
	vm1 =	vmand vm1, vm2;
	v63 =	vld [tilespmem:s7+$0x60];
	v24 =	vmul.f32 v56, v61  }
0x58: {  	v30 =	vmul.f32 v57, v62;
	v10 =	vand.u32 $0x7FFFFFFF, v41;
	[tilespmem:$0x80E0] =	vst v0;
	vm1 =	vmor vm3, vm1;
	v42 =	vld [tilespmem:$0x1FFB0]  }
0x59: {  	v13 =	vld [tilespmem:s7+$0x70];
	v54 =	vsel vm1, v3, v5;
	v3 =	vsel vm1, v5, v3;
	v11 =	vsub.f32 $1.000000000e+00, v47;
	(xrf1) =	vsort.dscd.msk.f32 $0xffff, v24, v15  }
0x5a: {  	v46 =	vld [tilespmem:$0x1FFC0];
	v12 =	vsub.f32 $1.000000000e+00, v52;
	v27 =	vand.u32 $0x7FFFFFFF, v45;
	v22 =	vmul.f32 v7, v10;
	(xrf1) =	vsort.dscd.msk.f32 $0xffff, v30, v37  }
0x5b: {  	v36 =	vsub.f32 $1.000000000e+00, v58;
	v41 =	vsub.f32 $1.000000000e+00, v8;
	v23 =	vmul.f32 v11, v27;
	v48 =	vld [tilespmem:$0x1FFD0]  }
0x5c: {  	v57 =	vld [tilespmem:$0x1FFE0];
	v47 =	vsub.f32 $1.000000000e+00, v14;
	v29 =	vand.u32 $0x7FFFFFFF, v49;
	v25 =	vand.u32 $0x7FFFFFFF, v55;
	(xrf1) =	vsort.dscd.msk.f32 $0xffff, v22, v38  }
0x5d: {  	v58 =	vld [tilespmem:$0x1FFF0];
	v34 =	vmul.f32 v12, v29;
	v39 =	vmul.f32 v36, v25;
	v40 =	vand.u32 $0x7FFFFFFF, v63;
	(xrf1) =	vsort.dscd.msk.f32 $0xffff, v23, v42;
	v44, v45, _ =	vpop (xrf1)  }
0x5e: {  	v43 =	vand.u32 $0x7FFFFFFF, v13;
	v49 =	vperm.xlane v44, v19;
	v50 =	vperm.xlane v45, v19  }
0x5f: {  	v25 =	vmul.f32 v41, v40;
	v23 =	vmul.f32 v47, v43;
	(xrf1) =	vsort.dscd.msk.f32 $0xffff, v34, v46  }
0x60: {  	(xrf1) =	vsort.dscd.msk.f32 $0xffff, v39, v48;
	v53, v52, _ =	vpop (xrf1);
	vm2 =	veq.f32 v20, v49;
	vm3 =	vlt.s32 v21, v50  }
0x61: {  	v51 =	vsel vm1, v2, v4;
	(xrf1) =	vsort.dscd.msk.f32 $0xffff, v25, v57;
	v55, v56, _ =	vpop (xrf1);
	vm4 =	vgt.f32 v20, v49;
	vm2 =	vmand vm2, vm3  }
0x62: {  	v2 =	vsel vm1, v4, v2;
	(xrf1) =	vsort.dscd.msk.f32 $0xffff, v23, v58;
	v59 =	vperm.xlane v55, v19;
	vm2 =	vmor vm4, vm2  }
0x63: {  	v60 =	vperm.xlane v56, v19;
	v63, v8, _ =	vpop (xrf1);
	(xrf1) =	vsort.dscd.msk.f32 $0xffff, v51, v54;
	v61 =	vsel vm2, v20, v49  }
0x64: {  	v10, v9, _ =	vpop (xrf1);
	v62 =	vsel vm2, v21, v50;
	v20 =	vsel vm2, v49, v20;
	vm1 =	veq.f32 v53, v59  }
0x65: {  	vm3 =	vlt.s32 v52, v60;
	v21 =	vsel vm2, v50, v21;
	v11 =	vperm.xlane v10, v19  }
0x66: {  	(xrf1) =	vsort.dscd.msk.f32 $0xffff, v2, v3;
	vm2 =	vgt.f32 v53, v59;
	v12 =	vperm.xlane v9, v19;
	vm1 =	vmand vm1, vm3  }
0x67: {  	v14, v13, _ =	vpop (xrf1);
	(xrf1) =	vsort.dscd.msk.f32 $0xffff, v61, v62;
	vm1 =	vmor vm2, vm1;
	vm2 =	vgt.f32 v63, v11  }
0x68: {  	v47, v46, _ =	vpop (xrf1);
	vm3 =	veq.f32 v63, v11;
	vm14 =	vlt.s32 v8, v12;
	(xrf1) =	vsort.dscd.msk.f32 $0xffff, v20, v21  }
0x69: {  	v20 =	vperm.xlane v47, v19;
	v48 =	vperm.xlane v46, v19;
	v15 =	vsel vm1, v53, v59  }
0x6a: {  	v50, v49, _ =	vpop (xrf1);
	v45 =	vsel vm1, v52, v60;
	vm3 =	vmand vm3, vm14;
	v4 =	vsel vm1, v59, v53  }
0x6b: {  	v23 =	vsel vm1, v60, v52;
	v53, v52, _ =	vpop (xrf1);
	vm1 =	vmor vm2, vm3;
	vm2 =	veq.f32 v14, v20  }
0x6c: {  	vm3 =	vlt.s32 v13, v48;
	vm15 =	vgt.f32 v14, v20;
	v29 =	vperm.xlane v53, v19  }
0x6d: {  	v32 =	vperm.xlane v52, v19;
	v51 =	vsel vm1, v63, v11;
	v54 =	vsel vm1, v8, v12  }
0x6e: {  	v56, v55, _ =	vpop (xrf1);
	vm2 =	vmand vm2, vm3;
	v2 =	vsel vm1, v11, v63;
	v3 =	vsel vm1, v12, v8  }
0x6f: {  	v57, v37, _ =	vpop (xrf1);
	vm2 =	vmor vm15, vm2;
	vm1 =	veq.f32 v50, v29;
	vm3 =	vlt.s32 v49, v32  }
0x70: {  	vm8 =	vgt.f32 v50, v29;
	v58 =	vperm.xlane v57, v19;
	v59 =	vperm.xlane v37, v19  }
0x71: {  	v30 =	vsel vm2, v14, v20;
	v35 =	vsel vm2, v13, v48;
	vm1 =	vmand vm1, vm3  }
0x72: {  	v20 =	vsel vm2, v20, v14;
	v21 =	vsel vm2, v48, v13;
	vm1 =	vmor vm8, vm1  }
0x73: {  	vm2 =	vgt.f32 v56, v58;
	vm3 =	veq.f32 v56, v58;
	vm9 =	vlt.s32 v55, v59  }
0x74: {  	v61 =	vsel vm1, v50, v29;
	v39 =	vsel vm1, v49, v32;
	vm3 =	vmand vm3, vm9  }
0x75: {  	v60, v38, _ =	vpop (xrf1);
	v10 =	vsel vm1, v29, v50;
	v11 =	vsel vm1, v32, v49;
	vm1 =	vmor vm2, vm3  }
0x76: {  	v40, v41, _ =	vpop (xrf1);
	(xrf1) =	vsort.dscd.msk.f32 $0xffff, v15, v45;
	v14 =	vsel vm1, v56, v58;
	v47 =	vsel vm1, v55, v59  }
0x77: {  	v42, v43, _ =	vpop (xrf1);
	v62 =	vperm.xlane v40, v19;
	v63 =	vperm.xlane v41, v19;
	(xrf1) =	vsort.dscd.msk.f32 $0xffff, v4, v23  }
0x78: {  	v48 =	vsel vm1, v58, v56;
	v50 =	vsel vm1, v59, v55;
	v8, v9, _ =	vpop (xrf1);
	(xrf1) =	vsort.dscd.msk.f32 $0xffff, v51, v54  }
0x79: {  	vm2 =	veq.f32 v60, v62;
	vm3 =	vlt.s32 v38, v63;
	vm10 =	vgt.f32 v60, v62;
	v12, v13, _ =	vpop (xrf1)  }
0x7a: {  	vm2 =	vmand vm2, vm3;
	(xrf1) =	vsort.dscd.msk.f32 $0xffff, v2, v3;
	v15, v44, _ =	vpop (xrf1);
	v26 =	vperm.xlane v12, v19;
	v27 =	vperm.xlane v13, v19  }
0x7b: {  	vm2 =	vmor vm10, vm2;
	(xrf1) =	vsort.dscd.msk.f32 $0xffff, v30, v35;
	v49 =	vperm.xlane v15, v19;
	v52 =	vperm.xlane v44, v19  }
0x7c: {  	v51 =	vsel vm2, v60, v62;
	v53 =	vsel vm2, v38, v63;
	v5 =	vsel vm2, v62, v60  }
0x7d: {  	(xrf1) =	vsort.dscd.msk.f32 $0xffff, v20, v21;
	vm1 =	veq.f32 v42, v49;
	vm3 =	vlt.s32 v43, v52  }
0x7e: {  	v25 =	vsel vm2, v63, v38;
	(xrf1) =	vsort.dscd.msk.f32 $0xffff, v61, v39;
	vm2 =	vgt.f32 v42, v49;
	vm1 =	vmand vm1, vm3  }
0x7f: {  	vm3 =	vlt.s32 v9, v27;
	vm1 =	vmor vm2, vm1;
	vm2 =	veq.f32 v8, v26  }
0x80: {  	vm11 =	vgt.f32 v8, v26;
	v54 =	vsel vm1, v42, v49;
	vm2 =	vmand vm2, vm3  }
0x81: {  	(xrf1) =	vsort.dscd.msk.f32 $0xffff, v10, v11;
	v55 =	vsel vm1, v43, v52;
	v3 =	vsel vm1, v49, v42;
	vm2 =	vmor vm11, vm2  }
0x82: {  	v32 =	vsel vm1, v52, v43;
	v56 =	vsel vm2, v8, v26;
	v57 =	vsel vm2, v9, v27  }
0x83: {  	v26 =	vsel vm2, v26, v8;
	vm1 =	veq.f32 v54, v56;
	vm3 =	vlt.s32 v55, v57  }
0x84: {  	v27 =	vsel vm2, v27, v9;
	vm2 =	vgt.f32 v54, v56;
	v30, v35, _ =	vpop (xrf1);
	vm1 =	vmand vm1, vm3  }
0x85: {  	vm12 =	vgt.f32 v3, v26;
	vm3 =	vlt.s32 v32, v27;
	v20, v21, _ =	vpop (xrf1);
	(xrf1) =	vsort.dscd.msk.f32 $0xffff, v14, v47;
	vm1 =	vmor vm2, vm1  }
0x86: {  	vm2 =	veq.f32 v3, v26;
	(xrf1) =	vsort.dscd.msk.f32 $0xffff, v48, v50;
	v58 =	vsel vm1, v54, v56  }
0x87: {  	v60, v59, _ =	vpop (xrf1);
	v61 =	vsel vm1, v55, v57;
	v62 =	vsel vm1, v56, v54;
	v36 =	vsel vm1, v57, v55  }
0x88: {  	vm2 =	vmand vm2, vm3;
	v10 =	vperm.xlane v60, v19;
	v11 =	vperm.xlane v59, v19;
	(xrf1) =	vsort.dscd.msk.f32 $0xffff, v51, v53;
	v34, v37, _ =	vpop (xrf1)  }
0x89: {  	vm2 =	vmor vm12, vm2;
	(xrf1) =	vsort.dscd.msk.f32 $0xffff, v5, v25;
	v8 =	vperm.xlane v34, v19;
	v9 =	vperm.xlane v37, v19  }
0x8a: {  	v63 =	vsel vm2, v3, v26;
	v41 =	vsel vm2, v32, v27;
	v3 =	vsel vm2, v26, v3;
	v40, v42, _ =	vpop (xrf1)  }
0x8b: {  	v27 =	vsel vm2, v27, v32;
	v5, v25, _ =	vpop (xrf1);
	vm2 =	veq.f32 v30, v8;
	vm3 =	vlt.s32 v35, v9  }
0x8c: {  	vm13 =	vlt.s32 v21, v11;
	vm1 =	vgt.f32 v30, v8;
	v4, v24, _ =	vpop (xrf1);
	vm2 =	vmand vm2, vm3  }
0x8d: {  	vm3 =	veq.f32 v20, v10;
	v4 =	vperm.xlane v4, v19;
	v24 =	vperm.xlane v24, v19  }
0x8e: {  	vm1 =	vmor vm1, vm2;
	vm2 =	vgt.f32 v20, v10;
	vm3 =	vmand vm3, vm13  }
0x8f: {  	v12 =	vsel vm1, v30, v8;
	v13 =	vsel vm1, v35, v9;
	vm2 =	vmor vm2, vm3  }
0x90: {  	v26 =	vsel vm1, v8, v30;
	v14 =	vsel vm1, v9, v35;
	vm8 =	veq.f32 v5, v4  }
0x91: {  	v34, v35, _ =	vpop (xrf1);
	vm5 =	vlt.s32 v25, v24;
	v15 =	vsel vm2, v20, v10;
	v39 =	vsel vm2, v21, v11  }
0x92: {  	v20 =	vsel vm2, v10, v20;
	v21 =	vsel vm2, v11, v21;
	v34 =	vperm.xlane v34, v19  }
0x93: {  	v35 =	vperm.xlane v35, v19;
	vm2 =	veq.f32 v12, v15;
	vm3 =	vlt.s32 v13, v39  }
0x94: {  	vm1 =	vgt.f32 v12, v15;
	vm14 =	vlt.s32 v14, v21;
	vm2 =	vmand vm2, vm3  }
0x95: {  	(xrf1) =	vsort.dscd.msk.f32 $0xffff, v58, v61;
	vm3 =	veq.f32 v26, v20;
	vm15 =	vlt.s32 v42, v35;
	vm1 =	vmor vm1, vm2  }
0x96: {  	(xrf1) =	vsort.dscd.msk.f32 $0xffff, v62, v36;
	vm2 =	vgt.f32 v26, v20;
	vm3 =	vmand vm3, vm14;
	v43 =	vsel vm1, v12, v15  }
0x97: {  	(xrf1) =	vsort.dscd.msk.f32 $0xffff, v63, v41;
	v44 =	vsel vm1, v13, v39;
	vm2 =	vmor vm2, vm3;
	v2 =	vsel vm1, v15, v12  }
0x98: {  	v22 =	vsel vm1, v39, v13;
	vm1 =	vgt.f32 v40, v34;
	vm3 =	veq.f32 v40, v34  }
0x99: {  	(xrf1) =	vsort.dscd.msk.f32 $0xffff, v3, v27;
	v45 =	vsel vm2, v26, v20;
	v46 =	vsel vm2, v14, v21;
	vm3 =	vmand vm3, vm15  }
0x9a: {  	v20 =	vsel vm2, v20, v26;
	v47 =	vsel vm2, v21, v14;
	(xrf1) =	vsort.dscd.msk.f32 $0xffff, v43, v44;
	vm1 =	vmor vm1, vm3  }
0x9b: {  	vm4 =	vmand vm8, vm5;
	vm3 =	vgt.f32 v5, v4;
	(xrf1) =	vsort.dscd.msk.f32 $0xffff, v2, v22;
	v48 =	vsel vm1, v40, v34  }
0x9c: {  	vm2 =	vmor vm3, vm4;
	v49 =	vsel vm1, v42, v35;
	(xrf1) =	vsort.dscd.msk.f32 $0xffff, v45, v46;
	v52 =	vsel vm1, v34, v40  }
0x9d: {  	v55 =	vsel vm1, v35, v42;
	v50 =	vsel vm2, v5, v4;
	v51 =	vsel vm2, v25, v24  }
0x9e: {  	v54, v53, _ =	vpop (xrf1);
	v4 =	vsel vm2, v4, v5;
	vm3 =	veq.f32 v48, v50;
	vm9 =	vlt.s32 v49, v51  }
0x9f: {  	(xrf1) =	vsort.dscd.msk.f32 $0xffff, v20, v47;
	v24 =	vsel vm2, v24, v25;
	vm10 =	vgt.f32 v48, v50;
	v56, v20, _ =	vpop (xrf1);
	vm3 =	vmand vm3, vm9  }
0xa0: {  	vm2 =	veq.f32 v52, v4;
	v59, v60, _ =	vpop (xrf1);
	vm1 =	vmor vm10, vm3;
	vm3 =	vlt.s32 v55, v24  }
0xa1: {  	v30 =	vperm.xlane v59, v19;
	v31 =	vperm.xlane v60, v19;
	v57 =	vsel vm1, v48, v50  }
0xa2: {  	v62, v61, _ =	vpop (xrf1);
	v58 =	vsel vm1, v49, v51;
	v21 =	vsel vm1, v50, v48;
	v23 =	vsel vm1, v51, v49  }
0xa3: {  	vm1 =	vgt.f32 v52, v4;
	vm2 =	vmand vm2, vm3;
	v26 =	vperm.xlane v62, v19  }
0xa4: {  	v63 =	vperm.xlane v61, v19;
	vm1 =	vmor vm1, vm2;
	vm12 =	veq.f32 v56, v30  }
0xa5: {  	vm13 =	vlt.s32 v20, v31;
	v8 =	vsel vm1, v52, v4;
	vm2 =	vgt.f32 v54, v26  }
0xa6: {  	vm3 =	veq.f32 v54, v26;
	vm11 =	vlt.s32 v53, v63;
	vm4 =	vmand vm12, vm13  }
0xa7: {  	v35 =	vsel vm1, v55, v24;
	v2 =	vsel vm1, v4, v52;
	vm3 =	vmand vm3, vm11  }
0xa8: {  	v3 =	vsel vm1, v24, v55;
	vm2 =	vmor vm2, vm3;
	vm3 =	vgt.f32 v56, v30  }
0xa9: {  	v33, v34, _ =	vpop (xrf1);
	(xrf1) =	vsort.dscd.msk.f32 $0xffff, v57, v58;
	v9 =	vsel vm2, v54, v26;
	vm3 =	vmor vm3, vm4;
	v11 =	vsel vm2, v53, v63  }
0xaa: {  	v48 =	vsel vm2, v26, v54;
	v49 =	vsel vm2, v63, v53;
	v12 =	vsel vm3, v56, v30  }
0xab: {  	v10, v38, _ =	vpop (xrf1);
	v13 =	vsel vm3, v20, v31;
	v5 =	vsel vm3, v30, v56;
	v20 =	vsel vm3, v31, v20  }
0xac: {  	v42, v43, _ =	vpop (xrf1);
	vm14 =	veq.f32 v9, v12;
	vm15 =	vlt.s32 v11, v13;
	vm1 =	vgt.f32 v9, v12  }
0xad: {  	(xrf1) =	vsort.dscd.msk.f32 $0xffff, v21, v23;
	v4, v44, _ =	vpop (xrf1);
	vm2 =	veq.f32 v48, v5;
	vm3 =	vlt.s32 v49, v20;
	vm4 =	vmand vm14, vm15  }
0xae: {  	(xrf1) =	vsort.dscd.msk.f32 $0xffff, v8, v35;
	v14, v15, _ =	vpop (xrf1);
	vm8 =	vgt.f32 v48, v5;
	vm2 =	vmand vm2, vm3;
	vm1 =	vmor vm1, vm4  }
0xaf: {  	(xrf1) =	vsort.dscd.msk.f32 $0xffff, v2, v3;
	v50, v51, _ =	vpop (xrf1);
	vm2 =	vmor vm8, vm2;
	v52 =	vsel vm1, v9, v12  }
0xb0: {  	v54, v53, _ =	vpop (xrf1);
	v55 =	vsel vm1, v11, v13;
	v57 =	vsel vm1, v12, v9;
	v60 =	vsel vm1, v13, v11  }
0xb1: {  	v61 =	vsel vm2, v48, v5;
	v62 =	vsel vm2, v49, v20;
	v63 =	vperm.xlane v54, v19  }
0xb2: {  	v8 =	vperm.xlane v53, v19;
	v5 =	vsel vm2, v5, v48;
	v9 =	vperm.xlane v50, v19  }
0xb3: {  	v56, v45, _ =	vpop (xrf1);
	v20 =	vsel vm2, v20, v49;
	v11 =	vperm.xlane v14, v19;
	v12 =	vperm.xlane v15, v19  }
0xb4: {  	v58 =	vperm.xlane v56, v19;
	v59 =	vperm.xlane v45, v19;
	(xrf1) =	vsort.dscd.msk.f32 $0xffff, v52, v55  }
0xb5: {  	(xrf1) =	vsort.dscd.msk.f32 $0xffff, v57, v60;
	vm2 =	veq.f32 v10, v63;
	vm11 =	veq.f32 v4, v11  }
0xb6: {  	vm12 =	vlt.s32 v44, v12;
	vm3 =	veq.f32 v33, v58;
	vm9 =	vlt.s32 v34, v59  }
0xb7: {  	vm1 =	vgt.f32 v33, v58;
	(xrf1) =	vsort.dscd.msk.f32 $0xffff, v61, v62;
	vm4 =	vmand vm11, vm12;
	vm3 =	vmand vm3, vm9  }
0xb8: {  	(xrf1) =	vsort.dscd.msk.f32 $0xffff, v5, v20;
	v20 =	vperm.xlane v51, v19;
	vm1 =	vmor vm1, vm3;
	vm3 =	vlt.s32 v38, v8  }
0xb9: {  	v2 =	vsel vm1, v33, v58;
	v3 =	vsel vm1, v34, v59;
	vm1 =	vgt.f32 v10, v63  }
0xba: {  	vm2 =	vmand vm2, vm3;
	vm3 =	veq.f32 v42, v9;
	vm10 =	vlt.s32 v43, v20  }
0xbb: {  	vm1 =	vmor vm1, vm2;
	vm2 =	vgt.f32 v42, v9;
	vm3 =	vmand vm3, vm10  }
0xbc: {  	v10 =	vsel vm1, v10, v63;
	vm2 =	vmor vm2, vm3;
	vm3 =	vgt.f32 v4, v11  }
0xbd: {  	v13 =	vsel vm1, v38, v8;
	v5 =	vsel vm2, v42, v9;
	vm1 =	vmor vm3, vm4  }
0xbe: {  	v20 =	vsel vm2, v43, v20;
	v4 =	vsel vm1, v4, v11;
	v14 =	vsel vm1, v44, v12  }
0xbf: {  	vm1 =	vgt.f32 v2, v5;
	vm2 =	veq.f32 v2, v5;
	vm3 =	vlt.s32 v3, v20  }
0xc0: {  	vm2 =	vmand vm2, vm3;
	vm3 =	veq.f32 v10, v4;
	vm13 =	vlt.s32 v13, v14  }
0xc1: {  	vm1 =	vmor vm1, vm2;
	vm2 =	vgt.f32 v10, v4;
	vm3 =	vmand vm3, vm13  }
0xc2: {  	v15, v25, _ =	vpop (xrf1);
	v46 =	vsel vm1, v2, v5;
	vm2 =	vmor vm2, vm3  }
0xc3: {  	v44, v45, _ =	vpop (xrf1);
	v49 =	vsel vm1, v3, v20;
	v2 =	vsel vm1, v5, v2;
	v3 =	vsel vm1, v20, v3  }
0xc4: {  	v48, v47, _ =	vpop (xrf1);
	v50 =	vsel vm2, v10, v4;
	v51 =	vsel vm2, v13, v14;
	v4 =	vsel vm2, v4, v10  }
0xc5: {  	v53, v52, _ =	vpop (xrf1);
	v57 =	vsel vm2, v14, v13;
	vm3 =	veq.f32 v46, v50;
	vm14 =	vlt.s32 v49, v51  }
0xc6: {  	v55, v54, _ =	vpop (xrf1);
	vm1 =	vgt.f32 v46, v50;
	vm15 =	vgt.f32 v2, v4;
	vm3 =	vmand vm3, vm14  }
0xc7: {  	v20, v56, _ =	vpop (xrf1);
	v5 =	vperm.xlane v55, v19;
	v36 =	vperm.xlane v54, v19;
	vm2 =	vmor vm1, vm3  }
0xc8: {  	vm1 =	veq.f32 v2, v4;
	vm3 =	vlt.s32 v3, v57;
	v20 =	vperm.xlane v20, v19  }
0xc9: {  	v10 =	vperm.xlane v56, v19;
	v58 =	vsel vm2, v46, v50;
	v61 =	vsel vm2, v49, v51  }
0xca: {  	v22, v24, _ =	vpop (xrf1);
	vm1 =	vmand vm1, vm3;
	v28 =	vsel vm2, v50, v46;
	v31 =	vsel vm2, v51, v49  }
0xcb: {  	v60, v59, _ =	vpop (xrf1);
	v1 =	vperm.xlane v22, v19;
	v8 =	vperm.xlane v24, v19;
	vm12 =	veq.f32 v53, v5  }
0xcc: {  	vm13 =	vlt.s32 v52, v36;
	v39 =	vperm.xlane v60, v19;
	v40 =	vperm.xlane v59, v19  }
0xcd: {  	vm14 =	vgt.f32 v53, v5;
	vm1 =	vmor vm15, vm1;
	vm10 =	vlt.s32 v47, v10  }
0xce: {  	vm11 =	vgt.f32 v48, v20;
	vm2 =	veq.f32 v15, v39;
	vm3 =	vlt.s32 v25, v40  }
0xcf: {  	vm4 =	vmand vm12, vm13;
	vm8 =	vgt.f32 v15, v39;
	vm2 =	vmand vm2, vm3  }
0xd0: {  	v62 =	vsel vm1, v2, v4;
	vm3 =	vlt.s32 v45, v8;
	vm2 =	vmor vm8, vm2  }
0xd1: {  	v23 =	vsel vm2, v15, v39;
	v9 =	vsel vm2, v25, v40;
	vm2 =	veq.f32 v44, v1  }
0xd2: {  	vm9 =	vgt.f32 v44, v1;
	vm2 =	vmand vm2, vm3;
	vm3 =	veq.f32 v48, v20  }
0xd3: {  	v63 =	vsel vm1, v3, v57;
	vm2 =	vmor vm9, vm2;
	vm3 =	vmand vm3, vm10  }
0xd4: {  	v2 =	vsel vm1, v4, v2;
	vm3 =	vmor vm11, vm3;
	v4 =	vsel vm2, v44, v1  }
0xd5: {  	v22 =	vsel vm2, v45, v8;
	vm2 =	vmor vm14, vm4;
	v20 =	vsel vm3, v48, v20  }
0xd6: {  	v25 =	vsel vm3, v47, v10;
	v5 =	vsel vm2, v53, v5;
	v11 =	vsel vm2, v52, v36  }
0xd7: {  	vm2 =	vgt.f32 v23, v20;
	vm3 =	veq.f32 v23, v20;
	vm15 =	vlt.s32 v9, v25  }
0xd8: {  	vm8 =	veq.f32 v4, v5;
	vm9 =	vlt.s32 v22, v11;
	vm3 =	vmand vm3, vm15  }
0xd9: {  	vm4 =	vmand vm8, vm9;
	vm2 =	vmor vm2, vm3;
	vm3 =	vgt.f32 v4, v5  }
0xda: {  	(xrf1) =	vsort.dscd.msk.f32 $0xffff, v58, v61;
	v3 =	vsel vm1, v57, v3;
	v12 =	vsel vm2, v23, v20;
	vm1 =	vmor vm3, vm4  }
0xdb: {  	v13 =	vsel vm2, v9, v25;
	v20 =	vsel vm2, v20, v23;
	v25 =	vsel vm2, v25, v9  }
0xdc: {  	v14 =	vsel vm1, v4, v5;
	v15 =	vsel vm1, v22, v11;
	v4 =	vsel vm1, v5, v4  }
0xdd: {  	v26 =	vsel vm1, v11, v22;
	vm3 =	veq.f32 v12, v14;
	vm10 =	vlt.s32 v13, v15  }
0xde: {  	(xrf1) =	vsort.dscd.msk.f32 $0xffff, v28, v31;
	vm2 =	vgt.f32 v12, v14;
	vm11 =	vgt.f32 v20, v4;
	vm3 =	vmand vm3, vm10  }
0xdf: {  	(xrf1) =	vsort.dscd.msk.f32 $0xffff, v62, v63;
	vm1 =	vmor vm2, vm3;
	vm2 =	veq.f32 v20, v4;
	vm3 =	vlt.s32 v25, v26  }
0xe0: {  	(xrf1) =	vsort.dscd.msk.f32 $0xffff, v2, v3;
	v28 =	vsel vm1, v12, v14;
	v31 =	vsel vm1, v13, v15;
	vm2 =	vmand vm2, vm3  }
0xe1: {  	v32 =	vsel vm1, v14, v12;
	v33 =	vsel vm1, v15, v13;
	vm1 =	vmor vm11, vm2;
	(xrf1) =	vsort.dscd.msk.f32 $0xffff, v28, v31  }
0xe2: {  	v34 =	vsel vm1, v20, v4;
	v35 =	vsel vm1, v25, v26;
	(xrf1) =	vsort.dscd.msk.f32 $0xffff, v32, v33  }
0xe3: {  	v36 =	vsel vm1, v4, v20;
	v37 =	vsel vm1, v26, v25;
	(xrf1) =	vsort.dscd.msk.f32 $0xffff, v34, v35  }
0xe4: {  	(xrf1) =	vsort.dscd.msk.f32 $0xffff, v36, v37;
	_ =	sdelay $0x6  }
0xe5: {  	v38, v39, _ =	vpop (xrf1)  }
0xe6: {  	v40, v5, _ =	vpop (xrf1)  }
0xe7: {  	v20, v41, _ =	vpop (xrf1)  }
0xe8: {  	v43, v42, _ =	vpop (xrf1)  }
0xe9: {  	v24, v25, _ =	vpop (xrf1)  }
0xea: {  	v44, v45, _ =	vpop (xrf1)  }
0xeb: {  	v24 =	vperm.xlane v24, v19;
	v25 =	vperm.xlane v25, v19;
	v46, v47, _ =	vpop (xrf1)  }
0xec: {  	v26 =	vperm.xlane v44, v19;
	v27 =	vperm.xlane v45, v19;
	v49, v48, _ =	vpop (xrf1)  }
0xed: {  	v30 =	vperm.xlane v49, v19;
	v31 =	vperm.xlane v48, v19  }
0xee: {  	v28 =	vperm.xlane v46, v19;
	v29 =	vperm.xlane v47, v19;
	vm13 =	veq.f32 v43, v24  }
0xef: {  	vm14 =	vlt.s32 v42, v25;
	vm2 =	veq.f32 v38, v30;
	vm3 =	vlt.s32 v39, v31  }
0xf0: {  	vm12 =	vlt.s32 v41, v27;
	vm1 =	vgt.f32 v38, v30;
	vm2 =	vmand vm2, vm3  }
0xf1: {  	vm4 =	vmand vm13, vm14;
	vm3 =	vlt.s32 v5, v29;
	vm1 =	vmor vm1, vm2  }
0xf2: {  	vm2 =	veq.f32 v40, v28;
	v2 =	vsel vm1, v38, v30;
	v3 =	vsel vm1, v39, v31  }
0xf3: {  	vm1 =	vgt.f32 v40, v28;
	vm2 =	vmand vm2, vm3;
	vm3 =	veq.f32 v20, v26  }
0xf4: {  	vm1 =	vmor vm1, vm2;
	vm2 =	vgt.f32 v20, v26;
	vm3 =	vmand vm3, vm12  }
0xf5: {  	v4 =	vsel vm1, v40, v28;
	vm2 =	vmor vm2, vm3;
	vm3 =	vgt.f32 v43, v24  }
0xf6: {  	v5 =	vsel vm1, v5, v29;
	v20 =	vsel vm2, v20, v26;
	vm1 =	vmor vm3, vm4  }
0xf7: {  	v21 =	vsel vm2, v41, v27;
	v22 =	vsel vm1, v43, v24;
	v23 =	vsel vm1, v42, v25  }
0xf8: {  	vm1 =	vgt.f32 v2, v20;
	vm2 =	veq.f32 v2, v20;
	vm3 =	vlt.s32 v3, v21  }
0xf9: {  	vm2 =	vmand vm2, vm3;
	vm3 =	veq.f32 v4, v22;
	vm15 =	vlt.s32 v5, v23  }
0xfa: {  	vm1 =	vmor vm1, vm2;
	vm2 =	vgt.f32 v4, v22;
	vm3 =	vmand vm3, vm15  }
0xfb: {  	v50 =	vsel vm1, v2, v20;
	vm2 =	vmor vm2, vm3  }
0xfc: {  	v51 =	vsel vm1, v3, v21;
	v52 =	vsel vm2, v4, v22;
	v53 =	vsel vm2, v5, v23  }
0xfd: {  	v2 =	vsel vm1, v20, v2;
	vm3 =	veq.f32 v50, v52;
	vm8 =	vlt.s32 v51, v53  }
0xfe: {  	v3 =	vsel vm1, v21, v3;
	vm1 =	vgt.f32 v50, v52;
	vm3 =	vmand vm3, vm8  }
0xff: {  	v4 =	vsel vm2, v22, v4;
	v5 =	vsel vm2, v23, v5;
	vm1 =	vmor vm1, vm3  }
0x100: {  	vm2 =	veq.f32 v2, v4;
	v20 =	vsel vm1, v50, v52;
	v54 =	vsel vm1, v51, v53  }
0x101: {  	vm3 =	vlt.s32 v3, v5;
	v55 =	vsel vm1, v52, v50;
	(xrf1) =	vsort.dscd.msk.f32 $0xffff, v20, v54  }
0x102: {  	vm2 =	vmand vm2, vm3;
	v20 =	vsel vm1, v53, v51;
	vm1 =	vgt.f32 v2, v4  }
0x103: {  	vm1 =	vmor vm1, vm2;
	(xrf1) =	vsort.dscd.msk.f32 $0xffff, v55, v20  }
0x104: {  	v20 =	vsel vm1, v2, v4;
	v56 =	vsel vm1, v3, v5  }
0x105: {  	(xrf1) =	vsort.dscd.msk.f32 $0xffff, v20, v56  }
0x106: {  	v2 =	vsel vm1, v4, v2;
	v3 =	vsel vm1, v5, v3  }
0x107: {  	(xrf1) =	vsort.dscd.msk.f32 $0xffff, v2, v3;
	_ =	sdelay $0x7  }
0x108: {  	[tilespmem:$0x80F0] =	vst v0;
	v2, v3, _ =	vpop (xrf1)  }
0x109: {  	[tilespmem:$0x8200] =	vst v2  }
0x10a: {  	v58, v57, _ =	vpop (xrf1);
	[tilespmem:$0x8240] =	vst v3  }
0x10b: {  	[tilespmem:$0x8210] =	vst v58  }
0x10c: {  	[tilespmem:$0x8250] =	vst v57;
	v60, v59, _ =	vpop (xrf1)  }
0x10d: {  	[tilespmem:$0x8220] =	vst v60  }
0x10e: {  	s13 =	sand.u32 $0x800, s3;
	v62, v61, _ =	vpop (xrf1);
	[tilespmem:$0x8260] =	vst v59  }
0x10f: {  	s13 =	sadd.s32 s13, s2;
	[tilespmem:$0x8230] =	vst v62  }
0x110: {  	s14 =	sadd.s32 s9, s13;
	[tilespmem:$0x8270] =	vst v61  }
0x111: {  	[spmem:s14] =	stream.linear.scatter [tilespmem:s10], [sflag:$0x1], $0x80, $0x38;
	[tilespmem:$0x8B80] =	vst v63  }
0x112: {  	_ =	swait.ge [sflag:s5], $0x80  }
0x113: {  	[sflag:s5] =	ssyncset.done $0x0  }
0x114: {  	[sflag:s5] =	ssyncadd.s32 $0xFFFFFF80  }
0x115: {  	[bflag:$0x0] =	sbarrier.arrive $0xFFFF  }
0x116: {  	[tilespmem:s11], [sflag:$0x1] =	stream.linear.gather [spmem:s13], $0x800, $0x38;
	[tilespmem:$0x8B80] =	vst v63  }
0x117: {  	_ =	swait.ge [sflag:s5], $0x800  }
0x118: {  	[sflag:s5] =	ssyncset.done $0x0  }
0x119: {  	[sflag:s5] =	ssyncadd.s32 $0xFFFFF800  }
0x11a: {  	v63 =	vld [tilespmem:$0x8280]  }
0x11b: {  	v8 =	vld [tilespmem:$0x82C0]  }
0x11c: {  	v9 =	vld [tilespmem:$0x8290]  }
0x11d: {  	v10 =	vld [tilespmem:$0x82D0]  }
0x11e: {  	v20 =	vld [tilespmem:$0x8330]  }
0x11f: {  	v11 =	vld [tilespmem:$0x8370]  }
0x120: {  	v12 =	vld [tilespmem:$0x82A0]  }
0x121: {  	v13 =	vld [tilespmem:$0x8320]  }
0x122: {  	v14 =	vld [tilespmem:$0x8360]  }
0x123: {  	v15 =	vld [tilespmem:$0x82E0]  }
0x124: {  	v33 =	vld [tilespmem:$0x8300]  }
0x125: {  	v34 =	vld [tilespmem:$0x8310]  }
0x126: {  	v35 =	vld [tilespmem:$0x8350]  }
0x127: {  	v36 =	vld [tilespmem:$0x8340]  }
0x128: {  	v49 =	vld [tilespmem:$0x8430]  }
0x129: {  	v53 =	vld [tilespmem:$0x8470]  }
0x12a: {  	v56 =	vld [tilespmem:$0x8420];
	v20 =	vperm.xlane v20, v19  }
0x12b: {  	v62 =	vld [tilespmem:$0x8400];
	v21 =	vperm.xlane v11, v19;
	v23 =	vperm.xlane v13, v19  }
0x12c: {  	v37 =	vld [tilespmem:$0x82B0];
	v24 =	vperm.xlane v14, v19;
	v39 =	vperm.xlane v35, v19  }
0x12d: {  	v38 =	vld [tilespmem:$0x82F0];
	v40 =	vperm.xlane v33, v19;
	v41 =	vperm.xlane v36, v19  }
0x12e: {  	v44 =	vld [tilespmem:$0x8380];
	v29 =	vperm.xlane v49, v19;
	v33 =	vperm.xlane v53, v19  }
0x12f: {  	v46 =	vld [tilespmem:$0x8390];
	v36 =	vperm.xlane v56, v19;
	vm2 =	veq.f32 v63, v20;
	vm3 =	vlt.s32 v8, v21  }
0x130: {  	v54 =	vld [tilespmem:$0x83A0];
	v30 =	vperm.xlane v62, v19;
	vm1 =	vgt.f32 v63, v20;
	vm2 =	vmand vm2, vm3  }
0x131: {  	v60 =	vld [tilespmem:$0x8410];
	vm9 =	vlt.s32 v15, v39;
	vm10 =	veq.f32 v37, v40;
	vm1 =	vmor vm1, vm2  }
0x132: {  	v61 =	vld [tilespmem:$0x8450];
	vm3 =	vlt.s32 v10, v24;
	vm2 =	veq.f32 v9, v23;
	v2 =	vsel vm1, v63, v20  }
0x133: {  	v7 =	vld [tilespmem:$0x83B0];
	v3 =	vsel vm1, v8, v21;
	vm1 =	vgt.f32 v9, v23;
	vm2 =	vmand vm2, vm3  }
0x134: {  	v55 =	vld [tilespmem:$0x83E0];
	vm11 =	vlt.s32 v38, v41;
	v20 =	vperm.xlane v34, v19;
	vm1 =	vmor vm1, vm2  }
0x135: {  	vm15 =	vgt.f32 v44, v29;
	vm8 =	vgt.f32 v46, v36;
	v4 =	vsel vm1, v9, v23  }
0x136: {  	v63 =	vld [tilespmem:$0x8440];
	vm2 =	vgt.f32 v12, v20;
	vm3 =	veq.f32 v12, v20;
	v5 =	vsel vm1, v10, v24  }
0x137: {  	v9 =	vperm.xlane v60, v19;
	v10 =	vperm.xlane v61, v19;
	vm3 =	vmand vm3, vm9  }
0x138: {  	v58 =	vld [tilespmem:$0x8460];
	vm4 =	vmand vm10, vm11;
	vm11 =	veq.f32 v7, v30;
	vm2 =	vmor vm2, vm3  }
0x139: {  	vm3 =	vgt.f32 v37, v40;
	vm9 =	vlt.s32 v55, v10;
	vm10 =	vgt.f32 v54, v9  }
0x13a: {  	v8 =	vld [tilespmem:$0x83F0];
	v20 =	vsel vm2, v12, v20;
	vm1 =	vmor vm3, vm4;
	v21 =	vsel vm2, v15, v39  }
0x13b: {  	v11 =	vperm.xlane v63, v19;
	v42 =	vsel vm1, v37, v40;
	v43 =	vsel vm1, v38, v41  }
0x13c: {  	vm1 =	vgt.f32 v2, v20;
	vm2 =	veq.f32 v2, v20;
	vm3 =	vlt.s32 v3, v21  }
0x13d: {  	v37 =	vperm.xlane v58, v19;
	vm2 =	vmand vm2, vm3;
	vm3 =	veq.f32 v4, v42  }
0x13e: {  	vm12 =	vlt.s32 v5, v43;
	vm1 =	vmor vm1, vm2;
	vm2 =	vgt.f32 v4, v42  }
0x13f: {  	vm3 =	vmand vm3, vm12;
	vm12 =	vlt.s32 v8, v11;
	v48 =	vsel vm1, v2, v20  }
0x140: {  	vm2 =	vmor vm2, vm3;
	v50 =	vsel vm1, v3, v21;
	v2 =	vsel vm1, v20, v2  }
0x141: {  	v3 =	vsel vm1, v21, v3;
	v51 =	vsel vm2, v4, v42;
	v52 =	vsel vm2, v5, v43  }
0x142: {  	v45 =	vld [tilespmem:$0x83C0];
	v4 =	vsel vm2, v42, v4;
	vm3 =	veq.f32 v48, v51;
	vm13 =	vlt.s32 v50, v52  }
0x143: {  	v5 =	vsel vm2, v43, v5;
	vm14 =	vgt.f32 v48, v51;
	vm3 =	vmand vm3, vm13  }
0x144: {  	v47 =	vld [tilespmem:$0x83D0];
	vm2 =	veq.f32 v2, v4;
	vm1 =	vmor vm14, vm3;
	vm3 =	vlt.s32 v3, v5  }
0x145: {  	v57 =	vsel vm1, v48, v51;
	v23 =	vsel vm1, v50, v52;
	v59 =	vsel vm1, v51, v48  }
0x146: {  	v22 =	vsel vm1, v52, v50;
	vm1 =	vgt.f32 v2, v4;
	vm2 =	vmand vm2, vm3  }
0x147: {  	v0 =	vld [tilespmem:$0x8660];
	vm3 =	vlt.s32 v45, v33;
	vm1 =	vmor vm1, vm2;
	vm2 =	veq.f32 v44, v29  }
0x148: {  	vm4 =	vmand vm11, vm12;
	vm13 =	vgt.f32 v7, v30;
	v50 =	vld [tilespmem:$0x8530];
	vm2 =	vmand vm2, vm3  }
0x149: {  	v6 =	vsel vm1, v2, v4;
	vm3 =	vlt.s32 v47, v37;
	vm2 =	vmor vm15, vm2  }
0x14a: {  	v13 =	vld [tilespmem:$0x8480];
	v25 =	vsel vm2, v44, v29;
	v33 =	vsel vm2, v45, v33;
	vm2 =	veq.f32 v46, v36  }
0x14b: {  	v48 =	vsel vm1, v3, v5;
	[tilespmem:$0x1FEC0] =	vst v6;
	v6 =	vld [tilespmem:$0x8510];
	vm2 =	vmand vm2, vm3;
	vm3 =	veq.f32 v54, v9  }
0x14c: {  	v27 =	vsel vm1, v5, v3;
	v44 =	vperm.xlane v0, v19;
	vm3 =	vmand vm3, vm9  }
0x14d: {  	v1 =	vld [tilespmem:$0x8610];
	v41 =	vperm.xlane v50, v19;
	vm2 =	vmor vm8, vm2;
	vm3 =	vmor vm10, vm3  }
0x14e: {  	v56 =	vld [tilespmem:$0x84A0];
	v12 =	vsel vm2, v46, v36;
	v28 =	vsel vm2, v47, v37;
	vm2 =	vmor vm13, vm4  }
0x14f: {  	v61 =	vld [tilespmem:$0x8520];
	vm11 =	vgt.f32 v13, v41;
	v34 =	vsel vm3, v54, v9;
	v35 =	vsel vm3, v55, v10  }
0x150: {  	v46 =	vld [tilespmem:$0x8560];
	v30 =	vsel vm2, v7, v30;
	v31 =	vsel vm2, v8, v11;
	v40 =	vperm.xlane v6, v19  }
0x151: {  	v54 =	vld [tilespmem:$0x8570];
	vm2 =	vgt.f32 v25, v34;
	vm3 =	veq.f32 v25, v34;
	vm14 =	vlt.s32 v33, v35  }
0x152: {  	v8 =	vld [tilespmem:$0x8550];
	vm15 =	veq.f32 v12, v30;
	vm8 =	vlt.s32 v28, v31;
	vm3 =	vmand vm3, vm14  }
0x153: {  	v55 =	vsel vm1, v4, v2;
	v9 =	vld [tilespmem:$0x8500];
	vm4 =	vmand vm15, vm8;
	vm2 =	vmor vm2, vm3  }
0x154: {  	v10 =	vld [tilespmem:$0x8540];
	vm14 =	vgt.f32 v56, v40;
	vm3 =	vgt.f32 v12, v30;
	v49 =	vsel vm2, v25, v34  }
0x155: {  	v14 =	vld [tilespmem:$0x84C0];
	vm3 =	vmor vm3, vm4;
	v51 =	vsel vm2, v33, v35;
	v58 =	vsel vm2, v34, v25  }
0x156: {  	v15 =	vld [tilespmem:$0x8490];
	[tilespmem:$0x1FEB0] =	vst v59;
	v59 =	vsel vm2, v35, v33;
	v33 =	vperm.xlane v61, v19;
	v46 =	vperm.xlane v46, v19  }
0x157: {  	[tilespmem:$0x1FEA0] =	vst v57;
	v57 =	vld [tilespmem:$0x84E0];
	v52 =	vsel vm3, v12, v30;
	v53 =	vsel vm3, v28, v31;
	v7 =	vperm.xlane v54, v19  }
0x158: {  	v47 =	vld [tilespmem:$0x84B0];
	v62 =	vsel vm3, v30, v12;
	v11 =	vperm.xlane v8, v19;
	v42 =	vperm.xlane v9, v19  }
0x159: {  	[tilespmem:$0x1FED0] =	vst v48;
	v48 =	vld [tilespmem:$0x84F0];
	v63 =	vsel vm3, v31, v28;
	v12 =	vperm.xlane v10, v19;
	v10 =	vperm.xlane v1, v19  }
0x15a: {  	vm9 =	veq.f32 v49, v52;
	vm10 =	vlt.s32 v51, v53;
	vm1 =	vgt.f32 v49, v52  }
0x15b: {  	vm2 =	veq.f32 v58, v62;
	vm3 =	vlt.s32 v59, v63;
	vm12 =	vgt.f32 v15, v33  }
0x15c: {  	v54 =	vld [tilespmem:$0x8620];
	vm4 =	vmand vm9, vm10;
	vm2 =	vmand vm2, vm3;
	vm3 =	vlt.s32 v14, v7  }
0x15d: {  	v21 =	vld [tilespmem:$0x84D0];
	vm13 =	vlt.s32 v57, v11;
	vm15 =	veq.f32 v47, v42;
	vm1 =	vmor vm1, vm4  }
0x15e: {  	v31 =	vld [tilespmem:$0x8590];
	vm8 =	vlt.s32 v48, v12;
	v24 =	vsel vm1, v49, v52;
	v32 =	vsel vm1, v51, v53  }
0x15f: {  	v25 =	vsel vm1, v52, v49;
	v28 =	vsel vm1, v53, v51;
	vm1 =	vgt.f32 v58, v62  }
0x160: {  	vm9 =	vgt.f32 v47, v42;
	vm4 =	vmand vm15, vm8;
	v49 =	vld [tilespmem:$0x8630];
	vm1 =	vmor vm1, vm2  }
0x161: {  	v53 =	vld [tilespmem:$0x8670];
	vm2 =	veq.f32 v13, v41;
	v54 =	vperm.xlane v54, v19;
	v30 =	vsel vm1, v58, v62  }
0x162: {  	vm2 =	vmand vm2, vm3;
	vm3 =	vlt.s32 v21, v46;
	v38 =	vsel vm1, v59, v63  }
0x163: {  	v39 =	vsel vm1, v62, v58;
	vm2 =	vmor vm11, vm2;
	vm8 =	vgt.f32 v31, v54  }
0x164: {  	v36 =	vsel vm2, v13, v41;
	v37 =	vsel vm2, v14, v7;
	vm2 =	veq.f32 v15, v33  }
0x165: {  	v9 =	vld [tilespmem:$0x8640];
	vm2 =	vmand vm2, vm3;
	vm3 =	veq.f32 v56, v40;
	v49 =	vperm.xlane v49, v19  }
0x166: {  	v6 =	vperm.xlane v53, v19;
	vm2 =	vmor vm12, vm2;
	vm3 =	vmand vm3, vm13  }
0x167: {  	v7 =	vld [tilespmem:$0x8650];
	vm3 =	vmor vm14, vm3;
	v33 =	vsel vm2, v15, v33;
	v13 =	vsel vm2, v21, v46  }
0x168: {  	v62 =	vld [tilespmem:$0x85A0];
	vm2 =	vmor vm9, vm4;
	v2 =	vsel vm3, v56, v40;
	v3 =	vsel vm3, v57, v11  }
0x169: {  	v14 =	vsel vm2, v47, v42;
	v15 =	vsel vm2, v48, v12;
	v40 =	vsel vm1, v63, v59  }
0x16a: {  	v21 =	vld [tilespmem:$0x8580];
	v12 =	vperm.xlane v9, v19;
	vm2 =	vgt.f32 v36, v2;
	vm3 =	veq.f32 v36, v2  }
0x16b: {  	v63 =	vld [tilespmem:$0x85E0];
	vm10 =	vlt.s32 v37, v3;
	vm11 =	veq.f32 v33, v14;
	vm12 =	vlt.s32 v13, v15  }
0x16c: {  	v56 =	vld [tilespmem:$0x85F0];
	v11 =	vperm.xlane v7, v19;
	vm3 =	vmand vm3, vm10;
	vm4 =	vmand vm11, vm12  }
0x16d: {  	vm10 =	vgt.f32 v62, v10;
	vm2 =	vmor vm2, vm3;
	vm3 =	vgt.f32 v33, v14  }
0x16e: {  	v61 =	vsel vm2, v36, v2;
	vm3 =	vmor vm3, vm4;
	v50 =	vsel vm2, v37, v3  }
0x16f: {  	v7 =	vld [tilespmem:$0x8830];
	v2 =	vsel vm2, v2, v36;
	v3 =	vsel vm2, v3, v37;
	vm15 =	vgt.f32 v21, v49  }
0x170: {  	v29 =	vld [tilespmem:$0x85C0];
	v51 =	vsel vm3, v33, v14;
	v52 =	vsel vm3, v13, v15;
	v41 =	vsel vm3, v14, v33  }
0x171: {  	v42 =	vsel vm3, v15, v13;
	vm9 =	vlt.s32 v63, v11;
	vm12 =	vlt.s32 v56, v12  }
0x172: {  	v8 =	vld [tilespmem:$0x8600];
	vm13 =	veq.f32 v61, v51;
	vm14 =	vlt.s32 v50, v52;
	vm1 =	vgt.f32 v61, v51  }
0x173: {  	v60 =	vld [tilespmem:$0x85D0];
	vm2 =	veq.f32 v2, v41;
	vm3 =	vlt.s32 v3, v42;
	vm4 =	vmand vm13, vm14  }
0x174: {  	[tilespmem:$0x1FEE0] =	vst v55;
	v55 =	vld [tilespmem:$0x85B0];
	v7 =	vperm.xlane v7, v19;
	vm2 =	vmand vm2, vm3;
	vm1 =	vmor vm1, vm4  }
0x175: {  	vm3 =	vlt.s32 v29, v6;
	v35 =	vsel vm1, v61, v51;
	v37 =	vsel vm1, v50, v52  }
0x176: {  	v26 =	vsel vm1, v51, v61;
	v34 =	vsel vm1, v52, v50;
	vm1 =	vgt.f32 v2, v41  }
0x177: {  	v50 =	vperm.xlane v8, v19;
	vm1 =	vmor vm1, vm2;
	vm2 =	veq.f32 v21, v49  }
0x178: {  	v36 =	vsel vm1, v2, v41;
	vm2 =	vmand vm2, vm3;
	vm3 =	vlt.s32 v60, v44  }
0x179: {  	vm11 =	veq.f32 v55, v50;
	vm13 =	vgt.f32 v55, v50;
	vm2 =	vmor vm15, vm2  }
0x17a: {  	v49 =	vsel vm2, v21, v49;
	v45 =	vsel vm2, v29, v6;
	vm2 =	veq.f32 v31, v54  }
0x17b: {  	vm4 =	vmand vm11, vm12;
	vm2 =	vmand vm2, vm3;
	vm3 =	veq.f32 v62, v10  }
0x17c: {  	v21 =	vld [tilespmem:$0x8730];
	v29 =	vsel vm1, v42, v3;
	vm2 =	vmor vm8, vm2;
	vm3 =	vmand vm3, vm9  }
0x17d: {  	vm3 =	vmor vm10, vm3;
	v46 =	vsel vm2, v31, v54;
	v47 =	vsel vm2, v60, v44  }
0x17e: {  	v51 =	vld [tilespmem:$0x8680];
	vm2 =	vmor vm13, vm4;
	v44 =	vsel vm1, v3, v42;
	v31 =	vsel vm1, v41, v2  }
0x17f: {  	v4 =	vsel vm3, v62, v10;
	v5 =	vsel vm3, v63, v11;
	v13 =	vsel vm2, v55, v50  }
0x180: {  	v60 =	vld [tilespmem:$0x8770];
	v14 =	vsel vm2, v56, v12;
	vm3 =	veq.f32 v49, v4;
	vm14 =	vlt.s32 v45, v5  }
0x181: {  	v10 =	vld [tilespmem:$0x8720];
	vm15 =	veq.f32 v46, v13;
	vm8 =	vlt.s32 v47, v14;
	v56 =	vperm.xlane v21, v19  }
0x182: {  	v62 =	vld [tilespmem:$0x8760];
	vm2 =	vgt.f32 v49, v4;
	vm3 =	vmand vm3, vm14;
	vm4 =	vmand vm15, vm8  }
0x183: {  	v43 =	vld [tilespmem:$0x86A0];
	vm2 =	vmor vm2, vm3;
	vm3 =	vgt.f32 v46, v13;
	vm11 =	vgt.f32 v51, v56  }
0x184: {  	v53 =	vld [tilespmem:$0x8690];
	v15 =	vsel vm2, v49, v4;
	vm3 =	vmor vm3, vm4;
	v57 =	vsel vm2, v45, v5  }
0x185: {  	v11 =	vld [tilespmem:$0x8710];
	v4 =	vsel vm2, v4, v49;
	v5 =	vsel vm2, v5, v45;
	v12 =	vperm.xlane v60, v19  }
0x186: {  	v52 =	vld [tilespmem:$0x86C0];
	v58 =	vsel vm3, v46, v13;
	v59 =	vsel vm3, v47, v14;
	v61 =	vsel vm3, v13, v46  }
0x187: {  	v9 =	vld [tilespmem:$0x86E0];
	v50 =	vsel vm3, v14, v47;
	v49 =	vperm.xlane v10, v19;
	v62 =	vperm.xlane v62, v19  }
0x188: {  	v13 =	vld [tilespmem:$0x8750];
	vm9 =	veq.f32 v15, v58;
	vm10 =	vlt.s32 v57, v59;
	vm1 =	vgt.f32 v15, v58  }
0x189: {  	v14 =	vld [tilespmem:$0x8700];
	vm2 =	veq.f32 v4, v61;
	vm3 =	vlt.s32 v5, v50;
	vm4 =	vmand vm9, vm10  }
0x18a: {  	v55 =	vperm.xlane v11, v19;
	v11 =	vld [tilespmem:$0x8870];
	vm2 =	vmand vm2, vm3;
	vm1 =	vmor vm1, vm4  }
0x18b: {  	v54 =	vld [tilespmem:$0x86D0];
	vm3 =	vlt.s32 v52, v12;
	v45 =	vsel vm1, v15, v58;
	v47 =	vsel vm1, v57, v59  }
0x18c: {  	v33 =	vsel vm1, v58, v15;
	v46 =	vsel vm1, v59, v57;
	vm1 =	vgt.f32 v4, v61  }
0x18d: {  	v63 =	vld [tilespmem:$0x86B0];
	vm12 =	vgt.f32 v53, v49;
	vm14 =	vgt.f32 v43, v55;
	vm1 =	vmor vm1, vm2  }
0x18e: {  	v15 =	vld [tilespmem:$0x8740];
	vm2 =	veq.f32 v51, v56;
	v21 =	vperm.xlane v13, v19;
	v57 =	vperm.xlane v14, v19  }
0x18f: {  	v11 =	vperm.xlane v11, v19;
	v48 =	vsel vm1, v4, v61;
	vm2 =	vmand vm2, vm3  }
0x190: {  	v6 =	vld [tilespmem:$0x86F0];
	vm3 =	vlt.s32 v54, v62;
	vm2 =	vmor vm11, vm2;
	vm13 =	vlt.s32 v9, v21  }
0x191: {  	v51 =	vsel vm2, v51, v56;
	v52 =	vsel vm2, v52, v12;
	vm2 =	veq.f32 v53, v49  }
0x192: {  	v58 =	vld [tilespmem:$0x8780];
	vm15 =	veq.f32 v63, v57;
	vm2 =	vmand vm2, vm3;
	vm3 =	veq.f32 v43, v55  }
0x193: {  	vm9 =	vgt.f32 v63, v57;
	v41 =	vperm.xlane v15, v19;
	vm3 =	vmand vm3, vm13  }
0x194: {  	v56 =	vsel vm1, v50, v5;
	vm2 =	vmor vm12, vm2;
	vm3 =	vmor vm14, vm3  }
0x195: {  	vm8 =	vlt.s32 v6, v41;
	v49 =	vsel vm2, v53, v49;
	v42 =	vsel vm2, v54, v62  }
0x196: {  	v54 =	vsel vm1, v5, v50;
	vm4 =	vmand vm15, vm8;
	v2 =	vsel vm3, v43, v55  }
0x197: {  	v3 =	vsel vm3, v9, v21;
	v55 =	vsel vm1, v61, v4;
	vm15 =	vgt.f32 v58, v7  }
0x198: {  	v21 =	vld [tilespmem:$0x8820];
	vm2 =	vmor vm9, vm4;
	vm3 =	veq.f32 v51, v2;
	vm10 =	vlt.s32 v52, v3  }
0x199: {  	v57 =	vsel vm2, v63, v57;
	v6 =	vsel vm2, v6, v41;
	vm2 =	vgt.f32 v51, v2  }
0x19a: {  	v0 =	vld [tilespmem:$0x8800];
	vm3 =	vmand vm3, vm10;
	vm11 =	veq.f32 v49, v57;
	vm12 =	vlt.s32 v42, v6  }
0x19b: {  	v60 =	vld [tilespmem:$0x8790];
	vm2 =	vmor vm2, vm3;
	vm3 =	vgt.f32 v49, v57;
	vm4 =	vmand vm11, vm12  }
0x19c: {  	v41 =	vld [tilespmem:$0x8860];
	v43 =	vsel vm2, v51, v2;
	v8 =	vsel vm2, v52, v3;
	v2 =	vsel vm2, v2, v51  }
0x19d: {  	v59 =	vld [tilespmem:$0x87C0];
	v3 =	vsel vm2, v3, v52;
	vm3 =	vmor vm3, vm4;
	v61 =	vperm.xlane v21, v19  }
0x19e: {  	v1 =	vld [tilespmem:$0x8840];
	v9 =	vsel vm3, v49, v57;
	v10 =	vsel vm3, v42, v6;
	v12 =	vsel vm3, v57, v49  }
0x19f: {  	v13 =	vld [tilespmem:$0x87B0];
	v6 =	vsel vm3, v6, v42;
	vm13 =	veq.f32 v43, v9;
	vm14 =	vlt.s32 v8, v10  }
0x1a0: {  	v14 =	vld [tilespmem:$0x87F0];
	vm1 =	vgt.f32 v43, v9;
	vm2 =	veq.f32 v2, v12;
	vm3 =	vlt.s32 v3, v6  }
0x1a1: {  	v42 =	vld [tilespmem:$0x8810];
	v57 =	vperm.xlane v41, v19;
	vm8 =	vgt.f32 v60, v61;
	vm4 =	vmand vm13, vm14  }
0x1a2: {  	v62 =	vld [tilespmem:$0x87D0];
	vm2 =	vmand vm2, vm3;
	vm3 =	vlt.s32 v59, v11;
	vm1 =	vmor vm1, vm4  }
0x1a3: {  	v4 =	vld [tilespmem:$0x87A0];
	v50 =	vsel vm1, v43, v9;
	v52 =	vsel vm1, v8, v10;
	v49 =	vsel vm1, v9, v43  }
0x1a4: {  	v51 =	vsel vm1, v10, v8;
	vm1 =	vgt.f32 v2, v12;
	v8 =	vperm.xlane v0, v19  }
0x1a5: {  	v43 =	vld [tilespmem:$0x8850];
	v10 =	vperm.xlane v1, v19;
	vm1 =	vmor vm1, vm2;
	vm2 =	veq.f32 v58, v7  }
0x1a6: {  	v5 =	vld [tilespmem:$0x87E0];
	v9 =	vperm.xlane v42, v19;
	v53 =	vsel vm1, v2, v12;
	vm2 =	vmand vm2, vm3  }
0x1a7: {  	v42 =	vld [tilespmem:$0x8930];
	vm3 =	vlt.s32 v62, v57;
	vm11 =	veq.f32 v13, v8;
	vm12 =	vlt.s32 v14, v10  }
0x1a8: {  	vm13 =	vgt.f32 v13, v8;
	vm2 =	vmor vm15, vm2;
	vm10 =	vgt.f32 v4, v9  }
0x1a9: {  	vm4 =	vmand vm11, vm12;
	v7 =	vsel vm2, v58, v7;
	v11 =	vsel vm2, v59, v11  }
0x1aa: {  	vm2 =	veq.f32 v60, v61;
	v58 =	vsel vm1, v12, v2;
	v21 =	vperm.xlane v43, v19  }
0x1ab: {  	v59 =	vsel vm1, v6, v3;
	vm2 =	vmand vm2, vm3;
	vm3 =	veq.f32 v4, v9  }
0x1ac: {  	v16 =	vld [tilespmem:$0x8970];
	vm2 =	vmor vm8, vm2;
	v0 =	vperm.xlane v42, v19;
	vm9 =	vlt.s32 v5, v21  }
0x1ad: {  	v60 =	vsel vm2, v60, v61;
	v61 =	vsel vm2, v62, v57;
	vm2 =	vmor vm13, vm4  }
0x1ae: {  	v57 =	vsel vm1, v3, v6;
	vm3 =	vmand vm3, vm9;
	v8 =	vsel vm2, v13, v8;
	v13 =	vld [tilespmem:$0x88C0]  }
0x1af: {  	v41 =	vsel vm2, v14, v10;
	v10 =	vld [tilespmem:$0x8880];
	vm3 =	vmor vm10, vm3;
	vm15 =	veq.f32 v60, v8  }
0x1b0: {  	vm8 =	vlt.s32 v61, v41;
	v4 =	vsel vm3, v4, v9;
	v5 =	vsel vm3, v5, v21  }
0x1b1: {  	v21 =	vperm.xlane v16, v19;
	vm3 =	veq.f32 v7, v4;
	vm14 =	vlt.s32 v11, v5  }
0x1b2: {  	vm4 =	vmand vm15, vm8;
	vm2 =	vgt.f32 v7, v4;
	vm3 =	vmand vm3, vm14  }
0x1b3: {  	v20 =	vld [tilespmem:$0x88D0];
	vm2 =	vmor vm2, vm3;
	vm3 =	vgt.f32 v60, v8;
	vm11 =	vlt.s32 v13, v21  }
0x1b4: {  	v63 =	vld [tilespmem:$0x8940];
	vm13 =	vgt.f32 v10, v0;
	v15 =	vsel vm2, v7, v4;
	vm3 =	vmor vm3, vm4  }
0x1b5: {  	v12 =	vld [tilespmem:$0x88A0];
	v17 =	vsel vm2, v11, v5;
	v4 =	vsel vm2, v4, v7;
	v6 =	vsel vm2, v5, v11  }
0x1b6: {  	v2 =	vld [tilespmem:$0x8920];
	v18 =	vsel vm3, v60, v8;
	v43 =	vsel vm3, v61, v41;
	v5 =	vsel vm3, v8, v60  }
0x1b7: {  	v3 =	vld [tilespmem:$0x88E0];
	v7 =	vsel vm3, v41, v61;
	vm9 =	veq.f32 v15, v18;
	vm10 =	vlt.s32 v17, v43  }
0x1b8: {  	v8 =	vld [tilespmem:$0x8960];
	vm1 =	vgt.f32 v15, v18;
	vm2 =	veq.f32 v4, v5;
	vm3 =	vlt.s32 v6, v7  }
0x1b9: {  	v16 =	vld [tilespmem:$0x8910];
	vm4 =	vmand vm9, vm10;
	vm2 =	vmand vm2, vm3;
	vm3 =	veq.f32 v10, v0  }
0x1ba: {  	v14 =	vld [tilespmem:$0x8890];
	vm12 =	vgt.f32 v4, v5;
	vm1 =	vmor vm1, vm4;
	vm3 =	vmand vm3, vm11  }
0x1bb: {  	v61 =	vsel vm1, v15, v18;
	v62 =	vsel vm1, v17, v43;
	v60 =	vsel vm1, v18, v15;
	v15 =	vld [tilespmem:$0x8950]  }
0x1bc: {  	v18 =	vld [tilespmem:$0x8900];
	v43 =	vsel vm1, v43, v17;
	vm1 =	vmor vm12, vm2;
	vm2 =	vmor vm13, vm3  }
0x1bd: {  	v17 =	vld [tilespmem:$0x88B0];
	v9 =	vsel vm2, v10, v0;
	v10 =	vperm.xlane v2, v19;
	v8 =	vperm.xlane v8, v19  }
0x1be: {  	v0 =	vld [tilespmem:$0x88F0];
	v42 =	vsel vm1, v4, v5;
	v11 =	vsel vm2, v13, v21;
	v21 =	vperm.xlane v16, v19  }
0x1bf: {  	vm2 =	veq.f32 v14, v10;
	vm3 =	vlt.s32 v20, v8;
	vm14 =	vgt.f32 v14, v10  }
0x1c0: {  	vm8 =	vgt.f32 v12, v21;
	vm2 =	vmand vm2, vm3;
	v15 =	vperm.xlane v15, v19  }
0x1c1: {  	v16 =	vperm.xlane v18, v19;
	v18 =	vperm.xlane v63, v19;
	vm2 =	vmor vm14, vm2  }
0x1c2: {  	vm3 =	veq.f32 v12, v21;
	v10 =	vsel vm2, v14, v10;
	vm15 =	vlt.s32 v3, v15  }
0x1c3: {  	vm9 =	veq.f32 v17, v16;
	vm10 =	vlt.s32 v0, v18;
	vm3 =	vmand vm3, vm15  }
0x1c4: {  	v41 =	vld [tilespmem:$0x1FEA0];
	vm11 =	vgt.f32 v17, v16;
	vm4 =	vmand vm9, vm10;
	vm3 =	vmor vm8, vm3  }
0x1c5: {  	v8 =	vsel vm2, v20, v8;
	vm2 =	vmor vm11, vm4;
	v12 =	vsel vm3, v12, v21  }
0x1c6: {  	v13 =	vsel vm3, v3, v15;
	v14 =	vsel vm2, v17, v16;
	v0 =	vsel vm2, v0, v18  }
0x1c7: {  	vm2 =	vgt.f32 v9, v12;
	vm3 =	veq.f32 v9, v12;
	vm12 =	vlt.s32 v11, v13  }
0x1c8: {  	vm13 =	veq.f32 v10, v14;
	vm14 =	vlt.s32 v8, v0;
	vm3 =	vmand vm3, vm12  }
0x1c9: {  	(xrf1) =	vsort.dscd.msk.f32 $0xffff, v41, v23;
	v41 =	vld [tilespmem:$0x1FEB0];
	vm4 =	vmand vm13, vm14;
	vm2 =	vmor vm2, vm3;
	vm3 =	vgt.f32 v10, v14  }
0x1ca: {  	v63 =	vld [tilespmem:$0x8A70];
	v21 =	vsel vm1, v5, v4;
	v20 =	vsel vm2, v9, v12;
	vm3 =	vmor vm3, vm4  }
0x1cb: {  	v15 =	vld [tilespmem:$0x8980];
	v2 =	vsel vm2, v11, v13;
	v4 =	vsel vm3, v10, v14;
	v1 =	vsel vm3, v8, v0  }
0x1cc: {  	v16 =	vld [tilespmem:$0x89C0];
	v5 =	vsel vm1, v6, v7;
	vm15 =	veq.f32 v20, v4;
	vm8 =	vlt.s32 v2, v1  }
0x1cd: {  	v17 =	vld [tilespmem:$0x8990];
	v6 =	vsel vm1, v7, v6;
	vm1 =	vgt.f32 v20, v4;
	vm4 =	vmand vm15, vm8  }
0x1ce: {  	v8 =	vsel vm3, v0, v8;
	v0 =	vld [tilespmem:$0x1FEC0];
	vm1 =	vmor vm1, vm4  }
0x1cf: {  	(xrf1) =	vsort.dscd.msk.f32 $0xffff, v41, v22;
	v22 =	vsel vm1, v20, v4;
	v41 =	vsel vm1, v4, v20;
	v20 =	vld [tilespmem:$0x1FED0]  }
0x1d0: {  	v18 =	vld [tilespmem:$0x8A30]  }
0x1d1: {  	v11 =	vsel vm2, v13, v11;
	v13 =	vld [tilespmem:$0x8A20]  }
0x1d2: {  	v10 =	vsel vm3, v14, v10;
	v14 =	vld [tilespmem:$0x8A60]  }
0x1d3: {  	v3 =	vld [tilespmem:$0x89D0];
	v9 =	vsel vm2, v12, v9  }
0x1d4: {  	vm2 =	veq.f32 v9, v10;
	(xrf1) =	vsort.dscd.msk.f32 $0xffff, v0, v20;
	v20 =	vld [tilespmem:$0x1FEE0]  }
0x1d5: {  	vm3 =	vlt.s32 v11, v8;
	vm10 =	vgt.f32 v9, v10;
	v4 =	vperm.xlane v18, v19;
	v0 =	vld [tilespmem:$0x8A50]  }
0x1d6: {  	vm2 =	vmand vm2, vm3;
	v18 =	vperm.xlane v63, v19;
	v13 =	vperm.xlane v13, v19  }
0x1d7: {  	v63 =	vld [tilespmem:$0x8A10];
	v23 =	vsel vm1, v2, v1;
	v14 =	vperm.xlane v14, v19;
	vm3 =	veq.f32 v15, v4  }
0x1d8: {  	v12 =	vld [tilespmem:$0x89E0];
	vm9 =	vlt.s32 v16, v18;
	vm11 =	vgt.f32 v15, v4;
	vm12 =	vgt.f32 v17, v13  }
0x1d9: {  	v7 =	vld [tilespmem:$0x89A0];
	vm3 =	vmand vm3, vm9;
	(xrf1) =	vsort.dscd.msk.f32 $0xffff, v20, v27;
	v20 =	vsel vm1, v1, v2;
	vm1 =	vmor vm10, vm2  }
0x1da: {  	v27 =	vld [tilespmem:$0x8A00];
	vm2 =	vmor vm11, vm3;
	vm3 =	vlt.s32 v3, v14;
	v0 =	vperm.xlane v0, v19  }
0x1db: {  	v1 =	vld [tilespmem:$0x8A40];
	(xrf1) =	vsort.dscd.msk.f32 $0xffff, v24, v32;
	v4 =	vsel vm2, v15, v4;
	v16 =	vsel vm2, v16, v18  }
0x1dc: {  	v2 =	vld [tilespmem:$0x89B0];
	v24 =	vsel vm1, v9, v10;
	v18 =	vperm.xlane v63, v19;
	vm2 =	veq.f32 v17, v13  }
0x1dd: {  	v15 =	vld [tilespmem:$0x89F0];
	(xrf1) =	vsort.dscd.msk.f32 $0xffff, v25, v28;
	vm2 =	vmand vm2, vm3;
	vm13 =	vlt.s32 v12, v0;
	v25 =	vsel vm1, v10, v9  }
0x1de: {  	vm3 =	veq.f32 v7, v18;
	vm2 =	vmor vm12, vm2;
	vm14 =	vgt.f32 v7, v18  }
0x1df: {  	(xrf1) =	vsort.dscd.msk.f32 $0xffff, v30, v38;
	v30 =	vsel vm1, v11, v8;
	vm3 =	vmand vm3, vm13;
	v13 =	vsel vm2, v17, v13  }
0x1e0: {  	v32 =	vperm.xlane v27, v19;
	v1 =	vperm.xlane v1, v19;
	vm3 =	vmor vm14, vm3  }
0x1e1: {  	v3 =	vsel vm2, v3, v14;
	v7 =	vsel vm3, v7, v18;
	v0 =	vsel vm3, v12, v0  }
0x1e2: {  	vm15 =	veq.f32 v2, v32;
	vm8 =	vlt.s32 v15, v1;
	vm9 =	vgt.f32 v2, v32  }
0x1e3: {  	vm3 =	veq.f32 v4, v7;
	vm10 =	vlt.s32 v16, v0;
	vm4 =	vmand vm15, vm8  }
0x1e4: {  	(xrf1) =	vsort.dscd.msk.f32 $0xffff, v39, v40;
	v27 =	vsel vm1, v8, v11;
	vm3 =	vmand vm3, vm10;
	vm2 =	vmor vm9, vm4  }
0x1e5: {  	v2 =	vsel vm2, v2, v32;
	v1 =	vsel vm2, v15, v1;
	vm2 =	vgt.f32 v4, v7  }
0x1e6: {  	vm11 =	veq.f32 v13, v2;
	vm12 =	vlt.s32 v3, v1;
	vm2 =	vmor vm2, vm3  }
0x1e7: {  	v12, v14, _ =	vpop (xrf1);
	(xrf1) =	vsort.dscd.msk.f32 $0xffff, v35, v37;
	vm3 =	vgt.f32 v13, v2;
	vm4 =	vmand vm11, vm12;
	v9 =	vsel vm2, v4, v7  }
0x1e8: {  	v10, v15, _ =	vpop (xrf1);
	(xrf1) =	vsort.dscd.msk.f32 $0xffff, v26, v34;
	v17 =	vsel vm2, v16, v0;
	v4 =	vsel vm2, v7, v4;
	vm3 =	vmor vm3, vm4  }
0x1e9: {  	v35, v37, _ =	vpop (xrf1);
	v0 =	vsel vm2, v0, v16;
	v18 =	vsel vm3, v13, v2;
	v32 =	vsel vm3, v3, v1  }
0x1ea: {  	v8, v11, _ =	vpop (xrf1);
	(xrf1) =	vsort.dscd.msk.f32 $0xffff, v36, v44;
	v2 =	vsel vm3, v2, v13;
	v1 =	vsel vm3, v1, v3  }
0x1eb: {  	vm13 =	veq.f32 v9, v18;
	vm14 =	vlt.s32 v17, v32;
	vm15 =	vgt.f32 v9, v18  }
0x1ec: {  	vm2 =	veq.f32 v4, v2;
	vm3 =	vlt.s32 v0, v1;
	(xrf1) =	vsort.dscd.msk.f32 $0xffff, v31, v29  }
0x1ed: {  	v38, v39, _ =	vpop (xrf1);
	vm1 =	vmand vm13, vm14;
	vm2 =	vmand vm2, vm3;
	vm3 =	vgt.f32 v4, v2;
	(xrf1) =	vsort.dscd.msk.f32 $0xffff, v45, v47  }
0x1ee: {  	v7, v16, _ =	vpop (xrf1);
	vm1 =	vmor vm15, vm1;
	vm2 =	vmor vm3, vm2;
	(xrf1) =	vsort.dscd.msk.f32 $0xffff, v33, v46  }
0x1ef: {  	v28 =	vsel vm1, v9, v18;
	v26 =	vsel vm1, v18, v9;
	v36 =	vsel vm1, v17, v32  }
0x1f0: {  	v63, v44, _ =	vpop (xrf1);
	v32 =	vsel vm1, v32, v17;
	v29 =	vsel vm2, v4, v2;
	v31 =	vsel vm2, v0, v1  }
0x1f1: {  	v3 =	vperm.xlane v63, v19;
	v13 =	vperm.xlane v44, v19;
	(xrf1) =	vsort.dscd.msk.f32 $0xffff, v48, v54  }
0x1f2: {  	v9, v18, _ =	vpop (xrf1);
	v33 =	vsel vm2, v2, v4;
	v48 =	vperm.xlane v7, v19;
	v54 =	vperm.xlane v16, v19  }
0x1f3: {  	v34 =	vsel vm2, v1, v0;
	v9 =	vperm.xlane v9, v19;
	v18 =	vperm.xlane v18, v19  }
0x1f4: {  	(xrf1) =	vsort.dscd.msk.f32 $0xffff, v55, v56;
	v55 =	vperm.xlane v38, v19;
	v56 =	vperm.xlane v39, v19  }
0x1f5: {  	vm2 =	veq.f32 v10, v3;
	vm3 =	veq.f32 v12, v9;
	vm8 =	vlt.s32 v14, v18  }
0x1f6: {  	vm9 =	vlt.s32 v37, v54;
	vm1 =	vgt.f32 v12, v9;
	vm3 =	vmand vm3, vm8  }
0x1f7: {  	vm10 =	veq.f32 v8, v55;
	vm11 =	vlt.s32 v11, v56;
	vm1 =	vmor vm1, vm3  }
0x1f8: {  	vm3 =	vlt.s32 v15, v13;
	v40 =	vsel vm1, v12, v9;
	v1 =	vsel vm1, v14, v18  }
0x1f9: {  	vm1 =	vgt.f32 v10, v3;
	vm2 =	vmand vm2, vm3;
	vm3 =	veq.f32 v35, v48  }
0x1fa: {  	vm1 =	vmor vm1, vm2;
	vm2 =	vgt.f32 v35, v48;
	vm3 =	vmand vm3, vm9  }
0x1fb: {  	vm4 =	vmand vm10, vm11;
	vm2 =	vmor vm2, vm3;
	vm3 =	vgt.f32 v8, v55  }
0x1fc: {  	v3 =	vsel vm1, v10, v3;
	v10 =	vsel vm1, v15, v13;
	vm1 =	vmor vm3, vm4  }
0x1fd: {  	v2 =	vsel vm2, v35, v48;
	v4 =	vsel vm2, v37, v54;
	v7 =	vsel vm1, v8, v55  }
0x1fe: {  	v8 =	vsel vm1, v11, v56;
	vm2 =	veq.f32 v40, v2;
	vm3 =	vlt.s32 v1, v4  }
0x1ff: {  	v12, v13, _ =	vpop (xrf1);
	(xrf1) =	vsort.dscd.msk.f32 $0xffff, v50, v52;
	vm1 =	vgt.f32 v40, v2;
	vm2 =	vmand vm2, vm3;
	vm3 =	veq.f32 v3, v7  }
0x200: {  	v9, v11, _ =	vpop (xrf1);
	(xrf1) =	vsort.dscd.msk.f32 $0xffff, v49, v51;
	vm12 =	vlt.s32 v10, v8;
	vm1 =	vmor vm1, vm2;
	vm2 =	vgt.f32 v3, v7  }
0x201: {  	v14, v15, _ =	vpop (xrf1);
	(xrf1) =	vsort.dscd.msk.f32 $0xffff, v53, v57;
	vm3 =	vmand vm3, vm12;
	v35 =	vsel vm1, v40, v2;
	v37 =	vsel vm1, v1, v4  }
0x202: {  	v16, v17, _ =	vpop (xrf1);
	(xrf1) =	vsort.dscd.msk.f32 $0xffff, v58, v59;
	vm2 =	vmor vm2, vm3;
	v0 =	vsel vm1, v2, v40;
	v1 =	vsel vm1, v4, v1  }
0x203: {  	v18, v44, _ =	vpop (xrf1);
	(xrf1) =	vsort.dscd.msk.f32 $0xffff, v61, v62;
	v2 =	vsel vm2, v3, v7;
	v63 =	vsel vm2, v10, v8  }
0x204: {  	v45, v46, _ =	vpop (xrf1);
	v3 =	vsel vm2, v7, v3;
	v8 =	vsel vm2, v8, v10;
	v18 =	vperm.xlane v18, v19  }
0x205: {  	vm1 =	veq.f32 v35, v2;
	vm3 =	vlt.s32 v37, v63;
	v61 =	vperm.xlane v45, v19  }
0x206: {  	v54, v48, _ =	vpop (xrf1);
	v62 =	vperm.xlane v46, v19;
	vm1 =	vmand vm1, vm3;
	vm3 =	vgt.f32 v35, v2  }
0x207: {  	v55, v56, _ =	vpop (xrf1);
	v58 =	vperm.xlane v54, v19;
	v59 =	vperm.xlane v48, v19;
	vm8 =	veq.f32 v16, v18  }
0x208: {  	vm10 =	vgt.f32 v16, v18;
	vm1 =	vmor vm3, vm1;
	v4 =	vperm.xlane v55, v19  }
0x209: {  	v7 =	vperm.xlane v56, v19;
	vm14 =	vlt.s32 v15, v62;
	vm15 =	vgt.f32 v14, v61  }
0x20a: {  	v38 =	vsel vm1, v35, v2;
	v35 =	vsel vm1, v2, v35;
	v39 =	vsel vm1, v37, v63  }
0x20b: {  	v37 =	vsel vm1, v63, v37;
	vm2 =	veq.f32 v12, v4;
	vm3 =	vlt.s32 v13, v7  }
0x20c: {  	v63 =	vperm.xlane v44, v19;
	vm1 =	vmand vm2, vm3;
	vm2 =	vgt.f32 v12, v4  }
0x20d: {  	(xrf1) =	vsort.dscd.msk.f32 $0xffff, v60, v43;
	vm13 =	vgt.f32 v9, v58;
	vm3 =	veq.f32 v0, v3;
	vm2 =	vmor vm2, vm1  }
0x20e: {  	vm9 =	vlt.s32 v17, v63;
	vm1 =	vlt.s32 v1, v8;
	v57 =	vsel vm2, v12, v4  }
0x20f: {  	(xrf1) =	vsort.dscd.msk.f32 $0xffff, v42, v5;
	vm1 =	vmand vm3, vm1;
	vm3 =	vgt.f32 v0, v3;
	v7 =	vsel vm2, v13, v7  }
0x210: {  	(xrf1) =	vsort.dscd.msk.f32 $0xffff, v21, v6;
	vm2 =	veq.f32 v9, v58;
	vm1 =	vmor vm3, vm1;
	vm3 =	vlt.s32 v11, v59  }
0x211: {  	vm4 =	vmand vm8, vm9;
	v49, v50, _ =	vpop (xrf1);
	(xrf1) =	vsort.dscd.msk.f32 $0xffff, v22, v23;
	v40 =	vsel vm1, v0, v3;
	vm2 =	vmand vm2, vm3  }
0x212: {  	vm3 =	veq.f32 v14, v61;
	v0 =	vsel vm1, v3, v0;
	v23 =	vsel vm1, v1, v8  }
0x213: {  	v1 =	vsel vm1, v8, v1;
	vm2 =	vmor vm13, vm2;
	vm3 =	vmand vm3, vm14  }
0x214: {  	v52, v53, _ =	vpop (xrf1);
	(xrf1) =	vsort.dscd.msk.f32 $0xffff, v41, v20;
	vm3 =	vmor vm15, vm3;
	v4 =	vsel vm2, v9, v58;
	v44 =	vsel vm2, v11, v59  }
0x215: {  	v54, v55, _ =	vpop (xrf1);
	(xrf1) =	vsort.dscd.msk.f32 $0xffff, v24, v30;
	vm2 =	vmor vm10, vm4;
	v45 =	vsel vm3, v14, v61;
	v46 =	vsel vm3, v15, v62  }
0x216: {  	v56, v20, _ =	vpop (xrf1);
	v47 =	vsel vm2, v16, v18;
	v48 =	vsel vm2, v17, v63;
	vm2 =	vgt.f32 v57, v45  }
0x217: {  	v24, v30, _ =	vpop (xrf1);
	vm3 =	veq.f32 v57, v45;
	vm11 =	vlt.s32 v7, v46;
	vm12 =	veq.f32 v4, v47  }
0x218: {  	vm13 =	vlt.s32 v44, v48;
	v43 =	vperm.xlane v24, v19;
	vm3 =	vmand vm3, vm11  }
0x219: {  	vm4 =	vmand vm12, vm13;
	vm2 =	vmor vm2, vm3;
	vm3 =	vgt.f32 v4, v47  }
0x21a: {  	vm11 =	veq.f32 v56, v43;
	v51 =	vsel vm2, v57, v45;
	vm3 =	vmor vm3, vm4  }
0x21b: {  	v16 =	vsel vm2, v7, v46;
	v2 =	vsel vm2, v45, v57;
	v57 =	vsel vm2, v46, v7  }
0x21c: {  	v7, v9, _ =	vpop (xrf1);
	v17 =	vsel vm3, v4, v47;
	v18 =	vsel vm3, v44, v48;
	v4 =	vsel vm3, v47, v4  }
0x21d: {  	v5 =	vsel vm3, v48, v44;
	v7 =	vperm.xlane v7, v19;
	v9 =	vperm.xlane v9, v19  }
0x21e: {  	v44 =	vperm.xlane v30, v19;
	vm14 =	veq.f32 v51, v17;
	vm15 =	vlt.s32 v16, v18  }
0x21f: {  	v59, v58, _ =	vpop (xrf1);
	vm8 =	vgt.f32 v51, v17;
	vm2 =	veq.f32 v2, v4;
	vm3 =	vlt.s32 v57, v5  }
0x220: {  	v11 =	vperm.xlane v59, v19;
	v61 =	vperm.xlane v58, v19;
	vm1 =	vmand vm14, vm15  }
0x221: {  	(xrf1) =	vsort.dscd.msk.f32 $0xffff, v25, v27;
	vm2 =	vmand vm2, vm3;
	vm3 =	vgt.f32 v2, v4;
	vm1 =	vmor vm8, vm1  }
0x222: {  	vm10 =	vlt.s32 v55, v9;
	v10 =	vsel vm1, v51, v17;
	v3 =	vsel vm1, v17, v51;
	v17, v60, _ =	vpop (xrf1)  }
0x223: {  	vm12 =	vlt.s32 v20, v44;
	v17 =	vperm.xlane v17, v19;
	v25 =	vperm.xlane v60, v19  }
0x224: {  	(xrf1) =	vsort.dscd.msk.f32 $0xffff, v28, v36;
	vm2 =	vmor vm3, vm2;
	v27 =	vsel vm1, v16, v18;
	v16 =	vsel vm1, v18, v16  }
0x225: {  	v18 =	vsel vm2, v2, v4;
	vm3 =	veq.f32 v49, v17;
	vm9 =	vlt.s32 v50, v25  }
0x226: {  	(xrf1) =	vsort.dscd.msk.f32 $0xffff, v26, v32;
	v28 =	vsel vm2, v57, v5;
	vm1 =	vgt.f32 v49, v17;
	vm3 =	vmand vm3, vm9  }
0x227: {  	(xrf1) =	vsort.dscd.msk.f32 $0xffff, v29, v31;
	v2 =	vsel vm2, v4, v2;
	v4 =	vsel vm2, v5, v57;
	vm1 =	vmor vm1, vm3  }
0x228: {  	vm2 =	veq.f32 v52, v11;
	vm3 =	vlt.s32 v53, v61;
	v62 =	vsel vm1, v49, v17  }
0x229: {  	v63 =	vsel vm1, v50, v25;
	vm1 =	vgt.f32 v52, v11;
	vm2 =	vmand vm2, vm3  }
0x22a: {  	vm4 =	vmand vm11, vm12;
	(xrf1) =	vsort.dscd.msk.f32 $0xffff, v33, v34;
	vm3 =	veq.f32 v54, v7;
	vm1 =	vmor vm1, vm2  }
0x22b: {  	vm2 =	vgt.f32 v54, v7;
	vm3 =	vmand vm3, vm10;
	v11 =	vsel vm1, v52, v11  }
0x22c: {  	vm2 =	vmor vm2, vm3;
	vm3 =	vgt.f32 v56, v43;
	v45 =	vsel vm1, v53, v61  }
0x22d: {  	v7 =	vsel vm2, v54, v7;
	vm1 =	vmor vm3, vm4;
	v9 =	vsel vm2, v55, v9  }
0x22e: {  	v8 =	vsel vm1, v56, v43;
	vm2 =	veq.f32 v62, v7;
	vm3 =	vlt.s32 v63, v9  }
0x22f: {  	v46, v17, _ =	vpop (xrf1);
	(xrf1) =	vsort.dscd.msk.f32 $0xffff, v38, v39;
	v47 =	vsel vm1, v20, v44;
	vm1 =	vgt.f32 v62, v7;
	vm2 =	vmand vm2, vm3  }
0x230: {  	v13, v20, _ =	vpop (xrf1);
	(xrf1) =	vsort.dscd.msk.f32 $0xffff, v35, v37;
	vm3 =	veq.f32 v11, v8;
	vm13 =	vlt.s32 v45, v47;
	vm1 =	vmor vm1, vm2  }
0x231: {  	v48, v49, _ =	vpop (xrf1);
	(xrf1) =	vsort.dscd.msk.f32 $0xffff, v40, v23;
	vm2 =	vgt.f32 v11, v8;
	vm3 =	vmand vm3, vm13;
	v54 =	vsel vm1, v62, v7  }
0x232: {  	v51, v50, _ =	vpop (xrf1);
	(xrf1) =	vsort.dscd.msk.f32 $0xffff, v0, v1;
	v55 =	vsel vm1, v63, v9;
	vm2 =	vmor vm2, vm3;
	v5 =	vsel vm1, v7, v62  }
0x233: {  	v53, v52, _ =	vpop (xrf1);
	v6 =	vsel vm1, v9, v63;
	(xrf1) =	vsort.dscd.msk.f32 $0xffff, v10, v27;
	v57 =	vsel vm2, v11, v8  }
0x234: {  	v58 =	vsel vm2, v45, v47;
	v8 =	vsel vm2, v8, v11;
	v12 =	vsel vm2, v47, v45  }
0x235: {  	v32, v56, _ =	vpop (xrf1);
	v45 =	vperm.xlane v53, v19;
	vm1 =	veq.f32 v54, v57;
	vm3 =	vlt.s32 v55, v58  }
0x236: {  	(xrf1) =	vsort.dscd.msk.f32 $0xffff, v3, v16;
	v16 =	vperm.xlane v52, v19;
	v59, v60, _ =	vpop (xrf1);
	v44 =	vperm.xlane v32, v19;
	vm1 =	vmand vm1, vm3  }
0x237: {  	vm3 =	vgt.f32 v54, v57;
	v40 =	vperm.xlane v59, v19;
	v41 =	vperm.xlane v60, v19  }
0x238: {  	v61, v62, _ =	vpop (xrf1);
	vm9 =	veq.f32 v51, v45;
	vm10 =	vlt.s32 v50, v16;
	vm11 =	vgt.f32 v51, v45  }
0x239: {  	vm1 =	vmor vm3, vm1;
	v9 =	vperm.xlane v61, v19;
	v11 =	vperm.xlane v62, v19  }
0x23a: {  	vm8 =	vgt.f32 v48, v44;
	v63 =	vsel vm1, v54, v57;
	v7 =	vsel vm1, v57, v54  }
0x23b: {  	v38 =	vsel vm1, v55, v58;
	vm2 =	veq.f32 v46, v9;
	vm3 =	vlt.s32 v17, v11  }
0x23c: {  	v31 =	vsel vm1, v58, v55;
	vm1 =	vmand vm2, vm3;
	vm2 =	vgt.f32 v46, v9  }
0x23d: {  	vm3 =	veq.f32 v5, v8;
	vm2 =	vmor vm2, vm1;
	vm1 =	vlt.s32 v6, v12  }
0x23e: {  	vm4 =	vmand vm9, vm10;
	v39 =	vsel vm2, v46, v9;
	vm1 =	vmand vm3, vm1  }
0x23f: {  	vm3 =	vgt.f32 v5, v8;
	v42 =	vsel vm2, v17, v11;
	v17 =	vperm.xlane v56, v19  }
0x240: {  	vm2 =	veq.f32 v13, v40;
	vm1 =	vmor vm3, vm1;
	vm3 =	vlt.s32 v20, v41  }
0x241: {  	vm2 =	vmand vm2, vm3;
	vm3 =	veq.f32 v48, v44;
	vm15 =	vlt.s32 v49, v17  }
0x242: {  	(xrf1) =	vsort.dscd.msk.f32 $0xffff, v18, v28;
	vm14 =	vgt.f32 v13, v40;
	v43 =	vsel vm1, v5, v8;
	vm3 =	vmand vm3, vm15  }
0x243: {  	v5 =	vsel vm1, v8, v5;
	vm2 =	vmor vm14, vm2;
	vm3 =	vmor vm8, vm3  }
0x244: {  	(xrf1) =	vsort.dscd.msk.f32 $0xffff, v2, v4;
	v1 =	vsel vm2, v13, v40;
	v46 =	vsel vm2, v20, v41;
	vm2 =	vmor vm11, vm4  }
0x245: {  	v47 =	vsel vm3, v48, v44;
	v48 =	vsel vm3, v49, v17;
	v3 =	vsel vm2, v51, v45  }
0x246: {  	v49 =	vsel vm2, v50, v16;
	v17 =	vsel vm1, v6, v12;
	v6 =	vsel vm1, v12, v6  }
0x247: {  	vm2 =	vgt.f32 v39, v47;
	vm3 =	veq.f32 v39, v47;
	vm12 =	vlt.s32 v42, v48  }
0x248: {  	v50, v16, _ =	vpop (xrf1);
	(xrf1) =	vsort.dscd.msk.f32 $0xffff, v63, v38;
	vm13 =	veq.f32 v1, v3;
	vm14 =	vlt.s32 v46, v49;
	vm3 =	vmand vm3, vm12  }
0x249: {  	v20, v51, _ =	vpop (xrf1);
	(xrf1) =	vsort.dscd.msk.f32 $0xffff, v7, v31;
	vm4 =	vmand vm13, vm14;
	vm2 =	vmor vm2, vm3;
	vm3 =	vgt.f32 v1, v3  }
0x24a: {  	v55, v54, _ =	vpop (xrf1);
	(xrf1) =	vsort.dscd.msk.f32 $0xffff, v43, v17;
	v18 =	vsel vm2, v39, v47;
	vm3 =	vmor vm3, vm4;
	v22 =	vsel vm2, v42, v48  }
0x24b: {  	v56, v57, _ =	vpop (xrf1);
	v0 =	vsel vm2, v47, v39;
	v59 =	vsel vm2, v48, v42;
	v52 =	vsel vm3, v1, v3  }
0x24c: {  	v58, v27, _ =	vpop (xrf1);
	v53 =	vsel vm3, v46, v49;
	v1 =	vsel vm3, v3, v1;
	v2 =	vsel vm3, v49, v46  }
0x24d: {  	v42 =	vperm.xlane v58, v19;
	v43 =	vperm.xlane v27, v19;
	vm15 =	veq.f32 v18, v52  }
0x24e: {  	v9, v10, _ =	vpop (xrf1);
	vm8 =	vlt.s32 v22, v53;
	vm9 =	vgt.f32 v18, v52;
	vm2 =	veq.f32 v0, v1  }
0x24f: {  	vm3 =	vlt.s32 v59, v2;
	v40 =	vperm.xlane v9, v19;
	v41 =	vperm.xlane v10, v19  }
0x250: {  	v61, v28, _ =	vpop (xrf1);
	vm1 =	vmand vm15, vm8;
	vm2 =	vmand vm2, vm3;
	vm3 =	vgt.f32 v0, v1  }
0x251: {  	v35 =	vperm.xlane v61, v19;
	v36 =	vperm.xlane v28, v19;
	vm12 =	veq.f32 v56, v42  }
0x252: {  	v63, v62, _ =	vpop (xrf1);
	vm13 =	vlt.s32 v57, v43;
	vm1 =	vmor vm9, vm1;
	vm2 =	vmor vm3, vm2  }
0x253: {  	v7 =	vperm.xlane v63, v19;
	v33 =	vperm.xlane v62, v19;
	vm11 =	vlt.s32 v54, v41  }
0x254: {  	vm4 =	vmand vm12, vm13;
	v60 =	vsel vm1, v18, v52;
	v18 =	vsel vm1, v52, v18  }
0x255: {  	v32 =	vsel vm1, v22, v53;
	v17 =	vsel vm1, v53, v22;
	v34 =	vsel vm2, v0, v1  }
0x256: {  	v0 =	vsel vm2, v1, v0;
	vm3 =	veq.f32 v50, v7;
	vm10 =	vlt.s32 v16, v33  }
0x257: {  	v37 =	vsel vm2, v59, v2;
	vm1 =	vgt.f32 v50, v7;
	vm3 =	vmand vm3, vm10  }
0x258: {  	(xrf1) =	vsort.dscd.msk.f32 $0xffff, v5, v6;
	v2 =	vsel vm2, v2, v59;
	vm2 =	veq.f32 v20, v35;
	vm1 =	vmor vm1, vm3  }
0x259: {  	vm3 =	vlt.s32 v51, v36;
	v38 =	vsel vm1, v50, v7;
	v39 =	vsel vm1, v16, v33  }
0x25a: {  	(xrf1) =	vsort.dscd.msk.f32 $0xffff, v60, v32;
	vm1 =	vgt.f32 v20, v35;
	vm2 =	vmand vm2, vm3;
	vm3 =	veq.f32 v55, v40  }
0x25b: {  	(xrf1) =	vsort.dscd.msk.f32 $0xffff, v18, v17;
	vm1 =	vmor vm1, vm2;
	vm2 =	vgt.f32 v55, v40;
	vm3 =	vmand vm3, vm11  }
0x25c: {  	(xrf1) =	vsort.dscd.msk.f32 $0xffff, v34, v37;
	v1 =	vsel vm1, v20, v35;
	vm2 =	vmor vm2, vm3;
	vm3 =	vgt.f32 v56, v42  }
0x25d: {  	(xrf1) =	vsort.dscd.msk.f32 $0xffff, v0, v2;
	v44 =	vsel vm1, v51, v36;
	v45 =	vsel vm2, v55, v40;
	vm1 =	vmor vm3, vm4  }
0x25e: {  	v46 =	vsel vm2, v54, v41;
	v47 =	vsel vm1, v56, v42;
	v48 =	vsel vm1, v57, v43  }
0x25f: {  	vm1 =	vgt.f32 v38, v45;
	vm2 =	veq.f32 v38, v45;
	vm3 =	vlt.s32 v39, v46  }
0x260: {  	vm2 =	vmand vm2, vm3;
	vm3 =	veq.f32 v1, v47;
	vm14 =	vlt.s32 v44, v48  }
0x261: {  	vm1 =	vmor vm1, vm2;
	vm2 =	vgt.f32 v1, v47;
	vm3 =	vmand vm3, vm14  }
0x262: {  	v49 =	vsel vm1, v38, v45;
	vm2 =	vmor vm2, vm3  }
0x263: {  	v52 =	vsel vm1, v39, v46;
	v2 =	vsel vm1, v45, v38;
	v4 =	vsel vm1, v46, v39  }
0x264: {  	v8, v9, _ =	vpop (xrf1);
	v53 =	vsel vm2, v1, v47;
	v54 =	vsel vm2, v44, v48;
	v1 =	vsel vm2, v47, v1  }
0x265: {  	v50, v51, _ =	vpop (xrf1);
	v0 =	vsel vm2, v48, v44;
	vm3 =	veq.f32 v49, v53;
	vm15 =	vlt.s32 v52, v54  }
0x266: {  	v16, v17, _ =	vpop (xrf1);
	vm1 =	vgt.f32 v49, v53;
	vm2 =	veq.f32 v2, v1;
	vm3 =	vmand vm3, vm15  }
0x267: {  	v55, v18, _ =	vpop (xrf1);
	vm8 =	vgt.f32 v2, v1;
	vm1 =	vmor vm1, vm3;
	vm3 =	vlt.s32 v4, v0  }
0x268: {  	v56, v20, _ =	vpop (xrf1);
	v59 =	vsel vm1, v49, v53;
	v10 =	vsel vm1, v53, v49;
	vm2 =	vmand vm2, vm3  }
0x269: {  	v57, v58, _ =	vpop (xrf1);
	v63 =	vsel vm1, v52, v54;
	v13 =	vsel vm1, v54, v52;
	v5 =	vperm.xlane v56, v19  }
0x26a: {  	v32 =	vperm.xlane v20, v19;
	v22, v60, _ =	vpop (xrf1);
	vm1 =	vmor vm8, vm2;
	v6 =	vperm.xlane v57, v19  }
0x26b: {  	v7 =	vperm.xlane v58, v19;
	v62, v61, _ =	vpop (xrf1);
	v28 =	vsel vm1, v2, v1;
	v29 =	vperm.xlane v22, v19  }
0x26c: {  	v1 =	vsel vm1, v1, v2;
	v14 =	vperm.xlane v62, v19;
	v24 =	vperm.xlane v61, v19  }
0x26d: {  	v30 =	vperm.xlane v60, v19;
	vm14 =	veq.f32 v55, v5;
	vm15 =	vlt.s32 v18, v32  }
0x26e: {  	vm10 =	veq.f32 v50, v29;
	vm3 =	veq.f32 v8, v14;
	vm9 =	vlt.s32 v9, v24  }
0x26f: {  	vm11 =	vlt.s32 v51, v30;
	vm2 =	vgt.f32 v8, v14;
	vm3 =	vmand vm3, vm9  }
0x270: {  	vm12 =	vgt.f32 v50, v29;
	vm2 =	vmor vm2, vm3;
	vm3 =	vmand vm10, vm11  }
0x271: {  	v8 =	vsel vm2, v8, v14;
	v9 =	vsel vm2, v9, v24;
	vm2 =	vmor vm12, vm3  }
0x272: {  	vm13 =	vlt.s32 v17, v7;
	vm3 =	veq.f32 v16, v6;
	v2 =	vsel vm2, v50, v29  }
0x273: {  	v31 =	vsel vm2, v51, v30;
	vm2 =	vgt.f32 v16, v6;
	vm3 =	vmand vm3, vm13  }
0x274: {  	vm8 =	vgt.f32 v55, v5;
	vm2 =	vmor vm2, vm3;
	vm3 =	vmand vm14, vm15  }
0x275: {  	v6 =	vsel vm2, v16, v6;
	v7 =	vsel vm2, v17, v7;
	vm2 =	vmor vm8, vm3  }
0x276: {  	v34 =	vsel vm1, v4, v0;
	v0 =	vsel vm1, v0, v4;
	v3 =	vsel vm2, v55, v5  }
0x277: {  	vm3 =	veq.f32 v8, v6;
	vm9 =	vlt.s32 v9, v7;
	v33 =	vsel vm2, v18, v32  }
0x278: {  	vm2 =	vgt.f32 v8, v6;
	vm3 =	vmand vm3, vm9;
	vm10 =	vlt.s32 v31, v33  }
0x279: {  	vm11 =	vgt.f32 v2, v3;
	vm2 =	vmor vm2, vm3;
	vm3 =	veq.f32 v2, v3  }
0x27a: {  	vm3 =	vmand vm3, vm10;
	v35 =	vsel vm2, v8, v6;
	v36 =	vsel vm2, v9, v7  }
0x27b: {  	(xrf1) =	vsort.dscd.msk.f32 $0xffff, v59, v63;
	v6 =	vsel vm2, v6, v8;
	v7 =	vsel vm2, v7, v9;
	vm1 =	vmor vm11, vm3  }
0x27c: {  	v16 =	vsel vm1, v2, v3;
	v17 =	vsel vm1, v31, v33;
	v2 =	vsel vm1, v3, v2  }
0x27d: {  	v37 =	vsel vm1, v33, v31;
	vm3 =	veq.f32 v35, v16;
	vm12 =	vlt.s32 v36, v17  }
0x27e: {  	(xrf1) =	vsort.dscd.msk.f32 $0xffff, v10, v13;
	vm2 =	vgt.f32 v35, v16;
	vm13 =	vgt.f32 v6, v2;
	vm3 =	vmand vm3, vm12  }
0x27f: {  	(xrf1) =	vsort.dscd.msk.f32 $0xffff, v28, v34;
	vm1 =	vmor vm2, vm3;
	vm2 =	veq.f32 v6, v2;
	vm3 =	vlt.s32 v7, v37  }
0x280: {  	(xrf1) =	vsort.dscd.msk.f32 $0xffff, v1, v0;
	v38 =	vsel vm1, v35, v16;
	v39 =	vsel vm1, v36, v17;
	vm2 =	vmand vm2, vm3  }
0x281: {  	v40 =	vsel vm1, v16, v35;
	v41 =	vsel vm1, v17, v36;
	vm1 =	vmor vm13, vm2;
	(xrf1) =	vsort.dscd.msk.f32 $0xffff, v38, v39  }
0x282: {  	v42 =	vsel vm1, v6, v2;
	v43 =	vsel vm1, v7, v37;
	(xrf1) =	vsort.dscd.msk.f32 $0xffff, v40, v41  }
0x283: {  	v44 =	vsel vm1, v2, v6;
	v45 =	vsel vm1, v37, v7;
	(xrf1) =	vsort.dscd.msk.f32 $0xffff, v42, v43  }
0x284: {  	(xrf1) =	vsort.dscd.msk.f32 $0xffff, v44, v45;
	_ =	sdelay $0x6  }
0x285: {  	v46, v47, _ =	vpop (xrf1)  }
0x286: {  	v48, v3, _ =	vpop (xrf1)  }
0x287: {  	v49, v50, _ =	vpop (xrf1)  }
0x288: {  	v51, v52, _ =	vpop (xrf1)  }
0x289: {  	v53, v54, _ =	vpop (xrf1)  }
0x28a: {  	v55, v56, _ =	vpop (xrf1)  }
0x28b: {  	v8 =	vperm.xlane v53, v19;
	v58, v57, _ =	vpop (xrf1)  }
0x28c: {  	v9 =	vperm.xlane v54, v19;
	v10 =	vperm.xlane v55, v19;
	v60, v59, _ =	vpop (xrf1)  }
0x28d: {  	v14 =	vperm.xlane v60, v19;
	v15 =	vperm.xlane v59, v19  }
0x28e: {  	v11 =	vperm.xlane v56, v19;
	v12 =	vperm.xlane v58, v19  }
0x28f: {  	v13 =	vperm.xlane v57, v19;
	vm1 =	veq.f32 v46, v14;
	vm2 =	vlt.s32 v47, v15  }
0x290: {  	vm15 =	veq.f32 v51, v8;
	vm1 =	vmand vm1, vm2;
	vm2 =	vgt.f32 v46, v14  }
0x291: {  	vm8 =	vlt.s32 v52, v9;
	vm9 =	vgt.f32 v51, v8;
	vm1 =	vmor vm2, vm1  }
0x292: {  	vm3 =	vlt.s32 v3, v13;
	vm2 =	veq.f32 v48, v12;
	v0 =	vsel vm1, v46, v14  }
0x293: {  	v1 =	vsel vm1, v47, v15;
	vm1 =	vgt.f32 v48, v12;
	vm2 =	vmand vm2, vm3  }
0x294: {  	vm14 =	vlt.s32 v50, v11;
	vm3 =	veq.f32 v49, v10;
	vm1 =	vmor vm1, vm2  }
0x295: {  	vm2 =	vgt.f32 v49, v10;
	vm3 =	vmand vm3, vm14;
	v2 =	vsel vm1, v48, v12  }
0x296: {  	vm2 =	vmor vm2, vm3;
	vm3 =	vmand vm15, vm8;
	v3 =	vsel vm1, v3, v13  }
0x297: {  	v4 =	vsel vm2, v49, v10;
	vm1 =	vmor vm9, vm3;
	v5 =	vsel vm2, v50, v11  }
0x298: {  	v6 =	vsel vm1, v51, v8;
	vm2 =	veq.f32 v0, v4;
	vm3 =	vlt.s32 v1, v5  }
0x299: {  	v7 =	vsel vm1, v52, v9;
	vm1 =	vgt.f32 v0, v4;
	vm2 =	vmand vm2, vm3  }
0x29a: {  	vm3 =	veq.f32 v2, v6;
	vm10 =	vlt.s32 v3, v7;
	vm1 =	vmor vm1, vm2  }
0x29b: {  	vm2 =	vgt.f32 v2, v6;
	vm3 =	vmand vm3, vm10;
	v61 =	vsel vm1, v0, v4  }
0x29c: {  	vm2 =	vmor vm2, vm3;
	v62 =	vsel vm1, v1, v5;
	v0 =	vsel vm1, v4, v0  }
0x29d: {  	v1 =	vsel vm1, v5, v1;
	v63 =	vsel vm2, v2, v6;
	v21 =	vsel vm2, v3, v7  }
0x29e: {  	v2 =	vsel vm2, v6, v2;
	vm3 =	veq.f32 v61, v63;
	vm11 =	vlt.s32 v62, v21  }
0x29f: {  	v3 =	vsel vm2, v7, v3;
	vm12 =	vgt.f32 v61, v63;
	vm3 =	vmand vm3, vm11  }
0x2a0: {  	vm1 =	veq.f32 v0, v2;
	vm2 =	vlt.s32 v1, v3;
	vm3 =	vmor vm12, vm3  }
0x2a1: {  	v22 =	vsel vm3, v61, v63;
	v23 =	vsel vm3, v62, v21;
	v24 =	vsel vm3, v63, v61  }
0x2a2: {  	vm1 =	vmand vm1, vm2;
	v25 =	vsel vm3, v21, v62;
	vm3 =	vgt.f32 v0, v2;
	(xrf1) =	vsort.dscd.msk.f32 $0xffff, v22, v23  }
0x2a3: {  	vm1 =	vmor vm3, vm1;
	(xrf1) =	vsort.dscd.msk.f32 $0xffff, v24, v25  }
0x2a4: {  	v26 =	vsel vm1, v0, v2;
	v27 =	vsel vm1, v1, v3  }
0x2a5: {  	(xrf1) =	vsort.dscd.msk.f32 $0xffff, v26, v27  }
0x2a6: {  	v0 =	vsel vm1, v2, v0;
	v1 =	vsel vm1, v3, v1  }
0x2a7: {  	(xrf1) =	vsort.dscd.msk.f32 $0xffff, v0, v1;
	_ =	sdelay $0x5  }
0x2a8: {  	v30 =	vld [tilespmem:$0x1FEF0];
	_ =	sdelay $0x2  }
0x2a9: {  	_, v28, _ =	vpop (xrf1)  }
0x2aa: {  	_, v29, _ =	vpop (xrf1)  }
0x2ab: {  	v0 =	vsub.s32 v28, v30;
	v1 =	vsub.s32 v29, v30  }
0x2ac: {  	vm1 =	vlt.u32 v0, $0x100;
	vm2 =	vgt.s32 v0, $0x0;
	_, v31, _ =	vpop (xrf1);
	vm3 =	vgt.s32 v1, $0x0  }
0x2ad: {  	v0 =	vnsel vm2, $0x0, v0;
	vm2 =	vlt.u32 v1, $0x100;
	v2 =	vsub.s32 v31, v30  }
0x2ae: {  	_, v32, _ =	vpop (xrf1);
	v1 =	vnsel vm3, $0x0, v1;
	v0 =	vmin.u32 v0, $0xFF;
	vm3 =	vlt.u32 v2, $0x100  }
0x2af: {  	vm13 =	vgt.s32 v2, $0x0;
	v3 =	vsub.s32 v32, v30;
	v1 =	vmin.u32 v1, $0xFF  }
0x2b0: {  	v2 =	vnsel vm13, $0x0, v2;
	vm14 =	vlt.u32 v3, $0x100;
	vm15 =	vgt.s32 v3, $0x0  }
0x2b1: {  	v3 =	vnsel vm15, $0x0, v3;
	v2 =	vmin.u32 v2, $0xFF;
	vm4 =	vmand vm14, vm0  }
0x2b2: {  	v3 =	vmin.u32 v3, $0xFF  }
0x2b3: {  	v33 =	vimm.f32 $1.000000000e+00  }
0x2b4: {  	[tilespmem:v0+s12+$0x0] =	vst.idx.msk vm1, v33  }
0x2b5: {  	[tilespmem:v1+s12+$0x0] =	vst.idx.msk vm2, v33  }
0x2b6: {  	[tilespmem:v2+s12+$0x0] =	vst.idx.msk vm3, v33  }
0x2b7: {  	[tilespmem:v3+s12+$0x0] =	vst.idx.msk vm4, v33  }
0x2b8: {  	v0 =	vld [tilespmem:$0x8000]  }
0x2b9: {  	v1 =	vld [tilespmem:s7+$0xFFFFFF80];
	_ =	sdelay $0x4  }
0x2ba: {  	v1 =	vmul.f32 v1, v0;
	_ =	sdelay $0x1  }
0x2bb: {  	[tilespmem:s8+$0xFFFFFF80] =	vst v1  }
0x2bc: {  	v1 =	vld [tilespmem:$0x8100];
	_ =	sdelay $0x4  }
0x2bd: {  	v1 =	vmul.f32 $9.499999880e-01, v1;
	_ =	sdelay $0x1  }
0x2be: {  	v0 =	vadd.f32 v1, v0;
	_ =	sdelay $0x1  }
0x2bf: {  	v34 =	vld [tilespmem:$0x8010];
	[tilespmem:$0x8100] =	vst v0  }
0x2c0: {  	v35 =	vld [tilespmem:s7+$0xFFFFFF90];
	_ =	sdelay $0x4  }
0x2c1: {  	v1 =	vmul.f32 v35, v34;
	_ =	sdelay $0x1  }
0x2c2: {  	[tilespmem:s8+$0xFFFFFF90] =	vst v1  }
0x2c3: {  	v1 =	vld [tilespmem:$0x8110];
	_ =	sdelay $0x4  }
0x2c4: {  	v1 =	vmul.f32 $9.499999880e-01, v1;
	_ =	sdelay $0x1  }
0x2c5: {  	v0 =	vadd.f32 v1, v34;
	_ =	sdelay $0x1  }
0x2c6: {  	v36 =	vld [tilespmem:$0x8020];
	[tilespmem:$0x8110] =	vst v0  }
0x2c7: {  	v37 =	vld [tilespmem:s7+$0xFFFFFFA0];
	_ =	sdelay $0x4  }
0x2c8: {  	v1 =	vmul.f32 v37, v36;
	_ =	sdelay $0x1  }
0x2c9: {  	[tilespmem:s8+$0xFFFFFFA0] =	vst v1  }
0x2ca: {  	v1 =	vld [tilespmem:$0x8120];
	_ =	sdelay $0x4  }
0x2cb: {  	v1 =	vmul.f32 $9.499999880e-01, v1;
	_ =	sdelay $0x1  }
0x2cc: {  	v0 =	vadd.f32 v1, v36;
	_ =	sdelay $0x1  }
0x2cd: {  	v38 =	vld [tilespmem:$0x8030];
	[tilespmem:$0x8120] =	vst v0  }
0x2ce: {  	v39 =	vld [tilespmem:s7+$0xFFFFFFB0];
	_ =	sdelay $0x4  }
0x2cf: {  	v1 =	vmul.f32 v39, v38;
	_ =	sdelay $0x1  }
0x2d0: {  	[tilespmem:s8+$0xFFFFFFB0] =	vst v1  }
0x2d1: {  	v1 =	vld [tilespmem:$0x8130];
	_ =	sdelay $0x4  }
0x2d2: {  	v1 =	vmul.f32 $9.499999880e-01, v1;
	_ =	sdelay $0x1  }
0x2d3: {  	v0 =	vadd.f32 v1, v38;
	_ =	sdelay $0x1  }
0x2d4: {  	v40 =	vld [tilespmem:$0x8040];
	[tilespmem:$0x8130] =	vst v0  }
0x2d5: {  	v41 =	vld [tilespmem:s7+$0xFFFFFFC0];
	_ =	sdelay $0x4  }
0x2d6: {  	v1 =	vmul.f32 v41, v40;
	_ =	sdelay $0x1  }
0x2d7: {  	[tilespmem:s8+$0xFFFFFFC0] =	vst v1  }
0x2d8: {  	v1 =	vld [tilespmem:$0x8140];
	_ =	sdelay $0x4  }
0x2d9: {  	v1 =	vmul.f32 $9.499999880e-01, v1;
	_ =	sdelay $0x1  }
0x2da: {  	v0 =	vadd.f32 v1, v40;
	_ =	sdelay $0x1  }
0x2db: {  	v42 =	vld [tilespmem:$0x8050];
	[tilespmem:$0x8140] =	vst v0  }
0x2dc: {  	v43 =	vld [tilespmem:s7+$0xFFFFFFD0];
	_ =	sdelay $0x4  }
0x2dd: {  	v1 =	vmul.f32 v43, v42;
	_ =	sdelay $0x1  }
0x2de: {  	[tilespmem:s8+$0xFFFFFFD0] =	vst v1  }
0x2df: {  	v1 =	vld [tilespmem:$0x8150];
	_ =	sdelay $0x4  }
0x2e0: {  	v1 =	vmul.f32 $9.499999880e-01, v1;
	_ =	sdelay $0x1  }
0x2e1: {  	v0 =	vadd.f32 v1, v42;
	_ =	sdelay $0x1  }
0x2e2: {  	v44 =	vld [tilespmem:$0x8060];
	[tilespmem:$0x8150] =	vst v0  }
0x2e3: {  	v45 =	vld [tilespmem:s7+$0xFFFFFFE0];
	_ =	sdelay $0x4  }
0x2e4: {  	v1 =	vmul.f32 v45, v44;
	_ =	sdelay $0x1  }
0x2e5: {  	[tilespmem:s8+$0xFFFFFFE0] =	vst v1  }
0x2e6: {  	v1 =	vld [tilespmem:$0x8160];
	_ =	sdelay $0x4  }
0x2e7: {  	v1 =	vmul.f32 $9.499999880e-01, v1;
	_ =	sdelay $0x1  }
0x2e8: {  	v0 =	vadd.f32 v1, v44;
	_ =	sdelay $0x1  }
0x2e9: {  	v46 =	vld [tilespmem:$0x8070];
	[tilespmem:$0x8160] =	vst v0  }
0x2ea: {  	v47 =	vld [tilespmem:s7+$0xFFFFFFF0];
	_ =	sdelay $0x4  }
0x2eb: {  	v1 =	vmul.f32 v47, v46;
	_ =	sdelay $0x1  }
0x2ec: {  	[tilespmem:s8+$0xFFFFFFF0] =	vst v1  }
0x2ed: {  	v1 =	vld [tilespmem:$0x8170];
	_ =	sdelay $0x4  }
0x2ee: {  	v1 =	vmul.f32 $9.499999880e-01, v1;
	_ =	sdelay $0x1  }
0x2ef: {  	v0 =	vadd.f32 v1, v46;
	_ =	sdelay $0x1  }
0x2f0: {  	v48 =	vld [tilespmem:$0x8080];
	[tilespmem:$0x8170] =	vst v0  }
0x2f1: {  	v49 =	vld [tilespmem:s7+$0x0];
	_ =	sdelay $0x4  }
0x2f2: {  	v1 =	vmul.f32 v49, v48;
	_ =	sdelay $0x1  }
0x2f3: {  	[tilespmem:s8+$0x0] =	vst v1  }
0x2f4: {  	v1 =	vld [tilespmem:$0x8180];
	_ =	sdelay $0x4  }
0x2f5: {  	v1 =	vmul.f32 $9.499999880e-01, v1;
	_ =	sdelay $0x1  }
0x2f6: {  	v0 =	vadd.f32 v1, v48;
	_ =	sdelay $0x1  }
0x2f7: {  	v50 =	vld [tilespmem:$0x8090];
	[tilespmem:$0x8180] =	vst v0  }
0x2f8: {  	v51 =	vld [tilespmem:s7+$0x10];
	_ =	sdelay $0x4  }
0x2f9: {  	v1 =	vmul.f32 v51, v50;
	_ =	sdelay $0x1  }
0x2fa: {  	[tilespmem:s8+$0x10] =	vst v1  }
0x2fb: {  	v1 =	vld [tilespmem:$0x8190];
	_ =	sdelay $0x4  }
0x2fc: {  	v1 =	vmul.f32 $9.499999880e-01, v1;
	_ =	sdelay $0x1  }
0x2fd: {  	v0 =	vadd.f32 v1, v50;
	_ =	sdelay $0x1  }
0x2fe: {  	v52 =	vld [tilespmem:$0x80A0];
	[tilespmem:$0x8190] =	vst v0  }
0x2ff: {  	v53 =	vld [tilespmem:s7+$0x20];
	_ =	sdelay $0x4  }
0x300: {  	v1 =	vmul.f32 v53, v52;
	_ =	sdelay $0x1  }
0x301: {  	[tilespmem:s8+$0x20] =	vst v1  }
0x302: {  	v1 =	vld [tilespmem:$0x81A0];
	_ =	sdelay $0x4  }
0x303: {  	v1 =	vmul.f32 $9.499999880e-01, v1;
	_ =	sdelay $0x1  }
0x304: {  	v0 =	vadd.f32 v1, v52;
	_ =	sdelay $0x1  }
0x305: {  	v54 =	vld [tilespmem:$0x80B0];
	[tilespmem:$0x81A0] =	vst v0  }
0x306: {  	v55 =	vld [tilespmem:s7+$0x30];
	_ =	sdelay $0x4  }
0x307: {  	v1 =	vmul.f32 v55, v54;
	_ =	sdelay $0x1  }
0x308: {  	[tilespmem:s8+$0x30] =	vst v1  }
0x309: {  	v1 =	vld [tilespmem:$0x81B0];
	_ =	sdelay $0x4  }
0x30a: {  	v1 =	vmul.f32 $9.499999880e-01, v1;
	_ =	sdelay $0x1  }
0x30b: {  	v0 =	vadd.f32 v1, v54;
	_ =	sdelay $0x1  }
0x30c: {  	v56 =	vld [tilespmem:$0x80C0];
	[tilespmem:$0x81B0] =	vst v0  }
0x30d: {  	v57 =	vld [tilespmem:s7+$0x40];
	_ =	sdelay $0x4  }
0x30e: {  	v1 =	vmul.f32 v57, v56;
	_ =	sdelay $0x1  }
0x30f: {  	[tilespmem:s8+$0x40] =	vst v1  }
0x310: {  	v1 =	vld [tilespmem:$0x81C0];
	_ =	sdelay $0x4  }
0x311: {  	v1 =	vmul.f32 $9.499999880e-01, v1;
	_ =	sdelay $0x1  }
0x312: {  	v0 =	vadd.f32 v1, v56;
	_ =	sdelay $0x1  }
0x313: {  	v58 =	vld [tilespmem:$0x80D0];
	[tilespmem:$0x81C0] =	vst v0  }
0x314: {  	v59 =	vld [tilespmem:s7+$0x50];
	_ =	sdelay $0x4  }
0x315: {  	v1 =	vmul.f32 v59, v58;
	_ =	sdelay $0x1  }
0x316: {  	[tilespmem:s8+$0x50] =	vst v1  }
0x317: {  	v1 =	vld [tilespmem:$0x81D0];
	_ =	sdelay $0x4  }
0x318: {  	v1 =	vmul.f32 $9.499999880e-01, v1;
	_ =	sdelay $0x1  }
0x319: {  	v0 =	vadd.f32 v1, v58;
	_ =	sdelay $0x1  }
0x31a: {  	v60 =	vld [tilespmem:$0x80E0];
	[tilespmem:$0x81D0] =	vst v0  }
0x31b: {  	v61 =	vld [tilespmem:s7+$0x60];
	_ =	sdelay $0x4  }
0x31c: {  	v1 =	vmul.f32 v61, v60;
	_ =	sdelay $0x1  }
0x31d: {  	[tilespmem:s8+$0x60] =	vst v1  }
0x31e: {  	v1 =	vld [tilespmem:$0x81E0];
	_ =	sdelay $0x4  }
0x31f: {  	v1 =	vmul.f32 $9.499999880e-01, v1;
	_ =	sdelay $0x1  }
0x320: {  	v0 =	vadd.f32 v1, v60;
	_ =	sdelay $0x1  }
0x321: {  	v62 =	vld [tilespmem:$0x80F0];
	[tilespmem:$0x81E0] =	vst v0  }
0x322: {  	v63 =	vld [tilespmem:s7+$0x70];
	_ =	sdelay $0x4  }
0x323: {  	v1 =	vmul.f32 v63, v62;
	_ =	sdelay $0x1  }
0x324: {  	[tilespmem:s8+$0x70] =	vst v1  }
0x325: {  	v1 =	vld [tilespmem:$0x81F0];
	_ =	sdelay $0x3  }
0x326: {  	p0 =	sne.s32 s3, $0x1F800  }
.Ltmp0:
0x327: {  	v1 =	vmul.f32 $9.499999880e-01, v1;
	(pc) =	sbr.rel @p0 .LBB2_1-.Ltmp0, $3  }
0x328: {  	_ = 	snop  }
0x329: {  	v0 =	vadd.f32 v1, v62;
	_ =	sdelay $0x1  }
0x32a: {  	s3 =	sadd.s32 $0x800, s3;
	s7 =	sadd.s32 $0x100, s7;
	s8 =	sadd.s32 $0x100, s8;
	[tilespmem:$0x81F0] =	vst v0  }
0x32b: {  	s2 =	sadd.s32 s6, s4;
	s3 =	simm.s32 $0x100  }
0x32c: {  	s30 =	simm.s32 $0x1000;
	s5 =	simm.s32 $0x4000;
	s31 =	simm.s32 $0x1  }
0x32d: {  	[hbm4b:s2+s3] =	stream.strided.scatter [tilespmem:s5], [sflag:$0x1], $0x4000, s30, s3, $0x38;
	[tilespmem:$0x8B80] =	vst v63  }
0x32e: {  	_ =	swait.ge [sflag:s31], $0x4000  }
0x32f: {  	[sflag:s31] =	ssyncset.done $0x0  }
0x330: {  	[sflag:s31] =	ssyncadd.s32 $0xFFFFC000  }
0x331: {  	_ =	sfence.sel $0x180000  }
0x332: {  	[bflag:$0x0] =	sbarrier.arrive $0xFFFF  }
0x333: {  	p0 =	sne.s32 s1, $0x0;
	_ =	strace $0x90000047  }
0x334: {  	s0 =	sadd.s32 @!p0 $0x100000, s0;
	[bflag:$0x2] =	sbarrier.arrive $0xFFFF  }
0x335: {  	[sflag:s0] =	ssyncadd.tile.s32 @!p0 $0x1;
	_ =	shalt  }
.Lfunc_end2:
_tile_overlayer_lowered:
.L_overlay_start_2:
0x336: {  	(tag) =	ssettag $0x2  }
0x337: {  	s0 =	rddreg [dreg:$0x0];
	s2 =	stileid.u32  }
0x338: {  	s1 =	rddreg [dreg:$0x1];
	p0 =	sne.s32 s2, $0x0  }
0x339: {  	s3 =	rddreg [dreg:$0x2];
	[bflag:$0x3] =	sbarrier.arrive $0xFFFF;
	s2 =	simm.s32 @!p0 $0x1C01  }
0x33a: {  	[timem:s3], [sflag:s2] =	dma.local @!p0 [hbm:s0], s1  }
0x33b: {  	s0 =	simm.s32 @!p0 $0x1  }
0x33c: {  	_ =	swait.ge @!p0 [sflag:s0], s1  }
0x33d: {  	s1 =	ssub.s32 @!p0 $0x0, s1;
	[sflag:s0] =	ssyncset.done @!p0 $0x0  }
0x33e: {  	[sflag:s0] =	ssyncadd.s32 @!p0 s1  }
0x33f: {  	[bflag:$0x3] =	sbarrier.arrive $0xFFFF  }
0x340: {  	_ =	shalt  }

</sc_bundles>
